<compile_context>
chip_gen: v7x
topology: tpu7x:2x2x1
jax: 0.10.2.dev20260603
libtpu: 0.0.44.dev20260713+nightly
codegen_flags: <defaults>
</compile_context>

<pallas_src>
import functools

import jax
import jax.numpy as jnp
from jax import lax
from jax.experimental import pallas as pl
from jax.experimental.pallas import tpu as pltpu
from jax.experimental.pallas import tpu_sc as plsc

N_NODES = 10000
N_EDGES = 320000
D = 128

NC = 2
NS = 16
NW = NC * NS

CH = 128
N_CHUNKS = N_EDGES // CH
CPW = N_CHUNKS // NW
N_EXTRA = N_CHUNKS - CPW * NW

ROWS_PER_SUB = 624
ROWS_TAIL = N_NODES - NS * ROWS_PER_SUB

N_PAD = 16384
DROWS = N_PAD // NS


def _worker_id():
    return lax.axis_index("s") * NC + lax.axis_index("c")


DEG_WIN = 8


def _deg_body(dst3d_hbm, ones_hbm, zeros_hbm, out0_hbm, out1_hbm,
              dst_all, ones_v, deg_sh, ssem):
    cid = lax.axis_index("c")
    sid = lax.axis_index("s")
    w = _worker_id()

    base = sid * DROWS
    pltpu.sync_copy(zeros_hbm, deg_sh.at[pl.ds(base, DROWS)])
    pltpu.sync_copy(ones_hbm, ones_v)
    pltpu.sync_copy(dst3d_hbm.at[pl.ds(w * CPW, CPW)], dst_all)
    plsc.subcore_barrier()

    def _swait():
        pltpu.make_async_copy(ones_v, deg_sh.at[dst_all.at[0, 0]],
                              ssem).wait()

    def chunk_step(j, _):
        pltpu.async_copy(ones_v, deg_sh.at[dst_all.at[j, 0]], ssem, add=True)

        @pl.when(j >= DEG_WIN)
        def _():
            _swait()
        return 0

    lax.fori_loop(0, CPW, chunk_step, 0)

    @pl.when(w < N_EXTRA)
    def _():
        pltpu.sync_copy(dst3d_hbm.at[NW * CPW + w], dst_all.at[0])
        pltpu.async_copy(ones_v, deg_sh.at[dst_all.at[0, 0]], ssem, add=True)
        _swait()

    lax.fori_loop(0, DEG_WIN, lambda j, _: (_swait(), 0)[1], 0)

    plsc.subcore_barrier()

    for c, out_hbm in enumerate((out0_hbm, out1_hbm)):
        @pl.when(cid == c)
        def _(out_hbm=out_hbm):
            pltpu.sync_copy(deg_sh.at[pl.ds(base, DROWS)],
                            out_hbm.at[pl.ds(base, DROWS)])


@functools.cache
def _deg_call():
    return pl.kernel(
        _deg_body,
        out_type=[jax.ShapeDtypeStruct((N_PAD,), jnp.float32),
                  jax.ShapeDtypeStruct((N_PAD,), jnp.float32)],
        mesh=plsc.VectorSubcoreMesh(core_axis_name="c", subcore_axis_name="s",
                                    num_cores=NC, num_subcores=NS),
        scratch_types=[
            pltpu.VMEM((CPW, 1, CH), jnp.int32),
            pltpu.VMEM((CH,), jnp.float32),
            pltpu.VMEM_SHARED((N_PAD,), jnp.float32),
            pltpu.SemaphoreType.DMA,
        ],
    )


NRB = 3
NIS = 6
N_MACRO = 12


def _agg_body(g_hbm, e2_hbm, zeros_hbm, out_hbm,
              idx_ring, rows0, rows1, rows2, agg_sh,
              isem0, isem1, isem2, isem3, isem4, isem5,
              gsem0, gsem1, gsem2, ssem0, ssem1, ssem2):
    cid = lax.axis_index("c")
    sid = lax.axis_index("s")
    w = _worker_id()
    rows = (rows0, rows1, rows2)
    isems = (isem0, isem1, isem2, isem3, isem4, isem5)
    gsems = (gsem0, gsem1, gsem2)
    ssems = (ssem0, ssem1, ssem2)

    base = sid * ROWS_PER_SUB
    pltpu.sync_copy(zeros_hbm, agg_sh.at[pl.ds(base, ROWS_PER_SUB)])

    @pl.when(sid == NS - 1)
    def _():
        pltpu.sync_copy(zeros_hbm.at[pl.ds(0, ROWS_TAIL)],
                        agg_sh.at[pl.ds(N_NODES - ROWS_TAIL, ROWS_TAIL)])

    plsc.subcore_barrier()

    cbase = w * CPW

    def _idx_issue(c, s):
        pltpu.async_copy(e2_hbm.at[cbase + c], idx_ring.at[s], isems[s])

    def _idx_wait(s):
        pltpu.make_async_copy(e2_hbm.at[0], idx_ring.at[s], isems[s]).wait()

    def _gather(s, r):
        pltpu.async_copy(g_hbm.at[idx_ring.at[s, 0]], rows[r], gsems[r])

    def _gwait(r):
        pltpu.make_async_copy(g_hbm.at[idx_ring.at[0, 0]], rows[r],
                              gsems[r]).wait()

    def _scat(s, r):
        pltpu.async_copy(rows[r], agg_sh.at[idx_ring.at[s, 1]], ssems[r],
                         add=True)

    def _swait(r):
        pltpu.make_async_copy(rows[r], agg_sh.at[idx_ring.at[0, 1]],
                              ssems[r]).wait()

    def _triplet(c_mod6, jj=None, c_static=None, first=False):
        t = c_mod6 % 6
        sA, sB, sC = (t + 2) % 6, (t + 1) % 6, t
        rB, rC = (t + 1) % 3, t % 3
        if c_static is None:
            cA = 6 * jj + t + 2
            cB = 6 * jj + t + 1
            has_A = has_B = True
        else:
            cA, cB = c_static + 2, c_static + 1
            has_A, has_B = cA <= CPW - 1, cB <= CPW - 1
        if has_A:
            _idx_issue(cA, sA)
        if has_B:
            _idx_wait(sB)
            if first:
                @pl.when(jj > 0)
                def _():
                    _swait(rB)
            elif c_static is None or cB >= 3:
                _swait(rB)
            _gather(sB, rB)
        _gwait(rC)
        _scat(sC, rC)

    _idx_issue(0, 0)
    _idx_issue(1, 1)
    _idx_wait(0)
    _gather(0, 0)

    def macro(jj, _):
        for t in range(6):
            _triplet(t, jj=jj, first=(t < 2))
        return 0

    lax.fori_loop(0, N_MACRO, macro, 0)
    for c in range(6 * N_MACRO, CPW):
        _triplet(c % 6, c_static=c)
    _swait((CPW - 3) % 3)
    _swait((CPW - 2) % 3)
    _swait((CPW - 1) % 3)

    @pl.when(w < N_EXTRA)
    def _():
        pltpu.sync_copy(e2_hbm.at[NW * CPW + w], idx_ring.at[0])
        pltpu.async_copy(g_hbm.at[idx_ring.at[0, 0]], rows0, gsem0).wait()
        pltpu.sync_copy(rows0, agg_sh.at[idx_ring.at[0, 1]], add=True)

    plsc.subcore_barrier()

    pltpu.sync_copy(agg_sh.at[pl.ds(base, ROWS_PER_SUB)],
                    out_hbm.at[cid, pl.ds(base, ROWS_PER_SUB)])

    @pl.when(sid == NS - 1)
    def _():
        pltpu.sync_copy(agg_sh.at[pl.ds(N_NODES - ROWS_TAIL, ROWS_TAIL)],
                        out_hbm.at[cid, pl.ds(N_NODES - ROWS_TAIL, ROWS_TAIL)])


@functools.cache
def _agg_call():
    return pl.kernel(
        _agg_body,
        out_type=jax.ShapeDtypeStruct((NC, N_NODES, D), jnp.float32),
        mesh=plsc.VectorSubcoreMesh(core_axis_name="c", subcore_axis_name="s",
                                    num_cores=NC, num_subcores=NS),
        scratch_types=[
            pltpu.VMEM((NIS, 2, CH), jnp.int32),
            pltpu.VMEM((CH, D), jnp.float32),
            pltpu.VMEM((CH, D), jnp.float32),
            pltpu.VMEM((CH, D), jnp.float32),
            pltpu.VMEM_SHARED((N_NODES, D), jnp.float32),
        ] + [pltpu.SemaphoreType.DMA] * 12,
    )


RB = 1000
GRID = N_NODES // RB


def _dinv(degp_ref):
    deg = degp_ref[:, 0] + degp_ref[:, 1] + 1.0
    return lax.rsqrt(deg)[:, None]


def _mm1_body(x_ref, w_ref, degp_ref, o_ref):
    o_ref[...] = jnp.dot(x_ref[...] * _dinv(degp_ref), w_ref[...],
                         preferred_element_type=jnp.float32)


_mm1_call = pl.pallas_call(
    _mm1_body,
    grid=(GRID,),
    in_specs=[
        pl.BlockSpec((RB, D), lambda i: (i, 0)),
        pl.BlockSpec((D, D), lambda i: (0, 0)),
        pl.BlockSpec((RB, NC), lambda i: (i, 0)),
    ],
    out_specs=pl.BlockSpec((RB, D), lambda i: (i, 0)),
    out_shape=jax.ShapeDtypeStruct((N_NODES, D), jnp.float32),
)


def _mm2_body(sp_ref, g_ref, degp_ref, b_ref, w_ref, o_ref):
    dinv = _dinv(degp_ref)
    x2 = dinv * (sp_ref[0] + sp_ref[1] + g_ref[...]) + b_ref[...]
    x2 = jnp.maximum(x2, 0.0)
    o_ref[...] = jnp.dot(x2 * dinv, w_ref[...],
                         preferred_element_type=jnp.float32)


_mm2_call = pl.pallas_call(
    _mm2_body,
    grid=(GRID,),
    in_specs=[
        pl.BlockSpec((NC, RB, D), lambda i: (0, i, 0)),
        pl.BlockSpec((RB, D), lambda i: (i, 0)),
        pl.BlockSpec((RB, NC), lambda i: (i, 0)),
        pl.BlockSpec((1, D), lambda i: (0, 0)),
        pl.BlockSpec((D, D), lambda i: (0, 0)),
    ],
    out_specs=pl.BlockSpec((RB, D), lambda i: (i, 0)),
    out_shape=jax.ShapeDtypeStruct((N_NODES, D), jnp.float32),
)


def _fin_body(sp_ref, g_ref, degp_ref, b_ref, o_ref):
    dinv = _dinv(degp_ref)
    o_ref[...] = dinv * (sp_ref[0] + sp_ref[1] + g_ref[...]) + b_ref[...]


_fin_call = pl.pallas_call(
    _fin_body,
    grid=(GRID,),
    in_specs=[
        pl.BlockSpec((NC, RB, D), lambda i: (0, i, 0)),
        pl.BlockSpec((RB, D), lambda i: (i, 0)),
        pl.BlockSpec((RB, NC), lambda i: (i, 0)),
        pl.BlockSpec((1, D), lambda i: (0, 0)),
    ],
    out_specs=pl.BlockSpec((RB, D), lambda i: (i, 0)),
    out_shape=jax.ShapeDtypeStruct((N_NODES, D), jnp.float32),
)


def kernel(x_piece, edge_index_piece, W1, b1, W2, b2):
    ei = edge_index_piece.astype(jnp.int32)
    dst3d = ei[1].reshape(N_CHUNKS, 1, CH)
    e2 = ei.reshape(2, N_CHUNKS, CH).transpose(1, 0, 2)

    ones_e = jnp.ones((CH,), jnp.float32)
    zeros_v = jnp.zeros((DROWS,), jnp.float32)
    zeros_m = jnp.zeros((ROWS_PER_SUB, D), jnp.float32)

    deg0, deg1 = _deg_call()(dst3d, ones_e, zeros_v)
    deg_t = jnp.stack([deg0[:N_NODES], deg1[:N_NODES]], axis=1)

    g1 = _mm1_call(x_piece, W1, deg_t)
    s1 = _agg_call()(g1, e2, zeros_m)
    g2 = _mm2_call(s1, g1, deg_t, b1.reshape(1, D), W2)
    s2 = _agg_call()(g2, e2, zeros_m)
    out = _fin_call(s2, g2, deg_t, b2.reshape(1, D))
    return out

# --- scband reference (transcript-rebuilt; emitter-appended) ---
"""Pipeline reference for scband-piece-gnn-63780264345731 (READ-ONLY COPY).

The authoritative reference and input builder live on the scoring server;
editing this copy changes nothing except your own understanding.
"""

import jax, jax.numpy as jnp
import numpy as np

N_NODES = 10000
N_EDGES = 320000
D_IN = 128
D_HID = 128
D_OUT = 128


def _gcn_conv(x, edge_index, W, b):
    num_nodes = x.shape[0]
    src = edge_index[0]
    dst = edge_index[1]
    # add self-loops (PyG GCNConv default add_self_loops=True)
    loop = jnp.arange(num_nodes, dtype=src.dtype)
    src = jnp.concatenate([src, loop])
    dst = jnp.concatenate([dst, loop])
    # symmetric normalization: deg computed on dst (col) with unit edge weights
    deg = jnp.zeros((num_nodes,), dtype=x.dtype).at[dst].add(1.0)
    deg_inv_sqrt = jnp.where(deg > 0, deg ** -0.5, 0.0)
    norm = deg_inv_sqrt[src] * deg_inv_sqrt[dst]
    h = x @ W  # linear transform (no bias inside lin, bias added after aggregation)
    msg = h[src] * norm[:, None]
    out = jnp.zeros((num_nodes, h.shape[1]), dtype=x.dtype).at[dst].add(msg)
    return out + b


def setup_inputs(seed: int = 0) -> dict:
    key = jax.random.key(seed)
    k1, k2, k3, k4, k5 = jax.random.split(key, 5)
    x_piece = jax.random.normal(k1, (N_NODES, D_IN), dtype=jnp.float32)
    edge_index_piece = jax.random.randint(k2, (2, N_EDGES), 0, N_NODES, dtype=jnp.int64)
    # glorot-style init for GCN weights
    W1 = jax.random.normal(k3, (D_IN, D_HID), dtype=jnp.float32) * (1.0 / np.sqrt(D_IN))
    b1 = jnp.zeros((D_HID,), dtype=jnp.float32)
    W2 = jax.random.normal(k4, (D_HID, D_OUT), dtype=jnp.float32) * (1.0 / np.sqrt(D_HID))
    b2 = jnp.zeros((D_OUT,), dtype=jnp.float32)
    return {"x_piece": x_piece, "edge_index_piece": edge_index_piece, "W1": W1, "b1": b1, "W2": W2, "b2": b2}


def reference(x_piece, edge_index_piece, W1, b1, W2, b2):
    x = _gcn_conv(x_piece, edge_index_piece, W1, b1)
    x = jax.nn.relu(x)
    x = _gcn_conv(x, edge_index_piece, W2, b2)
    return x

if __name__ == "__main__":
    import jax
    _d = setup_inputs()
    print(jax.jit(kernel)(*tuple(_d.values())))

</pallas_src>

<mosaic_0001>
#map = affine_map<(d0, d1) -> (0, 0, 0)>
#map1 = affine_map<(d0, d1) -> (0)>
module attributes {stable_mosaic.version = 14 : i64} {
  func.func @_deg_body(%arg0: i32, %arg1: i32, %arg2: memref<2500x1x128xi32, #tpu.memory_space<hbm>>, %arg3: memref<128xf32, #tpu.memory_space<hbm>>, %arg4: memref<1024xf32, #tpu.memory_space<hbm>>, %arg5: memref<16384xf32, #tpu.memory_space<hbm>>, %arg6: memref<16384xf32, #tpu.memory_space<hbm>>, %arg7: memref<78x1x128xi32, #tpu.memory_space<vmem>>, %arg8: memref<128xf32, #tpu.memory_space<vmem>>, %arg9: memref<16384xf32, #tpu.memory_space<vmem_shared>>, %arg10: memref<!tpu.dma_semaphore, #tpu.memory_space<semaphore_mem>>) attributes {dimension_semantics = [#tpu.dimension_semantics<core_parallel>, #tpu.dimension_semantics<subcore_parallel>], iteration_bounds = array<i64: 2, 16>, scalar_prefetch = 0 : i64, scratch_operands = 4 : i64, tpu.core_type = #tpu.core_type<sc_vector_subcore>, window_params = [{transform_indices = #map}, {transform_indices = #map1}, {transform_indices = #map1}, {transform_indices = #map1}, {transform_indices = #map1}]} {
    %mul3A = arith.constant 2 : i32
    %mul3A_0 = arith.muli %arg1, %mul3A : i32
    %add3A = arith.addi %mul3A_0, %arg0 : i32
    %mul3A_1 = arith.constant 1024 : i32
    %mul3A_2 = arith.muli %arg1, %mul3A_1 : i32
    "tpu.region"() ({
      %run_scoped3A = tpu.sem_alloc : memref<!tpu.dma_semaphore, #tpu.memory_space<semaphore_mem>>
      %dma_start3A = tpu.memref_slice %arg9[%mul3A_2] : memref<16384xf32, #tpu.memory_space<vmem_shared>> -> memref<1024xf32, #tpu.memory_space<vmem_shared>>
      tpu.enqueue_dma source(%arg4 : memref<1024xf32, #tpu.memory_space<hbm>>) target(%dma_start3A : memref<1024xf32, #tpu.memory_space<vmem_shared>>) target_semaphore(%run_scoped3A : memref<!tpu.dma_semaphore, #tpu.memory_space<semaphore_mem>>)
      %dma_wait3A = tpu.memref_slice %arg9[%mul3A_2] : memref<16384xf32, #tpu.memory_space<vmem_shared>> -> memref<1024xf32, #tpu.memory_space<vmem_shared>>
      tpu.wait_dma2 semaphore(%run_scoped3A : memref<!tpu.dma_semaphore, #tpu.memory_space<semaphore_mem>>) src(%arg4 : memref<1024xf32, #tpu.memory_space<hbm>>) dst(%dma_wait3A : memref<1024xf32, #tpu.memory_space<vmem_shared>>)
      tpu.yield
    }) : () -> ()
    "tpu.region"() ({
      %run_scoped3A = tpu.sem_alloc : memref<!tpu.dma_semaphore, #tpu.memory_space<semaphore_mem>>
      tpu.enqueue_dma source(%arg3 : memref<128xf32, #tpu.memory_space<hbm>>) target(%arg8 : memref<128xf32, #tpu.memory_space<vmem>>) target_semaphore(%run_scoped3A : memref<!tpu.dma_semaphore, #tpu.memory_space<semaphore_mem>>)
      tpu.wait_dma2 semaphore(%run_scoped3A : memref<!tpu.dma_semaphore, #tpu.memory_space<semaphore_mem>>) src(%arg3 : memref<128xf32, #tpu.memory_space<hbm>>) dst(%arg8 : memref<128xf32, #tpu.memory_space<vmem>>)
      tpu.yield
    }) : () -> ()
    %mul3A_3 = arith.constant 78 : i32
    %mul3A_4 = arith.muli %add3A, %mul3A_3 : i32
    "tpu.region"() ({
      %run_scoped3A = tpu.sem_alloc : memref<!tpu.dma_semaphore, #tpu.memory_space<semaphore_mem>>
      %dma_start3A = arith.constant 0 : i32
      %dma_start3A_30 = arith.constant 0 : i32
      %dma_start3A_31 = tpu.memref_slice %arg2[%mul3A_4, %dma_start3A, %dma_start3A_30] : memref<2500x1x128xi32, #tpu.memory_space<hbm>> -> memref<78x1x128xi32, #tpu.memory_space<hbm>>
      %dma_start3A_32 = arith.constant 0 : i32
      %dma_start3A_33 = arith.constant 0 : i32
      %dma_start3A_34 = tpu.memref_slice %arg2[%mul3A_4, %dma_start3A_32, %dma_start3A_33] : memref<2500x1x128xi32, #tpu.memory_space<hbm>> -> memref<78x1x128xi32, #tpu.memory_space<hbm>>
      tpu.enqueue_dma source(%dma_start3A_34 : memref<78x1x128xi32, #tpu.memory_space<hbm>>) target(%arg7 : memref<78x1x128xi32, #tpu.memory_space<vmem>>) target_semaphore(%run_scoped3A : memref<!tpu.dma_semaphore, #tpu.memory_space<semaphore_mem>>)
      %dma_wait3A = arith.constant 0 : i32
      %dma_wait3A_35 = arith.constant 0 : i32
      %dma_wait3A_36 = tpu.memref_slice %arg2[%mul3A_4, %dma_wait3A, %dma_wait3A_35] : memref<2500x1x128xi32, #tpu.memory_space<hbm>> -> memref<78x1x128xi32, #tpu.memory_space<hbm>>
      %dma_wait3A_37 = arith.constant 0 : i32
      %dma_wait3A_38 = arith.constant 0 : i32
      %dma_wait3A_39 = tpu.memref_slice %arg2[%mul3A_4, %dma_wait3A_37, %dma_wait3A_38] : memref<2500x1x128xi32, #tpu.memory_space<hbm>> -> memref<78x1x128xi32, #tpu.memory_space<hbm>>
      tpu.wait_dma2 semaphore(%run_scoped3A : memref<!tpu.dma_semaphore, #tpu.memory_space<semaphore_mem>>) src(%dma_wait3A_39 : memref<78x1x128xi32, #tpu.memory_space<hbm>>) dst(%arg7 : memref<78x1x128xi32, #tpu.memory_space<vmem>>)
      tpu.yield
    }) : () -> ()
    %barrier3A = arith.constant 0 : index
    tpu.barrier barrier_id(%barrier3A)
    %scan3A = arith.constant 0 : i32
    %scan3A_5 = arith.constant 0 : i32
    %scan3A_6 = arith.constant 78 : i32
    %scan3A_7 = arith.addi %scan3A_5, %scan3A_6 : i32
    %scan3A_8 = arith.constant 1 : i32
    %scan3A_9 = scf.for %scan3A_30 = %scan3A_5 to %scan3A_7 step %scan3A_8 iter_args(%scan3A_31 = %scan3A) -> (i32)  : i32 {
      %dma_start3A = arith.constant 0 : i32
      %dma_start3A_32 = arith.constant 0 : i32
      %dma_start3A_33 = tpu.memref_slice %arg7[%scan3A_30, %dma_start3A, %dma_start3A_32] : memref<78x1x128xi32, #tpu.memory_space<vmem>> -> memref<1x1x128xi32, #tpu.memory_space<vmem>>
      %dma_start3A_34 = tpu.memref_squeeze %dma_start3A_33 : memref<1x1x128xi32, #tpu.memory_space<vmem>> -> memref<128xi32, #tpu.memory_space<vmem>>
      %dma_start3A_35 = arith.constant 0 : i32
      %dma_start3A_36 = tpu.memref_slice %arg9[%dma_start3A_35] : memref<16384xf32, #tpu.memory_space<vmem_shared>> -> memref<16384xf32, #tpu.memory_space<vmem_shared>>
      tpu.enqueue_indirect_dma source(%arg8 : memref<128xf32, #tpu.memory_space<vmem>>) target(%dma_start3A_36 : memref<16384xf32, #tpu.memory_space<vmem_shared>>) offsets(%dma_start3A_34 : memref<128xi32, #tpu.memory_space<vmem>>) semaphore(%arg10 : memref<!tpu.dma_semaphore, #tpu.memory_space<semaphore_mem>>) {add = true}
      %ge3A = arith.constant 8 : i32
      %ge3A_37 = arith.cmpi sge, %scan3A_30, %ge3A : i32
      %convert_element_type3A_38 = arith.extui %ge3A_37 : i1 to i32
      %cond3A_39 = arith.constant 0 : i32
      %cond3A_40 = arith.cmpi ne, %convert_element_type3A_38, %cond3A_39 : i32
      scf.if %cond3A_40 {
        %dma_wait3A = arith.constant 0 : i32
        %dma_wait3A_42 = arith.constant 0 : i32
        %dma_wait3A_43 = arith.constant 0 : i32
        %dma_wait3A_44 = tpu.memref_slice %arg7[%dma_wait3A, %dma_wait3A_42, %dma_wait3A_43] : memref<78x1x128xi32, #tpu.memory_space<vmem>> -> memref<1x1x128xi32, #tpu.memory_space<vmem>>
        %dma_wait3A_45 = tpu.memref_squeeze %dma_wait3A_44 : memref<1x1x128xi32, #tpu.memory_space<vmem>> -> memref<128xi32, #tpu.memory_space<vmem>>
        %dma_wait3A_46 = arith.constant 0 : i32
        %dma_wait3A_47 = tpu.memref_slice %arg9[%dma_wait3A_46] : memref<16384xf32, #tpu.memory_space<vmem_shared>> -> memref<16384xf32, #tpu.memory_space<vmem_shared>>
        tpu.wait_indirect_dma semaphore(%arg10 : memref<!tpu.dma_semaphore, #tpu.memory_space<semaphore_mem>>) src(%arg8 : memref<128xf32, #tpu.memory_space<vmem>>) dst(%dma_wait3A_47 : memref<16384xf32, #tpu.memory_space<vmem_shared>>)
      } else {
      }
      %scan3A_41 = arith.constant 0 : i32
      scf.yield %scan3A_41 : i32
    }
    %scan3A_10 = arith.constant 78 : i32
    %lt3A = arith.constant 4 : i32
    %lt3A_11 = arith.cmpi slt, %add3A, %lt3A : i32
    %convert_element_type3A = arith.extui %lt3A_11 : i1 to i32
    %cond3A = arith.constant 0 : i32
    %cond3A_12 = arith.cmpi ne, %convert_element_type3A, %cond3A : i32
    scf.if %cond3A_12 {
      %add3A_30 = arith.constant 2496 : i32
      %add3A_31 = arith.addi %add3A_30, %add3A : i32
      %run_scoped3A = arith.constant 0 : i32
      "tpu.region"() ({
        %run_scoped3A_44 = tpu.sem_alloc : memref<!tpu.dma_semaphore, #tpu.memory_space<semaphore_mem>>
        %dma_start3A_45 = arith.constant 0 : i32
        %dma_start3A_46 = arith.constant 0 : i32
        %dma_start3A_47 = tpu.memref_slice %arg7[%run_scoped3A, %dma_start3A_45, %dma_start3A_46] : memref<78x1x128xi32, #tpu.memory_space<vmem>> -> memref<1x1x128xi32, #tpu.memory_space<vmem>>
        %dma_start3A_48 = tpu.memref_squeeze %dma_start3A_47 : memref<1x1x128xi32, #tpu.memory_space<vmem>> -> memref<1x128xi32, #tpu.memory_space<vmem>>
        %dma_start3A_49 = arith.constant 0 : i32
        %dma_start3A_50 = arith.constant 0 : i32
        %dma_start3A_51 = tpu.memref_slice %arg2[%add3A_31, %dma_start3A_49, %dma_start3A_50] : memref<2500x1x128xi32, #tpu.memory_space<hbm>> -> memref<1x1x128xi32, #tpu.memory_space<hbm>>
        %dma_start3A_52 = tpu.memref_squeeze %dma_start3A_51 : memref<1x1x128xi32, #tpu.memory_space<hbm>> -> memref<1x128xi32, #tpu.memory_space<hbm>>
        %dma_start3A_53 = arith.constant 0 : i32
        %dma_start3A_54 = arith.constant 0 : i32
        %dma_start3A_55 = tpu.memref_slice %arg7[%run_scoped3A, %dma_start3A_53, %dma_start3A_54] : memref<78x1x128xi32, #tpu.memory_space<vmem>> -> memref<1x1x128xi32, #tpu.memory_space<vmem>>
        %dma_start3A_56 = tpu.memref_squeeze %dma_start3A_55 : memref<1x1x128xi32, #tpu.memory_space<vmem>> -> memref<1x128xi32, #tpu.memory_space<vmem>>
        %dma_start3A_57 = arith.constant 0 : i32
        %dma_start3A_58 = arith.constant 0 : i32
        %dma_start3A_59 = tpu.memref_slice %arg2[%add3A_31, %dma_start3A_57, %dma_start3A_58] : memref<2500x1x128xi32, #tpu.memory_space<hbm>> -> memref<1x1x128xi32, #tpu.memory_space<hbm>>
        %dma_start3A_60 = tpu.memref_squeeze %dma_start3A_59 : memref<1x1x128xi32, #tpu.memory_space<hbm>> -> memref<1x128xi32, #tpu.memory_space<hbm>>
        tpu.enqueue_dma source(%dma_start3A_60 : memref<1x128xi32, #tpu.memory_space<hbm>>) target(%dma_start3A_56 : memref<1x128xi32, #tpu.memory_space<vmem>>) target_semaphore(%run_scoped3A_44 : memref<!tpu.dma_semaphore, #tpu.memory_space<semaphore_mem>>)
        %dma_wait3A_61 = arith.constant 0 : i32
        %dma_wait3A_62 = arith.constant 0 : i32
        %dma_wait3A_63 = tpu.memref_slice %arg7[%run_scoped3A, %dma_wait3A_61, %dma_wait3A_62] : memref<78x1x128xi32, #tpu.memory_space<vmem>> -> memref<1x1x128xi32, #tpu.memory_space<vmem>>
        %dma_wait3A_64 = tpu.memref_squeeze %dma_wait3A_63 : memref<1x1x128xi32, #tpu.memory_space<vmem>> -> memref<1x128xi32, #tpu.memory_space<vmem>>
        %dma_wait3A_65 = arith.constant 0 : i32
        %dma_wait3A_66 = arith.constant 0 : i32
        %dma_wait3A_67 = tpu.memref_slice %arg2[%add3A_31, %dma_wait3A_65, %dma_wait3A_66] : memref<2500x1x128xi32, #tpu.memory_space<hbm>> -> memref<1x1x128xi32, #tpu.memory_space<hbm>>
        %dma_wait3A_68 = tpu.memref_squeeze %dma_wait3A_67 : memref<1x1x128xi32, #tpu.memory_space<hbm>> -> memref<1x128xi32, #tpu.memory_space<hbm>>
        %dma_wait3A_69 = arith.constant 0 : i32
        %dma_wait3A_70 = arith.constant 0 : i32
        %dma_wait3A_71 = tpu.memref_slice %arg7[%run_scoped3A, %dma_wait3A_69, %dma_wait3A_70] : memref<78x1x128xi32, #tpu.memory_space<vmem>> -> memref<1x1x128xi32, #tpu.memory_space<vmem>>
        %dma_wait3A_72 = tpu.memref_squeeze %dma_wait3A_71 : memref<1x1x128xi32, #tpu.memory_space<vmem>> -> memref<1x128xi32, #tpu.memory_space<vmem>>
        %dma_wait3A_73 = arith.constant 0 : i32
        %dma_wait3A_74 = arith.constant 0 : i32
        %dma_wait3A_75 = tpu.memref_slice %arg2[%add3A_31, %dma_wait3A_73, %dma_wait3A_74] : memref<2500x1x128xi32, #tpu.memory_space<hbm>> -> memref<1x1x128xi32, #tpu.memory_space<hbm>>
        %dma_wait3A_76 = tpu.memref_squeeze %dma_wait3A_75 : memref<1x1x128xi32, #tpu.memory_space<hbm>> -> memref<1x128xi32, #tpu.memory_space<hbm>>
        tpu.wait_dma2 semaphore(%run_scoped3A_44 : memref<!tpu.dma_semaphore, #tpu.memory_space<semaphore_mem>>) src(%dma_wait3A_76 : memref<1x128xi32, #tpu.memory_space<hbm>>) dst(%dma_wait3A_72 : memref<1x128xi32, #tpu.memory_space<vmem>>)
        tpu.yield
      }) : () -> ()
      %dma_start3A = arith.constant 0 : i32
      %dma_start3A_32 = arith.constant 0 : i32
      %dma_start3A_33 = arith.constant 0 : i32
      %dma_start3A_34 = tpu.memref_slice %arg7[%dma_start3A, %dma_start3A_32, %dma_start3A_33] : memref<78x1x128xi32, #tpu.memory_space<vmem>> -> memref<1x1x128xi32, #tpu.memory_space<vmem>>
      %dma_start3A_35 = tpu.memref_squeeze %dma_start3A_34 : memref<1x1x128xi32, #tpu.memory_space<vmem>> -> memref<128xi32, #tpu.memory_space<vmem>>
      %dma_start3A_36 = arith.constant 0 : i32
      %dma_start3A_37 = tpu.memref_slice %arg9[%dma_start3A_36] : memref<16384xf32, #tpu.memory_space<vmem_shared>> -> memref<16384xf32, #tpu.memory_space<vmem_shared>>
      tpu.enqueue_indirect_dma source(%arg8 : memref<128xf32, #tpu.memory_space<vmem>>) target(%dma_start3A_37 : memref<16384xf32, #tpu.memory_space<vmem_shared>>) offsets(%dma_start3A_35 : memref<128xi32, #tpu.memory_space<vmem>>) semaphore(%arg10 : memref<!tpu.dma_semaphore, #tpu.memory_space<semaphore_mem>>) {add = true}
      %dma_wait3A = arith.constant 0 : i32
      %dma_wait3A_38 = arith.constant 0 : i32
      %dma_wait3A_39 = arith.constant 0 : i32
      %dma_wait3A_40 = tpu.memref_slice %arg7[%dma_wait3A, %dma_wait3A_38, %dma_wait3A_39] : memref<78x1x128xi32, #tpu.memory_space<vmem>> -> memref<1x1x128xi32, #tpu.memory_space<vmem>>
      %dma_wait3A_41 = tpu.memref_squeeze %dma_wait3A_40 : memref<1x1x128xi32, #tpu.memory_space<vmem>> -> memref<128xi32, #tpu.memory_space<vmem>>
      %dma_wait3A_42 = arith.constant 0 : i32
      %dma_wait3A_43 = tpu.memref_slice %arg9[%dma_wait3A_42] : memref<16384xf32, #tpu.memory_space<vmem_shared>> -> memref<16384xf32, #tpu.memory_space<vmem_shared>>
      tpu.wait_indirect_dma semaphore(%arg10 : memref<!tpu.dma_semaphore, #tpu.memory_space<semaphore_mem>>) src(%arg8 : memref<128xf32, #tpu.memory_space<vmem>>) dst(%dma_wait3A_43 : memref<16384xf32, #tpu.memory_space<vmem_shared>>)
    } else {
    }
    %scan3A_13 = arith.constant 0 : i32
    %scan3A_14 = arith.constant 0 : i32
    %scan3A_15 = arith.constant 8 : i32
    %scan3A_16 = arith.addi %scan3A_14, %scan3A_15 : i32
    %scan3A_17 = arith.constant 1 : i32
    %scan3A_18 = scf.for %scan3A_30 = %scan3A_14 to %scan3A_16 step %scan3A_17 iter_args(%scan3A_31 = %scan3A_13) -> (i32)  : i32 {
      %dma_wait3A = arith.constant 0 : i32
      %dma_wait3A_32 = arith.constant 0 : i32
      %dma_wait3A_33 = arith.constant 0 : i32
      %dma_wait3A_34 = tpu.memref_slice %arg7[%dma_wait3A, %dma_wait3A_32, %dma_wait3A_33] : memref<78x1x128xi32, #tpu.memory_space<vmem>> -> memref<1x1x128xi32, #tpu.memory_space<vmem>>
      %dma_wait3A_35 = tpu.memref_squeeze %dma_wait3A_34 : memref<1x1x128xi32, #tpu.memory_space<vmem>> -> memref<128xi32, #tpu.memory_space<vmem>>
      %dma_wait3A_36 = arith.constant 0 : i32
      %dma_wait3A_37 = tpu.memref_slice %arg9[%dma_wait3A_36] : memref<16384xf32, #tpu.memory_space<vmem_shared>> -> memref<16384xf32, #tpu.memory_space<vmem_shared>>
      tpu.wait_indirect_dma semaphore(%arg10 : memref<!tpu.dma_semaphore, #tpu.memory_space<semaphore_mem>>) src(%arg8 : memref<128xf32, #tpu.memory_space<vmem>>) dst(%dma_wait3A_37 : memref<16384xf32, #tpu.memory_space<vmem_shared>>)
      %scan3A_38 = arith.constant 0 : i32
      scf.yield %scan3A_38 : i32
    }
    %scan3A_19 = arith.constant 8 : i32
    %barrier3A_20 = arith.constant 0 : index
    tpu.barrier barrier_id(%barrier3A_20)
    %eq3A = arith.constant 0 : i32
    %eq3A_21 = arith.cmpi eq, %arg0, %eq3A : i32
    %convert_element_type3A_22 = arith.extui %eq3A_21 : i1 to i32
    %cond3A_23 = arith.constant 0 : i32
    %cond3A_24 = arith.cmpi ne, %convert_element_type3A_22, %cond3A_23 : i32
    scf.if %cond3A_24 {
      "tpu.region"() ({
        %run_scoped3A = tpu.sem_alloc : memref<!tpu.dma_semaphore, #tpu.memory_space<semaphore_mem>>
        %dma_start3A = tpu.memref_slice %arg5[%mul3A_2] : memref<16384xf32, #tpu.memory_space<hbm>> -> memref<1024xf32, #tpu.memory_space<hbm>>
        %dma_start3A_30 = tpu.memref_slice %arg9[%mul3A_2] : memref<16384xf32, #tpu.memory_space<vmem_shared>> -> memref<1024xf32, #tpu.memory_space<vmem_shared>>
        tpu.enqueue_dma source(%dma_start3A_30 : memref<1024xf32, #tpu.memory_space<vmem_shared>>) target(%dma_start3A : memref<1024xf32, #tpu.memory_space<hbm>>) target_semaphore(%run_scoped3A : memref<!tpu.dma_semaphore, #tpu.memory_space<semaphore_mem>>)
        %dma_wait3A = tpu.memref_slice %arg5[%mul3A_2] : memref<16384xf32, #tpu.memory_space<hbm>> -> memref<1024xf32, #tpu.memory_space<hbm>>
        %dma_wait3A_31 = tpu.memref_slice %arg9[%mul3A_2] : memref<16384xf32, #tpu.memory_space<vmem_shared>> -> memref<1024xf32, #tpu.memory_space<vmem_shared>>
        tpu.wait_dma2 semaphore(%run_scoped3A : memref<!tpu.dma_semaphore, #tpu.memory_space<semaphore_mem>>) src(%dma_wait3A_31 : memref<1024xf32, #tpu.memory_space<vmem_shared>>) dst(%dma_wait3A : memref<1024xf32, #tpu.memory_space<hbm>>)
        tpu.yield
      }) : () -> ()
    } else {
    }
    %eq3A_25 = arith.constant 1 : i32
    %eq3A_26 = arith.cmpi eq, %arg0, %eq3A_25 : i32
    %convert_element_type3A_27 = arith.extui %eq3A_26 : i1 to i32
    %cond3A_28 = arith.constant 0 : i32
    %cond3A_29 = arith.cmpi ne, %convert_element_type3A_27, %cond3A_28 : i32
    scf.if %cond3A_29 {
      "tpu.region"() ({
        %run_scoped3A = tpu.sem_alloc : memref<!tpu.dma_semaphore, #tpu.memory_space<semaphore_mem>>
        %dma_start3A = tpu.memref_slice %arg6[%mul3A_2] : memref<16384xf32, #tpu.memory_space<hbm>> -> memref<1024xf32, #tpu.memory_space<hbm>>
        %dma_start3A_30 = tpu.memref_slice %arg9[%mul3A_2] : memref<16384xf32, #tpu.memory_space<vmem_shared>> -> memref<1024xf32, #tpu.memory_space<vmem_shared>>
        tpu.enqueue_dma source(%dma_start3A_30 : memref<1024xf32, #tpu.memory_space<vmem_shared>>) target(%dma_start3A : memref<1024xf32, #tpu.memory_space<hbm>>) target_semaphore(%run_scoped3A : memref<!tpu.dma_semaphore, #tpu.memory_space<semaphore_mem>>)
        %dma_wait3A = tpu.memref_slice %arg6[%mul3A_2] : memref<16384xf32, #tpu.memory_space<hbm>> -> memref<1024xf32, #tpu.memory_space<hbm>>
        %dma_wait3A_31 = tpu.memref_slice %arg9[%mul3A_2] : memref<16384xf32, #tpu.memory_space<vmem_shared>> -> memref<1024xf32, #tpu.memory_space<vmem_shared>>
        tpu.wait_dma2 semaphore(%run_scoped3A : memref<!tpu.dma_semaphore, #tpu.memory_space<semaphore_mem>>) src(%dma_wait3A_31 : memref<1024xf32, #tpu.memory_space<vmem_shared>>) dst(%dma_wait3A : memref<1024xf32, #tpu.memory_space<hbm>>)
        tpu.yield
      }) : () -> ()
    } else {
    }
    return
  }
}

#map = affine_map<(d0, d1) -> (0, 0)>
#map1 = affine_map<(d0, d1) -> (0, 0, 0)>
module attributes {stable_mosaic.version = 14 : i64} {
  func.func @_agg_body(%arg0: i32, %arg1: i32, %arg2: memref<10000x128xf32, #tpu.memory_space<hbm>>, %arg3: memref<2500x2x128xi32, #tpu.memory_space<hbm>>, %arg4: memref<624x128xf32, #tpu.memory_space<hbm>>, %arg5: memref<2x10000x128xf32, #tpu.memory_space<hbm>>, %arg6: memref<6x2x128xi32, #tpu.memory_space<vmem>>, %arg7: memref<128x128xf32, #tpu.memory_space<vmem>>, %arg8: memref<128x128xf32, #tpu.memory_space<vmem>>, %arg9: memref<128x128xf32, #tpu.memory_space<vmem>>, %arg10: memref<10000x128xf32, #tpu.memory_space<vmem_shared>>, %arg11: memref<!tpu.dma_semaphore, #tpu.memory_space<semaphore_mem>>, %arg12: memref<!tpu.dma_semaphore, #tpu.memory_space<semaphore_mem>>, %arg13: memref<!tpu.dma_semaphore, #tpu.memory_space<semaphore_mem>>, %arg14: memref<!tpu.dma_semaphore, #tpu.memory_space<semaphore_mem>>, %arg15: memref<!tpu.dma_semaphore, #tpu.memory_space<semaphore_mem>>, %arg16: memref<!tpu.dma_semaphore, #tpu.memory_space<semaphore_mem>>, %arg17: memref<!tpu.dma_semaphore, #tpu.memory_space<semaphore_mem>>, %arg18: memref<!tpu.dma_semaphore, #tpu.memory_space<semaphore_mem>>, %arg19: memref<!tpu.dma_semaphore, #tpu.memory_space<semaphore_mem>>, %arg20: memref<!tpu.dma_semaphore, #tpu.memory_space<semaphore_mem>>, %arg21: memref<!tpu.dma_semaphore, #tpu.memory_space<semaphore_mem>>, %arg22: memref<!tpu.dma_semaphore, #tpu.memory_space<semaphore_mem>>) attributes {dimension_semantics = [#tpu.dimension_semantics<core_parallel>, #tpu.dimension_semantics<subcore_parallel>], iteration_bounds = array<i64: 2, 16>, scalar_prefetch = 0 : i64, scratch_operands = 17 : i64, tpu.core_type = #tpu.core_type<sc_vector_subcore>, window_params = [{transform_indices = #map}, {transform_indices = #map1}, {transform_indices = #map}, {transform_indices = #map1}]} {
    %mul3A = arith.constant 2 : i32
    %mul3A_0 = arith.muli %arg1, %mul3A : i32
    %add3A = arith.addi %mul3A_0, %arg0 : i32
    %mul3A_1 = arith.constant 624 : i32
    %mul3A_2 = arith.muli %arg1, %mul3A_1 : i32
    "tpu.region"() ({
      %run_scoped3A = tpu.sem_alloc : memref<!tpu.dma_semaphore, #tpu.memory_space<semaphore_mem>>
      %dma_start3A_451 = arith.constant 0 : i32
      %dma_start3A_452 = tpu.memref_slice %arg10[%mul3A_2, %dma_start3A_451] : memref<10000x128xf32, #tpu.memory_space<vmem_shared>> -> memref<624x128xf32, #tpu.memory_space<vmem_shared>>
      tpu.enqueue_dma source(%arg4 : memref<624x128xf32, #tpu.memory_space<hbm>>) target(%dma_start3A_452 : memref<624x128xf32, #tpu.memory_space<vmem_shared>>) target_semaphore(%run_scoped3A : memref<!tpu.dma_semaphore, #tpu.memory_space<semaphore_mem>>)
      %dma_wait3A_453 = arith.constant 0 : i32
      %dma_wait3A_454 = tpu.memref_slice %arg10[%mul3A_2, %dma_wait3A_453] : memref<10000x128xf32, #tpu.memory_space<vmem_shared>> -> memref<624x128xf32, #tpu.memory_space<vmem_shared>>
      tpu.wait_dma2 semaphore(%run_scoped3A : memref<!tpu.dma_semaphore, #tpu.memory_space<semaphore_mem>>) src(%arg4 : memref<624x128xf32, #tpu.memory_space<hbm>>) dst(%dma_wait3A_454 : memref<624x128xf32, #tpu.memory_space<vmem_shared>>)
      tpu.yield
    }) : () -> ()
    %eq3A = arith.constant 15 : i32
    %eq3A_3 = arith.cmpi eq, %arg1, %eq3A : i32
    %convert_element_type3A = arith.extui %eq3A_3 : i1 to i32
    %cond3A = arith.constant 0 : i32
    %cond3A_4 = arith.cmpi ne, %convert_element_type3A, %cond3A : i32
    scf.if %cond3A_4 {
      "tpu.region"() ({
        %run_scoped3A = tpu.sem_alloc : memref<!tpu.dma_semaphore, #tpu.memory_space<semaphore_mem>>
        %dma_start3A_451 = arith.constant 9984 : i32
        %dma_start3A_452 = arith.constant 0 : i32
        %dma_start3A_453 = tpu.memref_slice %arg10[%dma_start3A_451, %dma_start3A_452] : memref<10000x128xf32, #tpu.memory_space<vmem_shared>> -> memref<16x128xf32, #tpu.memory_space<vmem_shared>>
        %dma_start3A_454 = arith.constant 0 : i32
        %dma_start3A_455 = arith.constant 0 : i32
        %dma_start3A_456 = tpu.memref_slice %arg4[%dma_start3A_454, %dma_start3A_455] : memref<624x128xf32, #tpu.memory_space<hbm>> -> memref<16x128xf32, #tpu.memory_space<hbm>>
        tpu.enqueue_dma source(%dma_start3A_456 : memref<16x128xf32, #tpu.memory_space<hbm>>) target(%dma_start3A_453 : memref<16x128xf32, #tpu.memory_space<vmem_shared>>) target_semaphore(%run_scoped3A : memref<!tpu.dma_semaphore, #tpu.memory_space<semaphore_mem>>)
        %dma_wait3A_457 = arith.constant 9984 : i32
        %dma_wait3A_458 = arith.constant 0 : i32
        %dma_wait3A_459 = tpu.memref_slice %arg10[%dma_wait3A_457, %dma_wait3A_458] : memref<10000x128xf32, #tpu.memory_space<vmem_shared>> -> memref<16x128xf32, #tpu.memory_space<vmem_shared>>
        %dma_wait3A_460 = arith.constant 0 : i32
        %dma_wait3A_461 = arith.constant 0 : i32
        %dma_wait3A_462 = tpu.memref_slice %arg4[%dma_wait3A_460, %dma_wait3A_461] : memref<624x128xf32, #tpu.memory_space<hbm>> -> memref<16x128xf32, #tpu.memory_space<hbm>>
        tpu.wait_dma2 semaphore(%run_scoped3A : memref<!tpu.dma_semaphore, #tpu.memory_space<semaphore_mem>>) src(%dma_wait3A_462 : memref<16x128xf32, #tpu.memory_space<hbm>>) dst(%dma_wait3A_459 : memref<16x128xf32, #tpu.memory_space<vmem_shared>>)
        tpu.yield
      }) : () -> ()
    } else {
    }
    %barrier3A = arith.constant 0 : index
    tpu.barrier barrier_id(%barrier3A)
    %mul3A_5 = arith.constant 78 : i32
    %mul3A_6 = arith.muli %add3A, %mul3A_5 : i32
    %add3A_7 = arith.constant 0 : i32
    %add3A_8 = arith.addi %mul3A_6, %add3A_7 : i32
    %dma_start3A = arith.constant 0 : i32
    %dma_start3A_9 = arith.constant 0 : i32
    %dma_start3A_10 = arith.constant 0 : i32
    %dma_start3A_11 = tpu.memref_slice %arg6[%dma_start3A, %dma_start3A_9, %dma_start3A_10] : memref<6x2x128xi32, #tpu.memory_space<vmem>> -> memref<1x2x128xi32, #tpu.memory_space<vmem>>
    %dma_start3A_12 = tpu.memref_squeeze %dma_start3A_11 : memref<1x2x128xi32, #tpu.memory_space<vmem>> -> memref<2x128xi32, #tpu.memory_space<vmem>>
    %dma_start3A_13 = arith.constant 0 : i32
    %dma_start3A_14 = arith.constant 0 : i32
    %dma_start3A_15 = tpu.memref_slice %arg3[%add3A_8, %dma_start3A_13, %dma_start3A_14] : memref<2500x2x128xi32, #tpu.memory_space<hbm>> -> memref<1x2x128xi32, #tpu.memory_space<hbm>>
    %dma_start3A_16 = tpu.memref_squeeze %dma_start3A_15 : memref<1x2x128xi32, #tpu.memory_space<hbm>> -> memref<2x128xi32, #tpu.memory_space<hbm>>
    %dma_start3A_17 = arith.constant 0 : i32
    %dma_start3A_18 = arith.constant 0 : i32
    %dma_start3A_19 = tpu.memref_slice %arg6[%dma_start3A, %dma_start3A_17, %dma_start3A_18] : memref<6x2x128xi32, #tpu.memory_space<vmem>> -> memref<1x2x128xi32, #tpu.memory_space<vmem>>
    %dma_start3A_20 = tpu.memref_squeeze %dma_start3A_19 : memref<1x2x128xi32, #tpu.memory_space<vmem>> -> memref<2x128xi32, #tpu.memory_space<vmem>>
    %dma_start3A_21 = arith.constant 0 : i32
    %dma_start3A_22 = arith.constant 0 : i32
    %dma_start3A_23 = tpu.memref_slice %arg3[%add3A_8, %dma_start3A_21, %dma_start3A_22] : memref<2500x2x128xi32, #tpu.memory_space<hbm>> -> memref<1x2x128xi32, #tpu.memory_space<hbm>>
    %dma_start3A_24 = tpu.memref_squeeze %dma_start3A_23 : memref<1x2x128xi32, #tpu.memory_space<hbm>> -> memref<2x128xi32, #tpu.memory_space<hbm>>
    tpu.enqueue_dma source(%dma_start3A_24 : memref<2x128xi32, #tpu.memory_space<hbm>>) target(%dma_start3A_20 : memref<2x128xi32, #tpu.memory_space<vmem>>) target_semaphore(%arg11 : memref<!tpu.dma_semaphore, #tpu.memory_space<semaphore_mem>>)
    %add3A_25 = arith.constant 1 : i32
    %add3A_26 = arith.addi %mul3A_6, %add3A_25 : i32
    %dma_start3A_27 = arith.constant 1 : i32
    %dma_start3A_28 = arith.constant 0 : i32
    %dma_start3A_29 = arith.constant 0 : i32
    %dma_start3A_30 = tpu.memref_slice %arg6[%dma_start3A_27, %dma_start3A_28, %dma_start3A_29] : memref<6x2x128xi32, #tpu.memory_space<vmem>> -> memref<1x2x128xi32, #tpu.memory_space<vmem>>
    %dma_start3A_31 = tpu.memref_squeeze %dma_start3A_30 : memref<1x2x128xi32, #tpu.memory_space<vmem>> -> memref<2x128xi32, #tpu.memory_space<vmem>>
    %dma_start3A_32 = arith.constant 0 : i32
    %dma_start3A_33 = arith.constant 0 : i32
    %dma_start3A_34 = tpu.memref_slice %arg3[%add3A_26, %dma_start3A_32, %dma_start3A_33] : memref<2500x2x128xi32, #tpu.memory_space<hbm>> -> memref<1x2x128xi32, #tpu.memory_space<hbm>>
    %dma_start3A_35 = tpu.memref_squeeze %dma_start3A_34 : memref<1x2x128xi32, #tpu.memory_space<hbm>> -> memref<2x128xi32, #tpu.memory_space<hbm>>
    %dma_start3A_36 = arith.constant 0 : i32
    %dma_start3A_37 = arith.constant 0 : i32
    %dma_start3A_38 = tpu.memref_slice %arg6[%dma_start3A_27, %dma_start3A_36, %dma_start3A_37] : memref<6x2x128xi32, #tpu.memory_space<vmem>> -> memref<1x2x128xi32, #tpu.memory_space<vmem>>
    %dma_start3A_39 = tpu.memref_squeeze %dma_start3A_38 : memref<1x2x128xi32, #tpu.memory_space<vmem>> -> memref<2x128xi32, #tpu.memory_space<vmem>>
    %dma_start3A_40 = arith.constant 0 : i32
    %dma_start3A_41 = arith.constant 0 : i32
    %dma_start3A_42 = tpu.memref_slice %arg3[%add3A_26, %dma_start3A_40, %dma_start3A_41] : memref<2500x2x128xi32, #tpu.memory_space<hbm>> -> memref<1x2x128xi32, #tpu.memory_space<hbm>>
    %dma_start3A_43 = tpu.memref_squeeze %dma_start3A_42 : memref<1x2x128xi32, #tpu.memory_space<hbm>> -> memref<2x128xi32, #tpu.memory_space<hbm>>
    tpu.enqueue_dma source(%dma_start3A_43 : memref<2x128xi32, #tpu.memory_space<hbm>>) target(%dma_start3A_39 : memref<2x128xi32, #tpu.memory_space<vmem>>) target_semaphore(%arg12 : memref<!tpu.dma_semaphore, #tpu.memory_space<semaphore_mem>>)
    %dma_wait3A = arith.constant 0 : i32
    %dma_wait3A_44 = arith.constant 0 : i32
    %dma_wait3A_45 = arith.constant 0 : i32
    %dma_wait3A_46 = arith.constant 0 : i32
    %dma_wait3A_47 = tpu.memref_slice %arg6[%dma_wait3A_44, %dma_wait3A_45, %dma_wait3A_46] : memref<6x2x128xi32, #tpu.memory_space<vmem>> -> memref<1x2x128xi32, #tpu.memory_space<vmem>>
    %dma_wait3A_48 = tpu.memref_squeeze %dma_wait3A_47 : memref<1x2x128xi32, #tpu.memory_space<vmem>> -> memref<2x128xi32, #tpu.memory_space<vmem>>
    %dma_wait3A_49 = arith.constant 0 : i32
    %dma_wait3A_50 = arith.constant 0 : i32
    %dma_wait3A_51 = tpu.memref_slice %arg3[%dma_wait3A, %dma_wait3A_49, %dma_wait3A_50] : memref<2500x2x128xi32, #tpu.memory_space<hbm>> -> memref<1x2x128xi32, #tpu.memory_space<hbm>>
    %dma_wait3A_52 = tpu.memref_squeeze %dma_wait3A_51 : memref<1x2x128xi32, #tpu.memory_space<hbm>> -> memref<2x128xi32, #tpu.memory_space<hbm>>
    %dma_wait3A_53 = arith.constant 0 : i32
    %dma_wait3A_54 = arith.constant 0 : i32
    %dma_wait3A_55 = tpu.memref_slice %arg6[%dma_wait3A_44, %dma_wait3A_53, %dma_wait3A_54] : memref<6x2x128xi32, #tpu.memory_space<vmem>> -> memref<1x2x128xi32, #tpu.memory_space<vmem>>
    %dma_wait3A_56 = tpu.memref_squeeze %dma_wait3A_55 : memref<1x2x128xi32, #tpu.memory_space<vmem>> -> memref<2x128xi32, #tpu.memory_space<vmem>>
    %dma_wait3A_57 = arith.constant 0 : i32
    %dma_wait3A_58 = arith.constant 0 : i32
    %dma_wait3A_59 = tpu.memref_slice %arg3[%dma_wait3A, %dma_wait3A_57, %dma_wait3A_58] : memref<2500x2x128xi32, #tpu.memory_space<hbm>> -> memref<1x2x128xi32, #tpu.memory_space<hbm>>
    %dma_wait3A_60 = tpu.memref_squeeze %dma_wait3A_59 : memref<1x2x128xi32, #tpu.memory_space<hbm>> -> memref<2x128xi32, #tpu.memory_space<hbm>>
    tpu.wait_dma2 semaphore(%arg11 : memref<!tpu.dma_semaphore, #tpu.memory_space<semaphore_mem>>) src(%dma_wait3A_60 : memref<2x128xi32, #tpu.memory_space<hbm>>) dst(%dma_wait3A_56 : memref<2x128xi32, #tpu.memory_space<vmem>>)
    %dma_start3A_61 = arith.constant 0 : i32
    %dma_start3A_62 = arith.constant 0 : i32
    %dma_start3A_63 = arith.constant 0 : i32
    %dma_start3A_64 = tpu.memref_slice %arg6[%dma_start3A_61, %dma_start3A_62, %dma_start3A_63] : memref<6x2x128xi32, #tpu.memory_space<vmem>> -> memref<1x1x128xi32, #tpu.memory_space<vmem>>
    %dma_start3A_65 = tpu.memref_squeeze %dma_start3A_64 : memref<1x1x128xi32, #tpu.memory_space<vmem>> -> memref<128xi32, #tpu.memory_space<vmem>>
    %dma_start3A_66 = arith.constant 0 : i32
    %dma_start3A_67 = arith.constant 0 : i32
    %dma_start3A_68 = tpu.memref_slice %arg2[%dma_start3A_66, %dma_start3A_67] : memref<10000x128xf32, #tpu.memory_space<hbm>> -> memref<10000x128xf32, #tpu.memory_space<hbm>>
    tpu.enqueue_indirect_dma source(%dma_start3A_68 : memref<10000x128xf32, #tpu.memory_space<hbm>>) target(%arg7 : memref<128x128xf32, #tpu.memory_space<vmem>>) offsets(%dma_start3A_65 : memref<128xi32, #tpu.memory_space<vmem>>) semaphore(%arg17 : memref<!tpu.dma_semaphore, #tpu.memory_space<semaphore_mem>>)
    %scan3A = arith.constant 0 : i32
    %scan3A_69 = arith.constant 0 : i32
    %scan3A_70 = arith.constant 12 : i32
    %scan3A_71 = arith.addi %scan3A_69, %scan3A_70 : i32
    %scan3A_72 = arith.constant 1 : i32
    %scan3A_73 = scf.for %scan3A_451 = %scan3A_69 to %scan3A_71 step %scan3A_72 iter_args(%scan3A_452 = %scan3A) -> (i32)  : i32 {
      %mul3A_453 = arith.constant 6 : i32
      %mul3A_454 = arith.muli %mul3A_453, %scan3A_451 : i32
      %add3A_455 = arith.constant 0 : i32
      %add3A_456 = arith.addi %mul3A_454, %add3A_455 : i32
      %add3A_457 = arith.constant 2 : i32
      %add3A_458 = arith.addi %add3A_456, %add3A_457 : i32
      %mul3A_459 = arith.constant 6 : i32
      %mul3A_460 = arith.muli %mul3A_459, %scan3A_451 : i32
      %add3A_461 = arith.constant 0 : i32
      %add3A_462 = arith.addi %mul3A_460, %add3A_461 : i32
      %add3A_463 = arith.constant 1 : i32
      %add3A_464 = arith.addi %add3A_462, %add3A_463 : i32
      %add3A_465 = arith.addi %mul3A_6, %add3A_458 : i32
      %dma_start3A_466 = arith.constant 2 : i32
      %dma_start3A_467 = arith.constant 0 : i32
      %dma_start3A_468 = arith.constant 0 : i32
      %dma_start3A_469 = tpu.memref_slice %arg6[%dma_start3A_466, %dma_start3A_467, %dma_start3A_468] : memref<6x2x128xi32, #tpu.memory_space<vmem>> -> memref<1x2x128xi32, #tpu.memory_space<vmem>>
      %dma_start3A_470 = tpu.memref_squeeze %dma_start3A_469 : memref<1x2x128xi32, #tpu.memory_space<vmem>> -> memref<2x128xi32, #tpu.memory_space<vmem>>
      %dma_start3A_471 = arith.constant 0 : i32
      %dma_start3A_472 = arith.constant 0 : i32
      %dma_start3A_473 = tpu.memref_slice %arg3[%add3A_465, %dma_start3A_471, %dma_start3A_472] : memref<2500x2x128xi32, #tpu.memory_space<hbm>> -> memref<1x2x128xi32, #tpu.memory_space<hbm>>
      %dma_start3A_474 = tpu.memref_squeeze %dma_start3A_473 : memref<1x2x128xi32, #tpu.memory_space<hbm>> -> memref<2x128xi32, #tpu.memory_space<hbm>>
      %dma_start3A_475 = arith.constant 0 : i32
      %dma_start3A_476 = arith.constant 0 : i32
      %dma_start3A_477 = tpu.memref_slice %arg6[%dma_start3A_466, %dma_start3A_475, %dma_start3A_476] : memref<6x2x128xi32, #tpu.memory_space<vmem>> -> memref<1x2x128xi32, #tpu.memory_space<vmem>>
      %dma_start3A_478 = tpu.memref_squeeze %dma_start3A_477 : memref<1x2x128xi32, #tpu.memory_space<vmem>> -> memref<2x128xi32, #tpu.memory_space<vmem>>
      %dma_start3A_479 = arith.constant 0 : i32
      %dma_start3A_480 = arith.constant 0 : i32
      %dma_start3A_481 = tpu.memref_slice %arg3[%add3A_465, %dma_start3A_479, %dma_start3A_480] : memref<2500x2x128xi32, #tpu.memory_space<hbm>> -> memref<1x2x128xi32, #tpu.memory_space<hbm>>
      %dma_start3A_482 = tpu.memref_squeeze %dma_start3A_481 : memref<1x2x128xi32, #tpu.memory_space<hbm>> -> memref<2x128xi32, #tpu.memory_space<hbm>>
      tpu.enqueue_dma source(%dma_start3A_482 : memref<2x128xi32, #tpu.memory_space<hbm>>) target(%dma_start3A_478 : memref<2x128xi32, #tpu.memory_space<vmem>>) target_semaphore(%arg13 : memref<!tpu.dma_semaphore, #tpu.memory_space<semaphore_mem>>)
      %dma_wait3A_483 = arith.constant 0 : i32
      %dma_wait3A_484 = arith.constant 1 : i32
      %dma_wait3A_485 = arith.constant 0 : i32
      %dma_wait3A_486 = arith.constant 0 : i32
      %dma_wait3A_487 = tpu.memref_slice %arg6[%dma_wait3A_484, %dma_wait3A_485, %dma_wait3A_486] : memref<6x2x128xi32, #tpu.memory_space<vmem>> -> memref<1x2x128xi32, #tpu.memory_space<vmem>>
      %dma_wait3A_488 = tpu.memref_squeeze %dma_wait3A_487 : memref<1x2x128xi32, #tpu.memory_space<vmem>> -> memref<2x128xi32, #tpu.memory_space<vmem>>
      %dma_wait3A_489 = arith.constant 0 : i32
      %dma_wait3A_490 = arith.constant 0 : i32
      %dma_wait3A_491 = tpu.memref_slice %arg3[%dma_wait3A_483, %dma_wait3A_489, %dma_wait3A_490] : memref<2500x2x128xi32, #tpu.memory_space<hbm>> -> memref<1x2x128xi32, #tpu.memory_space<hbm>>
      %dma_wait3A_492 = tpu.memref_squeeze %dma_wait3A_491 : memref<1x2x128xi32, #tpu.memory_space<hbm>> -> memref<2x128xi32, #tpu.memory_space<hbm>>
      %dma_wait3A_493 = arith.constant 0 : i32
      %dma_wait3A_494 = arith.constant 0 : i32
      %dma_wait3A_495 = tpu.memref_slice %arg6[%dma_wait3A_484, %dma_wait3A_493, %dma_wait3A_494] : memref<6x2x128xi32, #tpu.memory_space<vmem>> -> memref<1x2x128xi32, #tpu.memory_space<vmem>>
      %dma_wait3A_496 = tpu.memref_squeeze %dma_wait3A_495 : memref<1x2x128xi32, #tpu.memory_space<vmem>> -> memref<2x128xi32, #tpu.memory_space<vmem>>
      %dma_wait3A_497 = arith.constant 0 : i32
      %dma_wait3A_498 = arith.constant 0 : i32
      %dma_wait3A_499 = tpu.memref_slice %arg3[%dma_wait3A_483, %dma_wait3A_497, %dma_wait3A_498] : memref<2500x2x128xi32, #tpu.memory_space<hbm>> -> memref<1x2x128xi32, #tpu.memory_space<hbm>>
      %dma_wait3A_500 = tpu.memref_squeeze %dma_wait3A_499 : memref<1x2x128xi32, #tpu.memory_space<hbm>> -> memref<2x128xi32, #tpu.memory_space<hbm>>
      tpu.wait_dma2 semaphore(%arg12 : memref<!tpu.dma_semaphore, #tpu.memory_space<semaphore_mem>>) src(%dma_wait3A_500 : memref<2x128xi32, #tpu.memory_space<hbm>>) dst(%dma_wait3A_496 : memref<2x128xi32, #tpu.memory_space<vmem>>)
      %gt3A = arith.constant 0 : i32
      %gt3A_501 = arith.cmpi sgt, %scan3A_451, %gt3A : i32
      %convert_element_type3A_502 = arith.extui %gt3A_501 : i1 to i32
      %cond3A_503 = arith.constant 0 : i32
      %cond3A_504 = arith.cmpi ne, %convert_element_type3A_502, %cond3A_503 : i32
      scf.if %cond3A_504 {
        %dma_wait3A_927 = arith.constant 0 : i32
        %dma_wait3A_928 = arith.constant 1 : i32
        %dma_wait3A_929 = arith.constant 0 : i32
        %dma_wait3A_930 = tpu.memref_slice %arg6[%dma_wait3A_927, %dma_wait3A_928, %dma_wait3A_929] : memref<6x2x128xi32, #tpu.memory_space<vmem>> -> memref<1x1x128xi32, #tpu.memory_space<vmem>>
        %dma_wait3A_931 = tpu.memref_squeeze %dma_wait3A_930 : memref<1x1x128xi32, #tpu.memory_space<vmem>> -> memref<128xi32, #tpu.memory_space<vmem>>
        %dma_wait3A_932 = arith.constant 0 : i32
        %dma_wait3A_933 = arith.constant 0 : i32
        %dma_wait3A_934 = tpu.memref_slice %arg10[%dma_wait3A_932, %dma_wait3A_933] : memref<10000x128xf32, #tpu.memory_space<vmem_shared>> -> memref<10000x128xf32, #tpu.memory_space<vmem_shared>>
        tpu.wait_indirect_dma semaphore(%arg21 : memref<!tpu.dma_semaphore, #tpu.memory_space<semaphore_mem>>) src(%arg8 : memref<128x128xf32, #tpu.memory_space<vmem>>) dst(%dma_wait3A_934 : memref<10000x128xf32, #tpu.memory_space<vmem_shared>>)
      } else {
      }
      %dma_start3A_505 = arith.constant 1 : i32
      %dma_start3A_506 = arith.constant 0 : i32
      %dma_start3A_507 = arith.constant 0 : i32
      %dma_start3A_508 = tpu.memref_slice %arg6[%dma_start3A_505, %dma_start3A_506, %dma_start3A_507] : memref<6x2x128xi32, #tpu.memory_space<vmem>> -> memref<1x1x128xi32, #tpu.memory_space<vmem>>
      %dma_start3A_509 = tpu.memref_squeeze %dma_start3A_508 : memref<1x1x128xi32, #tpu.memory_space<vmem>> -> memref<128xi32, #tpu.memory_space<vmem>>
      %dma_start3A_510 = arith.constant 0 : i32
      %dma_start3A_511 = arith.constant 0 : i32
      %dma_start3A_512 = tpu.memref_slice %arg2[%dma_start3A_510, %dma_start3A_511] : memref<10000x128xf32, #tpu.memory_space<hbm>> -> memref<10000x128xf32, #tpu.memory_space<hbm>>
      tpu.enqueue_indirect_dma source(%dma_start3A_512 : memref<10000x128xf32, #tpu.memory_space<hbm>>) target(%arg8 : memref<128x128xf32, #tpu.memory_space<vmem>>) offsets(%dma_start3A_509 : memref<128xi32, #tpu.memory_space<vmem>>) semaphore(%arg18 : memref<!tpu.dma_semaphore, #tpu.memory_space<semaphore_mem>>)
      %dma_wait3A_513 = arith.constant 0 : i32
      %dma_wait3A_514 = arith.constant 0 : i32
      %dma_wait3A_515 = arith.constant 0 : i32
      %dma_wait3A_516 = tpu.memref_slice %arg6[%dma_wait3A_513, %dma_wait3A_514, %dma_wait3A_515] : memref<6x2x128xi32, #tpu.memory_space<vmem>> -> memref<1x1x128xi32, #tpu.memory_space<vmem>>
      %dma_wait3A_517 = tpu.memref_squeeze %dma_wait3A_516 : memref<1x1x128xi32, #tpu.memory_space<vmem>> -> memref<128xi32, #tpu.memory_space<vmem>>
      %dma_wait3A_518 = arith.constant 0 : i32
      %dma_wait3A_519 = arith.constant 0 : i32
      %dma_wait3A_520 = tpu.memref_slice %arg2[%dma_wait3A_518, %dma_wait3A_519] : memref<10000x128xf32, #tpu.memory_space<hbm>> -> memref<10000x128xf32, #tpu.memory_space<hbm>>
      tpu.wait_indirect_dma semaphore(%arg17 : memref<!tpu.dma_semaphore, #tpu.memory_space<semaphore_mem>>) src(%dma_wait3A_520 : memref<10000x128xf32, #tpu.memory_space<hbm>>) dst(%arg7 : memref<128x128xf32, #tpu.memory_space<vmem>>)
      %dma_start3A_521 = arith.constant 0 : i32
      %dma_start3A_522 = arith.constant 1 : i32
      %dma_start3A_523 = arith.constant 0 : i32
      %dma_start3A_524 = tpu.memref_slice %arg6[%dma_start3A_521, %dma_start3A_522, %dma_start3A_523] : memref<6x2x128xi32, #tpu.memory_space<vmem>> -> memref<1x1x128xi32, #tpu.memory_space<vmem>>
      %dma_start3A_525 = tpu.memref_squeeze %dma_start3A_524 : memref<1x1x128xi32, #tpu.memory_space<vmem>> -> memref<128xi32, #tpu.memory_space<vmem>>
      %dma_start3A_526 = arith.constant 0 : i32
      %dma_start3A_527 = arith.constant 0 : i32
      %dma_start3A_528 = tpu.memref_slice %arg10[%dma_start3A_526, %dma_start3A_527] : memref<10000x128xf32, #tpu.memory_space<vmem_shared>> -> memref<10000x128xf32, #tpu.memory_space<vmem_shared>>
      tpu.enqueue_indirect_dma source(%arg7 : memref<128x128xf32, #tpu.memory_space<vmem>>) target(%dma_start3A_528 : memref<10000x128xf32, #tpu.memory_space<vmem_shared>>) offsets(%dma_start3A_525 : memref<128xi32, #tpu.memory_space<vmem>>) semaphore(%arg20 : memref<!tpu.dma_semaphore, #tpu.memory_space<semaphore_mem>>) {add = true}
      %mul3A_529 = arith.constant 6 : i32
      %mul3A_530 = arith.muli %mul3A_529, %scan3A_451 : i32
      %add3A_531 = arith.constant 1 : i32
      %add3A_532 = arith.addi %mul3A_530, %add3A_531 : i32
      %add3A_533 = arith.constant 2 : i32
      %add3A_534 = arith.addi %add3A_532, %add3A_533 : i32
      %mul3A_535 = arith.constant 6 : i32
      %mul3A_536 = arith.muli %mul3A_535, %scan3A_451 : i32
      %add3A_537 = arith.constant 1 : i32
      %add3A_538 = arith.addi %mul3A_536, %add3A_537 : i32
      %add3A_539 = arith.constant 1 : i32
      %add3A_540 = arith.addi %add3A_538, %add3A_539 : i32
      %add3A_541 = arith.addi %mul3A_6, %add3A_534 : i32
      %dma_start3A_542 = arith.constant 3 : i32
      %dma_start3A_543 = arith.constant 0 : i32
      %dma_start3A_544 = arith.constant 0 : i32
      %dma_start3A_545 = tpu.memref_slice %arg6[%dma_start3A_542, %dma_start3A_543, %dma_start3A_544] : memref<6x2x128xi32, #tpu.memory_space<vmem>> -> memref<1x2x128xi32, #tpu.memory_space<vmem>>
      %dma_start3A_546 = tpu.memref_squeeze %dma_start3A_545 : memref<1x2x128xi32, #tpu.memory_space<vmem>> -> memref<2x128xi32, #tpu.memory_space<vmem>>
      %dma_start3A_547 = arith.constant 0 : i32
      %dma_start3A_548 = arith.constant 0 : i32
      %dma_start3A_549 = tpu.memref_slice %arg3[%add3A_541, %dma_start3A_547, %dma_start3A_548] : memref<2500x2x128xi32, #tpu.memory_space<hbm>> -> memref<1x2x128xi32, #tpu.memory_space<hbm>>
      %dma_start3A_550 = tpu.memref_squeeze %dma_start3A_549 : memref<1x2x128xi32, #tpu.memory_space<hbm>> -> memref<2x128xi32, #tpu.memory_space<hbm>>
      %dma_start3A_551 = arith.constant 0 : i32
      %dma_start3A_552 = arith.constant 0 : i32
      %dma_start3A_553 = tpu.memref_slice %arg6[%dma_start3A_542, %dma_start3A_551, %dma_start3A_552] : memref<6x2x128xi32, #tpu.memory_space<vmem>> -> memref<1x2x128xi32, #tpu.memory_space<vmem>>
      %dma_start3A_554 = tpu.memref_squeeze %dma_start3A_553 : memref<1x2x128xi32, #tpu.memory_space<vmem>> -> memref<2x128xi32, #tpu.memory_space<vmem>>
      %dma_start3A_555 = arith.constant 0 : i32
      %dma_start3A_556 = arith.constant 0 : i32
      %dma_start3A_557 = tpu.memref_slice %arg3[%add3A_541, %dma_start3A_555, %dma_start3A_556] : memref<2500x2x128xi32, #tpu.memory_space<hbm>> -> memref<1x2x128xi32, #tpu.memory_space<hbm>>
      %dma_start3A_558 = tpu.memref_squeeze %dma_start3A_557 : memref<1x2x128xi32, #tpu.memory_space<hbm>> -> memref<2x128xi32, #tpu.memory_space<hbm>>
      tpu.enqueue_dma source(%dma_start3A_558 : memref<2x128xi32, #tpu.memory_space<hbm>>) target(%dma_start3A_554 : memref<2x128xi32, #tpu.memory_space<vmem>>) target_semaphore(%arg14 : memref<!tpu.dma_semaphore, #tpu.memory_space<semaphore_mem>>)
      %dma_wait3A_559 = arith.constant 0 : i32
      %dma_wait3A_560 = arith.constant 2 : i32
      %dma_wait3A_561 = arith.constant 0 : i32
      %dma_wait3A_562 = arith.constant 0 : i32
      %dma_wait3A_563 = tpu.memref_slice %arg6[%dma_wait3A_560, %dma_wait3A_561, %dma_wait3A_562] : memref<6x2x128xi32, #tpu.memory_space<vmem>> -> memref<1x2x128xi32, #tpu.memory_space<vmem>>
      %dma_wait3A_564 = tpu.memref_squeeze %dma_wait3A_563 : memref<1x2x128xi32, #tpu.memory_space<vmem>> -> memref<2x128xi32, #tpu.memory_space<vmem>>
      %dma_wait3A_565 = arith.constant 0 : i32
      %dma_wait3A_566 = arith.constant 0 : i32
      %dma_wait3A_567 = tpu.memref_slice %arg3[%dma_wait3A_559, %dma_wait3A_565, %dma_wait3A_566] : memref<2500x2x128xi32, #tpu.memory_space<hbm>> -> memref<1x2x128xi32, #tpu.memory_space<hbm>>
      %dma_wait3A_568 = tpu.memref_squeeze %dma_wait3A_567 : memref<1x2x128xi32, #tpu.memory_space<hbm>> -> memref<2x128xi32, #tpu.memory_space<hbm>>
      %dma_wait3A_569 = arith.constant 0 : i32
      %dma_wait3A_570 = arith.constant 0 : i32
      %dma_wait3A_571 = tpu.memref_slice %arg6[%dma_wait3A_560, %dma_wait3A_569, %dma_wait3A_570] : memref<6x2x128xi32, #tpu.memory_space<vmem>> -> memref<1x2x128xi32, #tpu.memory_space<vmem>>
      %dma_wait3A_572 = tpu.memref_squeeze %dma_wait3A_571 : memref<1x2x128xi32, #tpu.memory_space<vmem>> -> memref<2x128xi32, #tpu.memory_space<vmem>>
      %dma_wait3A_573 = arith.constant 0 : i32
      %dma_wait3A_574 = arith.constant 0 : i32
      %dma_wait3A_575 = tpu.memref_slice %arg3[%dma_wait3A_559, %dma_wait3A_573, %dma_wait3A_574] : memref<2500x2x128xi32, #tpu.memory_space<hbm>> -> memref<1x2x128xi32, #tpu.memory_space<hbm>>
      %dma_wait3A_576 = tpu.memref_squeeze %dma_wait3A_575 : memref<1x2x128xi32, #tpu.memory_space<hbm>> -> memref<2x128xi32, #tpu.memory_space<hbm>>
      tpu.wait_dma2 semaphore(%arg13 : memref<!tpu.dma_semaphore, #tpu.memory_space<semaphore_mem>>) src(%dma_wait3A_576 : memref<2x128xi32, #tpu.memory_space<hbm>>) dst(%dma_wait3A_572 : memref<2x128xi32, #tpu.memory_space<vmem>>)
      %gt3A_577 = arith.constant 0 : i32
      %gt3A_578 = arith.cmpi sgt, %scan3A_451, %gt3A_577 : i32
      %convert_element_type3A_579 = arith.extui %gt3A_578 : i1 to i32
      %cond3A_580 = arith.constant 0 : i32
      %cond3A_581 = arith.cmpi ne, %convert_element_type3A_579, %cond3A_580 : i32
      scf.if %cond3A_581 {
        %dma_wait3A_927 = arith.constant 0 : i32
        %dma_wait3A_928 = arith.constant 1 : i32
        %dma_wait3A_929 = arith.constant 0 : i32
        %dma_wait3A_930 = tpu.memref_slice %arg6[%dma_wait3A_927, %dma_wait3A_928, %dma_wait3A_929] : memref<6x2x128xi32, #tpu.memory_space<vmem>> -> memref<1x1x128xi32, #tpu.memory_space<vmem>>
        %dma_wait3A_931 = tpu.memref_squeeze %dma_wait3A_930 : memref<1x1x128xi32, #tpu.memory_space<vmem>> -> memref<128xi32, #tpu.memory_space<vmem>>
        %dma_wait3A_932 = arith.constant 0 : i32
        %dma_wait3A_933 = arith.constant 0 : i32
        %dma_wait3A_934 = tpu.memref_slice %arg10[%dma_wait3A_932, %dma_wait3A_933] : memref<10000x128xf32, #tpu.memory_space<vmem_shared>> -> memref<10000x128xf32, #tpu.memory_space<vmem_shared>>
        tpu.wait_indirect_dma semaphore(%arg22 : memref<!tpu.dma_semaphore, #tpu.memory_space<semaphore_mem>>) src(%arg9 : memref<128x128xf32, #tpu.memory_space<vmem>>) dst(%dma_wait3A_934 : memref<10000x128xf32, #tpu.memory_space<vmem_shared>>)
      } else {
      }
      %dma_start3A_582 = arith.constant 2 : i32
      %dma_start3A_583 = arith.constant 0 : i32
      %dma_start3A_584 = arith.constant 0 : i32
      %dma_start3A_585 = tpu.memref_slice %arg6[%dma_start3A_582, %dma_start3A_583, %dma_start3A_584] : memref<6x2x128xi32, #tpu.memory_space<vmem>> -> memref<1x1x128xi32, #tpu.memory_space<vmem>>
      %dma_start3A_586 = tpu.memref_squeeze %dma_start3A_585 : memref<1x1x128xi32, #tpu.memory_space<vmem>> -> memref<128xi32, #tpu.memory_space<vmem>>
      %dma_start3A_587 = arith.constant 0 : i32
      %dma_start3A_588 = arith.constant 0 : i32
      %dma_start3A_589 = tpu.memref_slice %arg2[%dma_start3A_587, %dma_start3A_588] : memref<10000x128xf32, #tpu.memory_space<hbm>> -> memref<10000x128xf32, #tpu.memory_space<hbm>>
      tpu.enqueue_indirect_dma source(%dma_start3A_589 : memref<10000x128xf32, #tpu.memory_space<hbm>>) target(%arg9 : memref<128x128xf32, #tpu.memory_space<vmem>>) offsets(%dma_start3A_586 : memref<128xi32, #tpu.memory_space<vmem>>) semaphore(%arg19 : memref<!tpu.dma_semaphore, #tpu.memory_space<semaphore_mem>>)
      %dma_wait3A_590 = arith.constant 0 : i32
      %dma_wait3A_591 = arith.constant 0 : i32
      %dma_wait3A_592 = arith.constant 0 : i32
      %dma_wait3A_593 = tpu.memref_slice %arg6[%dma_wait3A_590, %dma_wait3A_591, %dma_wait3A_592] : memref<6x2x128xi32, #tpu.memory_space<vmem>> -> memref<1x1x128xi32, #tpu.memory_space<vmem>>
      %dma_wait3A_594 = tpu.memref_squeeze %dma_wait3A_593 : memref<1x1x128xi32, #tpu.memory_space<vmem>> -> memref<128xi32, #tpu.memory_space<vmem>>
      %dma_wait3A_595 = arith.constant 0 : i32
      %dma_wait3A_596 = arith.constant 0 : i32
      %dma_wait3A_597 = tpu.memref_slice %arg2[%dma_wait3A_595, %dma_wait3A_596] : memref<10000x128xf32, #tpu.memory_space<hbm>> -> memref<10000x128xf32, #tpu.memory_space<hbm>>
      tpu.wait_indirect_dma semaphore(%arg18 : memref<!tpu.dma_semaphore, #tpu.memory_space<semaphore_mem>>) src(%dma_wait3A_597 : memref<10000x128xf32, #tpu.memory_space<hbm>>) dst(%arg8 : memref<128x128xf32, #tpu.memory_space<vmem>>)
      %dma_start3A_598 = arith.constant 1 : i32
      %dma_start3A_599 = arith.constant 1 : i32
      %dma_start3A_600 = arith.constant 0 : i32
      %dma_start3A_601 = tpu.memref_slice %arg6[%dma_start3A_598, %dma_start3A_599, %dma_start3A_600] : memref<6x2x128xi32, #tpu.memory_space<vmem>> -> memref<1x1x128xi32, #tpu.memory_space<vmem>>
      %dma_start3A_602 = tpu.memref_squeeze %dma_start3A_601 : memref<1x1x128xi32, #tpu.memory_space<vmem>> -> memref<128xi32, #tpu.memory_space<vmem>>
      %dma_start3A_603 = arith.constant 0 : i32
      %dma_start3A_604 = arith.constant 0 : i32
      %dma_start3A_605 = tpu.memref_slice %arg10[%dma_start3A_603, %dma_start3A_604] : memref<10000x128xf32, #tpu.memory_space<vmem_shared>> -> memref<10000x128xf32, #tpu.memory_space<vmem_shared>>
      tpu.enqueue_indirect_dma source(%arg8 : memref<128x128xf32, #tpu.memory_space<vmem>>) target(%dma_start3A_605 : memref<10000x128xf32, #tpu.memory_space<vmem_shared>>) offsets(%dma_start3A_602 : memref<128xi32, #tpu.memory_space<vmem>>) semaphore(%arg21 : memref<!tpu.dma_semaphore, #tpu.memory_space<semaphore_mem>>) {add = true}
      %mul3A_606 = arith.constant 6 : i32
      %mul3A_607 = arith.muli %mul3A_606, %scan3A_451 : i32
      %add3A_608 = arith.constant 2 : i32
      %add3A_609 = arith.addi %mul3A_607, %add3A_608 : i32
      %add3A_610 = arith.constant 2 : i32
      %add3A_611 = arith.addi %add3A_609, %add3A_610 : i32
      %mul3A_612 = arith.constant 6 : i32
      %mul3A_613 = arith.muli %mul3A_612, %scan3A_451 : i32
      %add3A_614 = arith.constant 2 : i32
      %add3A_615 = arith.addi %mul3A_613, %add3A_614 : i32
      %add3A_616 = arith.constant 1 : i32
      %add3A_617 = arith.addi %add3A_615, %add3A_616 : i32
      %add3A_618 = arith.addi %mul3A_6, %add3A_611 : i32
      %dma_start3A_619 = arith.constant 4 : i32
      %dma_start3A_620 = arith.constant 0 : i32
      %dma_start3A_621 = arith.constant 0 : i32
      %dma_start3A_622 = tpu.memref_slice %arg6[%dma_start3A_619, %dma_start3A_620, %dma_start3A_621] : memref<6x2x128xi32, #tpu.memory_space<vmem>> -> memref<1x2x128xi32, #tpu.memory_space<vmem>>
      %dma_start3A_623 = tpu.memref_squeeze %dma_start3A_622 : memref<1x2x128xi32, #tpu.memory_space<vmem>> -> memref<2x128xi32, #tpu.memory_space<vmem>>
      %dma_start3A_624 = arith.constant 0 : i32
      %dma_start3A_625 = arith.constant 0 : i32
      %dma_start3A_626 = tpu.memref_slice %arg3[%add3A_618, %dma_start3A_624, %dma_start3A_625] : memref<2500x2x128xi32, #tpu.memory_space<hbm>> -> memref<1x2x128xi32, #tpu.memory_space<hbm>>
      %dma_start3A_627 = tpu.memref_squeeze %dma_start3A_626 : memref<1x2x128xi32, #tpu.memory_space<hbm>> -> memref<2x128xi32, #tpu.memory_space<hbm>>
      %dma_start3A_628 = arith.constant 0 : i32
      %dma_start3A_629 = arith.constant 0 : i32
      %dma_start3A_630 = tpu.memref_slice %arg6[%dma_start3A_619, %dma_start3A_628, %dma_start3A_629] : memref<6x2x128xi32, #tpu.memory_space<vmem>> -> memref<1x2x128xi32, #tpu.memory_space<vmem>>
      %dma_start3A_631 = tpu.memref_squeeze %dma_start3A_630 : memref<1x2x128xi32, #tpu.memory_space<vmem>> -> memref<2x128xi32, #tpu.memory_space<vmem>>
      %dma_start3A_632 = arith.constant 0 : i32
      %dma_start3A_633 = arith.constant 0 : i32
      %dma_start3A_634 = tpu.memref_slice %arg3[%add3A_618, %dma_start3A_632, %dma_start3A_633] : memref<2500x2x128xi32, #tpu.memory_space<hbm>> -> memref<1x2x128xi32, #tpu.memory_space<hbm>>
      %dma_start3A_635 = tpu.memref_squeeze %dma_start3A_634 : memref<1x2x128xi32, #tpu.memory_space<hbm>> -> memref<2x128xi32, #tpu.memory_space<hbm>>
      tpu.enqueue_dma source(%dma_start3A_635 : memref<2x128xi32, #tpu.memory_space<hbm>>) target(%dma_start3A_631 : memref<2x128xi32, #tpu.memory_space<vmem>>) target_semaphore(%arg15 : memref<!tpu.dma_semaphore, #tpu.memory_space<semaphore_mem>>)
      %dma_wait3A_636 = arith.constant 0 : i32
      %dma_wait3A_637 = arith.constant 3 : i32
      %dma_wait3A_638 = arith.constant 0 : i32
      %dma_wait3A_639 = arith.constant 0 : i32
      %dma_wait3A_640 = tpu.memref_slice %arg6[%dma_wait3A_637, %dma_wait3A_638, %dma_wait3A_639] : memref<6x2x128xi32, #tpu.memory_space<vmem>> -> memref<1x2x128xi32, #tpu.memory_space<vmem>>
      %dma_wait3A_641 = tpu.memref_squeeze %dma_wait3A_640 : memref<1x2x128xi32, #tpu.memory_space<vmem>> -> memref<2x128xi32, #tpu.memory_space<vmem>>
      %dma_wait3A_642 = arith.constant 0 : i32
      %dma_wait3A_643 = arith.constant 0 : i32
      %dma_wait3A_644 = tpu.memref_slice %arg3[%dma_wait3A_636, %dma_wait3A_642, %dma_wait3A_643] : memref<2500x2x128xi32, #tpu.memory_space<hbm>> -> memref<1x2x128xi32, #tpu.memory_space<hbm>>
      %dma_wait3A_645 = tpu.memref_squeeze %dma_wait3A_644 : memref<1x2x128xi32, #tpu.memory_space<hbm>> -> memref<2x128xi32, #tpu.memory_space<hbm>>
      %dma_wait3A_646 = arith.constant 0 : i32
      %dma_wait3A_647 = arith.constant 0 : i32
      %dma_wait3A_648 = tpu.memref_slice %arg6[%dma_wait3A_637, %dma_wait3A_646, %dma_wait3A_647] : memref<6x2x128xi32, #tpu.memory_space<vmem>> -> memref<1x2x128xi32, #tpu.memory_space<vmem>>
      %dma_wait3A_649 = tpu.memref_squeeze %dma_wait3A_648 : memref<1x2x128xi32, #tpu.memory_space<vmem>> -> memref<2x128xi32, #tpu.memory_space<vmem>>
      %dma_wait3A_650 = arith.constant 0 : i32
      %dma_wait3A_651 = arith.constant 0 : i32
      %dma_wait3A_652 = tpu.memref_slice %arg3[%dma_wait3A_636, %dma_wait3A_650, %dma_wait3A_651] : memref<2500x2x128xi32, #tpu.memory_space<hbm>> -> memref<1x2x128xi32, #tpu.memory_space<hbm>>
      %dma_wait3A_653 = tpu.memref_squeeze %dma_wait3A_652 : memref<1x2x128xi32, #tpu.memory_space<hbm>> -> memref<2x128xi32, #tpu.memory_space<hbm>>
      tpu.wait_dma2 semaphore(%arg14 : memref<!tpu.dma_semaphore, #tpu.memory_space<semaphore_mem>>) src(%dma_wait3A_653 : memref<2x128xi32, #tpu.memory_space<hbm>>) dst(%dma_wait3A_649 : memref<2x128xi32, #tpu.memory_space<vmem>>)
      %dma_wait3A_654 = arith.constant 0 : i32
      %dma_wait3A_655 = arith.constant 1 : i32
      %dma_wait3A_656 = arith.constant 0 : i32
      %dma_wait3A_657 = tpu.memref_slice %arg6[%dma_wait3A_654, %dma_wait3A_655, %dma_wait3A_656] : memref<6x2x128xi32, #tpu.memory_space<vmem>> -> memref<1x1x128xi32, #tpu.memory_space<vmem>>
      %dma_wait3A_658 = tpu.memref_squeeze %dma_wait3A_657 : memref<1x1x128xi32, #tpu.memory_space<vmem>> -> memref<128xi32, #tpu.memory_space<vmem>>
      %dma_wait3A_659 = arith.constant 0 : i32
      %dma_wait3A_660 = arith.constant 0 : i32
      %dma_wait3A_661 = tpu.memref_slice %arg10[%dma_wait3A_659, %dma_wait3A_660] : memref<10000x128xf32, #tpu.memory_space<vmem_shared>> -> memref<10000x128xf32, #tpu.memory_space<vmem_shared>>
      tpu.wait_indirect_dma semaphore(%arg20 : memref<!tpu.dma_semaphore, #tpu.memory_space<semaphore_mem>>) src(%arg7 : memref<128x128xf32, #tpu.memory_space<vmem>>) dst(%dma_wait3A_661 : memref<10000x128xf32, #tpu.memory_space<vmem_shared>>)
      %dma_start3A_662 = arith.constant 3 : i32
      %dma_start3A_663 = arith.constant 0 : i32
      %dma_start3A_664 = arith.constant 0 : i32
      %dma_start3A_665 = tpu.memref_slice %arg6[%dma_start3A_662, %dma_start3A_663, %dma_start3A_664] : memref<6x2x128xi32, #tpu.memory_space<vmem>> -> memref<1x1x128xi32, #tpu.memory_space<vmem>>
      %dma_start3A_666 = tpu.memref_squeeze %dma_start3A_665 : memref<1x1x128xi32, #tpu.memory_space<vmem>> -> memref<128xi32, #tpu.memory_space<vmem>>
      %dma_start3A_667 = arith.constant 0 : i32
      %dma_start3A_668 = arith.constant 0 : i32
      %dma_start3A_669 = tpu.memref_slice %arg2[%dma_start3A_667, %dma_start3A_668] : memref<10000x128xf32, #tpu.memory_space<hbm>> -> memref<10000x128xf32, #tpu.memory_space<hbm>>
      tpu.enqueue_indirect_dma source(%dma_start3A_669 : memref<10000x128xf32, #tpu.memory_space<hbm>>) target(%arg7 : memref<128x128xf32, #tpu.memory_space<vmem>>) offsets(%dma_start3A_666 : memref<128xi32, #tpu.memory_space<vmem>>) semaphore(%arg17 : memref<!tpu.dma_semaphore, #tpu.memory_space<semaphore_mem>>)
      %dma_wait3A_670 = arith.constant 0 : i32
      %dma_wait3A_671 = arith.constant 0 : i32
      %dma_wait3A_672 = arith.constant 0 : i32
      %dma_wait3A_673 = tpu.memref_slice %arg6[%dma_wait3A_670, %dma_wait3A_671, %dma_wait3A_672] : memref<6x2x128xi32, #tpu.memory_space<vmem>> -> memref<1x1x128xi32, #tpu.memory_space<vmem>>
      %dma_wait3A_674 = tpu.memref_squeeze %dma_wait3A_673 : memref<1x1x128xi32, #tpu.memory_space<vmem>> -> memref<128xi32, #tpu.memory_space<vmem>>
      %dma_wait3A_675 = arith.constant 0 : i32
      %dma_wait3A_676 = arith.constant 0 : i32
      %dma_wait3A_677 = tpu.memref_slice %arg2[%dma_wait3A_675, %dma_wait3A_676] : memref<10000x128xf32, #tpu.memory_space<hbm>> -> memref<10000x128xf32, #tpu.memory_space<hbm>>
      tpu.wait_indirect_dma semaphore(%arg19 : memref<!tpu.dma_semaphore, #tpu.memory_space<semaphore_mem>>) src(%dma_wait3A_677 : memref<10000x128xf32, #tpu.memory_space<hbm>>) dst(%arg9 : memref<128x128xf32, #tpu.memory_space<vmem>>)
      %dma_start3A_678 = arith.constant 2 : i32
      %dma_start3A_679 = arith.constant 1 : i32
      %dma_start3A_680 = arith.constant 0 : i32
      %dma_start3A_681 = tpu.memref_slice %arg6[%dma_start3A_678, %dma_start3A_679, %dma_start3A_680] : memref<6x2x128xi32, #tpu.memory_space<vmem>> -> memref<1x1x128xi32, #tpu.memory_space<vmem>>
      %dma_start3A_682 = tpu.memref_squeeze %dma_start3A_681 : memref<1x1x128xi32, #tpu.memory_space<vmem>> -> memref<128xi32, #tpu.memory_space<vmem>>
      %dma_start3A_683 = arith.constant 0 : i32
      %dma_start3A_684 = arith.constant 0 : i32
      %dma_start3A_685 = tpu.memref_slice %arg10[%dma_start3A_683, %dma_start3A_684] : memref<10000x128xf32, #tpu.memory_space<vmem_shared>> -> memref<10000x128xf32, #tpu.memory_space<vmem_shared>>
      tpu.enqueue_indirect_dma source(%arg9 : memref<128x128xf32, #tpu.memory_space<vmem>>) target(%dma_start3A_685 : memref<10000x128xf32, #tpu.memory_space<vmem_shared>>) offsets(%dma_start3A_682 : memref<128xi32, #tpu.memory_space<vmem>>) semaphore(%arg22 : memref<!tpu.dma_semaphore, #tpu.memory_space<semaphore_mem>>) {add = true}
      %mul3A_686 = arith.constant 6 : i32
      %mul3A_687 = arith.muli %mul3A_686, %scan3A_451 : i32
      %add3A_688 = arith.constant 3 : i32
      %add3A_689 = arith.addi %mul3A_687, %add3A_688 : i32
      %add3A_690 = arith.constant 2 : i32
      %add3A_691 = arith.addi %add3A_689, %add3A_690 : i32
      %mul3A_692 = arith.constant 6 : i32
      %mul3A_693 = arith.muli %mul3A_692, %scan3A_451 : i32
      %add3A_694 = arith.constant 3 : i32
      %add3A_695 = arith.addi %mul3A_693, %add3A_694 : i32
      %add3A_696 = arith.constant 1 : i32
      %add3A_697 = arith.addi %add3A_695, %add3A_696 : i32
      %add3A_698 = arith.addi %mul3A_6, %add3A_691 : i32
      %dma_start3A_699 = arith.constant 5 : i32
      %dma_start3A_700 = arith.constant 0 : i32
      %dma_start3A_701 = arith.constant 0 : i32
      %dma_start3A_702 = tpu.memref_slice %arg6[%dma_start3A_699, %dma_start3A_700, %dma_start3A_701] : memref<6x2x128xi32, #tpu.memory_space<vmem>> -> memref<1x2x128xi32, #tpu.memory_space<vmem>>
      %dma_start3A_703 = tpu.memref_squeeze %dma_start3A_702 : memref<1x2x128xi32, #tpu.memory_space<vmem>> -> memref<2x128xi32, #tpu.memory_space<vmem>>
      %dma_start3A_704 = arith.constant 0 : i32
      %dma_start3A_705 = arith.constant 0 : i32
      %dma_start3A_706 = tpu.memref_slice %arg3[%add3A_698, %dma_start3A_704, %dma_start3A_705] : memref<2500x2x128xi32, #tpu.memory_space<hbm>> -> memref<1x2x128xi32, #tpu.memory_space<hbm>>
      %dma_start3A_707 = tpu.memref_squeeze %dma_start3A_706 : memref<1x2x128xi32, #tpu.memory_space<hbm>> -> memref<2x128xi32, #tpu.memory_space<hbm>>
      %dma_start3A_708 = arith.constant 0 : i32
      %dma_start3A_709 = arith.constant 0 : i32
      %dma_start3A_710 = tpu.memref_slice %arg6[%dma_start3A_699, %dma_start3A_708, %dma_start3A_709] : memref<6x2x128xi32, #tpu.memory_space<vmem>> -> memref<1x2x128xi32, #tpu.memory_space<vmem>>
      %dma_start3A_711 = tpu.memref_squeeze %dma_start3A_710 : memref<1x2x128xi32, #tpu.memory_space<vmem>> -> memref<2x128xi32, #tpu.memory_space<vmem>>
      %dma_start3A_712 = arith.constant 0 : i32
      %dma_start3A_713 = arith.constant 0 : i32
      %dma_start3A_714 = tpu.memref_slice %arg3[%add3A_698, %dma_start3A_712, %dma_start3A_713] : memref<2500x2x128xi32, #tpu.memory_space<hbm>> -> memref<1x2x128xi32, #tpu.memory_space<hbm>>
      %dma_start3A_715 = tpu.memref_squeeze %dma_start3A_714 : memref<1x2x128xi32, #tpu.memory_space<hbm>> -> memref<2x128xi32, #tpu.memory_space<hbm>>
      tpu.enqueue_dma source(%dma_start3A_715 : memref<2x128xi32, #tpu.memory_space<hbm>>) target(%dma_start3A_711 : memref<2x128xi32, #tpu.memory_space<vmem>>) target_semaphore(%arg16 : memref<!tpu.dma_semaphore, #tpu.memory_space<semaphore_mem>>)
      %dma_wait3A_716 = arith.constant 0 : i32
      %dma_wait3A_717 = arith.constant 4 : i32
      %dma_wait3A_718 = arith.constant 0 : i32
      %dma_wait3A_719 = arith.constant 0 : i32
      %dma_wait3A_720 = tpu.memref_slice %arg6[%dma_wait3A_717, %dma_wait3A_718, %dma_wait3A_719] : memref<6x2x128xi32, #tpu.memory_space<vmem>> -> memref<1x2x128xi32, #tpu.memory_space<vmem>>
      %dma_wait3A_721 = tpu.memref_squeeze %dma_wait3A_720 : memref<1x2x128xi32, #tpu.memory_space<vmem>> -> memref<2x128xi32, #tpu.memory_space<vmem>>
      %dma_wait3A_722 = arith.constant 0 : i32
      %dma_wait3A_723 = arith.constant 0 : i32
      %dma_wait3A_724 = tpu.memref_slice %arg3[%dma_wait3A_716, %dma_wait3A_722, %dma_wait3A_723] : memref<2500x2x128xi32, #tpu.memory_space<hbm>> -> memref<1x2x128xi32, #tpu.memory_space<hbm>>
      %dma_wait3A_725 = tpu.memref_squeeze %dma_wait3A_724 : memref<1x2x128xi32, #tpu.memory_space<hbm>> -> memref<2x128xi32, #tpu.memory_space<hbm>>
      %dma_wait3A_726 = arith.constant 0 : i32
      %dma_wait3A_727 = arith.constant 0 : i32
      %dma_wait3A_728 = tpu.memref_slice %arg6[%dma_wait3A_717, %dma_wait3A_726, %dma_wait3A_727] : memref<6x2x128xi32, #tpu.memory_space<vmem>> -> memref<1x2x128xi32, #tpu.memory_space<vmem>>
      %dma_wait3A_729 = tpu.memref_squeeze %dma_wait3A_728 : memref<1x2x128xi32, #tpu.memory_space<vmem>> -> memref<2x128xi32, #tpu.memory_space<vmem>>
      %dma_wait3A_730 = arith.constant 0 : i32
      %dma_wait3A_731 = arith.constant 0 : i32
      %dma_wait3A_732 = tpu.memref_slice %arg3[%dma_wait3A_716, %dma_wait3A_730, %dma_wait3A_731] : memref<2500x2x128xi32, #tpu.memory_space<hbm>> -> memref<1x2x128xi32, #tpu.memory_space<hbm>>
      %dma_wait3A_733 = tpu.memref_squeeze %dma_wait3A_732 : memref<1x2x128xi32, #tpu.memory_space<hbm>> -> memref<2x128xi32, #tpu.memory_space<hbm>>
      tpu.wait_dma2 semaphore(%arg15 : memref<!tpu.dma_semaphore, #tpu.memory_space<semaphore_mem>>) src(%dma_wait3A_733 : memref<2x128xi32, #tpu.memory_space<hbm>>) dst(%dma_wait3A_729 : memref<2x128xi32, #tpu.memory_space<vmem>>)
      %dma_wait3A_734 = arith.constant 0 : i32
      %dma_wait3A_735 = arith.constant 1 : i32
      %dma_wait3A_736 = arith.constant 0 : i32
      %dma_wait3A_737 = tpu.memref_slice %arg6[%dma_wait3A_734, %dma_wait3A_735, %dma_wait3A_736] : memref<6x2x128xi32, #tpu.memory_space<vmem>> -> memref<1x1x128xi32, #tpu.memory_space<vmem>>
      %dma_wait3A_738 = tpu.memref_squeeze %dma_wait3A_737 : memref<1x1x128xi32, #tpu.memory_space<vmem>> -> memref<128xi32, #tpu.memory_space<vmem>>
      %dma_wait3A_739 = arith.constant 0 : i32
      %dma_wait3A_740 = arith.constant 0 : i32
      %dma_wait3A_741 = tpu.memref_slice %arg10[%dma_wait3A_739, %dma_wait3A_740] : memref<10000x128xf32, #tpu.memory_space<vmem_shared>> -> memref<10000x128xf32, #tpu.memory_space<vmem_shared>>
      tpu.wait_indirect_dma semaphore(%arg21 : memref<!tpu.dma_semaphore, #tpu.memory_space<semaphore_mem>>) src(%arg8 : memref<128x128xf32, #tpu.memory_space<vmem>>) dst(%dma_wait3A_741 : memref<10000x128xf32, #tpu.memory_space<vmem_shared>>)
      %dma_start3A_742 = arith.constant 4 : i32
      %dma_start3A_743 = arith.constant 0 : i32
      %dma_start3A_744 = arith.constant 0 : i32
      %dma_start3A_745 = tpu.memref_slice %arg6[%dma_start3A_742, %dma_start3A_743, %dma_start3A_744] : memref<6x2x128xi32, #tpu.memory_space<vmem>> -> memref<1x1x128xi32, #tpu.memory_space<vmem>>
      %dma_start3A_746 = tpu.memref_squeeze %dma_start3A_745 : memref<1x1x128xi32, #tpu.memory_space<vmem>> -> memref<128xi32, #tpu.memory_space<vmem>>
      %dma_start3A_747 = arith.constant 0 : i32
      %dma_start3A_748 = arith.constant 0 : i32
      %dma_start3A_749 = tpu.memref_slice %arg2[%dma_start3A_747, %dma_start3A_748] : memref<10000x128xf32, #tpu.memory_space<hbm>> -> memref<10000x128xf32, #tpu.memory_space<hbm>>
      tpu.enqueue_indirect_dma source(%dma_start3A_749 : memref<10000x128xf32, #tpu.memory_space<hbm>>) target(%arg8 : memref<128x128xf32, #tpu.memory_space<vmem>>) offsets(%dma_start3A_746 : memref<128xi32, #tpu.memory_space<vmem>>) semaphore(%arg18 : memref<!tpu.dma_semaphore, #tpu.memory_space<semaphore_mem>>)
      %dma_wait3A_750 = arith.constant 0 : i32
      %dma_wait3A_751 = arith.constant 0 : i32
      %dma_wait3A_752 = arith.constant 0 : i32
      %dma_wait3A_753 = tpu.memref_slice %arg6[%dma_wait3A_750, %dma_wait3A_751, %dma_wait3A_752] : memref<6x2x128xi32, #tpu.memory_space<vmem>> -> memref<1x1x128xi32, #tpu.memory_space<vmem>>
      %dma_wait3A_754 = tpu.memref_squeeze %dma_wait3A_753 : memref<1x1x128xi32, #tpu.memory_space<vmem>> -> memref<128xi32, #tpu.memory_space<vmem>>
      %dma_wait3A_755 = arith.constant 0 : i32
      %dma_wait3A_756 = arith.constant 0 : i32
      %dma_wait3A_757 = tpu.memref_slice %arg2[%dma_wait3A_755, %dma_wait3A_756] : memref<10000x128xf32, #tpu.memory_space<hbm>> -> memref<10000x128xf32, #tpu.memory_space<hbm>>
      tpu.wait_indirect_dma semaphore(%arg17 : memref<!tpu.dma_semaphore, #tpu.memory_space<semaphore_mem>>) src(%dma_wait3A_757 : memref<10000x128xf32, #tpu.memory_space<hbm>>) dst(%arg7 : memref<128x128xf32, #tpu.memory_space<vmem>>)
      %dma_start3A_758 = arith.constant 3 : i32
      %dma_start3A_759 = arith.constant 1 : i32
      %dma_start3A_760 = arith.constant 0 : i32
      %dma_start3A_761 = tpu.memref_slice %arg6[%dma_start3A_758, %dma_start3A_759, %dma_start3A_760] : memref<6x2x128xi32, #tpu.memory_space<vmem>> -> memref<1x1x128xi32, #tpu.memory_space<vmem>>
      %dma_start3A_762 = tpu.memref_squeeze %dma_start3A_761 : memref<1x1x128xi32, #tpu.memory_space<vmem>> -> memref<128xi32, #tpu.memory_space<vmem>>
      %dma_start3A_763 = arith.constant 0 : i32
      %dma_start3A_764 = arith.constant 0 : i32
      %dma_start3A_765 = tpu.memref_slice %arg10[%dma_start3A_763, %dma_start3A_764] : memref<10000x128xf32, #tpu.memory_space<vmem_shared>> -> memref<10000x128xf32, #tpu.memory_space<vmem_shared>>
      tpu.enqueue_indirect_dma source(%arg7 : memref<128x128xf32, #tpu.memory_space<vmem>>) target(%dma_start3A_765 : memref<10000x128xf32, #tpu.memory_space<vmem_shared>>) offsets(%dma_start3A_762 : memref<128xi32, #tpu.memory_space<vmem>>) semaphore(%arg20 : memref<!tpu.dma_semaphore, #tpu.memory_space<semaphore_mem>>) {add = true}
      %mul3A_766 = arith.constant 6 : i32
      %mul3A_767 = arith.muli %mul3A_766, %scan3A_451 : i32
      %add3A_768 = arith.constant 4 : i32
      %add3A_769 = arith.addi %mul3A_767, %add3A_768 : i32
      %add3A_770 = arith.constant 2 : i32
      %add3A_771 = arith.addi %add3A_769, %add3A_770 : i32
      %mul3A_772 = arith.constant 6 : i32
      %mul3A_773 = arith.muli %mul3A_772, %scan3A_451 : i32
      %add3A_774 = arith.constant 4 : i32
      %add3A_775 = arith.addi %mul3A_773, %add3A_774 : i32
      %add3A_776 = arith.constant 1 : i32
      %add3A_777 = arith.addi %add3A_775, %add3A_776 : i32
      %add3A_778 = arith.addi %mul3A_6, %add3A_771 : i32
      %dma_start3A_779 = arith.constant 0 : i32
      %dma_start3A_780 = arith.constant 0 : i32
      %dma_start3A_781 = arith.constant 0 : i32
      %dma_start3A_782 = tpu.memref_slice %arg6[%dma_start3A_779, %dma_start3A_780, %dma_start3A_781] : memref<6x2x128xi32, #tpu.memory_space<vmem>> -> memref<1x2x128xi32, #tpu.memory_space<vmem>>
      %dma_start3A_783 = tpu.memref_squeeze %dma_start3A_782 : memref<1x2x128xi32, #tpu.memory_space<vmem>> -> memref<2x128xi32, #tpu.memory_space<vmem>>
      %dma_start3A_784 = arith.constant 0 : i32
      %dma_start3A_785 = arith.constant 0 : i32
      %dma_start3A_786 = tpu.memref_slice %arg3[%add3A_778, %dma_start3A_784, %dma_start3A_785] : memref<2500x2x128xi32, #tpu.memory_space<hbm>> -> memref<1x2x128xi32, #tpu.memory_space<hbm>>
      %dma_start3A_787 = tpu.memref_squeeze %dma_start3A_786 : memref<1x2x128xi32, #tpu.memory_space<hbm>> -> memref<2x128xi32, #tpu.memory_space<hbm>>
      %dma_start3A_788 = arith.constant 0 : i32
      %dma_start3A_789 = arith.constant 0 : i32
      %dma_start3A_790 = tpu.memref_slice %arg6[%dma_start3A_779, %dma_start3A_788, %dma_start3A_789] : memref<6x2x128xi32, #tpu.memory_space<vmem>> -> memref<1x2x128xi32, #tpu.memory_space<vmem>>
      %dma_start3A_791 = tpu.memref_squeeze %dma_start3A_790 : memref<1x2x128xi32, #tpu.memory_space<vmem>> -> memref<2x128xi32, #tpu.memory_space<vmem>>
      %dma_start3A_792 = arith.constant 0 : i32
      %dma_start3A_793 = arith.constant 0 : i32
      %dma_start3A_794 = tpu.memref_slice %arg3[%add3A_778, %dma_start3A_792, %dma_start3A_793] : memref<2500x2x128xi32, #tpu.memory_space<hbm>> -> memref<1x2x128xi32, #tpu.memory_space<hbm>>
      %dma_start3A_795 = tpu.memref_squeeze %dma_start3A_794 : memref<1x2x128xi32, #tpu.memory_space<hbm>> -> memref<2x128xi32, #tpu.memory_space<hbm>>
      tpu.enqueue_dma source(%dma_start3A_795 : memref<2x128xi32, #tpu.memory_space<hbm>>) target(%dma_start3A_791 : memref<2x128xi32, #tpu.memory_space<vmem>>) target_semaphore(%arg11 : memref<!tpu.dma_semaphore, #tpu.memory_space<semaphore_mem>>)
      %dma_wait3A_796 = arith.constant 0 : i32
      %dma_wait3A_797 = arith.constant 5 : i32
      %dma_wait3A_798 = arith.constant 0 : i32
      %dma_wait3A_799 = arith.constant 0 : i32
      %dma_wait3A_800 = tpu.memref_slice %arg6[%dma_wait3A_797, %dma_wait3A_798, %dma_wait3A_799] : memref<6x2x128xi32, #tpu.memory_space<vmem>> -> memref<1x2x128xi32, #tpu.memory_space<vmem>>
      %dma_wait3A_801 = tpu.memref_squeeze %dma_wait3A_800 : memref<1x2x128xi32, #tpu.memory_space<vmem>> -> memref<2x128xi32, #tpu.memory_space<vmem>>
      %dma_wait3A_802 = arith.constant 0 : i32
      %dma_wait3A_803 = arith.constant 0 : i32
      %dma_wait3A_804 = tpu.memref_slice %arg3[%dma_wait3A_796, %dma_wait3A_802, %dma_wait3A_803] : memref<2500x2x128xi32, #tpu.memory_space<hbm>> -> memref<1x2x128xi32, #tpu.memory_space<hbm>>
      %dma_wait3A_805 = tpu.memref_squeeze %dma_wait3A_804 : memref<1x2x128xi32, #tpu.memory_space<hbm>> -> memref<2x128xi32, #tpu.memory_space<hbm>>
      %dma_wait3A_806 = arith.constant 0 : i32
      %dma_wait3A_807 = arith.constant 0 : i32
      %dma_wait3A_808 = tpu.memref_slice %arg6[%dma_wait3A_797, %dma_wait3A_806, %dma_wait3A_807] : memref<6x2x128xi32, #tpu.memory_space<vmem>> -> memref<1x2x128xi32, #tpu.memory_space<vmem>>
      %dma_wait3A_809 = tpu.memref_squeeze %dma_wait3A_808 : memref<1x2x128xi32, #tpu.memory_space<vmem>> -> memref<2x128xi32, #tpu.memory_space<vmem>>
      %dma_wait3A_810 = arith.constant 0 : i32
      %dma_wait3A_811 = arith.constant 0 : i32
      %dma_wait3A_812 = tpu.memref_slice %arg3[%dma_wait3A_796, %dma_wait3A_810, %dma_wait3A_811] : memref<2500x2x128xi32, #tpu.memory_space<hbm>> -> memref<1x2x128xi32, #tpu.memory_space<hbm>>
      %dma_wait3A_813 = tpu.memref_squeeze %dma_wait3A_812 : memref<1x2x128xi32, #tpu.memory_space<hbm>> -> memref<2x128xi32, #tpu.memory_space<hbm>>
      tpu.wait_dma2 semaphore(%arg16 : memref<!tpu.dma_semaphore, #tpu.memory_space<semaphore_mem>>) src(%dma_wait3A_813 : memref<2x128xi32, #tpu.memory_space<hbm>>) dst(%dma_wait3A_809 : memref<2x128xi32, #tpu.memory_space<vmem>>)
      %dma_wait3A_814 = arith.constant 0 : i32
      %dma_wait3A_815 = arith.constant 1 : i32
      %dma_wait3A_816 = arith.constant 0 : i32
      %dma_wait3A_817 = tpu.memref_slice %arg6[%dma_wait3A_814, %dma_wait3A_815, %dma_wait3A_816] : memref<6x2x128xi32, #tpu.memory_space<vmem>> -> memref<1x1x128xi32, #tpu.memory_space<vmem>>
      %dma_wait3A_818 = tpu.memref_squeeze %dma_wait3A_817 : memref<1x1x128xi32, #tpu.memory_space<vmem>> -> memref<128xi32, #tpu.memory_space<vmem>>
      %dma_wait3A_819 = arith.constant 0 : i32
      %dma_wait3A_820 = arith.constant 0 : i32
      %dma_wait3A_821 = tpu.memref_slice %arg10[%dma_wait3A_819, %dma_wait3A_820] : memref<10000x128xf32, #tpu.memory_space<vmem_shared>> -> memref<10000x128xf32, #tpu.memory_space<vmem_shared>>
      tpu.wait_indirect_dma semaphore(%arg22 : memref<!tpu.dma_semaphore, #tpu.memory_space<semaphore_mem>>) src(%arg9 : memref<128x128xf32, #tpu.memory_space<vmem>>) dst(%dma_wait3A_821 : memref<10000x128xf32, #tpu.memory_space<vmem_shared>>)
      %dma_start3A_822 = arith.constant 5 : i32
      %dma_start3A_823 = arith.constant 0 : i32
      %dma_start3A_824 = arith.constant 0 : i32
      %dma_start3A_825 = tpu.memref_slice %arg6[%dma_start3A_822, %dma_start3A_823, %dma_start3A_824] : memref<6x2x128xi32, #tpu.memory_space<vmem>> -> memref<1x1x128xi32, #tpu.memory_space<vmem>>
      %dma_start3A_826 = tpu.memref_squeeze %dma_start3A_825 : memref<1x1x128xi32, #tpu.memory_space<vmem>> -> memref<128xi32, #tpu.memory_space<vmem>>
      %dma_start3A_827 = arith.constant 0 : i32
      %dma_start3A_828 = arith.constant 0 : i32
      %dma_start3A_829 = tpu.memref_slice %arg2[%dma_start3A_827, %dma_start3A_828] : memref<10000x128xf32, #tpu.memory_space<hbm>> -> memref<10000x128xf32, #tpu.memory_space<hbm>>
      tpu.enqueue_indirect_dma source(%dma_start3A_829 : memref<10000x128xf32, #tpu.memory_space<hbm>>) target(%arg9 : memref<128x128xf32, #tpu.memory_space<vmem>>) offsets(%dma_start3A_826 : memref<128xi32, #tpu.memory_space<vmem>>) semaphore(%arg19 : memref<!tpu.dma_semaphore, #tpu.memory_space<semaphore_mem>>)
      %dma_wait3A_830 = arith.constant 0 : i32
      %dma_wait3A_831 = arith.constant 0 : i32
      %dma_wait3A_832 = arith.constant 0 : i32
      %dma_wait3A_833 = tpu.memref_slice %arg6[%dma_wait3A_830, %dma_wait3A_831, %dma_wait3A_832] : memref<6x2x128xi32, #tpu.memory_space<vmem>> -> memref<1x1x128xi32, #tpu.memory_space<vmem>>
      %dma_wait3A_834 = tpu.memref_squeeze %dma_wait3A_833 : memref<1x1x128xi32, #tpu.memory_space<vmem>> -> memref<128xi32, #tpu.memory_space<vmem>>
      %dma_wait3A_835 = arith.constant 0 : i32
      %dma_wait3A_836 = arith.constant 0 : i32
      %dma_wait3A_837 = tpu.memref_slice %arg2[%dma_wait3A_835, %dma_wait3A_836] : memref<10000x128xf32, #tpu.memory_space<hbm>> -> memref<10000x128xf32, #tpu.memory_space<hbm>>
      tpu.wait_indirect_dma semaphore(%arg18 : memref<!tpu.dma_semaphore, #tpu.memory_space<semaphore_mem>>) src(%dma_wait3A_837 : memref<10000x128xf32, #tpu.memory_space<hbm>>) dst(%arg8 : memref<128x128xf32, #tpu.memory_space<vmem>>)
      %dma_start3A_838 = arith.constant 4 : i32
      %dma_start3A_839 = arith.constant 1 : i32
      %dma_start3A_840 = arith.constant 0 : i32
      %dma_start3A_841 = tpu.memref_slice %arg6[%dma_start3A_838, %dma_start3A_839, %dma_start3A_840] : memref<6x2x128xi32, #tpu.memory_space<vmem>> -> memref<1x1x128xi32, #tpu.memory_space<vmem>>
      %dma_start3A_842 = tpu.memref_squeeze %dma_start3A_841 : memref<1x1x128xi32, #tpu.memory_space<vmem>> -> memref<128xi32, #tpu.memory_space<vmem>>
      %dma_start3A_843 = arith.constant 0 : i32
      %dma_start3A_844 = arith.constant 0 : i32
      %dma_start3A_845 = tpu.memref_slice %arg10[%dma_start3A_843, %dma_start3A_844] : memref<10000x128xf32, #tpu.memory_space<vmem_shared>> -> memref<10000x128xf32, #tpu.memory_space<vmem_shared>>
      tpu.enqueue_indirect_dma source(%arg8 : memref<128x128xf32, #tpu.memory_space<vmem>>) target(%dma_start3A_845 : memref<10000x128xf32, #tpu.memory_space<vmem_shared>>) offsets(%dma_start3A_842 : memref<128xi32, #tpu.memory_space<vmem>>) semaphore(%arg21 : memref<!tpu.dma_semaphore, #tpu.memory_space<semaphore_mem>>) {add = true}
      %mul3A_846 = arith.constant 6 : i32
      %mul3A_847 = arith.muli %mul3A_846, %scan3A_451 : i32
      %add3A_848 = arith.constant 5 : i32
      %add3A_849 = arith.addi %mul3A_847, %add3A_848 : i32
      %add3A_850 = arith.constant 2 : i32
      %add3A_851 = arith.addi %add3A_849, %add3A_850 : i32
      %mul3A_852 = arith.constant 6 : i32
      %mul3A_853 = arith.muli %mul3A_852, %scan3A_451 : i32
      %add3A_854 = arith.constant 5 : i32
      %add3A_855 = arith.addi %mul3A_853, %add3A_854 : i32
      %add3A_856 = arith.constant 1 : i32
      %add3A_857 = arith.addi %add3A_855, %add3A_856 : i32
      %add3A_858 = arith.addi %mul3A_6, %add3A_851 : i32
      %dma_start3A_859 = arith.constant 1 : i32
      %dma_start3A_860 = arith.constant 0 : i32
      %dma_start3A_861 = arith.constant 0 : i32
      %dma_start3A_862 = tpu.memref_slice %arg6[%dma_start3A_859, %dma_start3A_860, %dma_start3A_861] : memref<6x2x128xi32, #tpu.memory_space<vmem>> -> memref<1x2x128xi32, #tpu.memory_space<vmem>>
      %dma_start3A_863 = tpu.memref_squeeze %dma_start3A_862 : memref<1x2x128xi32, #tpu.memory_space<vmem>> -> memref<2x128xi32, #tpu.memory_space<vmem>>
      %dma_start3A_864 = arith.constant 0 : i32
      %dma_start3A_865 = arith.constant 0 : i32
      %dma_start3A_866 = tpu.memref_slice %arg3[%add3A_858, %dma_start3A_864, %dma_start3A_865] : memref<2500x2x128xi32, #tpu.memory_space<hbm>> -> memref<1x2x128xi32, #tpu.memory_space<hbm>>
      %dma_start3A_867 = tpu.memref_squeeze %dma_start3A_866 : memref<1x2x128xi32, #tpu.memory_space<hbm>> -> memref<2x128xi32, #tpu.memory_space<hbm>>
      %dma_start3A_868 = arith.constant 0 : i32
      %dma_start3A_869 = arith.constant 0 : i32
      %dma_start3A_870 = tpu.memref_slice %arg6[%dma_start3A_859, %dma_start3A_868, %dma_start3A_869] : memref<6x2x128xi32, #tpu.memory_space<vmem>> -> memref<1x2x128xi32, #tpu.memory_space<vmem>>
      %dma_start3A_871 = tpu.memref_squeeze %dma_start3A_870 : memref<1x2x128xi32, #tpu.memory_space<vmem>> -> memref<2x128xi32, #tpu.memory_space<vmem>>
      %dma_start3A_872 = arith.constant 0 : i32
      %dma_start3A_873 = arith.constant 0 : i32
      %dma_start3A_874 = tpu.memref_slice %arg3[%add3A_858, %dma_start3A_872, %dma_start3A_873] : memref<2500x2x128xi32, #tpu.memory_space<hbm>> -> memref<1x2x128xi32, #tpu.memory_space<hbm>>
      %dma_start3A_875 = tpu.memref_squeeze %dma_start3A_874 : memref<1x2x128xi32, #tpu.memory_space<hbm>> -> memref<2x128xi32, #tpu.memory_space<hbm>>
      tpu.enqueue_dma source(%dma_start3A_875 : memref<2x128xi32, #tpu.memory_space<hbm>>) target(%dma_start3A_871 : memref<2x128xi32, #tpu.memory_space<vmem>>) target_semaphore(%arg12 : memref<!tpu.dma_semaphore, #tpu.memory_space<semaphore_mem>>)
      %dma_wait3A_876 = arith.constant 0 : i32
      %dma_wait3A_877 = arith.constant 0 : i32
      %dma_wait3A_878 = arith.constant 0 : i32
      %dma_wait3A_879 = arith.constant 0 : i32
      %dma_wait3A_880 = tpu.memref_slice %arg6[%dma_wait3A_877, %dma_wait3A_878, %dma_wait3A_879] : memref<6x2x128xi32, #tpu.memory_space<vmem>> -> memref<1x2x128xi32, #tpu.memory_space<vmem>>
      %dma_wait3A_881 = tpu.memref_squeeze %dma_wait3A_880 : memref<1x2x128xi32, #tpu.memory_space<vmem>> -> memref<2x128xi32, #tpu.memory_space<vmem>>
      %dma_wait3A_882 = arith.constant 0 : i32
      %dma_wait3A_883 = arith.constant 0 : i32
      %dma_wait3A_884 = tpu.memref_slice %arg3[%dma_wait3A_876, %dma_wait3A_882, %dma_wait3A_883] : memref<2500x2x128xi32, #tpu.memory_space<hbm>> -> memref<1x2x128xi32, #tpu.memory_space<hbm>>
      %dma_wait3A_885 = tpu.memref_squeeze %dma_wait3A_884 : memref<1x2x128xi32, #tpu.memory_space<hbm>> -> memref<2x128xi32, #tpu.memory_space<hbm>>
      %dma_wait3A_886 = arith.constant 0 : i32
      %dma_wait3A_887 = arith.constant 0 : i32
      %dma_wait3A_888 = tpu.memref_slice %arg6[%dma_wait3A_877, %dma_wait3A_886, %dma_wait3A_887] : memref<6x2x128xi32, #tpu.memory_space<vmem>> -> memref<1x2x128xi32, #tpu.memory_space<vmem>>
      %dma_wait3A_889 = tpu.memref_squeeze %dma_wait3A_888 : memref<1x2x128xi32, #tpu.memory_space<vmem>> -> memref<2x128xi32, #tpu.memory_space<vmem>>
      %dma_wait3A_890 = arith.constant 0 : i32
      %dma_wait3A_891 = arith.constant 0 : i32
      %dma_wait3A_892 = tpu.memref_slice %arg3[%dma_wait3A_876, %dma_wait3A_890, %dma_wait3A_891] : memref<2500x2x128xi32, #tpu.memory_space<hbm>> -> memref<1x2x128xi32, #tpu.memory_space<hbm>>
      %dma_wait3A_893 = tpu.memref_squeeze %dma_wait3A_892 : memref<1x2x128xi32, #tpu.memory_space<hbm>> -> memref<2x128xi32, #tpu.memory_space<hbm>>
      tpu.wait_dma2 semaphore(%arg11 : memref<!tpu.dma_semaphore, #tpu.memory_space<semaphore_mem>>) src(%dma_wait3A_893 : memref<2x128xi32, #tpu.memory_space<hbm>>) dst(%dma_wait3A_889 : memref<2x128xi32, #tpu.memory_space<vmem>>)
      %dma_wait3A_894 = arith.constant 0 : i32
      %dma_wait3A_895 = arith.constant 1 : i32
      %dma_wait3A_896 = arith.constant 0 : i32
      %dma_wait3A_897 = tpu.memref_slice %arg6[%dma_wait3A_894, %dma_wait3A_895, %dma_wait3A_896] : memref<6x2x128xi32, #tpu.memory_space<vmem>> -> memref<1x1x128xi32, #tpu.memory_space<vmem>>
      %dma_wait3A_898 = tpu.memref_squeeze %dma_wait3A_897 : memref<1x1x128xi32, #tpu.memory_space<vmem>> -> memref<128xi32, #tpu.memory_space<vmem>>
      %dma_wait3A_899 = arith.constant 0 : i32
      %dma_wait3A_900 = arith.constant 0 : i32
      %dma_wait3A_901 = tpu.memref_slice %arg10[%dma_wait3A_899, %dma_wait3A_900] : memref<10000x128xf32, #tpu.memory_space<vmem_shared>> -> memref<10000x128xf32, #tpu.memory_space<vmem_shared>>
      tpu.wait_indirect_dma semaphore(%arg20 : memref<!tpu.dma_semaphore, #tpu.memory_space<semaphore_mem>>) src(%arg7 : memref<128x128xf32, #tpu.memory_space<vmem>>) dst(%dma_wait3A_901 : memref<10000x128xf32, #tpu.memory_space<vmem_shared>>)
      %dma_start3A_902 = arith.constant 0 : i32
      %dma_start3A_903 = arith.constant 0 : i32
      %dma_start3A_904 = arith.constant 0 : i32
      %dma_start3A_905 = tpu.memref_slice %arg6[%dma_start3A_902, %dma_start3A_903, %dma_start3A_904] : memref<6x2x128xi32, #tpu.memory_space<vmem>> -> memref<1x1x128xi32, #tpu.memory_space<vmem>>
      %dma_start3A_906 = tpu.memref_squeeze %dma_start3A_905 : memref<1x1x128xi32, #tpu.memory_space<vmem>> -> memref<128xi32, #tpu.memory_space<vmem>>
      %dma_start3A_907 = arith.constant 0 : i32
      %dma_start3A_908 = arith.constant 0 : i32
      %dma_start3A_909 = tpu.memref_slice %arg2[%dma_start3A_907, %dma_start3A_908] : memref<10000x128xf32, #tpu.memory_space<hbm>> -> memref<10000x128xf32, #tpu.memory_space<hbm>>
      tpu.enqueue_indirect_dma source(%dma_start3A_909 : memref<10000x128xf32, #tpu.memory_space<hbm>>) target(%arg7 : memref<128x128xf32, #tpu.memory_space<vmem>>) offsets(%dma_start3A_906 : memref<128xi32, #tpu.memory_space<vmem>>) semaphore(%arg17 : memref<!tpu.dma_semaphore, #tpu.memory_space<semaphore_mem>>)
      %dma_wait3A_910 = arith.constant 0 : i32
      %dma_wait3A_911 = arith.constant 0 : i32
      %dma_wait3A_912 = arith.constant 0 : i32
      %dma_wait3A_913 = tpu.memref_slice %arg6[%dma_wait3A_910, %dma_wait3A_911, %dma_wait3A_912] : memref<6x2x128xi32, #tpu.memory_space<vmem>> -> memref<1x1x128xi32, #tpu.memory_space<vmem>>
      %dma_wait3A_914 = tpu.memref_squeeze %dma_wait3A_913 : memref<1x1x128xi32, #tpu.memory_space<vmem>> -> memref<128xi32, #tpu.memory_space<vmem>>
      %dma_wait3A_915 = arith.constant 0 : i32
      %dma_wait3A_916 = arith.constant 0 : i32
      %dma_wait3A_917 = tpu.memref_slice %arg2[%dma_wait3A_915, %dma_wait3A_916] : memref<10000x128xf32, #tpu.memory_space<hbm>> -> memref<10000x128xf32, #tpu.memory_space<hbm>>
      tpu.wait_indirect_dma semaphore(%arg19 : memref<!tpu.dma_semaphore, #tpu.memory_space<semaphore_mem>>) src(%dma_wait3A_917 : memref<10000x128xf32, #tpu.memory_space<hbm>>) dst(%arg9 : memref<128x128xf32, #tpu.memory_space<vmem>>)
      %dma_start3A_918 = arith.constant 5 : i32
      %dma_start3A_919 = arith.constant 1 : i32
      %dma_start3A_920 = arith.constant 0 : i32
      %dma_start3A_921 = tpu.memref_slice %arg6[%dma_start3A_918, %dma_start3A_919, %dma_start3A_920] : memref<6x2x128xi32, #tpu.memory_space<vmem>> -> memref<1x1x128xi32, #tpu.memory_space<vmem>>
      %dma_start3A_922 = tpu.memref_squeeze %dma_start3A_921 : memref<1x1x128xi32, #tpu.memory_space<vmem>> -> memref<128xi32, #tpu.memory_space<vmem>>
      %dma_start3A_923 = arith.constant 0 : i32
      %dma_start3A_924 = arith.constant 0 : i32
      %dma_start3A_925 = tpu.memref_slice %arg10[%dma_start3A_923, %dma_start3A_924] : memref<10000x128xf32, #tpu.memory_space<vmem_shared>> -> memref<10000x128xf32, #tpu.memory_space<vmem_shared>>
      tpu.enqueue_indirect_dma source(%arg9 : memref<128x128xf32, #tpu.memory_space<vmem>>) target(%dma_start3A_925 : memref<10000x128xf32, #tpu.memory_space<vmem_shared>>) offsets(%dma_start3A_922 : memref<128xi32, #tpu.memory_space<vmem>>) semaphore(%arg22 : memref<!tpu.dma_semaphore, #tpu.memory_space<semaphore_mem>>) {add = true}
      %scan3A_926 = arith.constant 0 : i32
      scf.yield %scan3A_926 : i32
    }
    %scan3A_74 = arith.constant 12 : i32
    %add3A_75 = arith.constant 74 : i32
    %add3A_76 = arith.addi %mul3A_6, %add3A_75 : i32
    %dma_start3A_77 = arith.constant 2 : i32
    %dma_start3A_78 = arith.constant 0 : i32
    %dma_start3A_79 = arith.constant 0 : i32
    %dma_start3A_80 = tpu.memref_slice %arg6[%dma_start3A_77, %dma_start3A_78, %dma_start3A_79] : memref<6x2x128xi32, #tpu.memory_space<vmem>> -> memref<1x2x128xi32, #tpu.memory_space<vmem>>
    %dma_start3A_81 = tpu.memref_squeeze %dma_start3A_80 : memref<1x2x128xi32, #tpu.memory_space<vmem>> -> memref<2x128xi32, #tpu.memory_space<vmem>>
    %dma_start3A_82 = arith.constant 0 : i32
    %dma_start3A_83 = arith.constant 0 : i32
    %dma_start3A_84 = tpu.memref_slice %arg3[%add3A_76, %dma_start3A_82, %dma_start3A_83] : memref<2500x2x128xi32, #tpu.memory_space<hbm>> -> memref<1x2x128xi32, #tpu.memory_space<hbm>>
    %dma_start3A_85 = tpu.memref_squeeze %dma_start3A_84 : memref<1x2x128xi32, #tpu.memory_space<hbm>> -> memref<2x128xi32, #tpu.memory_space<hbm>>
    %dma_start3A_86 = arith.constant 0 : i32
    %dma_start3A_87 = arith.constant 0 : i32
    %dma_start3A_88 = tpu.memref_slice %arg6[%dma_start3A_77, %dma_start3A_86, %dma_start3A_87] : memref<6x2x128xi32, #tpu.memory_space<vmem>> -> memref<1x2x128xi32, #tpu.memory_space<vmem>>
    %dma_start3A_89 = tpu.memref_squeeze %dma_start3A_88 : memref<1x2x128xi32, #tpu.memory_space<vmem>> -> memref<2x128xi32, #tpu.memory_space<vmem>>
    %dma_start3A_90 = arith.constant 0 : i32
    %dma_start3A_91 = arith.constant 0 : i32
    %dma_start3A_92 = tpu.memref_slice %arg3[%add3A_76, %dma_start3A_90, %dma_start3A_91] : memref<2500x2x128xi32, #tpu.memory_space<hbm>> -> memref<1x2x128xi32, #tpu.memory_space<hbm>>
    %dma_start3A_93 = tpu.memref_squeeze %dma_start3A_92 : memref<1x2x128xi32, #tpu.memory_space<hbm>> -> memref<2x128xi32, #tpu.memory_space<hbm>>
    tpu.enqueue_dma source(%dma_start3A_93 : memref<2x128xi32, #tpu.memory_space<hbm>>) target(%dma_start3A_89 : memref<2x128xi32, #tpu.memory_space<vmem>>) target_semaphore(%arg13 : memref<!tpu.dma_semaphore, #tpu.memory_space<semaphore_mem>>)
    %dma_wait3A_94 = arith.constant 0 : i32
    %dma_wait3A_95 = arith.constant 1 : i32
    %dma_wait3A_96 = arith.constant 0 : i32
    %dma_wait3A_97 = arith.constant 0 : i32
    %dma_wait3A_98 = tpu.memref_slice %arg6[%dma_wait3A_95, %dma_wait3A_96, %dma_wait3A_97] : memref<6x2x128xi32, #tpu.memory_space<vmem>> -> memref<1x2x128xi32, #tpu.memory_space<vmem>>
    %dma_wait3A_99 = tpu.memref_squeeze %dma_wait3A_98 : memref<1x2x128xi32, #tpu.memory_space<vmem>> -> memref<2x128xi32, #tpu.memory_space<vmem>>
    %dma_wait3A_100 = arith.constant 0 : i32
    %dma_wait3A_101 = arith.constant 0 : i32
    %dma_wait3A_102 = tpu.memref_slice %arg3[%dma_wait3A_94, %dma_wait3A_100, %dma_wait3A_101] : memref<2500x2x128xi32, #tpu.memory_space<hbm>> -> memref<1x2x128xi32, #tpu.memory_space<hbm>>
    %dma_wait3A_103 = tpu.memref_squeeze %dma_wait3A_102 : memref<1x2x128xi32, #tpu.memory_space<hbm>> -> memref<2x128xi32, #tpu.memory_space<hbm>>
    %dma_wait3A_104 = arith.constant 0 : i32
    %dma_wait3A_105 = arith.constant 0 : i32
    %dma_wait3A_106 = tpu.memref_slice %arg6[%dma_wait3A_95, %dma_wait3A_104, %dma_wait3A_105] : memref<6x2x128xi32, #tpu.memory_space<vmem>> -> memref<1x2x128xi32, #tpu.memory_space<vmem>>
    %dma_wait3A_107 = tpu.memref_squeeze %dma_wait3A_106 : memref<1x2x128xi32, #tpu.memory_space<vmem>> -> memref<2x128xi32, #tpu.memory_space<vmem>>
    %dma_wait3A_108 = arith.constant 0 : i32
    %dma_wait3A_109 = arith.constant 0 : i32
    %dma_wait3A_110 = tpu.memref_slice %arg3[%dma_wait3A_94, %dma_wait3A_108, %dma_wait3A_109] : memref<2500x2x128xi32, #tpu.memory_space<hbm>> -> memref<1x2x128xi32, #tpu.memory_space<hbm>>
    %dma_wait3A_111 = tpu.memref_squeeze %dma_wait3A_110 : memref<1x2x128xi32, #tpu.memory_space<hbm>> -> memref<2x128xi32, #tpu.memory_space<hbm>>
    tpu.wait_dma2 semaphore(%arg12 : memref<!tpu.dma_semaphore, #tpu.memory_space<semaphore_mem>>) src(%dma_wait3A_111 : memref<2x128xi32, #tpu.memory_space<hbm>>) dst(%dma_wait3A_107 : memref<2x128xi32, #tpu.memory_space<vmem>>)
    %dma_wait3A_112 = arith.constant 0 : i32
    %dma_wait3A_113 = arith.constant 1 : i32
    %dma_wait3A_114 = arith.constant 0 : i32
    %dma_wait3A_115 = tpu.memref_slice %arg6[%dma_wait3A_112, %dma_wait3A_113, %dma_wait3A_114] : memref<6x2x128xi32, #tpu.memory_space<vmem>> -> memref<1x1x128xi32, #tpu.memory_space<vmem>>
    %dma_wait3A_116 = tpu.memref_squeeze %dma_wait3A_115 : memref<1x1x128xi32, #tpu.memory_space<vmem>> -> memref<128xi32, #tpu.memory_space<vmem>>
    %dma_wait3A_117 = arith.constant 0 : i32
    %dma_wait3A_118 = arith.constant 0 : i32
    %dma_wait3A_119 = tpu.memref_slice %arg10[%dma_wait3A_117, %dma_wait3A_118] : memref<10000x128xf32, #tpu.memory_space<vmem_shared>> -> memref<10000x128xf32, #tpu.memory_space<vmem_shared>>
    tpu.wait_indirect_dma semaphore(%arg21 : memref<!tpu.dma_semaphore, #tpu.memory_space<semaphore_mem>>) src(%arg8 : memref<128x128xf32, #tpu.memory_space<vmem>>) dst(%dma_wait3A_119 : memref<10000x128xf32, #tpu.memory_space<vmem_shared>>)
    %dma_start3A_120 = arith.constant 1 : i32
    %dma_start3A_121 = arith.constant 0 : i32
    %dma_start3A_122 = arith.constant 0 : i32
    %dma_start3A_123 = tpu.memref_slice %arg6[%dma_start3A_120, %dma_start3A_121, %dma_start3A_122] : memref<6x2x128xi32, #tpu.memory_space<vmem>> -> memref<1x1x128xi32, #tpu.memory_space<vmem>>
    %dma_start3A_124 = tpu.memref_squeeze %dma_start3A_123 : memref<1x1x128xi32, #tpu.memory_space<vmem>> -> memref<128xi32, #tpu.memory_space<vmem>>
    %dma_start3A_125 = arith.constant 0 : i32
    %dma_start3A_126 = arith.constant 0 : i32
    %dma_start3A_127 = tpu.memref_slice %arg2[%dma_start3A_125, %dma_start3A_126] : memref<10000x128xf32, #tpu.memory_space<hbm>> -> memref<10000x128xf32, #tpu.memory_space<hbm>>
    tpu.enqueue_indirect_dma source(%dma_start3A_127 : memref<10000x128xf32, #tpu.memory_space<hbm>>) target(%arg8 : memref<128x128xf32, #tpu.memory_space<vmem>>) offsets(%dma_start3A_124 : memref<128xi32, #tpu.memory_space<vmem>>) semaphore(%arg18 : memref<!tpu.dma_semaphore, #tpu.memory_space<semaphore_mem>>)
    %dma_wait3A_128 = arith.constant 0 : i32
    %dma_wait3A_129 = arith.constant 0 : i32
    %dma_wait3A_130 = arith.constant 0 : i32
    %dma_wait3A_131 = tpu.memref_slice %arg6[%dma_wait3A_128, %dma_wait3A_129, %dma_wait3A_130] : memref<6x2x128xi32, #tpu.memory_space<vmem>> -> memref<1x1x128xi32, #tpu.memory_space<vmem>>
    %dma_wait3A_132 = tpu.memref_squeeze %dma_wait3A_131 : memref<1x1x128xi32, #tpu.memory_space<vmem>> -> memref<128xi32, #tpu.memory_space<vmem>>
    %dma_wait3A_133 = arith.constant 0 : i32
    %dma_wait3A_134 = arith.constant 0 : i32
    %dma_wait3A_135 = tpu.memref_slice %arg2[%dma_wait3A_133, %dma_wait3A_134] : memref<10000x128xf32, #tpu.memory_space<hbm>> -> memref<10000x128xf32, #tpu.memory_space<hbm>>
    tpu.wait_indirect_dma semaphore(%arg17 : memref<!tpu.dma_semaphore, #tpu.memory_space<semaphore_mem>>) src(%dma_wait3A_135 : memref<10000x128xf32, #tpu.memory_space<hbm>>) dst(%arg7 : memref<128x128xf32, #tpu.memory_space<vmem>>)
    %dma_start3A_136 = arith.constant 0 : i32
    %dma_start3A_137 = arith.constant 1 : i32
    %dma_start3A_138 = arith.constant 0 : i32
    %dma_start3A_139 = tpu.memref_slice %arg6[%dma_start3A_136, %dma_start3A_137, %dma_start3A_138] : memref<6x2x128xi32, #tpu.memory_space<vmem>> -> memref<1x1x128xi32, #tpu.memory_space<vmem>>
    %dma_start3A_140 = tpu.memref_squeeze %dma_start3A_139 : memref<1x1x128xi32, #tpu.memory_space<vmem>> -> memref<128xi32, #tpu.memory_space<vmem>>
    %dma_start3A_141 = arith.constant 0 : i32
    %dma_start3A_142 = arith.constant 0 : i32
    %dma_start3A_143 = tpu.memref_slice %arg10[%dma_start3A_141, %dma_start3A_142] : memref<10000x128xf32, #tpu.memory_space<vmem_shared>> -> memref<10000x128xf32, #tpu.memory_space<vmem_shared>>
    tpu.enqueue_indirect_dma source(%arg7 : memref<128x128xf32, #tpu.memory_space<vmem>>) target(%dma_start3A_143 : memref<10000x128xf32, #tpu.memory_space<vmem_shared>>) offsets(%dma_start3A_140 : memref<128xi32, #tpu.memory_space<vmem>>) semaphore(%arg20 : memref<!tpu.dma_semaphore, #tpu.memory_space<semaphore_mem>>) {add = true}
    %add3A_144 = arith.constant 75 : i32
    %add3A_145 = arith.addi %mul3A_6, %add3A_144 : i32
    %dma_start3A_146 = arith.constant 3 : i32
    %dma_start3A_147 = arith.constant 0 : i32
    %dma_start3A_148 = arith.constant 0 : i32
    %dma_start3A_149 = tpu.memref_slice %arg6[%dma_start3A_146, %dma_start3A_147, %dma_start3A_148] : memref<6x2x128xi32, #tpu.memory_space<vmem>> -> memref<1x2x128xi32, #tpu.memory_space<vmem>>
    %dma_start3A_150 = tpu.memref_squeeze %dma_start3A_149 : memref<1x2x128xi32, #tpu.memory_space<vmem>> -> memref<2x128xi32, #tpu.memory_space<vmem>>
    %dma_start3A_151 = arith.constant 0 : i32
    %dma_start3A_152 = arith.constant 0 : i32
    %dma_start3A_153 = tpu.memref_slice %arg3[%add3A_145, %dma_start3A_151, %dma_start3A_152] : memref<2500x2x128xi32, #tpu.memory_space<hbm>> -> memref<1x2x128xi32, #tpu.memory_space<hbm>>
    %dma_start3A_154 = tpu.memref_squeeze %dma_start3A_153 : memref<1x2x128xi32, #tpu.memory_space<hbm>> -> memref<2x128xi32, #tpu.memory_space<hbm>>
    %dma_start3A_155 = arith.constant 0 : i32
    %dma_start3A_156 = arith.constant 0 : i32
    %dma_start3A_157 = tpu.memref_slice %arg6[%dma_start3A_146, %dma_start3A_155, %dma_start3A_156] : memref<6x2x128xi32, #tpu.memory_space<vmem>> -> memref<1x2x128xi32, #tpu.memory_space<vmem>>
    %dma_start3A_158 = tpu.memref_squeeze %dma_start3A_157 : memref<1x2x128xi32, #tpu.memory_space<vmem>> -> memref<2x128xi32, #tpu.memory_space<vmem>>
    %dma_start3A_159 = arith.constant 0 : i32
    %dma_start3A_160 = arith.constant 0 : i32
    %dma_start3A_161 = tpu.memref_slice %arg3[%add3A_145, %dma_start3A_159, %dma_start3A_160] : memref<2500x2x128xi32, #tpu.memory_space<hbm>> -> memref<1x2x128xi32, #tpu.memory_space<hbm>>
    %dma_start3A_162 = tpu.memref_squeeze %dma_start3A_161 : memref<1x2x128xi32, #tpu.memory_space<hbm>> -> memref<2x128xi32, #tpu.memory_space<hbm>>
    tpu.enqueue_dma source(%dma_start3A_162 : memref<2x128xi32, #tpu.memory_space<hbm>>) target(%dma_start3A_158 : memref<2x128xi32, #tpu.memory_space<vmem>>) target_semaphore(%arg14 : memref<!tpu.dma_semaphore, #tpu.memory_space<semaphore_mem>>)
    %dma_wait3A_163 = arith.constant 0 : i32
    %dma_wait3A_164 = arith.constant 2 : i32
    %dma_wait3A_165 = arith.constant 0 : i32
    %dma_wait3A_166 = arith.constant 0 : i32
    %dma_wait3A_167 = tpu.memref_slice %arg6[%dma_wait3A_164, %dma_wait3A_165, %dma_wait3A_166] : memref<6x2x128xi32, #tpu.memory_space<vmem>> -> memref<1x2x128xi32, #tpu.memory_space<vmem>>
    %dma_wait3A_168 = tpu.memref_squeeze %dma_wait3A_167 : memref<1x2x128xi32, #tpu.memory_space<vmem>> -> memref<2x128xi32, #tpu.memory_space<vmem>>
    %dma_wait3A_169 = arith.constant 0 : i32
    %dma_wait3A_170 = arith.constant 0 : i32
    %dma_wait3A_171 = tpu.memref_slice %arg3[%dma_wait3A_163, %dma_wait3A_169, %dma_wait3A_170] : memref<2500x2x128xi32, #tpu.memory_space<hbm>> -> memref<1x2x128xi32, #tpu.memory_space<hbm>>
    %dma_wait3A_172 = tpu.memref_squeeze %dma_wait3A_171 : memref<1x2x128xi32, #tpu.memory_space<hbm>> -> memref<2x128xi32, #tpu.memory_space<hbm>>
    %dma_wait3A_173 = arith.constant 0 : i32
    %dma_wait3A_174 = arith.constant 0 : i32
    %dma_wait3A_175 = tpu.memref_slice %arg6[%dma_wait3A_164, %dma_wait3A_173, %dma_wait3A_174] : memref<6x2x128xi32, #tpu.memory_space<vmem>> -> memref<1x2x128xi32, #tpu.memory_space<vmem>>
    %dma_wait3A_176 = tpu.memref_squeeze %dma_wait3A_175 : memref<1x2x128xi32, #tpu.memory_space<vmem>> -> memref<2x128xi32, #tpu.memory_space<vmem>>
    %dma_wait3A_177 = arith.constant 0 : i32
    %dma_wait3A_178 = arith.constant 0 : i32
    %dma_wait3A_179 = tpu.memref_slice %arg3[%dma_wait3A_163, %dma_wait3A_177, %dma_wait3A_178] : memref<2500x2x128xi32, #tpu.memory_space<hbm>> -> memref<1x2x128xi32, #tpu.memory_space<hbm>>
    %dma_wait3A_180 = tpu.memref_squeeze %dma_wait3A_179 : memref<1x2x128xi32, #tpu.memory_space<hbm>> -> memref<2x128xi32, #tpu.memory_space<hbm>>
    tpu.wait_dma2 semaphore(%arg13 : memref<!tpu.dma_semaphore, #tpu.memory_space<semaphore_mem>>) src(%dma_wait3A_180 : memref<2x128xi32, #tpu.memory_space<hbm>>) dst(%dma_wait3A_176 : memref<2x128xi32, #tpu.memory_space<vmem>>)
    %dma_wait3A_181 = arith.constant 0 : i32
    %dma_wait3A_182 = arith.constant 1 : i32
    %dma_wait3A_183 = arith.constant 0 : i32
    %dma_wait3A_184 = tpu.memref_slice %arg6[%dma_wait3A_181, %dma_wait3A_182, %dma_wait3A_183] : memref<6x2x128xi32, #tpu.memory_space<vmem>> -> memref<1x1x128xi32, #tpu.memory_space<vmem>>
    %dma_wait3A_185 = tpu.memref_squeeze %dma_wait3A_184 : memref<1x1x128xi32, #tpu.memory_space<vmem>> -> memref<128xi32, #tpu.memory_space<vmem>>
    %dma_wait3A_186 = arith.constant 0 : i32
    %dma_wait3A_187 = arith.constant 0 : i32
    %dma_wait3A_188 = tpu.memref_slice %arg10[%dma_wait3A_186, %dma_wait3A_187] : memref<10000x128xf32, #tpu.memory_space<vmem_shared>> -> memref<10000x128xf32, #tpu.memory_space<vmem_shared>>
    tpu.wait_indirect_dma semaphore(%arg22 : memref<!tpu.dma_semaphore, #tpu.memory_space<semaphore_mem>>) src(%arg9 : memref<128x128xf32, #tpu.memory_space<vmem>>) dst(%dma_wait3A_188 : memref<10000x128xf32, #tpu.memory_space<vmem_shared>>)
    %dma_start3A_189 = arith.constant 2 : i32
    %dma_start3A_190 = arith.constant 0 : i32
    %dma_start3A_191 = arith.constant 0 : i32
    %dma_start3A_192 = tpu.memref_slice %arg6[%dma_start3A_189, %dma_start3A_190, %dma_start3A_191] : memref<6x2x128xi32, #tpu.memory_space<vmem>> -> memref<1x1x128xi32, #tpu.memory_space<vmem>>
    %dma_start3A_193 = tpu.memref_squeeze %dma_start3A_192 : memref<1x1x128xi32, #tpu.memory_space<vmem>> -> memref<128xi32, #tpu.memory_space<vmem>>
    %dma_start3A_194 = arith.constant 0 : i32
    %dma_start3A_195 = arith.constant 0 : i32
    %dma_start3A_196 = tpu.memref_slice %arg2[%dma_start3A_194, %dma_start3A_195] : memref<10000x128xf32, #tpu.memory_space<hbm>> -> memref<10000x128xf32, #tpu.memory_space<hbm>>
    tpu.enqueue_indirect_dma source(%dma_start3A_196 : memref<10000x128xf32, #tpu.memory_space<hbm>>) target(%arg9 : memref<128x128xf32, #tpu.memory_space<vmem>>) offsets(%dma_start3A_193 : memref<128xi32, #tpu.memory_space<vmem>>) semaphore(%arg19 : memref<!tpu.dma_semaphore, #tpu.memory_space<semaphore_mem>>)
    %dma_wait3A_197 = arith.constant 0 : i32
    %dma_wait3A_198 = arith.constant 0 : i32
    %dma_wait3A_199 = arith.constant 0 : i32
    %dma_wait3A_200 = tpu.memref_slice %arg6[%dma_wait3A_197, %dma_wait3A_198, %dma_wait3A_199] : memref<6x2x128xi32, #tpu.memory_space<vmem>> -> memref<1x1x128xi32, #tpu.memory_space<vmem>>
    %dma_wait3A_201 = tpu.memref_squeeze %dma_wait3A_200 : memref<1x1x128xi32, #tpu.memory_space<vmem>> -> memref<128xi32, #tpu.memory_space<vmem>>
    %dma_wait3A_202 = arith.constant 0 : i32
    %dma_wait3A_203 = arith.constant 0 : i32
    %dma_wait3A_204 = tpu.memref_slice %arg2[%dma_wait3A_202, %dma_wait3A_203] : memref<10000x128xf32, #tpu.memory_space<hbm>> -> memref<10000x128xf32, #tpu.memory_space<hbm>>
    tpu.wait_indirect_dma semaphore(%arg18 : memref<!tpu.dma_semaphore, #tpu.memory_space<semaphore_mem>>) src(%dma_wait3A_204 : memref<10000x128xf32, #tpu.memory_space<hbm>>) dst(%arg8 : memref<128x128xf32, #tpu.memory_space<vmem>>)
    %dma_start3A_205 = arith.constant 1 : i32
    %dma_start3A_206 = arith.constant 1 : i32
    %dma_start3A_207 = arith.constant 0 : i32
    %dma_start3A_208 = tpu.memref_slice %arg6[%dma_start3A_205, %dma_start3A_206, %dma_start3A_207] : memref<6x2x128xi32, #tpu.memory_space<vmem>> -> memref<1x1x128xi32, #tpu.memory_space<vmem>>
    %dma_start3A_209 = tpu.memref_squeeze %dma_start3A_208 : memref<1x1x128xi32, #tpu.memory_space<vmem>> -> memref<128xi32, #tpu.memory_space<vmem>>
    %dma_start3A_210 = arith.constant 0 : i32
    %dma_start3A_211 = arith.constant 0 : i32
    %dma_start3A_212 = tpu.memref_slice %arg10[%dma_start3A_210, %dma_start3A_211] : memref<10000x128xf32, #tpu.memory_space<vmem_shared>> -> memref<10000x128xf32, #tpu.memory_space<vmem_shared>>
    tpu.enqueue_indirect_dma source(%arg8 : memref<128x128xf32, #tpu.memory_space<vmem>>) target(%dma_start3A_212 : memref<10000x128xf32, #tpu.memory_space<vmem_shared>>) offsets(%dma_start3A_209 : memref<128xi32, #tpu.memory_space<vmem>>) semaphore(%arg21 : memref<!tpu.dma_semaphore, #tpu.memory_space<semaphore_mem>>) {add = true}
    %add3A_213 = arith.constant 76 : i32
    %add3A_214 = arith.addi %mul3A_6, %add3A_213 : i32
    %dma_start3A_215 = arith.constant 4 : i32
    %dma_start3A_216 = arith.constant 0 : i32
    %dma_start3A_217 = arith.constant 0 : i32
    %dma_start3A_218 = tpu.memref_slice %arg6[%dma_start3A_215, %dma_start3A_216, %dma_start3A_217] : memref<6x2x128xi32, #tpu.memory_space<vmem>> -> memref<1x2x128xi32, #tpu.memory_space<vmem>>
    %dma_start3A_219 = tpu.memref_squeeze %dma_start3A_218 : memref<1x2x128xi32, #tpu.memory_space<vmem>> -> memref<2x128xi32, #tpu.memory_space<vmem>>
    %dma_start3A_220 = arith.constant 0 : i32
    %dma_start3A_221 = arith.constant 0 : i32
    %dma_start3A_222 = tpu.memref_slice %arg3[%add3A_214, %dma_start3A_220, %dma_start3A_221] : memref<2500x2x128xi32, #tpu.memory_space<hbm>> -> memref<1x2x128xi32, #tpu.memory_space<hbm>>
    %dma_start3A_223 = tpu.memref_squeeze %dma_start3A_222 : memref<1x2x128xi32, #tpu.memory_space<hbm>> -> memref<2x128xi32, #tpu.memory_space<hbm>>
    %dma_start3A_224 = arith.constant 0 : i32
    %dma_start3A_225 = arith.constant 0 : i32
    %dma_start3A_226 = tpu.memref_slice %arg6[%dma_start3A_215, %dma_start3A_224, %dma_start3A_225] : memref<6x2x128xi32, #tpu.memory_space<vmem>> -> memref<1x2x128xi32, #tpu.memory_space<vmem>>
    %dma_start3A_227 = tpu.memref_squeeze %dma_start3A_226 : memref<1x2x128xi32, #tpu.memory_space<vmem>> -> memref<2x128xi32, #tpu.memory_space<vmem>>
    %dma_start3A_228 = arith.constant 0 : i32
    %dma_start3A_229 = arith.constant 0 : i32
    %dma_start3A_230 = tpu.memref_slice %arg3[%add3A_214, %dma_start3A_228, %dma_start3A_229] : memref<2500x2x128xi32, #tpu.memory_space<hbm>> -> memref<1x2x128xi32, #tpu.memory_space<hbm>>
    %dma_start3A_231 = tpu.memref_squeeze %dma_start3A_230 : memref<1x2x128xi32, #tpu.memory_space<hbm>> -> memref<2x128xi32, #tpu.memory_space<hbm>>
    tpu.enqueue_dma source(%dma_start3A_231 : memref<2x128xi32, #tpu.memory_space<hbm>>) target(%dma_start3A_227 : memref<2x128xi32, #tpu.memory_space<vmem>>) target_semaphore(%arg15 : memref<!tpu.dma_semaphore, #tpu.memory_space<semaphore_mem>>)
    %dma_wait3A_232 = arith.constant 0 : i32
    %dma_wait3A_233 = arith.constant 3 : i32
    %dma_wait3A_234 = arith.constant 0 : i32
    %dma_wait3A_235 = arith.constant 0 : i32
    %dma_wait3A_236 = tpu.memref_slice %arg6[%dma_wait3A_233, %dma_wait3A_234, %dma_wait3A_235] : memref<6x2x128xi32, #tpu.memory_space<vmem>> -> memref<1x2x128xi32, #tpu.memory_space<vmem>>
    %dma_wait3A_237 = tpu.memref_squeeze %dma_wait3A_236 : memref<1x2x128xi32, #tpu.memory_space<vmem>> -> memref<2x128xi32, #tpu.memory_space<vmem>>
    %dma_wait3A_238 = arith.constant 0 : i32
    %dma_wait3A_239 = arith.constant 0 : i32
    %dma_wait3A_240 = tpu.memref_slice %arg3[%dma_wait3A_232, %dma_wait3A_238, %dma_wait3A_239] : memref<2500x2x128xi32, #tpu.memory_space<hbm>> -> memref<1x2x128xi32, #tpu.memory_space<hbm>>
    %dma_wait3A_241 = tpu.memref_squeeze %dma_wait3A_240 : memref<1x2x128xi32, #tpu.memory_space<hbm>> -> memref<2x128xi32, #tpu.memory_space<hbm>>
    %dma_wait3A_242 = arith.constant 0 : i32
    %dma_wait3A_243 = arith.constant 0 : i32
    %dma_wait3A_244 = tpu.memref_slice %arg6[%dma_wait3A_233, %dma_wait3A_242, %dma_wait3A_243] : memref<6x2x128xi32, #tpu.memory_space<vmem>> -> memref<1x2x128xi32, #tpu.memory_space<vmem>>
    %dma_wait3A_245 = tpu.memref_squeeze %dma_wait3A_244 : memref<1x2x128xi32, #tpu.memory_space<vmem>> -> memref<2x128xi32, #tpu.memory_space<vmem>>
    %dma_wait3A_246 = arith.constant 0 : i32
    %dma_wait3A_247 = arith.constant 0 : i32
    %dma_wait3A_248 = tpu.memref_slice %arg3[%dma_wait3A_232, %dma_wait3A_246, %dma_wait3A_247] : memref<2500x2x128xi32, #tpu.memory_space<hbm>> -> memref<1x2x128xi32, #tpu.memory_space<hbm>>
    %dma_wait3A_249 = tpu.memref_squeeze %dma_wait3A_248 : memref<1x2x128xi32, #tpu.memory_space<hbm>> -> memref<2x128xi32, #tpu.memory_space<hbm>>
    tpu.wait_dma2 semaphore(%arg14 : memref<!tpu.dma_semaphore, #tpu.memory_space<semaphore_mem>>) src(%dma_wait3A_249 : memref<2x128xi32, #tpu.memory_space<hbm>>) dst(%dma_wait3A_245 : memref<2x128xi32, #tpu.memory_space<vmem>>)
    %dma_wait3A_250 = arith.constant 0 : i32
    %dma_wait3A_251 = arith.constant 1 : i32
    %dma_wait3A_252 = arith.constant 0 : i32
    %dma_wait3A_253 = tpu.memref_slice %arg6[%dma_wait3A_250, %dma_wait3A_251, %dma_wait3A_252] : memref<6x2x128xi32, #tpu.memory_space<vmem>> -> memref<1x1x128xi32, #tpu.memory_space<vmem>>
    %dma_wait3A_254 = tpu.memref_squeeze %dma_wait3A_253 : memref<1x1x128xi32, #tpu.memory_space<vmem>> -> memref<128xi32, #tpu.memory_space<vmem>>
    %dma_wait3A_255 = arith.constant 0 : i32
    %dma_wait3A_256 = arith.constant 0 : i32
    %dma_wait3A_257 = tpu.memref_slice %arg10[%dma_wait3A_255, %dma_wait3A_256] : memref<10000x128xf32, #tpu.memory_space<vmem_shared>> -> memref<10000x128xf32, #tpu.memory_space<vmem_shared>>
    tpu.wait_indirect_dma semaphore(%arg20 : memref<!tpu.dma_semaphore, #tpu.memory_space<semaphore_mem>>) src(%arg7 : memref<128x128xf32, #tpu.memory_space<vmem>>) dst(%dma_wait3A_257 : memref<10000x128xf32, #tpu.memory_space<vmem_shared>>)
    %dma_start3A_258 = arith.constant 3 : i32
    %dma_start3A_259 = arith.constant 0 : i32
    %dma_start3A_260 = arith.constant 0 : i32
    %dma_start3A_261 = tpu.memref_slice %arg6[%dma_start3A_258, %dma_start3A_259, %dma_start3A_260] : memref<6x2x128xi32, #tpu.memory_space<vmem>> -> memref<1x1x128xi32, #tpu.memory_space<vmem>>
    %dma_start3A_262 = tpu.memref_squeeze %dma_start3A_261 : memref<1x1x128xi32, #tpu.memory_space<vmem>> -> memref<128xi32, #tpu.memory_space<vmem>>
    %dma_start3A_263 = arith.constant 0 : i32
    %dma_start3A_264 = arith.constant 0 : i32
    %dma_start3A_265 = tpu.memref_slice %arg2[%dma_start3A_263, %dma_start3A_264] : memref<10000x128xf32, #tpu.memory_space<hbm>> -> memref<10000x128xf32, #tpu.memory_space<hbm>>
    tpu.enqueue_indirect_dma source(%dma_start3A_265 : memref<10000x128xf32, #tpu.memory_space<hbm>>) target(%arg7 : memref<128x128xf32, #tpu.memory_space<vmem>>) offsets(%dma_start3A_262 : memref<128xi32, #tpu.memory_space<vmem>>) semaphore(%arg17 : memref<!tpu.dma_semaphore, #tpu.memory_space<semaphore_mem>>)
    %dma_wait3A_266 = arith.constant 0 : i32
    %dma_wait3A_267 = arith.constant 0 : i32
    %dma_wait3A_268 = arith.constant 0 : i32
    %dma_wait3A_269 = tpu.memref_slice %arg6[%dma_wait3A_266, %dma_wait3A_267, %dma_wait3A_268] : memref<6x2x128xi32, #tpu.memory_space<vmem>> -> memref<1x1x128xi32, #tpu.memory_space<vmem>>
    %dma_wait3A_270 = tpu.memref_squeeze %dma_wait3A_269 : memref<1x1x128xi32, #tpu.memory_space<vmem>> -> memref<128xi32, #tpu.memory_space<vmem>>
    %dma_wait3A_271 = arith.constant 0 : i32
    %dma_wait3A_272 = arith.constant 0 : i32
    %dma_wait3A_273 = tpu.memref_slice %arg2[%dma_wait3A_271, %dma_wait3A_272] : memref<10000x128xf32, #tpu.memory_space<hbm>> -> memref<10000x128xf32, #tpu.memory_space<hbm>>
    tpu.wait_indirect_dma semaphore(%arg19 : memref<!tpu.dma_semaphore, #tpu.memory_space<semaphore_mem>>) src(%dma_wait3A_273 : memref<10000x128xf32, #tpu.memory_space<hbm>>) dst(%arg9 : memref<128x128xf32, #tpu.memory_space<vmem>>)
    %dma_start3A_274 = arith.constant 2 : i32
    %dma_start3A_275 = arith.constant 1 : i32
    %dma_start3A_276 = arith.constant 0 : i32
    %dma_start3A_277 = tpu.memref_slice %arg6[%dma_start3A_274, %dma_start3A_275, %dma_start3A_276] : memref<6x2x128xi32, #tpu.memory_space<vmem>> -> memref<1x1x128xi32, #tpu.memory_space<vmem>>
    %dma_start3A_278 = tpu.memref_squeeze %dma_start3A_277 : memref<1x1x128xi32, #tpu.memory_space<vmem>> -> memref<128xi32, #tpu.memory_space<vmem>>
    %dma_start3A_279 = arith.constant 0 : i32
    %dma_start3A_280 = arith.constant 0 : i32
    %dma_start3A_281 = tpu.memref_slice %arg10[%dma_start3A_279, %dma_start3A_280] : memref<10000x128xf32, #tpu.memory_space<vmem_shared>> -> memref<10000x128xf32, #tpu.memory_space<vmem_shared>>
    tpu.enqueue_indirect_dma source(%arg9 : memref<128x128xf32, #tpu.memory_space<vmem>>) target(%dma_start3A_281 : memref<10000x128xf32, #tpu.memory_space<vmem_shared>>) offsets(%dma_start3A_278 : memref<128xi32, #tpu.memory_space<vmem>>) semaphore(%arg22 : memref<!tpu.dma_semaphore, #tpu.memory_space<semaphore_mem>>) {add = true}
    %add3A_282 = arith.constant 77 : i32
    %add3A_283 = arith.addi %mul3A_6, %add3A_282 : i32
    %dma_start3A_284 = arith.constant 5 : i32
    %dma_start3A_285 = arith.constant 0 : i32
    %dma_start3A_286 = arith.constant 0 : i32
    %dma_start3A_287 = tpu.memref_slice %arg6[%dma_start3A_284, %dma_start3A_285, %dma_start3A_286] : memref<6x2x128xi32, #tpu.memory_space<vmem>> -> memref<1x2x128xi32, #tpu.memory_space<vmem>>
    %dma_start3A_288 = tpu.memref_squeeze %dma_start3A_287 : memref<1x2x128xi32, #tpu.memory_space<vmem>> -> memref<2x128xi32, #tpu.memory_space<vmem>>
    %dma_start3A_289 = arith.constant 0 : i32
    %dma_start3A_290 = arith.constant 0 : i32
    %dma_start3A_291 = tpu.memref_slice %arg3[%add3A_283, %dma_start3A_289, %dma_start3A_290] : memref<2500x2x128xi32, #tpu.memory_space<hbm>> -> memref<1x2x128xi32, #tpu.memory_space<hbm>>
    %dma_start3A_292 = tpu.memref_squeeze %dma_start3A_291 : memref<1x2x128xi32, #tpu.memory_space<hbm>> -> memref<2x128xi32, #tpu.memory_space<hbm>>
    %dma_start3A_293 = arith.constant 0 : i32
    %dma_start3A_294 = arith.constant 0 : i32
    %dma_start3A_295 = tpu.memref_slice %arg6[%dma_start3A_284, %dma_start3A_293, %dma_start3A_294] : memref<6x2x128xi32, #tpu.memory_space<vmem>> -> memref<1x2x128xi32, #tpu.memory_space<vmem>>
    %dma_start3A_296 = tpu.memref_squeeze %dma_start3A_295 : memref<1x2x128xi32, #tpu.memory_space<vmem>> -> memref<2x128xi32, #tpu.memory_space<vmem>>
    %dma_start3A_297 = arith.constant 0 : i32
    %dma_start3A_298 = arith.constant 0 : i32
    %dma_start3A_299 = tpu.memref_slice %arg3[%add3A_283, %dma_start3A_297, %dma_start3A_298] : memref<2500x2x128xi32, #tpu.memory_space<hbm>> -> memref<1x2x128xi32, #tpu.memory_space<hbm>>
    %dma_start3A_300 = tpu.memref_squeeze %dma_start3A_299 : memref<1x2x128xi32, #tpu.memory_space<hbm>> -> memref<2x128xi32, #tpu.memory_space<hbm>>
    tpu.enqueue_dma source(%dma_start3A_300 : memref<2x128xi32, #tpu.memory_space<hbm>>) target(%dma_start3A_296 : memref<2x128xi32, #tpu.memory_space<vmem>>) target_semaphore(%arg16 : memref<!tpu.dma_semaphore, #tpu.memory_space<semaphore_mem>>)
    %dma_wait3A_301 = arith.constant 0 : i32
    %dma_wait3A_302 = arith.constant 4 : i32
    %dma_wait3A_303 = arith.constant 0 : i32
    %dma_wait3A_304 = arith.constant 0 : i32
    %dma_wait3A_305 = tpu.memref_slice %arg6[%dma_wait3A_302, %dma_wait3A_303, %dma_wait3A_304] : memref<6x2x128xi32, #tpu.memory_space<vmem>> -> memref<1x2x128xi32, #tpu.memory_space<vmem>>
    %dma_wait3A_306 = tpu.memref_squeeze %dma_wait3A_305 : memref<1x2x128xi32, #tpu.memory_space<vmem>> -> memref<2x128xi32, #tpu.memory_space<vmem>>
    %dma_wait3A_307 = arith.constant 0 : i32
    %dma_wait3A_308 = arith.constant 0 : i32
    %dma_wait3A_309 = tpu.memref_slice %arg3[%dma_wait3A_301, %dma_wait3A_307, %dma_wait3A_308] : memref<2500x2x128xi32, #tpu.memory_space<hbm>> -> memref<1x2x128xi32, #tpu.memory_space<hbm>>
    %dma_wait3A_310 = tpu.memref_squeeze %dma_wait3A_309 : memref<1x2x128xi32, #tpu.memory_space<hbm>> -> memref<2x128xi32, #tpu.memory_space<hbm>>
    %dma_wait3A_311 = arith.constant 0 : i32
    %dma_wait3A_312 = arith.constant 0 : i32
    %dma_wait3A_313 = tpu.memref_slice %arg6[%dma_wait3A_302, %dma_wait3A_311, %dma_wait3A_312] : memref<6x2x128xi32, #tpu.memory_space<vmem>> -> memref<1x2x128xi32, #tpu.memory_space<vmem>>
    %dma_wait3A_314 = tpu.memref_squeeze %dma_wait3A_313 : memref<1x2x128xi32, #tpu.memory_space<vmem>> -> memref<2x128xi32, #tpu.memory_space<vmem>>
    %dma_wait3A_315 = arith.constant 0 : i32
    %dma_wait3A_316 = arith.constant 0 : i32
    %dma_wait3A_317 = tpu.memref_slice %arg3[%dma_wait3A_301, %dma_wait3A_315, %dma_wait3A_316] : memref<2500x2x128xi32, #tpu.memory_space<hbm>> -> memref<1x2x128xi32, #tpu.memory_space<hbm>>
    %dma_wait3A_318 = tpu.memref_squeeze %dma_wait3A_317 : memref<1x2x128xi32, #tpu.memory_space<hbm>> -> memref<2x128xi32, #tpu.memory_space<hbm>>
    tpu.wait_dma2 semaphore(%arg15 : memref<!tpu.dma_semaphore, #tpu.memory_space<semaphore_mem>>) src(%dma_wait3A_318 : memref<2x128xi32, #tpu.memory_space<hbm>>) dst(%dma_wait3A_314 : memref<2x128xi32, #tpu.memory_space<vmem>>)
    %dma_wait3A_319 = arith.constant 0 : i32
    %dma_wait3A_320 = arith.constant 1 : i32
    %dma_wait3A_321 = arith.constant 0 : i32
    %dma_wait3A_322 = tpu.memref_slice %arg6[%dma_wait3A_319, %dma_wait3A_320, %dma_wait3A_321] : memref<6x2x128xi32, #tpu.memory_space<vmem>> -> memref<1x1x128xi32, #tpu.memory_space<vmem>>
    %dma_wait3A_323 = tpu.memref_squeeze %dma_wait3A_322 : memref<1x1x128xi32, #tpu.memory_space<vmem>> -> memref<128xi32, #tpu.memory_space<vmem>>
    %dma_wait3A_324 = arith.constant 0 : i32
    %dma_wait3A_325 = arith.constant 0 : i32
    %dma_wait3A_326 = tpu.memref_slice %arg10[%dma_wait3A_324, %dma_wait3A_325] : memref<10000x128xf32, #tpu.memory_space<vmem_shared>> -> memref<10000x128xf32, #tpu.memory_space<vmem_shared>>
    tpu.wait_indirect_dma semaphore(%arg21 : memref<!tpu.dma_semaphore, #tpu.memory_space<semaphore_mem>>) src(%arg8 : memref<128x128xf32, #tpu.memory_space<vmem>>) dst(%dma_wait3A_326 : memref<10000x128xf32, #tpu.memory_space<vmem_shared>>)
    %dma_start3A_327 = arith.constant 4 : i32
    %dma_start3A_328 = arith.constant 0 : i32
    %dma_start3A_329 = arith.constant 0 : i32
    %dma_start3A_330 = tpu.memref_slice %arg6[%dma_start3A_327, %dma_start3A_328, %dma_start3A_329] : memref<6x2x128xi32, #tpu.memory_space<vmem>> -> memref<1x1x128xi32, #tpu.memory_space<vmem>>
    %dma_start3A_331 = tpu.memref_squeeze %dma_start3A_330 : memref<1x1x128xi32, #tpu.memory_space<vmem>> -> memref<128xi32, #tpu.memory_space<vmem>>
    %dma_start3A_332 = arith.constant 0 : i32
    %dma_start3A_333 = arith.constant 0 : i32
    %dma_start3A_334 = tpu.memref_slice %arg2[%dma_start3A_332, %dma_start3A_333] : memref<10000x128xf32, #tpu.memory_space<hbm>> -> memref<10000x128xf32, #tpu.memory_space<hbm>>
    tpu.enqueue_indirect_dma source(%dma_start3A_334 : memref<10000x128xf32, #tpu.memory_space<hbm>>) target(%arg8 : memref<128x128xf32, #tpu.memory_space<vmem>>) offsets(%dma_start3A_331 : memref<128xi32, #tpu.memory_space<vmem>>) semaphore(%arg18 : memref<!tpu.dma_semaphore, #tpu.memory_space<semaphore_mem>>)
    %dma_wait3A_335 = arith.constant 0 : i32
    %dma_wait3A_336 = arith.constant 0 : i32
    %dma_wait3A_337 = arith.constant 0 : i32
    %dma_wait3A_338 = tpu.memref_slice %arg6[%dma_wait3A_335, %dma_wait3A_336, %dma_wait3A_337] : memref<6x2x128xi32, #tpu.memory_space<vmem>> -> memref<1x1x128xi32, #tpu.memory_space<vmem>>
    %dma_wait3A_339 = tpu.memref_squeeze %dma_wait3A_338 : memref<1x1x128xi32, #tpu.memory_space<vmem>> -> memref<128xi32, #tpu.memory_space<vmem>>
    %dma_wait3A_340 = arith.constant 0 : i32
    %dma_wait3A_341 = arith.constant 0 : i32
    %dma_wait3A_342 = tpu.memref_slice %arg2[%dma_wait3A_340, %dma_wait3A_341] : memref<10000x128xf32, #tpu.memory_space<hbm>> -> memref<10000x128xf32, #tpu.memory_space<hbm>>
    tpu.wait_indirect_dma semaphore(%arg17 : memref<!tpu.dma_semaphore, #tpu.memory_space<semaphore_mem>>) src(%dma_wait3A_342 : memref<10000x128xf32, #tpu.memory_space<hbm>>) dst(%arg7 : memref<128x128xf32, #tpu.memory_space<vmem>>)
    %dma_start3A_343 = arith.constant 3 : i32
    %dma_start3A_344 = arith.constant 1 : i32
    %dma_start3A_345 = arith.constant 0 : i32
    %dma_start3A_346 = tpu.memref_slice %arg6[%dma_start3A_343, %dma_start3A_344, %dma_start3A_345] : memref<6x2x128xi32, #tpu.memory_space<vmem>> -> memref<1x1x128xi32, #tpu.memory_space<vmem>>
    %dma_start3A_347 = tpu.memref_squeeze %dma_start3A_346 : memref<1x1x128xi32, #tpu.memory_space<vmem>> -> memref<128xi32, #tpu.memory_space<vmem>>
    %dma_start3A_348 = arith.constant 0 : i32
    %dma_start3A_349 = arith.constant 0 : i32
    %dma_start3A_350 = tpu.memref_slice %arg10[%dma_start3A_348, %dma_start3A_349] : memref<10000x128xf32, #tpu.memory_space<vmem_shared>> -> memref<10000x128xf32, #tpu.memory_space<vmem_shared>>
    tpu.enqueue_indirect_dma source(%arg7 : memref<128x128xf32, #tpu.memory_space<vmem>>) target(%dma_start3A_350 : memref<10000x128xf32, #tpu.memory_space<vmem_shared>>) offsets(%dma_start3A_347 : memref<128xi32, #tpu.memory_space<vmem>>) semaphore(%arg20 : memref<!tpu.dma_semaphore, #tpu.memory_space<semaphore_mem>>) {add = true}
    %dma_wait3A_351 = arith.constant 0 : i32
    %dma_wait3A_352 = arith.constant 5 : i32
    %dma_wait3A_353 = arith.constant 0 : i32
    %dma_wait3A_354 = arith.constant 0 : i32
    %dma_wait3A_355 = tpu.memref_slice %arg6[%dma_wait3A_352, %dma_wait3A_353, %dma_wait3A_354] : memref<6x2x128xi32, #tpu.memory_space<vmem>> -> memref<1x2x128xi32, #tpu.memory_space<vmem>>
    %dma_wait3A_356 = tpu.memref_squeeze %dma_wait3A_355 : memref<1x2x128xi32, #tpu.memory_space<vmem>> -> memref<2x128xi32, #tpu.memory_space<vmem>>
    %dma_wait3A_357 = arith.constant 0 : i32
    %dma_wait3A_358 = arith.constant 0 : i32
    %dma_wait3A_359 = tpu.memref_slice %arg3[%dma_wait3A_351, %dma_wait3A_357, %dma_wait3A_358] : memref<2500x2x128xi32, #tpu.memory_space<hbm>> -> memref<1x2x128xi32, #tpu.memory_space<hbm>>
    %dma_wait3A_360 = tpu.memref_squeeze %dma_wait3A_359 : memref<1x2x128xi32, #tpu.memory_space<hbm>> -> memref<2x128xi32, #tpu.memory_space<hbm>>
    %dma_wait3A_361 = arith.constant 0 : i32
    %dma_wait3A_362 = arith.constant 0 : i32
    %dma_wait3A_363 = tpu.memref_slice %arg6[%dma_wait3A_352, %dma_wait3A_361, %dma_wait3A_362] : memref<6x2x128xi32, #tpu.memory_space<vmem>> -> memref<1x2x128xi32, #tpu.memory_space<vmem>>
    %dma_wait3A_364 = tpu.memref_squeeze %dma_wait3A_363 : memref<1x2x128xi32, #tpu.memory_space<vmem>> -> memref<2x128xi32, #tpu.memory_space<vmem>>
    %dma_wait3A_365 = arith.constant 0 : i32
    %dma_wait3A_366 = arith.constant 0 : i32
    %dma_wait3A_367 = tpu.memref_slice %arg3[%dma_wait3A_351, %dma_wait3A_365, %dma_wait3A_366] : memref<2500x2x128xi32, #tpu.memory_space<hbm>> -> memref<1x2x128xi32, #tpu.memory_space<hbm>>
    %dma_wait3A_368 = tpu.memref_squeeze %dma_wait3A_367 : memref<1x2x128xi32, #tpu.memory_space<hbm>> -> memref<2x128xi32, #tpu.memory_space<hbm>>
    tpu.wait_dma2 semaphore(%arg16 : memref<!tpu.dma_semaphore, #tpu.memory_space<semaphore_mem>>) src(%dma_wait3A_368 : memref<2x128xi32, #tpu.memory_space<hbm>>) dst(%dma_wait3A_364 : memref<2x128xi32, #tpu.memory_space<vmem>>)
    %dma_wait3A_369 = arith.constant 0 : i32
    %dma_wait3A_370 = arith.constant 1 : i32
    %dma_wait3A_371 = arith.constant 0 : i32
    %dma_wait3A_372 = tpu.memref_slice %arg6[%dma_wait3A_369, %dma_wait3A_370, %dma_wait3A_371] : memref<6x2x128xi32, #tpu.memory_space<vmem>> -> memref<1x1x128xi32, #tpu.memory_space<vmem>>
    %dma_wait3A_373 = tpu.memref_squeeze %dma_wait3A_372 : memref<1x1x128xi32, #tpu.memory_space<vmem>> -> memref<128xi32, #tpu.memory_space<vmem>>
    %dma_wait3A_374 = arith.constant 0 : i32
    %dma_wait3A_375 = arith.constant 0 : i32
    %dma_wait3A_376 = tpu.memref_slice %arg10[%dma_wait3A_374, %dma_wait3A_375] : memref<10000x128xf32, #tpu.memory_space<vmem_shared>> -> memref<10000x128xf32, #tpu.memory_space<vmem_shared>>
    tpu.wait_indirect_dma semaphore(%arg22 : memref<!tpu.dma_semaphore, #tpu.memory_space<semaphore_mem>>) src(%arg9 : memref<128x128xf32, #tpu.memory_space<vmem>>) dst(%dma_wait3A_376 : memref<10000x128xf32, #tpu.memory_space<vmem_shared>>)
    %dma_start3A_377 = arith.constant 5 : i32
    %dma_start3A_378 = arith.constant 0 : i32
    %dma_start3A_379 = arith.constant 0 : i32
    %dma_start3A_380 = tpu.memref_slice %arg6[%dma_start3A_377, %dma_start3A_378, %dma_start3A_379] : memref<6x2x128xi32, #tpu.memory_space<vmem>> -> memref<1x1x128xi32, #tpu.memory_space<vmem>>
    %dma_start3A_381 = tpu.memref_squeeze %dma_start3A_380 : memref<1x1x128xi32, #tpu.memory_space<vmem>> -> memref<128xi32, #tpu.memory_space<vmem>>
    %dma_start3A_382 = arith.constant 0 : i32
    %dma_start3A_383 = arith.constant 0 : i32
    %dma_start3A_384 = tpu.memref_slice %arg2[%dma_start3A_382, %dma_start3A_383] : memref<10000x128xf32, #tpu.memory_space<hbm>> -> memref<10000x128xf32, #tpu.memory_space<hbm>>
    tpu.enqueue_indirect_dma source(%dma_start3A_384 : memref<10000x128xf32, #tpu.memory_space<hbm>>) target(%arg9 : memref<128x128xf32, #tpu.memory_space<vmem>>) offsets(%dma_start3A_381 : memref<128xi32, #tpu.memory_space<vmem>>) semaphore(%arg19 : memref<!tpu.dma_semaphore, #tpu.memory_space<semaphore_mem>>)
    %dma_wait3A_385 = arith.constant 0 : i32
    %dma_wait3A_386 = arith.constant 0 : i32
    %dma_wait3A_387 = arith.constant 0 : i32
    %dma_wait3A_388 = tpu.memref_slice %arg6[%dma_wait3A_385, %dma_wait3A_386, %dma_wait3A_387] : memref<6x2x128xi32, #tpu.memory_space<vmem>> -> memref<1x1x128xi32, #tpu.memory_space<vmem>>
    %dma_wait3A_389 = tpu.memref_squeeze %dma_wait3A_388 : memref<1x1x128xi32, #tpu.memory_space<vmem>> -> memref<128xi32, #tpu.memory_space<vmem>>
    %dma_wait3A_390 = arith.constant 0 : i32
    %dma_wait3A_391 = arith.constant 0 : i32
    %dma_wait3A_392 = tpu.memref_slice %arg2[%dma_wait3A_390, %dma_wait3A_391] : memref<10000x128xf32, #tpu.memory_space<hbm>> -> memref<10000x128xf32, #tpu.memory_space<hbm>>
    tpu.wait_indirect_dma semaphore(%arg18 : memref<!tpu.dma_semaphore, #tpu.memory_space<semaphore_mem>>) src(%dma_wait3A_392 : memref<10000x128xf32, #tpu.memory_space<hbm>>) dst(%arg8 : memref<128x128xf32, #tpu.memory_space<vmem>>)
    %dma_start3A_393 = arith.constant 4 : i32
    %dma_start3A_394 = arith.constant 1 : i32
    %dma_start3A_395 = arith.constant 0 : i32
    %dma_start3A_396 = tpu.memref_slice %arg6[%dma_start3A_393, %dma_start3A_394, %dma_start3A_395] : memref<6x2x128xi32, #tpu.memory_space<vmem>> -> memref<1x1x128xi32, #tpu.memory_space<vmem>>
    %dma_start3A_397 = tpu.memref_squeeze %dma_start3A_396 : memref<1x1x128xi32, #tpu.memory_space<vmem>> -> memref<128xi32, #tpu.memory_space<vmem>>
    %dma_start3A_398 = arith.constant 0 : i32
    %dma_start3A_399 = arith.constant 0 : i32
    %dma_start3A_400 = tpu.memref_slice %arg10[%dma_start3A_398, %dma_start3A_399] : memref<10000x128xf32, #tpu.memory_space<vmem_shared>> -> memref<10000x128xf32, #tpu.memory_space<vmem_shared>>
    tpu.enqueue_indirect_dma source(%arg8 : memref<128x128xf32, #tpu.memory_space<vmem>>) target(%dma_start3A_400 : memref<10000x128xf32, #tpu.memory_space<vmem_shared>>) offsets(%dma_start3A_397 : memref<128xi32, #tpu.memory_space<vmem>>) semaphore(%arg21 : memref<!tpu.dma_semaphore, #tpu.memory_space<semaphore_mem>>) {add = true}
    %dma_wait3A_401 = arith.constant 0 : i32
    %dma_wait3A_402 = arith.constant 0 : i32
    %dma_wait3A_403 = arith.constant 0 : i32
    %dma_wait3A_404 = tpu.memref_slice %arg6[%dma_wait3A_401, %dma_wait3A_402, %dma_wait3A_403] : memref<6x2x128xi32, #tpu.memory_space<vmem>> -> memref<1x1x128xi32, #tpu.memory_space<vmem>>
    %dma_wait3A_405 = tpu.memref_squeeze %dma_wait3A_404 : memref<1x1x128xi32, #tpu.memory_space<vmem>> -> memref<128xi32, #tpu.memory_space<vmem>>
    %dma_wait3A_406 = arith.constant 0 : i32
    %dma_wait3A_407 = arith.constant 0 : i32
    %dma_wait3A_408 = tpu.memref_slice %arg2[%dma_wait3A_406, %dma_wait3A_407] : memref<10000x128xf32, #tpu.memory_space<hbm>> -> memref<10000x128xf32, #tpu.memory_space<hbm>>
    tpu.wait_indirect_dma semaphore(%arg19 : memref<!tpu.dma_semaphore, #tpu.memory_space<semaphore_mem>>) src(%dma_wait3A_408 : memref<10000x128xf32, #tpu.memory_space<hbm>>) dst(%arg9 : memref<128x128xf32, #tpu.memory_space<vmem>>)
    %dma_start3A_409 = arith.constant 5 : i32
    %dma_start3A_410 = arith.constant 1 : i32
    %dma_start3A_411 = arith.constant 0 : i32
    %dma_start3A_412 = tpu.memref_slice %arg6[%dma_start3A_409, %dma_start3A_410, %dma_start3A_411] : memref<6x2x128xi32, #tpu.memory_space<vmem>> -> memref<1x1x128xi32, #tpu.memory_space<vmem>>
    %dma_start3A_413 = tpu.memref_squeeze %dma_start3A_412 : memref<1x1x128xi32, #tpu.memory_space<vmem>> -> memref<128xi32, #tpu.memory_space<vmem>>
    %dma_start3A_414 = arith.constant 0 : i32
    %dma_start3A_415 = arith.constant 0 : i32
    %dma_start3A_416 = tpu.memref_slice %arg10[%dma_start3A_414, %dma_start3A_415] : memref<10000x128xf32, #tpu.memory_space<vmem_shared>> -> memref<10000x128xf32, #tpu.memory_space<vmem_shared>>
    tpu.enqueue_indirect_dma source(%arg9 : memref<128x128xf32, #tpu.memory_space<vmem>>) target(%dma_start3A_416 : memref<10000x128xf32, #tpu.memory_space<vmem_shared>>) offsets(%dma_start3A_413 : memref<128xi32, #tpu.memory_space<vmem>>) semaphore(%arg22 : memref<!tpu.dma_semaphore, #tpu.memory_space<semaphore_mem>>) {add = true}
    %dma_wait3A_417 = arith.constant 0 : i32
    %dma_wait3A_418 = arith.constant 1 : i32
    %dma_wait3A_419 = arith.constant 0 : i32
    %dma_wait3A_420 = tpu.memref_slice %arg6[%dma_wait3A_417, %dma_wait3A_418, %dma_wait3A_419] : memref<6x2x128xi32, #tpu.memory_space<vmem>> -> memref<1x1x128xi32, #tpu.memory_space<vmem>>
    %dma_wait3A_421 = tpu.memref_squeeze %dma_wait3A_420 : memref<1x1x128xi32, #tpu.memory_space<vmem>> -> memref<128xi32, #tpu.memory_space<vmem>>
    %dma_wait3A_422 = arith.constant 0 : i32
    %dma_wait3A_423 = arith.constant 0 : i32
    %dma_wait3A_424 = tpu.memref_slice %arg10[%dma_wait3A_422, %dma_wait3A_423] : memref<10000x128xf32, #tpu.memory_space<vmem_shared>> -> memref<10000x128xf32, #tpu.memory_space<vmem_shared>>
    tpu.wait_indirect_dma semaphore(%arg20 : memref<!tpu.dma_semaphore, #tpu.memory_space<semaphore_mem>>) src(%arg7 : memref<128x128xf32, #tpu.memory_space<vmem>>) dst(%dma_wait3A_424 : memref<10000x128xf32, #tpu.memory_space<vmem_shared>>)
    %dma_wait3A_425 = arith.constant 0 : i32
    %dma_wait3A_426 = arith.constant 1 : i32
    %dma_wait3A_427 = arith.constant 0 : i32
    %dma_wait3A_428 = tpu.memref_slice %arg6[%dma_wait3A_425, %dma_wait3A_426, %dma_wait3A_427] : memref<6x2x128xi32, #tpu.memory_space<vmem>> -> memref<1x1x128xi32, #tpu.memory_space<vmem>>
    %dma_wait3A_429 = tpu.memref_squeeze %dma_wait3A_428 : memref<1x1x128xi32, #tpu.memory_space<vmem>> -> memref<128xi32, #tpu.memory_space<vmem>>
    %dma_wait3A_430 = arith.constant 0 : i32
    %dma_wait3A_431 = arith.constant 0 : i32
    %dma_wait3A_432 = tpu.memref_slice %arg10[%dma_wait3A_430, %dma_wait3A_431] : memref<10000x128xf32, #tpu.memory_space<vmem_shared>> -> memref<10000x128xf32, #tpu.memory_space<vmem_shared>>
    tpu.wait_indirect_dma semaphore(%arg21 : memref<!tpu.dma_semaphore, #tpu.memory_space<semaphore_mem>>) src(%arg8 : memref<128x128xf32, #tpu.memory_space<vmem>>) dst(%dma_wait3A_432 : memref<10000x128xf32, #tpu.memory_space<vmem_shared>>)
    %dma_wait3A_433 = arith.constant 0 : i32
    %dma_wait3A_434 = arith.constant 1 : i32
    %dma_wait3A_435 = arith.constant 0 : i32
    %dma_wait3A_436 = tpu.memref_slice %arg6[%dma_wait3A_433, %dma_wait3A_434, %dma_wait3A_435] : memref<6x2x128xi32, #tpu.memory_space<vmem>> -> memref<1x1x128xi32, #tpu.memory_space<vmem>>
    %dma_wait3A_437 = tpu.memref_squeeze %dma_wait3A_436 : memref<1x1x128xi32, #tpu.memory_space<vmem>> -> memref<128xi32, #tpu.memory_space<vmem>>
    %dma_wait3A_438 = arith.constant 0 : i32
    %dma_wait3A_439 = arith.constant 0 : i32
    %dma_wait3A_440 = tpu.memref_slice %arg10[%dma_wait3A_438, %dma_wait3A_439] : memref<10000x128xf32, #tpu.memory_space<vmem_shared>> -> memref<10000x128xf32, #tpu.memory_space<vmem_shared>>
    tpu.wait_indirect_dma semaphore(%arg22 : memref<!tpu.dma_semaphore, #tpu.memory_space<semaphore_mem>>) src(%arg9 : memref<128x128xf32, #tpu.memory_space<vmem>>) dst(%dma_wait3A_440 : memref<10000x128xf32, #tpu.memory_space<vmem_shared>>)
    %lt3A = arith.constant 4 : i32
    %lt3A_441 = arith.cmpi slt, %add3A, %lt3A : i32
    %convert_element_type3A_442 = arith.extui %lt3A_441 : i1 to i32
    %cond3A_443 = arith.constant 0 : i32
    %cond3A_444 = arith.cmpi ne, %convert_element_type3A_442, %cond3A_443 : i32
    scf.if %cond3A_444 {
      %add3A_451 = arith.constant 2496 : i32
      %add3A_452 = arith.addi %add3A_451, %add3A : i32
      %run_scoped3A = arith.constant 0 : i32
      "tpu.region"() ({
        %run_scoped3A_471 = tpu.sem_alloc : memref<!tpu.dma_semaphore, #tpu.memory_space<semaphore_mem>>
        %dma_start3A_472 = arith.constant 0 : i32
        %dma_start3A_473 = arith.constant 0 : i32
        %dma_start3A_474 = tpu.memref_slice %arg6[%run_scoped3A, %dma_start3A_472, %dma_start3A_473] : memref<6x2x128xi32, #tpu.memory_space<vmem>> -> memref<1x2x128xi32, #tpu.memory_space<vmem>>
        %dma_start3A_475 = tpu.memref_squeeze %dma_start3A_474 : memref<1x2x128xi32, #tpu.memory_space<vmem>> -> memref<2x128xi32, #tpu.memory_space<vmem>>
        %dma_start3A_476 = arith.constant 0 : i32
        %dma_start3A_477 = arith.constant 0 : i32
        %dma_start3A_478 = tpu.memref_slice %arg3[%add3A_452, %dma_start3A_476, %dma_start3A_477] : memref<2500x2x128xi32, #tpu.memory_space<hbm>> -> memref<1x2x128xi32, #tpu.memory_space<hbm>>
        %dma_start3A_479 = tpu.memref_squeeze %dma_start3A_478 : memref<1x2x128xi32, #tpu.memory_space<hbm>> -> memref<2x128xi32, #tpu.memory_space<hbm>>
        %dma_start3A_480 = arith.constant 0 : i32
        %dma_start3A_481 = arith.constant 0 : i32
        %dma_start3A_482 = tpu.memref_slice %arg6[%run_scoped3A, %dma_start3A_480, %dma_start3A_481] : memref<6x2x128xi32, #tpu.memory_space<vmem>> -> memref<1x2x128xi32, #tpu.memory_space<vmem>>
        %dma_start3A_483 = tpu.memref_squeeze %dma_start3A_482 : memref<1x2x128xi32, #tpu.memory_space<vmem>> -> memref<2x128xi32, #tpu.memory_space<vmem>>
        %dma_start3A_484 = arith.constant 0 : i32
        %dma_start3A_485 = arith.constant 0 : i32
        %dma_start3A_486 = tpu.memref_slice %arg3[%add3A_452, %dma_start3A_484, %dma_start3A_485] : memref<2500x2x128xi32, #tpu.memory_space<hbm>> -> memref<1x2x128xi32, #tpu.memory_space<hbm>>
        %dma_start3A_487 = tpu.memref_squeeze %dma_start3A_486 : memref<1x2x128xi32, #tpu.memory_space<hbm>> -> memref<2x128xi32, #tpu.memory_space<hbm>>
        tpu.enqueue_dma source(%dma_start3A_487 : memref<2x128xi32, #tpu.memory_space<hbm>>) target(%dma_start3A_483 : memref<2x128xi32, #tpu.memory_space<vmem>>) target_semaphore(%run_scoped3A_471 : memref<!tpu.dma_semaphore, #tpu.memory_space<semaphore_mem>>)
        %dma_wait3A_488 = arith.constant 0 : i32
        %dma_wait3A_489 = arith.constant 0 : i32
        %dma_wait3A_490 = tpu.memref_slice %arg6[%run_scoped3A, %dma_wait3A_488, %dma_wait3A_489] : memref<6x2x128xi32, #tpu.memory_space<vmem>> -> memref<1x2x128xi32, #tpu.memory_space<vmem>>
        %dma_wait3A_491 = tpu.memref_squeeze %dma_wait3A_490 : memref<1x2x128xi32, #tpu.memory_space<vmem>> -> memref<2x128xi32, #tpu.memory_space<vmem>>
        %dma_wait3A_492 = arith.constant 0 : i32
        %dma_wait3A_493 = arith.constant 0 : i32
        %dma_wait3A_494 = tpu.memref_slice %arg3[%add3A_452, %dma_wait3A_492, %dma_wait3A_493] : memref<2500x2x128xi32, #tpu.memory_space<hbm>> -> memref<1x2x128xi32, #tpu.memory_space<hbm>>
        %dma_wait3A_495 = tpu.memref_squeeze %dma_wait3A_494 : memref<1x2x128xi32, #tpu.memory_space<hbm>> -> memref<2x128xi32, #tpu.memory_space<hbm>>
        %dma_wait3A_496 = arith.constant 0 : i32
        %dma_wait3A_497 = arith.constant 0 : i32
        %dma_wait3A_498 = tpu.memref_slice %arg6[%run_scoped3A, %dma_wait3A_496, %dma_wait3A_497] : memref<6x2x128xi32, #tpu.memory_space<vmem>> -> memref<1x2x128xi32, #tpu.memory_space<vmem>>
        %dma_wait3A_499 = tpu.memref_squeeze %dma_wait3A_498 : memref<1x2x128xi32, #tpu.memory_space<vmem>> -> memref<2x128xi32, #tpu.memory_space<vmem>>
        %dma_wait3A_500 = arith.constant 0 : i32
        %dma_wait3A_501 = arith.constant 0 : i32
        %dma_wait3A_502 = tpu.memref_slice %arg3[%add3A_452, %dma_wait3A_500, %dma_wait3A_501] : memref<2500x2x128xi32, #tpu.memory_space<hbm>> -> memref<1x2x128xi32, #tpu.memory_space<hbm>>
        %dma_wait3A_503 = tpu.memref_squeeze %dma_wait3A_502 : memref<1x2x128xi32, #tpu.memory_space<hbm>> -> memref<2x128xi32, #tpu.memory_space<hbm>>
        tpu.wait_dma2 semaphore(%run_scoped3A_471 : memref<!tpu.dma_semaphore, #tpu.memory_space<semaphore_mem>>) src(%dma_wait3A_503 : memref<2x128xi32, #tpu.memory_space<hbm>>) dst(%dma_wait3A_499 : memref<2x128xi32, #tpu.memory_space<vmem>>)
        tpu.yield
      }) : () -> ()
      %dma_start3A_453 = arith.constant 0 : i32
      %dma_start3A_454 = arith.constant 0 : i32
      %dma_start3A_455 = arith.constant 0 : i32
      %dma_start3A_456 = tpu.memref_slice %arg6[%dma_start3A_453, %dma_start3A_454, %dma_start3A_455] : memref<6x2x128xi32, #tpu.memory_space<vmem>> -> memref<1x1x128xi32, #tpu.memory_space<vmem>>
      %dma_start3A_457 = tpu.memref_squeeze %dma_start3A_456 : memref<1x1x128xi32, #tpu.memory_space<vmem>> -> memref<128xi32, #tpu.memory_space<vmem>>
      %dma_start3A_458 = arith.constant 0 : i32
      %dma_start3A_459 = arith.constant 0 : i32
      %dma_start3A_460 = tpu.memref_slice %arg2[%dma_start3A_458, %dma_start3A_459] : memref<10000x128xf32, #tpu.memory_space<hbm>> -> memref<10000x128xf32, #tpu.memory_space<hbm>>
      tpu.enqueue_indirect_dma source(%dma_start3A_460 : memref<10000x128xf32, #tpu.memory_space<hbm>>) target(%arg7 : memref<128x128xf32, #tpu.memory_space<vmem>>) offsets(%dma_start3A_457 : memref<128xi32, #tpu.memory_space<vmem>>) semaphore(%arg17 : memref<!tpu.dma_semaphore, #tpu.memory_space<semaphore_mem>>)
      %dma_wait3A_461 = arith.constant 0 : i32
      %dma_wait3A_462 = arith.constant 0 : i32
      %dma_wait3A_463 = arith.constant 0 : i32
      %dma_wait3A_464 = tpu.memref_slice %arg6[%dma_wait3A_461, %dma_wait3A_462, %dma_wait3A_463] : memref<6x2x128xi32, #tpu.memory_space<vmem>> -> memref<1x1x128xi32, #tpu.memory_space<vmem>>
      %dma_wait3A_465 = tpu.memref_squeeze %dma_wait3A_464 : memref<1x1x128xi32, #tpu.memory_space<vmem>> -> memref<128xi32, #tpu.memory_space<vmem>>
      %dma_wait3A_466 = arith.constant 0 : i32
      %dma_wait3A_467 = arith.constant 0 : i32
      %dma_wait3A_468 = tpu.memref_slice %arg2[%dma_wait3A_466, %dma_wait3A_467] : memref<10000x128xf32, #tpu.memory_space<hbm>> -> memref<10000x128xf32, #tpu.memory_space<hbm>>
      tpu.wait_indirect_dma semaphore(%arg17 : memref<!tpu.dma_semaphore, #tpu.memory_space<semaphore_mem>>) src(%dma_wait3A_468 : memref<10000x128xf32, #tpu.memory_space<hbm>>) dst(%arg7 : memref<128x128xf32, #tpu.memory_space<vmem>>)
      %run_scoped3A_469 = arith.constant 0 : i32
      %run_scoped3A_470 = arith.constant 1 : i32
      "tpu.region"() ({
        %run_scoped3A_471 = tpu.sem_alloc : memref<!tpu.dma_semaphore, #tpu.memory_space<semaphore_mem>>
        %dma_start3A_472 = arith.constant 0 : i32
        %dma_start3A_473 = tpu.memref_slice %arg6[%run_scoped3A_469, %run_scoped3A_470, %dma_start3A_472] : memref<6x2x128xi32, #tpu.memory_space<vmem>> -> memref<1x1x128xi32, #tpu.memory_space<vmem>>
        %dma_start3A_474 = tpu.memref_squeeze %dma_start3A_473 : memref<1x1x128xi32, #tpu.memory_space<vmem>> -> memref<128xi32, #tpu.memory_space<vmem>>
        %dma_start3A_475 = arith.constant 0 : i32
        %dma_start3A_476 = arith.constant 0 : i32
        %dma_start3A_477 = tpu.memref_slice %arg10[%dma_start3A_475, %dma_start3A_476] : memref<10000x128xf32, #tpu.memory_space<vmem_shared>> -> memref<10000x128xf32, #tpu.memory_space<vmem_shared>>
        tpu.enqueue_indirect_dma source(%arg7 : memref<128x128xf32, #tpu.memory_space<vmem>>) target(%dma_start3A_477 : memref<10000x128xf32, #tpu.memory_space<vmem_shared>>) offsets(%dma_start3A_474 : memref<128xi32, #tpu.memory_space<vmem>>) semaphore(%run_scoped3A_471 : memref<!tpu.dma_semaphore, #tpu.memory_space<semaphore_mem>>) {add = true}
        %dma_wait3A_478 = arith.constant 0 : i32
        %dma_wait3A_479 = tpu.memref_slice %arg6[%run_scoped3A_469, %run_scoped3A_470, %dma_wait3A_478] : memref<6x2x128xi32, #tpu.memory_space<vmem>> -> memref<1x1x128xi32, #tpu.memory_space<vmem>>
        %dma_wait3A_480 = tpu.memref_squeeze %dma_wait3A_479 : memref<1x1x128xi32, #tpu.memory_space<vmem>> -> memref<128xi32, #tpu.memory_space<vmem>>
        %dma_wait3A_481 = arith.constant 0 : i32
        %dma_wait3A_482 = arith.constant 0 : i32
        %dma_wait3A_483 = tpu.memref_slice %arg10[%dma_wait3A_481, %dma_wait3A_482] : memref<10000x128xf32, #tpu.memory_space<vmem_shared>> -> memref<10000x128xf32, #tpu.memory_space<vmem_shared>>
        tpu.wait_indirect_dma semaphore(%run_scoped3A_471 : memref<!tpu.dma_semaphore, #tpu.memory_space<semaphore_mem>>) src(%arg7 : memref<128x128xf32, #tpu.memory_space<vmem>>) dst(%dma_wait3A_483 : memref<10000x128xf32, #tpu.memory_space<vmem_shared>>)
        tpu.yield
      }) : () -> ()
    } else {
    }
    %barrier3A_445 = arith.constant 0 : index
    tpu.barrier barrier_id(%barrier3A_445)
    "tpu.region"() ({
      %run_scoped3A = tpu.sem_alloc : memref<!tpu.dma_semaphore, #tpu.memory_space<semaphore_mem>>
      %dma_start3A_451 = arith.constant 0 : i32
      %dma_start3A_452 = tpu.memref_slice %arg5[%arg0, %mul3A_2, %dma_start3A_451] : memref<2x10000x128xf32, #tpu.memory_space<hbm>> -> memref<1x624x128xf32, #tpu.memory_space<hbm>>
      %dma_start3A_453 = tpu.memref_squeeze %dma_start3A_452 : memref<1x624x128xf32, #tpu.memory_space<hbm>> -> memref<624x128xf32, #tpu.memory_space<hbm>>
      %dma_start3A_454 = arith.constant 0 : i32
      %dma_start3A_455 = tpu.memref_slice %arg10[%mul3A_2, %dma_start3A_454] : memref<10000x128xf32, #tpu.memory_space<vmem_shared>> -> memref<624x128xf32, #tpu.memory_space<vmem_shared>>
      tpu.enqueue_dma source(%dma_start3A_455 : memref<624x128xf32, #tpu.memory_space<vmem_shared>>) target(%dma_start3A_453 : memref<624x128xf32, #tpu.memory_space<hbm>>) target_semaphore(%run_scoped3A : memref<!tpu.dma_semaphore, #tpu.memory_space<semaphore_mem>>)
      %dma_wait3A_456 = arith.constant 0 : i32
      %dma_wait3A_457 = tpu.memref_slice %arg5[%arg0, %mul3A_2, %dma_wait3A_456] : memref<2x10000x128xf32, #tpu.memory_space<hbm>> -> memref<1x624x128xf32, #tpu.memory_space<hbm>>
      %dma_wait3A_458 = tpu.memref_squeeze %dma_wait3A_457 : memref<1x624x128xf32, #tpu.memory_space<hbm>> -> memref<624x128xf32, #tpu.memory_space<hbm>>
      %dma_wait3A_459 = arith.constant 0 : i32
      %dma_wait3A_460 = tpu.memref_slice %arg10[%mul3A_2, %dma_wait3A_459] : memref<10000x128xf32, #tpu.memory_space<vmem_shared>> -> memref<624x128xf32, #tpu.memory_space<vmem_shared>>
      tpu.wait_dma2 semaphore(%run_scoped3A : memref<!tpu.dma_semaphore, #tpu.memory_space<semaphore_mem>>) src(%dma_wait3A_460 : memref<624x128xf32, #tpu.memory_space<vmem_shared>>) dst(%dma_wait3A_458 : memref<624x128xf32, #tpu.memory_space<hbm>>)
      tpu.yield
    }) : () -> ()
    %eq3A_446 = arith.constant 15 : i32
    %eq3A_447 = arith.cmpi eq, %arg1, %eq3A_446 : i32
    %convert_element_type3A_448 = arith.extui %eq3A_447 : i1 to i32
    %cond3A_449 = arith.constant 0 : i32
    %cond3A_450 = arith.cmpi ne, %convert_element_type3A_448, %cond3A_449 : i32
    scf.if %cond3A_450 {
      "tpu.region"() ({
        %run_scoped3A = tpu.sem_alloc : memref<!tpu.dma_semaphore, #tpu.memory_space<semaphore_mem>>
        %dma_start3A_451 = arith.constant 9984 : i32
        %dma_start3A_452 = arith.constant 0 : i32
        %dma_start3A_453 = tpu.memref_slice %arg5[%arg0, %dma_start3A_451, %dma_start3A_452] : memref<2x10000x128xf32, #tpu.memory_space<hbm>> -> memref<1x16x128xf32, #tpu.memory_space<hbm>>
        %dma_start3A_454 = tpu.memref_squeeze %dma_start3A_453 : memref<1x16x128xf32, #tpu.memory_space<hbm>> -> memref<16x128xf32, #tpu.memory_space<hbm>>
        %dma_start3A_455 = arith.constant 9984 : i32
        %dma_start3A_456 = arith.constant 0 : i32
        %dma_start3A_457 = tpu.memref_slice %arg10[%dma_start3A_455, %dma_start3A_456] : memref<10000x128xf32, #tpu.memory_space<vmem_shared>> -> memref<16x128xf32, #tpu.memory_space<vmem_shared>>
        tpu.enqueue_dma source(%dma_start3A_457 : memref<16x128xf32, #tpu.memory_space<vmem_shared>>) target(%dma_start3A_454 : memref<16x128xf32, #tpu.memory_space<hbm>>) target_semaphore(%run_scoped3A : memref<!tpu.dma_semaphore, #tpu.memory_space<semaphore_mem>>)
        %dma_wait3A_458 = arith.constant 9984 : i32
        %dma_wait3A_459 = arith.constant 0 : i32
        %dma_wait3A_460 = tpu.memref_slice %arg5[%arg0, %dma_wait3A_458, %dma_wait3A_459] : memref<2x10000x128xf32, #tpu.memory_space<hbm>> -> memref<1x16x128xf32, #tpu.memory_space<hbm>>
        %dma_wait3A_461 = tpu.memref_squeeze %dma_wait3A_460 : memref<1x16x128xf32, #tpu.memory_space<hbm>> -> memref<16x128xf32, #tpu.memory_space<hbm>>
        %dma_wait3A_462 = arith.constant 9984 : i32
        %dma_wait3A_463 = arith.constant 0 : i32
        %dma_wait3A_464 = tpu.memref_slice %arg10[%dma_wait3A_462, %dma_wait3A_463] : memref<10000x128xf32, #tpu.memory_space<vmem_shared>> -> memref<16x128xf32, #tpu.memory_space<vmem_shared>>
        tpu.wait_dma2 semaphore(%run_scoped3A : memref<!tpu.dma_semaphore, #tpu.memory_space<semaphore_mem>>) src(%dma_wait3A_464 : memref<16x128xf32, #tpu.memory_space<vmem_shared>>) dst(%dma_wait3A_461 : memref<16x128xf32, #tpu.memory_space<hbm>>)
        tpu.yield
      }) : () -> ()
    } else {
    }
    return
  }
}

#map = affine_map<(d0, d1) -> (0, 0)>
#map1 = affine_map<(d0, d1) -> (0, 0, 0)>
module attributes {stable_mosaic.version = 14 : i64} {
  func.func @_agg_body(%arg0: i32, %arg1: i32, %arg2: memref<10000x128xf32, #tpu.memory_space<hbm>>, %arg3: memref<2500x2x128xi32, #tpu.memory_space<hbm>>, %arg4: memref<624x128xf32, #tpu.memory_space<hbm>>, %arg5: memref<2x10000x128xf32, #tpu.memory_space<hbm>>, %arg6: memref<6x2x128xi32, #tpu.memory_space<vmem>>, %arg7: memref<128x128xf32, #tpu.memory_space<vmem>>, %arg8: memref<128x128xf32, #tpu.memory_space<vmem>>, %arg9: memref<128x128xf32, #tpu.memory_space<vmem>>, %arg10: memref<10000x128xf32, #tpu.memory_space<vmem_shared>>, %arg11: memref<!tpu.dma_semaphore, #tpu.memory_space<semaphore_mem>>, %arg12: memref<!tpu.dma_semaphore, #tpu.memory_space<semaphore_mem>>, %arg13: memref<!tpu.dma_semaphore, #tpu.memory_space<semaphore_mem>>, %arg14: memref<!tpu.dma_semaphore, #tpu.memory_space<semaphore_mem>>, %arg15: memref<!tpu.dma_semaphore, #tpu.memory_space<semaphore_mem>>, %arg16: memref<!tpu.dma_semaphore, #tpu.memory_space<semaphore_mem>>, %arg17: memref<!tpu.dma_semaphore, #tpu.memory_space<semaphore_mem>>, %arg18: memref<!tpu.dma_semaphore, #tpu.memory_space<semaphore_mem>>, %arg19: memref<!tpu.dma_semaphore, #tpu.memory_space<semaphore_mem>>, %arg20: memref<!tpu.dma_semaphore, #tpu.memory_space<semaphore_mem>>, %arg21: memref<!tpu.dma_semaphore, #tpu.memory_space<semaphore_mem>>, %arg22: memref<!tpu.dma_semaphore, #tpu.memory_space<semaphore_mem>>) attributes {dimension_semantics = [#tpu.dimension_semantics<core_parallel>, #tpu.dimension_semantics<subcore_parallel>], iteration_bounds = array<i64: 2, 16>, scalar_prefetch = 0 : i64, scratch_operands = 17 : i64, tpu.core_type = #tpu.core_type<sc_vector_subcore>, window_params = [{transform_indices = #map}, {transform_indices = #map1}, {transform_indices = #map}, {transform_indices = #map1}]} {
    %mul3A = arith.constant 2 : i32
    %mul3A_0 = arith.muli %arg1, %mul3A : i32
    %add3A = arith.addi %mul3A_0, %arg0 : i32
    %mul3A_1 = arith.constant 624 : i32
    %mul3A_2 = arith.muli %arg1, %mul3A_1 : i32
    "tpu.region"() ({
      %run_scoped3A = tpu.sem_alloc : memref<!tpu.dma_semaphore, #tpu.memory_space<semaphore_mem>>
      %dma_start3A_451 = arith.constant 0 : i32
      %dma_start3A_452 = tpu.memref_slice %arg10[%mul3A_2, %dma_start3A_451] : memref<10000x128xf32, #tpu.memory_space<vmem_shared>> -> memref<624x128xf32, #tpu.memory_space<vmem_shared>>
      tpu.enqueue_dma source(%arg4 : memref<624x128xf32, #tpu.memory_space<hbm>>) target(%dma_start3A_452 : memref<624x128xf32, #tpu.memory_space<vmem_shared>>) target_semaphore(%run_scoped3A : memref<!tpu.dma_semaphore, #tpu.memory_space<semaphore_mem>>)
      %dma_wait3A_453 = arith.constant 0 : i32
      %dma_wait3A_454 = tpu.memref_slice %arg10[%mul3A_2, %dma_wait3A_453] : memref<10000x128xf32, #tpu.memory_space<vmem_shared>> -> memref<624x128xf32, #tpu.memory_space<vmem_shared>>
      tpu.wait_dma2 semaphore(%run_scoped3A : memref<!tpu.dma_semaphore, #tpu.memory_space<semaphore_mem>>) src(%arg4 : memref<624x128xf32, #tpu.memory_space<hbm>>) dst(%dma_wait3A_454 : memref<624x128xf32, #tpu.memory_space<vmem_shared>>)
      tpu.yield
    }) : () -> ()
    %eq3A = arith.constant 15 : i32
    %eq3A_3 = arith.cmpi eq, %arg1, %eq3A : i32
    %convert_element_type3A = arith.extui %eq3A_3 : i1 to i32
    %cond3A = arith.constant 0 : i32
    %cond3A_4 = arith.cmpi ne, %convert_element_type3A, %cond3A : i32
    scf.if %cond3A_4 {
      "tpu.region"() ({
        %run_scoped3A = tpu.sem_alloc : memref<!tpu.dma_semaphore, #tpu.memory_space<semaphore_mem>>
        %dma_start3A_451 = arith.constant 9984 : i32
        %dma_start3A_452 = arith.constant 0 : i32
        %dma_start3A_453 = tpu.memref_slice %arg10[%dma_start3A_451, %dma_start3A_452] : memref<10000x128xf32, #tpu.memory_space<vmem_shared>> -> memref<16x128xf32, #tpu.memory_space<vmem_shared>>
        %dma_start3A_454 = arith.constant 0 : i32
        %dma_start3A_455 = arith.constant 0 : i32
        %dma_start3A_456 = tpu.memref_slice %arg4[%dma_start3A_454, %dma_start3A_455] : memref<624x128xf32, #tpu.memory_space<hbm>> -> memref<16x128xf32, #tpu.memory_space<hbm>>
        tpu.enqueue_dma source(%dma_start3A_456 : memref<16x128xf32, #tpu.memory_space<hbm>>) target(%dma_start3A_453 : memref<16x128xf32, #tpu.memory_space<vmem_shared>>) target_semaphore(%run_scoped3A : memref<!tpu.dma_semaphore, #tpu.memory_space<semaphore_mem>>)
        %dma_wait3A_457 = arith.constant 9984 : i32
        %dma_wait3A_458 = arith.constant 0 : i32
        %dma_wait3A_459 = tpu.memref_slice %arg10[%dma_wait3A_457, %dma_wait3A_458] : memref<10000x128xf32, #tpu.memory_space<vmem_shared>> -> memref<16x128xf32, #tpu.memory_space<vmem_shared>>
        %dma_wait3A_460 = arith.constant 0 : i32
        %dma_wait3A_461 = arith.constant 0 : i32
        %dma_wait3A_462 = tpu.memref_slice %arg4[%dma_wait3A_460, %dma_wait3A_461] : memref<624x128xf32, #tpu.memory_space<hbm>> -> memref<16x128xf32, #tpu.memory_space<hbm>>
        tpu.wait_dma2 semaphore(%run_scoped3A : memref<!tpu.dma_semaphore, #tpu.memory_space<semaphore_mem>>) src(%dma_wait3A_462 : memref<16x128xf32, #tpu.memory_space<hbm>>) dst(%dma_wait3A_459 : memref<16x128xf32, #tpu.memory_space<vmem_shared>>)
        tpu.yield
      }) : () -> ()
    } else {
    }
    %barrier3A = arith.constant 0 : index
    tpu.barrier barrier_id(%barrier3A)
    %mul3A_5 = arith.constant 78 : i32
    %mul3A_6 = arith.muli %add3A, %mul3A_5 : i32
    %add3A_7 = arith.constant 0 : i32
    %add3A_8 = arith.addi %mul3A_6, %add3A_7 : i32
    %dma_start3A = arith.constant 0 : i32
    %dma_start3A_9 = arith.constant 0 : i32
    %dma_start3A_10 = arith.constant 0 : i32
    %dma_start3A_11 = tpu.memref_slice %arg6[%dma_start3A, %dma_start3A_9, %dma_start3A_10] : memref<6x2x128xi32, #tpu.memory_space<vmem>> -> memref<1x2x128xi32, #tpu.memory_space<vmem>>
    %dma_start3A_12 = tpu.memref_squeeze %dma_start3A_11 : memref<1x2x128xi32, #tpu.memory_space<vmem>> -> memref<2x128xi32, #tpu.memory_space<vmem>>
    %dma_start3A_13 = arith.constant 0 : i32
    %dma_start3A_14 = arith.constant 0 : i32
    %dma_start3A_15 = tpu.memref_slice %arg3[%add3A_8, %dma_start3A_13, %dma_start3A_14] : memref<2500x2x128xi32, #tpu.memory_space<hbm>> -> memref<1x2x128xi32, #tpu.memory_space<hbm>>
    %dma_start3A_16 = tpu.memref_squeeze %dma_start3A_15 : memref<1x2x128xi32, #tpu.memory_space<hbm>> -> memref<2x128xi32, #tpu.memory_space<hbm>>
    %dma_start3A_17 = arith.constant 0 : i32
    %dma_start3A_18 = arith.constant 0 : i32
    %dma_start3A_19 = tpu.memref_slice %arg6[%dma_start3A, %dma_start3A_17, %dma_start3A_18] : memref<6x2x128xi32, #tpu.memory_space<vmem>> -> memref<1x2x128xi32, #tpu.memory_space<vmem>>
    %dma_start3A_20 = tpu.memref_squeeze %dma_start3A_19 : memref<1x2x128xi32, #tpu.memory_space<vmem>> -> memref<2x128xi32, #tpu.memory_space<vmem>>
    %dma_start3A_21 = arith.constant 0 : i32
    %dma_start3A_22 = arith.constant 0 : i32
    %dma_start3A_23 = tpu.memref_slice %arg3[%add3A_8, %dma_start3A_21, %dma_start3A_22] : memref<2500x2x128xi32, #tpu.memory_space<hbm>> -> memref<1x2x128xi32, #tpu.memory_space<hbm>>
    %dma_start3A_24 = tpu.memref_squeeze %dma_start3A_23 : memref<1x2x128xi32, #tpu.memory_space<hbm>> -> memref<2x128xi32, #tpu.memory_space<hbm>>
    tpu.enqueue_dma source(%dma_start3A_24 : memref<2x128xi32, #tpu.memory_space<hbm>>) target(%dma_start3A_20 : memref<2x128xi32, #tpu.memory_space<vmem>>) target_semaphore(%arg11 : memref<!tpu.dma_semaphore, #tpu.memory_space<semaphore_mem>>)
    %add3A_25 = arith.constant 1 : i32
    %add3A_26 = arith.addi %mul3A_6, %add3A_25 : i32
    %dma_start3A_27 = arith.constant 1 : i32
    %dma_start3A_28 = arith.constant 0 : i32
    %dma_start3A_29 = arith.constant 0 : i32
    %dma_start3A_30 = tpu.memref_slice %arg6[%dma_start3A_27, %dma_start3A_28, %dma_start3A_29] : memref<6x2x128xi32, #tpu.memory_space<vmem>> -> memref<1x2x128xi32, #tpu.memory_space<vmem>>
    %dma_start3A_31 = tpu.memref_squeeze %dma_start3A_30 : memref<1x2x128xi32, #tpu.memory_space<vmem>> -> memref<2x128xi32, #tpu.memory_space<vmem>>
    %dma_start3A_32 = arith.constant 0 : i32
    %dma_start3A_33 = arith.constant 0 : i32
    %dma_start3A_34 = tpu.memref_slice %arg3[%add3A_26, %dma_start3A_32, %dma_start3A_33] : memref<2500x2x128xi32, #tpu.memory_space<hbm>> -> memref<1x2x128xi32, #tpu.memory_space<hbm>>
    %dma_start3A_35 = tpu.memref_squeeze %dma_start3A_34 : memref<1x2x128xi32, #tpu.memory_space<hbm>> -> memref<2x128xi32, #tpu.memory_space<hbm>>
    %dma_start3A_36 = arith.constant 0 : i32
    %dma_start3A_37 = arith.constant 0 : i32
    %dma_start3A_38 = tpu.memref_slice %arg6[%dma_start3A_27, %dma_start3A_36, %dma_start3A_37] : memref<6x2x128xi32, #tpu.memory_space<vmem>> -> memref<1x2x128xi32, #tpu.memory_space<vmem>>
    %dma_start3A_39 = tpu.memref_squeeze %dma_start3A_38 : memref<1x2x128xi32, #tpu.memory_space<vmem>> -> memref<2x128xi32, #tpu.memory_space<vmem>>
    %dma_start3A_40 = arith.constant 0 : i32
    %dma_start3A_41 = arith.constant 0 : i32
    %dma_start3A_42 = tpu.memref_slice %arg3[%add3A_26, %dma_start3A_40, %dma_start3A_41] : memref<2500x2x128xi32, #tpu.memory_space<hbm>> -> memref<1x2x128xi32, #tpu.memory_space<hbm>>
    %dma_start3A_43 = tpu.memref_squeeze %dma_start3A_42 : memref<1x2x128xi32, #tpu.memory_space<hbm>> -> memref<2x128xi32, #tpu.memory_space<hbm>>
    tpu.enqueue_dma source(%dma_start3A_43 : memref<2x128xi32, #tpu.memory_space<hbm>>) target(%dma_start3A_39 : memref<2x128xi32, #tpu.memory_space<vmem>>) target_semaphore(%arg12 : memref<!tpu.dma_semaphore, #tpu.memory_space<semaphore_mem>>)
    %dma_wait3A = arith.constant 0 : i32
    %dma_wait3A_44 = arith.constant 0 : i32
    %dma_wait3A_45 = arith.constant 0 : i32
    %dma_wait3A_46 = arith.constant 0 : i32
    %dma_wait3A_47 = tpu.memref_slice %arg6[%dma_wait3A_44, %dma_wait3A_45, %dma_wait3A_46] : memref<6x2x128xi32, #tpu.memory_space<vmem>> -> memref<1x2x128xi32, #tpu.memory_space<vmem>>
    %dma_wait3A_48 = tpu.memref_squeeze %dma_wait3A_47 : memref<1x2x128xi32, #tpu.memory_space<vmem>> -> memref<2x128xi32, #tpu.memory_space<vmem>>
    %dma_wait3A_49 = arith.constant 0 : i32
    %dma_wait3A_50 = arith.constant 0 : i32
    %dma_wait3A_51 = tpu.memref_slice %arg3[%dma_wait3A, %dma_wait3A_49, %dma_wait3A_50] : memref<2500x2x128xi32, #tpu.memory_space<hbm>> -> memref<1x2x128xi32, #tpu.memory_space<hbm>>
    %dma_wait3A_52 = tpu.memref_squeeze %dma_wait3A_51 : memref<1x2x128xi32, #tpu.memory_space<hbm>> -> memref<2x128xi32, #tpu.memory_space<hbm>>
    %dma_wait3A_53 = arith.constant 0 : i32
    %dma_wait3A_54 = arith.constant 0 : i32
    %dma_wait3A_55 = tpu.memref_slice %arg6[%dma_wait3A_44, %dma_wait3A_53, %dma_wait3A_54] : memref<6x2x128xi32, #tpu.memory_space<vmem>> -> memref<1x2x128xi32, #tpu.memory_space<vmem>>
    %dma_wait3A_56 = tpu.memref_squeeze %dma_wait3A_55 : memref<1x2x128xi32, #tpu.memory_space<vmem>> -> memref<2x128xi32, #tpu.memory_space<vmem>>
    %dma_wait3A_57 = arith.constant 0 : i32
    %dma_wait3A_58 = arith.constant 0 : i32
    %dma_wait3A_59 = tpu.memref_slice %arg3[%dma_wait3A, %dma_wait3A_57, %dma_wait3A_58] : memref<2500x2x128xi32, #tpu.memory_space<hbm>> -> memref<1x2x128xi32, #tpu.memory_space<hbm>>
    %dma_wait3A_60 = tpu.memref_squeeze %dma_wait3A_59 : memref<1x2x128xi32, #tpu.memory_space<hbm>> -> memref<2x128xi32, #tpu.memory_space<hbm>>
    tpu.wait_dma2 semaphore(%arg11 : memref<!tpu.dma_semaphore, #tpu.memory_space<semaphore_mem>>) src(%dma_wait3A_60 : memref<2x128xi32, #tpu.memory_space<hbm>>) dst(%dma_wait3A_56 : memref<2x128xi32, #tpu.memory_space<vmem>>)
    %dma_start3A_61 = arith.constant 0 : i32
    %dma_start3A_62 = arith.constant 0 : i32
    %dma_start3A_63 = arith.constant 0 : i32
    %dma_start3A_64 = tpu.memref_slice %arg6[%dma_start3A_61, %dma_start3A_62, %dma_start3A_63] : memref<6x2x128xi32, #tpu.memory_space<vmem>> -> memref<1x1x128xi32, #tpu.memory_space<vmem>>
    %dma_start3A_65 = tpu.memref_squeeze %dma_start3A_64 : memref<1x1x128xi32, #tpu.memory_space<vmem>> -> memref<128xi32, #tpu.memory_space<vmem>>
    %dma_start3A_66 = arith.constant 0 : i32
    %dma_start3A_67 = arith.constant 0 : i32
    %dma_start3A_68 = tpu.memref_slice %arg2[%dma_start3A_66, %dma_start3A_67] : memref<10000x128xf32, #tpu.memory_space<hbm>> -> memref<10000x128xf32, #tpu.memory_space<hbm>>
    tpu.enqueue_indirect_dma source(%dma_start3A_68 : memref<10000x128xf32, #tpu.memory_space<hbm>>) target(%arg7 : memref<128x128xf32, #tpu.memory_space<vmem>>) offsets(%dma_start3A_65 : memref<128xi32, #tpu.memory_space<vmem>>) semaphore(%arg17 : memref<!tpu.dma_semaphore, #tpu.memory_space<semaphore_mem>>)
    %scan3A = arith.constant 0 : i32
    %scan3A_69 = arith.constant 0 : i32
    %scan3A_70 = arith.constant 12 : i32
    %scan3A_71 = arith.addi %scan3A_69, %scan3A_70 : i32
    %scan3A_72 = arith.constant 1 : i32
    %scan3A_73 = scf.for %scan3A_451 = %scan3A_69 to %scan3A_71 step %scan3A_72 iter_args(%scan3A_452 = %scan3A) -> (i32)  : i32 {
      %mul3A_453 = arith.constant 6 : i32
      %mul3A_454 = arith.muli %mul3A_453, %scan3A_451 : i32
      %add3A_455 = arith.constant 0 : i32
      %add3A_456 = arith.addi %mul3A_454, %add3A_455 : i32
      %add3A_457 = arith.constant 2 : i32
      %add3A_458 = arith.addi %add3A_456, %add3A_457 : i32
      %mul3A_459 = arith.constant 6 : i32
      %mul3A_460 = arith.muli %mul3A_459, %scan3A_451 : i32
      %add3A_461 = arith.constant 0 : i32
      %add3A_462 = arith.addi %mul3A_460, %add3A_461 : i32
      %add3A_463 = arith.constant 1 : i32
      %add3A_464 = arith.addi %add3A_462, %add3A_463 : i32
      %add3A_465 = arith.addi %mul3A_6, %add3A_458 : i32
      %dma_start3A_466 = arith.constant 2 : i32
      %dma_start3A_467 = arith.constant 0 : i32
      %dma_start3A_468 = arith.constant 0 : i32
      %dma_start3A_469 = tpu.memref_slice %arg6[%dma_start3A_466, %dma_start3A_467, %dma_start3A_468] : memref<6x2x128xi32, #tpu.memory_space<vmem>> -> memref<1x2x128xi32, #tpu.memory_space<vmem>>
      %dma_start3A_470 = tpu.memref_squeeze %dma_start3A_469 : memref<1x2x128xi32, #tpu.memory_space<vmem>> -> memref<2x128xi32, #tpu.memory_space<vmem>>
      %dma_start3A_471 = arith.constant 0 : i32
      %dma_start3A_472 = arith.constant 0 : i32
      %dma_start3A_473 = tpu.memref_slice %arg3[%add3A_465, %dma_start3A_471, %dma_start3A_472] : memref<2500x2x128xi32, #tpu.memory_space<hbm>> -> memref<1x2x128xi32, #tpu.memory_space<hbm>>
      %dma_start3A_474 = tpu.memref_squeeze %dma_start3A_473 : memref<1x2x128xi32, #tpu.memory_space<hbm>> -> memref<2x128xi32, #tpu.memory_space<hbm>>
      %dma_start3A_475 = arith.constant 0 : i32
      %dma_start3A_476 = arith.constant 0 : i32
      %dma_start3A_477 = tpu.memref_slice %arg6[%dma_start3A_466, %dma_start3A_475, %dma_start3A_476] : memref<6x2x128xi32, #tpu.memory_space<vmem>> -> memref<1x2x128xi32, #tpu.memory_space<vmem>>
      %dma_start3A_478 = tpu.memref_squeeze %dma_start3A_477 : memref<1x2x128xi32, #tpu.memory_space<vmem>> -> memref<2x128xi32, #tpu.memory_space<vmem>>
      %dma_start3A_479 = arith.constant 0 : i32
      %dma_start3A_480 = arith.constant 0 : i32
      %dma_start3A_481 = tpu.memref_slice %arg3[%add3A_465, %dma_start3A_479, %dma_start3A_480] : memref<2500x2x128xi32, #tpu.memory_space<hbm>> -> memref<1x2x128xi32, #tpu.memory_space<hbm>>
      %dma_start3A_482 = tpu.memref_squeeze %dma_start3A_481 : memref<1x2x128xi32, #tpu.memory_space<hbm>> -> memref<2x128xi32, #tpu.memory_space<hbm>>
      tpu.enqueue_dma source(%dma_start3A_482 : memref<2x128xi32, #tpu.memory_space<hbm>>) target(%dma_start3A_478 : memref<2x128xi32, #tpu.memory_space<vmem>>) target_semaphore(%arg13 : memref<!tpu.dma_semaphore, #tpu.memory_space<semaphore_mem>>)
      %dma_wait3A_483 = arith.constant 0 : i32
      %dma_wait3A_484 = arith.constant 1 : i32
      %dma_wait3A_485 = arith.constant 0 : i32
      %dma_wait3A_486 = arith.constant 0 : i32
      %dma_wait3A_487 = tpu.memref_slice %arg6[%dma_wait3A_484, %dma_wait3A_485, %dma_wait3A_486] : memref<6x2x128xi32, #tpu.memory_space<vmem>> -> memref<1x2x128xi32, #tpu.memory_space<vmem>>
      %dma_wait3A_488 = tpu.memref_squeeze %dma_wait3A_487 : memref<1x2x128xi32, #tpu.memory_space<vmem>> -> memref<2x128xi32, #tpu.memory_space<vmem>>
      %dma_wait3A_489 = arith.constant 0 : i32
      %dma_wait3A_490 = arith.constant 0 : i32
      %dma_wait3A_491 = tpu.memref_slice %arg3[%dma_wait3A_483, %dma_wait3A_489, %dma_wait3A_490] : memref<2500x2x128xi32, #tpu.memory_space<hbm>> -> memref<1x2x128xi32, #tpu.memory_space<hbm>>
      %dma_wait3A_492 = tpu.memref_squeeze %dma_wait3A_491 : memref<1x2x128xi32, #tpu.memory_space<hbm>> -> memref<2x128xi32, #tpu.memory_space<hbm>>
      %dma_wait3A_493 = arith.constant 0 : i32
      %dma_wait3A_494 = arith.constant 0 : i32
      %dma_wait3A_495 = tpu.memref_slice %arg6[%dma_wait3A_484, %dma_wait3A_493, %dma_wait3A_494] : memref<6x2x128xi32, #tpu.memory_space<vmem>> -> memref<1x2x128xi32, #tpu.memory_space<vmem>>
      %dma_wait3A_496 = tpu.memref_squeeze %dma_wait3A_495 : memref<1x2x128xi32, #tpu.memory_space<vmem>> -> memref<2x128xi32, #tpu.memory_space<vmem>>
      %dma_wait3A_497 = arith.constant 0 : i32
      %dma_wait3A_498 = arith.constant 0 : i32
      %dma_wait3A_499 = tpu.memref_slice %arg3[%dma_wait3A_483, %dma_wait3A_497, %dma_wait3A_498] : memref<2500x2x128xi32, #tpu.memory_space<hbm>> -> memref<1x2x128xi32, #tpu.memory_space<hbm>>
      %dma_wait3A_500 = tpu.memref_squeeze %dma_wait3A_499 : memref<1x2x128xi32, #tpu.memory_space<hbm>> -> memref<2x128xi32, #tpu.memory_space<hbm>>
      tpu.wait_dma2 semaphore(%arg12 : memref<!tpu.dma_semaphore, #tpu.memory_space<semaphore_mem>>) src(%dma_wait3A_500 : memref<2x128xi32, #tpu.memory_space<hbm>>) dst(%dma_wait3A_496 : memref<2x128xi32, #tpu.memory_space<vmem>>)
      %gt3A = arith.constant 0 : i32
      %gt3A_501 = arith.cmpi sgt, %scan3A_451, %gt3A : i32
      %convert_element_type3A_502 = arith.extui %gt3A_501 : i1 to i32
      %cond3A_503 = arith.constant 0 : i32
      %cond3A_504 = arith.cmpi ne, %convert_element_type3A_502, %cond3A_503 : i32
      scf.if %cond3A_504 {
        %dma_wait3A_927 = arith.constant 0 : i32
        %dma_wait3A_928 = arith.constant 1 : i32
        %dma_wait3A_929 = arith.constant 0 : i32
        %dma_wait3A_930 = tpu.memref_slice %arg6[%dma_wait3A_927, %dma_wait3A_928, %dma_wait3A_929] : memref<6x2x128xi32, #tpu.memory_space<vmem>> -> memref<1x1x128xi32, #tpu.memory_space<vmem>>
        %dma_wait3A_931 = tpu.memref_squeeze %dma_wait3A_930 : memref<1x1x128xi32, #tpu.memory_space<vmem>> -> memref<128xi32, #tpu.memory_space<vmem>>
        %dma_wait3A_932 = arith.constant 0 : i32
        %dma_wait3A_933 = arith.constant 0 : i32
        %dma_wait3A_934 = tpu.memref_slice %arg10[%dma_wait3A_932, %dma_wait3A_933] : memref<10000x128xf32, #tpu.memory_space<vmem_shared>> -> memref<10000x128xf32, #tpu.memory_space<vmem_shared>>
        tpu.wait_indirect_dma semaphore(%arg21 : memref<!tpu.dma_semaphore, #tpu.memory_space<semaphore_mem>>) src(%arg8 : memref<128x128xf32, #tpu.memory_space<vmem>>) dst(%dma_wait3A_934 : memref<10000x128xf32, #tpu.memory_space<vmem_shared>>)
      } else {
      }
      %dma_start3A_505 = arith.constant 1 : i32
      %dma_start3A_506 = arith.constant 0 : i32
      %dma_start3A_507 = arith.constant 0 : i32
      %dma_start3A_508 = tpu.memref_slice %arg6[%dma_start3A_505, %dma_start3A_506, %dma_start3A_507] : memref<6x2x128xi32, #tpu.memory_space<vmem>> -> memref<1x1x128xi32, #tpu.memory_space<vmem>>
      %dma_start3A_509 = tpu.memref_squeeze %dma_start3A_508 : memref<1x1x128xi32, #tpu.memory_space<vmem>> -> memref<128xi32, #tpu.memory_space<vmem>>
      %dma_start3A_510 = arith.constant 0 : i32
      %dma_start3A_511 = arith.constant 0 : i32
      %dma_start3A_512 = tpu.memref_slice %arg2[%dma_start3A_510, %dma_start3A_511] : memref<10000x128xf32, #tpu.memory_space<hbm>> -> memref<10000x128xf32, #tpu.memory_space<hbm>>
      tpu.enqueue_indirect_dma source(%dma_start3A_512 : memref<10000x128xf32, #tpu.memory_space<hbm>>) target(%arg8 : memref<128x128xf32, #tpu.memory_space<vmem>>) offsets(%dma_start3A_509 : memref<128xi32, #tpu.memory_space<vmem>>) semaphore(%arg18 : memref<!tpu.dma_semaphore, #tpu.memory_space<semaphore_mem>>)
      %dma_wait3A_513 = arith.constant 0 : i32
      %dma_wait3A_514 = arith.constant 0 : i32
      %dma_wait3A_515 = arith.constant 0 : i32
      %dma_wait3A_516 = tpu.memref_slice %arg6[%dma_wait3A_513, %dma_wait3A_514, %dma_wait3A_515] : memref<6x2x128xi32, #tpu.memory_space<vmem>> -> memref<1x1x128xi32, #tpu.memory_space<vmem>>
      %dma_wait3A_517 = tpu.memref_squeeze %dma_wait3A_516 : memref<1x1x128xi32, #tpu.memory_space<vmem>> -> memref<128xi32, #tpu.memory_space<vmem>>
      %dma_wait3A_518 = arith.constant 0 : i32
      %dma_wait3A_519 = arith.constant 0 : i32
      %dma_wait3A_520 = tpu.memref_slice %arg2[%dma_wait3A_518, %dma_wait3A_519] : memref<10000x128xf32, #tpu.memory_space<hbm>> -> memref<10000x128xf32, #tpu.memory_space<hbm>>
      tpu.wait_indirect_dma semaphore(%arg17 : memref<!tpu.dma_semaphore, #tpu.memory_space<semaphore_mem>>) src(%dma_wait3A_520 : memref<10000x128xf32, #tpu.memory_space<hbm>>) dst(%arg7 : memref<128x128xf32, #tpu.memory_space<vmem>>)
      %dma_start3A_521 = arith.constant 0 : i32
      %dma_start3A_522 = arith.constant 1 : i32
      %dma_start3A_523 = arith.constant 0 : i32
      %dma_start3A_524 = tpu.memref_slice %arg6[%dma_start3A_521, %dma_start3A_522, %dma_start3A_523] : memref<6x2x128xi32, #tpu.memory_space<vmem>> -> memref<1x1x128xi32, #tpu.memory_space<vmem>>
      %dma_start3A_525 = tpu.memref_squeeze %dma_start3A_524 : memref<1x1x128xi32, #tpu.memory_space<vmem>> -> memref<128xi32, #tpu.memory_space<vmem>>
      %dma_start3A_526 = arith.constant 0 : i32
      %dma_start3A_527 = arith.constant 0 : i32
      %dma_start3A_528 = tpu.memref_slice %arg10[%dma_start3A_526, %dma_start3A_527] : memref<10000x128xf32, #tpu.memory_space<vmem_shared>> -> memref<10000x128xf32, #tpu.memory_space<vmem_shared>>
      tpu.enqueue_indirect_dma source(%arg7 : memref<128x128xf32, #tpu.memory_space<vmem>>) target(%dma_start3A_528 : memref<10000x128xf32, #tpu.memory_space<vmem_shared>>) offsets(%dma_start3A_525 : memref<128xi32, #tpu.memory_space<vmem>>) semaphore(%arg20 : memref<!tpu.dma_semaphore, #tpu.memory_space<semaphore_mem>>) {add = true}
      %mul3A_529 = arith.constant 6 : i32
      %mul3A_530 = arith.muli %mul3A_529, %scan3A_451 : i32
      %add3A_531 = arith.constant 1 : i32
      %add3A_532 = arith.addi %mul3A_530, %add3A_531 : i32
      %add3A_533 = arith.constant 2 : i32
      %add3A_534 = arith.addi %add3A_532, %add3A_533 : i32
      %mul3A_535 = arith.constant 6 : i32
      %mul3A_536 = arith.muli %mul3A_535, %scan3A_451 : i32
      %add3A_537 = arith.constant 1 : i32
      %add3A_538 = arith.addi %mul3A_536, %add3A_537 : i32
      %add3A_539 = arith.constant 1 : i32
      %add3A_540 = arith.addi %add3A_538, %add3A_539 : i32
      %add3A_541 = arith.addi %mul3A_6, %add3A_534 : i32
      %dma_start3A_542 = arith.constant 3 : i32
      %dma_start3A_543 = arith.constant 0 : i32
      %dma_start3A_544 = arith.constant 0 : i32
      %dma_start3A_545 = tpu.memref_slice %arg6[%dma_start3A_542, %dma_start3A_543, %dma_start3A_544] : memref<6x2x128xi32, #tpu.memory_space<vmem>> -> memref<1x2x128xi32, #tpu.memory_space<vmem>>
      %dma_start3A_546 = tpu.memref_squeeze %dma_start3A_545 : memref<1x2x128xi32, #tpu.memory_space<vmem>> -> memref<2x128xi32, #tpu.memory_space<vmem>>
      %dma_start3A_547 = arith.constant 0 : i32
      %dma_start3A_548 = arith.constant 0 : i32
      %dma_start3A_549 = tpu.memref_slice %arg3[%add3A_541, %dma_start3A_547, %dma_start3A_548] : memref<2500x2x128xi32, #tpu.memory_space<hbm>> -> memref<1x2x128xi32, #tpu.memory_space<hbm>>
      %dma_start3A_550 = tpu.memref_squeeze %dma_start3A_549 : memref<1x2x128xi32, #tpu.memory_space<hbm>> -> memref<2x128xi32, #tpu.memory_space<hbm>>
      %dma_start3A_551 = arith.constant 0 : i32
      %dma_start3A_552 = arith.constant 0 : i32
      %dma_start3A_553 = tpu.memref_slice %arg6[%dma_start3A_542, %dma_start3A_551, %dma_start3A_552] : memref<6x2x128xi32, #tpu.memory_space<vmem>> -> memref<1x2x128xi32, #tpu.memory_space<vmem>>
      %dma_start3A_554 = tpu.memref_squeeze %dma_start3A_553 : memref<1x2x128xi32, #tpu.memory_space<vmem>> -> memref<2x128xi32, #tpu.memory_space<vmem>>
      %dma_start3A_555 = arith.constant 0 : i32
      %dma_start3A_556 = arith.constant 0 : i32
      %dma_start3A_557 = tpu.memref_slice %arg3[%add3A_541, %dma_start3A_555, %dma_start3A_556] : memref<2500x2x128xi32, #tpu.memory_space<hbm>> -> memref<1x2x128xi32, #tpu.memory_space<hbm>>
      %dma_start3A_558 = tpu.memref_squeeze %dma_start3A_557 : memref<1x2x128xi32, #tpu.memory_space<hbm>> -> memref<2x128xi32, #tpu.memory_space<hbm>>
      tpu.enqueue_dma source(%dma_start3A_558 : memref<2x128xi32, #tpu.memory_space<hbm>>) target(%dma_start3A_554 : memref<2x128xi32, #tpu.memory_space<vmem>>) target_semaphore(%arg14 : memref<!tpu.dma_semaphore, #tpu.memory_space<semaphore_mem>>)
      %dma_wait3A_559 = arith.constant 0 : i32
      %dma_wait3A_560 = arith.constant 2 : i32
      %dma_wait3A_561 = arith.constant 0 : i32
      %dma_wait3A_562 = arith.constant 0 : i32
      %dma_wait3A_563 = tpu.memref_slice %arg6[%dma_wait3A_560, %dma_wait3A_561, %dma_wait3A_562] : memref<6x2x128xi32, #tpu.memory_space<vmem>> -> memref<1x2x128xi32, #tpu.memory_space<vmem>>
      %dma_wait3A_564 = tpu.memref_squeeze %dma_wait3A_563 : memref<1x2x128xi32, #tpu.memory_space<vmem>> -> memref<2x128xi32, #tpu.memory_space<vmem>>
      %dma_wait3A_565 = arith.constant 0 : i32
      %dma_wait3A_566 = arith.constant 0 : i32
      %dma_wait3A_567 = tpu.memref_slice %arg3[%dma_wait3A_559, %dma_wait3A_565, %dma_wait3A_566] : memref<2500x2x128xi32, #tpu.memory_space<hbm>> -> memref<1x2x128xi32, #tpu.memory_space<hbm>>
      %dma_wait3A_568 = tpu.memref_squeeze %dma_wait3A_567 : memref<1x2x128xi32, #tpu.memory_space<hbm>> -> memref<2x128xi32, #tpu.memory_space<hbm>>
      %dma_wait3A_569 = arith.constant 0 : i32
      %dma_wait3A_570 = arith.constant 0 : i32
      %dma_wait3A_571 = tpu.memref_slice %arg6[%dma_wait3A_560, %dma_wait3A_569, %dma_wait3A_570] : memref<6x2x128xi32, #tpu.memory_space<vmem>> -> memref<1x2x128xi32, #tpu.memory_space<vmem>>
      %dma_wait3A_572 = tpu.memref_squeeze %dma_wait3A_571 : memref<1x2x128xi32, #tpu.memory_space<vmem>> -> memref<2x128xi32, #tpu.memory_space<vmem>>
      %dma_wait3A_573 = arith.constant 0 : i32
      %dma_wait3A_574 = arith.constant 0 : i32
      %dma_wait3A_575 = tpu.memref_slice %arg3[%dma_wait3A_559, %dma_wait3A_573, %dma_wait3A_574] : memref<2500x2x128xi32, #tpu.memory_space<hbm>> -> memref<1x2x128xi32, #tpu.memory_space<hbm>>
      %dma_wait3A_576 = tpu.memref_squeeze %dma_wait3A_575 : memref<1x2x128xi32, #tpu.memory_space<hbm>> -> memref<2x128xi32, #tpu.memory_space<hbm>>
      tpu.wait_dma2 semaphore(%arg13 : memref<!tpu.dma_semaphore, #tpu.memory_space<semaphore_mem>>) src(%dma_wait3A_576 : memref<2x128xi32, #tpu.memory_space<hbm>>) dst(%dma_wait3A_572 : memref<2x128xi32, #tpu.memory_space<vmem>>)
      %gt3A_577 = arith.constant 0 : i32
      %gt3A_578 = arith.cmpi sgt, %scan3A_451, %gt3A_577 : i32
      %convert_element_type3A_579 = arith.extui %gt3A_578 : i1 to i32
      %cond3A_580 = arith.constant 0 : i32
      %cond3A_581 = arith.cmpi ne, %convert_element_type3A_579, %cond3A_580 : i32
      scf.if %cond3A_581 {
        %dma_wait3A_927 = arith.constant 0 : i32
        %dma_wait3A_928 = arith.constant 1 : i32
        %dma_wait3A_929 = arith.constant 0 : i32
        %dma_wait3A_930 = tpu.memref_slice %arg6[%dma_wait3A_927, %dma_wait3A_928, %dma_wait3A_929] : memref<6x2x128xi32, #tpu.memory_space<vmem>> -> memref<1x1x128xi32, #tpu.memory_space<vmem>>
        %dma_wait3A_931 = tpu.memref_squeeze %dma_wait3A_930 : memref<1x1x128xi32, #tpu.memory_space<vmem>> -> memref<128xi32, #tpu.memory_space<vmem>>
        %dma_wait3A_932 = arith.constant 0 : i32
        %dma_wait3A_933 = arith.constant 0 : i32
        %dma_wait3A_934 = tpu.memref_slice %arg10[%dma_wait3A_932, %dma_wait3A_933] : memref<10000x128xf32, #tpu.memory_space<vmem_shared>> -> memref<10000x128xf32, #tpu.memory_space<vmem_shared>>
        tpu.wait_indirect_dma semaphore(%arg22 : memref<!tpu.dma_semaphore, #tpu.memory_space<semaphore_mem>>) src(%arg9 : memref<128x128xf32, #tpu.memory_space<vmem>>) dst(%dma_wait3A_934 : memref<10000x128xf32, #tpu.memory_space<vmem_shared>>)
      } else {
      }
      %dma_start3A_582 = arith.constant 2 : i32
      %dma_start3A_583 = arith.constant 0 : i32
      %dma_start3A_584 = arith.constant 0 : i32
      %dma_start3A_585 = tpu.memref_slice %arg6[%dma_start3A_582, %dma_start3A_583, %dma_start3A_584] : memref<6x2x128xi32, #tpu.memory_space<vmem>> -> memref<1x1x128xi32, #tpu.memory_space<vmem>>
      %dma_start3A_586 = tpu.memref_squeeze %dma_start3A_585 : memref<1x1x128xi32, #tpu.memory_space<vmem>> -> memref<128xi32, #tpu.memory_space<vmem>>
      %dma_start3A_587 = arith.constant 0 : i32
      %dma_start3A_588 = arith.constant 0 : i32
      %dma_start3A_589 = tpu.memref_slice %arg2[%dma_start3A_587, %dma_start3A_588] : memref<10000x128xf32, #tpu.memory_space<hbm>> -> memref<10000x128xf32, #tpu.memory_space<hbm>>
      tpu.enqueue_indirect_dma source(%dma_start3A_589 : memref<10000x128xf32, #tpu.memory_space<hbm>>) target(%arg9 : memref<128x128xf32, #tpu.memory_space<vmem>>) offsets(%dma_start3A_586 : memref<128xi32, #tpu.memory_space<vmem>>) semaphore(%arg19 : memref<!tpu.dma_semaphore, #tpu.memory_space<semaphore_mem>>)
      %dma_wait3A_590 = arith.constant 0 : i32
      %dma_wait3A_591 = arith.constant 0 : i32
      %dma_wait3A_592 = arith.constant 0 : i32
      %dma_wait3A_593 = tpu.memref_slice %arg6[%dma_wait3A_590, %dma_wait3A_591, %dma_wait3A_592] : memref<6x2x128xi32, #tpu.memory_space<vmem>> -> memref<1x1x128xi32, #tpu.memory_space<vmem>>
      %dma_wait3A_594 = tpu.memref_squeeze %dma_wait3A_593 : memref<1x1x128xi32, #tpu.memory_space<vmem>> -> memref<128xi32, #tpu.memory_space<vmem>>
      %dma_wait3A_595 = arith.constant 0 : i32
      %dma_wait3A_596 = arith.constant 0 : i32
      %dma_wait3A_597 = tpu.memref_slice %arg2[%dma_wait3A_595, %dma_wait3A_596] : memref<10000x128xf32, #tpu.memory_space<hbm>> -> memref<10000x128xf32, #tpu.memory_space<hbm>>
      tpu.wait_indirect_dma semaphore(%arg18 : memref<!tpu.dma_semaphore, #tpu.memory_space<semaphore_mem>>) src(%dma_wait3A_597 : memref<10000x128xf32, #tpu.memory_space<hbm>>) dst(%arg8 : memref<128x128xf32, #tpu.memory_space<vmem>>)
      %dma_start3A_598 = arith.constant 1 : i32
      %dma_start3A_599 = arith.constant 1 : i32
      %dma_start3A_600 = arith.constant 0 : i32
      %dma_start3A_601 = tpu.memref_slice %arg6[%dma_start3A_598, %dma_start3A_599, %dma_start3A_600] : memref<6x2x128xi32, #tpu.memory_space<vmem>> -> memref<1x1x128xi32, #tpu.memory_space<vmem>>
      %dma_start3A_602 = tpu.memref_squeeze %dma_start3A_601 : memref<1x1x128xi32, #tpu.memory_space<vmem>> -> memref<128xi32, #tpu.memory_space<vmem>>
      %dma_start3A_603 = arith.constant 0 : i32
      %dma_start3A_604 = arith.constant 0 : i32
      %dma_start3A_605 = tpu.memref_slice %arg10[%dma_start3A_603, %dma_start3A_604] : memref<10000x128xf32, #tpu.memory_space<vmem_shared>> -> memref<10000x128xf32, #tpu.memory_space<vmem_shared>>
      tpu.enqueue_indirect_dma source(%arg8 : memref<128x128xf32, #tpu.memory_space<vmem>>) target(%dma_start3A_605 : memref<10000x128xf32, #tpu.memory_space<vmem_shared>>) offsets(%dma_start3A_602 : memref<128xi32, #tpu.memory_space<vmem>>) semaphore(%arg21 : memref<!tpu.dma_semaphore, #tpu.memory_space<semaphore_mem>>) {add = true}
      %mul3A_606 = arith.constant 6 : i32
      %mul3A_607 = arith.muli %mul3A_606, %scan3A_451 : i32
      %add3A_608 = arith.constant 2 : i32
      %add3A_609 = arith.addi %mul3A_607, %add3A_608 : i32
      %add3A_610 = arith.constant 2 : i32
      %add3A_611 = arith.addi %add3A_609, %add3A_610 : i32
      %mul3A_612 = arith.constant 6 : i32
      %mul3A_613 = arith.muli %mul3A_612, %scan3A_451 : i32
      %add3A_614 = arith.constant 2 : i32
      %add3A_615 = arith.addi %mul3A_613, %add3A_614 : i32
      %add3A_616 = arith.constant 1 : i32
      %add3A_617 = arith.addi %add3A_615, %add3A_616 : i32
      %add3A_618 = arith.addi %mul3A_6, %add3A_611 : i32
      %dma_start3A_619 = arith.constant 4 : i32
      %dma_start3A_620 = arith.constant 0 : i32
      %dma_start3A_621 = arith.constant 0 : i32
      %dma_start3A_622 = tpu.memref_slice %arg6[%dma_start3A_619, %dma_start3A_620, %dma_start3A_621] : memref<6x2x128xi32, #tpu.memory_space<vmem>> -> memref<1x2x128xi32, #tpu.memory_space<vmem>>
      %dma_start3A_623 = tpu.memref_squeeze %dma_start3A_622 : memref<1x2x128xi32, #tpu.memory_space<vmem>> -> memref<2x128xi32, #tpu.memory_space<vmem>>
      %dma_start3A_624 = arith.constant 0 : i32
      %dma_start3A_625 = arith.constant 0 : i32
      %dma_start3A_626 = tpu.memref_slice %arg3[%add3A_618, %dma_start3A_624, %dma_start3A_625] : memref<2500x2x128xi32, #tpu.memory_space<hbm>> -> memref<1x2x128xi32, #tpu.memory_space<hbm>>
      %dma_start3A_627 = tpu.memref_squeeze %dma_start3A_626 : memref<1x2x128xi32, #tpu.memory_space<hbm>> -> memref<2x128xi32, #tpu.memory_space<hbm>>
      %dma_start3A_628 = arith.constant 0 : i32
      %dma_start3A_629 = arith.constant 0 : i32
      %dma_start3A_630 = tpu.memref_slice %arg6[%dma_start3A_619, %dma_start3A_628, %dma_start3A_629] : memref<6x2x128xi32, #tpu.memory_space<vmem>> -> memref<1x2x128xi32, #tpu.memory_space<vmem>>
      %dma_start3A_631 = tpu.memref_squeeze %dma_start3A_630 : memref<1x2x128xi32, #tpu.memory_space<vmem>> -> memref<2x128xi32, #tpu.memory_space<vmem>>
      %dma_start3A_632 = arith.constant 0 : i32
      %dma_start3A_633 = arith.constant 0 : i32
      %dma_start3A_634 = tpu.memref_slice %arg3[%add3A_618, %dma_start3A_632, %dma_start3A_633] : memref<2500x2x128xi32, #tpu.memory_space<hbm>> -> memref<1x2x128xi32, #tpu.memory_space<hbm>>
      %dma_start3A_635 = tpu.memref_squeeze %dma_start3A_634 : memref<1x2x128xi32, #tpu.memory_space<hbm>> -> memref<2x128xi32, #tpu.memory_space<hbm>>
      tpu.enqueue_dma source(%dma_start3A_635 : memref<2x128xi32, #tpu.memory_space<hbm>>) target(%dma_start3A_631 : memref<2x128xi32, #tpu.memory_space<vmem>>) target_semaphore(%arg15 : memref<!tpu.dma_semaphore, #tpu.memory_space<semaphore_mem>>)
      %dma_wait3A_636 = arith.constant 0 : i32
      %dma_wait3A_637 = arith.constant 3 : i32
      %dma_wait3A_638 = arith.constant 0 : i32
      %dma_wait3A_639 = arith.constant 0 : i32
      %dma_wait3A_640 = tpu.memref_slice %arg6[%dma_wait3A_637, %dma_wait3A_638, %dma_wait3A_639] : memref<6x2x128xi32, #tpu.memory_space<vmem>> -> memref<1x2x128xi32, #tpu.memory_space<vmem>>
      %dma_wait3A_641 = tpu.memref_squeeze %dma_wait3A_640 : memref<1x2x128xi32, #tpu.memory_space<vmem>> -> memref<2x128xi32, #tpu.memory_space<vmem>>
      %dma_wait3A_642 = arith.constant 0 : i32
      %dma_wait3A_643 = arith.constant 0 : i32
      %dma_wait3A_644 = tpu.memref_slice %arg3[%dma_wait3A_636, %dma_wait3A_642, %dma_wait3A_643] : memref<2500x2x128xi32, #tpu.memory_space<hbm>> -> memref<1x2x128xi32, #tpu.memory_space<hbm>>
      %dma_wait3A_645 = tpu.memref_squeeze %dma_wait3A_644 : memref<1x2x128xi32, #tpu.memory_space<hbm>> -> memref<2x128xi32, #tpu.memory_space<hbm>>
      %dma_wait3A_646 = arith.constant 0 : i32
      %dma_wait3A_647 = arith.constant 0 : i32
      %dma_wait3A_648 = tpu.memref_slice %arg6[%dma_wait3A_637, %dma_wait3A_646, %dma_wait3A_647] : memref<6x2x128xi32, #tpu.memory_space<vmem>> -> memref<1x2x128xi32, #tpu.memory_space<vmem>>
      %dma_wait3A_649 = tpu.memref_squeeze %dma_wait3A_648 : memref<1x2x128xi32, #tpu.memory_space<vmem>> -> memref<2x128xi32, #tpu.memory_space<vmem>>
      %dma_wait3A_650 = arith.constant 0 : i32
      %dma_wait3A_651 = arith.constant 0 : i32
      %dma_wait3A_652 = tpu.memref_slice %arg3[%dma_wait3A_636, %dma_wait3A_650, %dma_wait3A_651] : memref<2500x2x128xi32, #tpu.memory_space<hbm>> -> memref<1x2x128xi32, #tpu.memory_space<hbm>>
      %dma_wait3A_653 = tpu.memref_squeeze %dma_wait3A_652 : memref<1x2x128xi32, #tpu.memory_space<hbm>> -> memref<2x128xi32, #tpu.memory_space<hbm>>
      tpu.wait_dma2 semaphore(%arg14 : memref<!tpu.dma_semaphore, #tpu.memory_space<semaphore_mem>>) src(%dma_wait3A_653 : memref<2x128xi32, #tpu.memory_space<hbm>>) dst(%dma_wait3A_649 : memref<2x128xi32, #tpu.memory_space<vmem>>)
      %dma_wait3A_654 = arith.constant 0 : i32
      %dma_wait3A_655 = arith.constant 1 : i32
      %dma_wait3A_656 = arith.constant 0 : i32
      %dma_wait3A_657 = tpu.memref_slice %arg6[%dma_wait3A_654, %dma_wait3A_655, %dma_wait3A_656] : memref<6x2x128xi32, #tpu.memory_space<vmem>> -> memref<1x1x128xi32, #tpu.memory_space<vmem>>
      %dma_wait3A_658 = tpu.memref_squeeze %dma_wait3A_657 : memref<1x1x128xi32, #tpu.memory_space<vmem>> -> memref<128xi32, #tpu.memory_space<vmem>>
      %dma_wait3A_659 = arith.constant 0 : i32
      %dma_wait3A_660 = arith.constant 0 : i32
      %dma_wait3A_661 = tpu.memref_slice %arg10[%dma_wait3A_659, %dma_wait3A_660] : memref<10000x128xf32, #tpu.memory_space<vmem_shared>> -> memref<10000x128xf32, #tpu.memory_space<vmem_shared>>
      tpu.wait_indirect_dma semaphore(%arg20 : memref<!tpu.dma_semaphore, #tpu.memory_space<semaphore_mem>>) src(%arg7 : memref<128x128xf32, #tpu.memory_space<vmem>>) dst(%dma_wait3A_661 : memref<10000x128xf32, #tpu.memory_space<vmem_shared>>)
      %dma_start3A_662 = arith.constant 3 : i32
      %dma_start3A_663 = arith.constant 0 : i32
      %dma_start3A_664 = arith.constant 0 : i32
      %dma_start3A_665 = tpu.memref_slice %arg6[%dma_start3A_662, %dma_start3A_663, %dma_start3A_664] : memref<6x2x128xi32, #tpu.memory_space<vmem>> -> memref<1x1x128xi32, #tpu.memory_space<vmem>>
      %dma_start3A_666 = tpu.memref_squeeze %dma_start3A_665 : memref<1x1x128xi32, #tpu.memory_space<vmem>> -> memref<128xi32, #tpu.memory_space<vmem>>
      %dma_start3A_667 = arith.constant 0 : i32
      %dma_start3A_668 = arith.constant 0 : i32
      %dma_start3A_669 = tpu.memref_slice %arg2[%dma_start3A_667, %dma_start3A_668] : memref<10000x128xf32, #tpu.memory_space<hbm>> -> memref<10000x128xf32, #tpu.memory_space<hbm>>
      tpu.enqueue_indirect_dma source(%dma_start3A_669 : memref<10000x128xf32, #tpu.memory_space<hbm>>) target(%arg7 : memref<128x128xf32, #tpu.memory_space<vmem>>) offsets(%dma_start3A_666 : memref<128xi32, #tpu.memory_space<vmem>>) semaphore(%arg17 : memref<!tpu.dma_semaphore, #tpu.memory_space<semaphore_mem>>)
      %dma_wait3A_670 = arith.constant 0 : i32
      %dma_wait3A_671 = arith.constant 0 : i32
      %dma_wait3A_672 = arith.constant 0 : i32
      %dma_wait3A_673 = tpu.memref_slice %arg6[%dma_wait3A_670, %dma_wait3A_671, %dma_wait3A_672] : memref<6x2x128xi32, #tpu.memory_space<vmem>> -> memref<1x1x128xi32, #tpu.memory_space<vmem>>
      %dma_wait3A_674 = tpu.memref_squeeze %dma_wait3A_673 : memref<1x1x128xi32, #tpu.memory_space<vmem>> -> memref<128xi32, #tpu.memory_space<vmem>>
      %dma_wait3A_675 = arith.constant 0 : i32
      %dma_wait3A_676 = arith.constant 0 : i32
      %dma_wait3A_677 = tpu.memref_slice %arg2[%dma_wait3A_675, %dma_wait3A_676] : memref<10000x128xf32, #tpu.memory_space<hbm>> -> memref<10000x128xf32, #tpu.memory_space<hbm>>
      tpu.wait_indirect_dma semaphore(%arg19 : memref<!tpu.dma_semaphore, #tpu.memory_space<semaphore_mem>>) src(%dma_wait3A_677 : memref<10000x128xf32, #tpu.memory_space<hbm>>) dst(%arg9 : memref<128x128xf32, #tpu.memory_space<vmem>>)
      %dma_start3A_678 = arith.constant 2 : i32
      %dma_start3A_679 = arith.constant 1 : i32
      %dma_start3A_680 = arith.constant 0 : i32
      %dma_start3A_681 = tpu.memref_slice %arg6[%dma_start3A_678, %dma_start3A_679, %dma_start3A_680] : memref<6x2x128xi32, #tpu.memory_space<vmem>> -> memref<1x1x128xi32, #tpu.memory_space<vmem>>
      %dma_start3A_682 = tpu.memref_squeeze %dma_start3A_681 : memref<1x1x128xi32, #tpu.memory_space<vmem>> -> memref<128xi32, #tpu.memory_space<vmem>>
      %dma_start3A_683 = arith.constant 0 : i32
      %dma_start3A_684 = arith.constant 0 : i32
      %dma_start3A_685 = tpu.memref_slice %arg10[%dma_start3A_683, %dma_start3A_684] : memref<10000x128xf32, #tpu.memory_space<vmem_shared>> -> memref<10000x128xf32, #tpu.memory_space<vmem_shared>>
      tpu.enqueue_indirect_dma source(%arg9 : memref<128x128xf32, #tpu.memory_space<vmem>>) target(%dma_start3A_685 : memref<10000x128xf32, #tpu.memory_space<vmem_shared>>) offsets(%dma_start3A_682 : memref<128xi32, #tpu.memory_space<vmem>>) semaphore(%arg22 : memref<!tpu.dma_semaphore, #tpu.memory_space<semaphore_mem>>) {add = true}
      %mul3A_686 = arith.constant 6 : i32
      %mul3A_687 = arith.muli %mul3A_686, %scan3A_451 : i32
      %add3A_688 = arith.constant 3 : i32
      %add3A_689 = arith.addi %mul3A_687, %add3A_688 : i32
      %add3A_690 = arith.constant 2 : i32
      %add3A_691 = arith.addi %add3A_689, %add3A_690 : i32
      %mul3A_692 = arith.constant 6 : i32
      %mul3A_693 = arith.muli %mul3A_692, %scan3A_451 : i32
      %add3A_694 = arith.constant 3 : i32
      %add3A_695 = arith.addi %mul3A_693, %add3A_694 : i32
      %add3A_696 = arith.constant 1 : i32
      %add3A_697 = arith.addi %add3A_695, %add3A_696 : i32
      %add3A_698 = arith.addi %mul3A_6, %add3A_691 : i32
      %dma_start3A_699 = arith.constant 5 : i32
      %dma_start3A_700 = arith.constant 0 : i32
      %dma_start3A_701 = arith.constant 0 : i32
      %dma_start3A_702 = tpu.memref_slice %arg6[%dma_start3A_699, %dma_start3A_700, %dma_start3A_701] : memref<6x2x128xi32, #tpu.memory_space<vmem>> -> memref<1x2x128xi32, #tpu.memory_space<vmem>>
      %dma_start3A_703 = tpu.memref_squeeze %dma_start3A_702 : memref<1x2x128xi32, #tpu.memory_space<vmem>> -> memref<2x128xi32, #tpu.memory_space<vmem>>
      %dma_start3A_704 = arith.constant 0 : i32
      %dma_start3A_705 = arith.constant 0 : i32
      %dma_start3A_706 = tpu.memref_slice %arg3[%add3A_698, %dma_start3A_704, %dma_start3A_705] : memref<2500x2x128xi32, #tpu.memory_space<hbm>> -> memref<1x2x128xi32, #tpu.memory_space<hbm>>
      %dma_start3A_707 = tpu.memref_squeeze %dma_start3A_706 : memref<1x2x128xi32, #tpu.memory_space<hbm>> -> memref<2x128xi32, #tpu.memory_space<hbm>>
      %dma_start3A_708 = arith.constant 0 : i32
      %dma_start3A_709 = arith.constant 0 : i32
      %dma_start3A_710 = tpu.memref_slice %arg6[%dma_start3A_699, %dma_start3A_708, %dma_start3A_709] : memref<6x2x128xi32, #tpu.memory_space<vmem>> -> memref<1x2x128xi32, #tpu.memory_space<vmem>>
      %dma_start3A_711 = tpu.memref_squeeze %dma_start3A_710 : memref<1x2x128xi32, #tpu.memory_space<vmem>> -> memref<2x128xi32, #tpu.memory_space<vmem>>
      %dma_start3A_712 = arith.constant 0 : i32
      %dma_start3A_713 = arith.constant 0 : i32
      %dma_start3A_714 = tpu.memref_slice %arg3[%add3A_698, %dma_start3A_712, %dma_start3A_713] : memref<2500x2x128xi32, #tpu.memory_space<hbm>> -> memref<1x2x128xi32, #tpu.memory_space<hbm>>
      %dma_start3A_715 = tpu.memref_squeeze %dma_start3A_714 : memref<1x2x128xi32, #tpu.memory_space<hbm>> -> memref<2x128xi32, #tpu.memory_space<hbm>>
      tpu.enqueue_dma source(%dma_start3A_715 : memref<2x128xi32, #tpu.memory_space<hbm>>) target(%dma_start3A_711 : memref<2x128xi32, #tpu.memory_space<vmem>>) target_semaphore(%arg16 : memref<!tpu.dma_semaphore, #tpu.memory_space<semaphore_mem>>)
      %dma_wait3A_716 = arith.constant 0 : i32
      %dma_wait3A_717 = arith.constant 4 : i32
      %dma_wait3A_718 = arith.constant 0 : i32
      %dma_wait3A_719 = arith.constant 0 : i32
      %dma_wait3A_720 = tpu.memref_slice %arg6[%dma_wait3A_717, %dma_wait3A_718, %dma_wait3A_719] : memref<6x2x128xi32, #tpu.memory_space<vmem>> -> memref<1x2x128xi32, #tpu.memory_space<vmem>>
      %dma_wait3A_721 = tpu.memref_squeeze %dma_wait3A_720 : memref<1x2x128xi32, #tpu.memory_space<vmem>> -> memref<2x128xi32, #tpu.memory_space<vmem>>
      %dma_wait3A_722 = arith.constant 0 : i32
      %dma_wait3A_723 = arith.constant 0 : i32
      %dma_wait3A_724 = tpu.memref_slice %arg3[%dma_wait3A_716, %dma_wait3A_722, %dma_wait3A_723] : memref<2500x2x128xi32, #tpu.memory_space<hbm>> -> memref<1x2x128xi32, #tpu.memory_space<hbm>>
      %dma_wait3A_725 = tpu.memref_squeeze %dma_wait3A_724 : memref<1x2x128xi32, #tpu.memory_space<hbm>> -> memref<2x128xi32, #tpu.memory_space<hbm>>
      %dma_wait3A_726 = arith.constant 0 : i32
      %dma_wait3A_727 = arith.constant 0 : i32
      %dma_wait3A_728 = tpu.memref_slice %arg6[%dma_wait3A_717, %dma_wait3A_726, %dma_wait3A_727] : memref<6x2x128xi32, #tpu.memory_space<vmem>> -> memref<1x2x128xi32, #tpu.memory_space<vmem>>
      %dma_wait3A_729 = tpu.memref_squeeze %dma_wait3A_728 : memref<1x2x128xi32, #tpu.memory_space<vmem>> -> memref<2x128xi32, #tpu.memory_space<vmem>>
      %dma_wait3A_730 = arith.constant 0 : i32
      %dma_wait3A_731 = arith.constant 0 : i32
      %dma_wait3A_732 = tpu.memref_slice %arg3[%dma_wait3A_716, %dma_wait3A_730, %dma_wait3A_731] : memref<2500x2x128xi32, #tpu.memory_space<hbm>> -> memref<1x2x128xi32, #tpu.memory_space<hbm>>
      %dma_wait3A_733 = tpu.memref_squeeze %dma_wait3A_732 : memref<1x2x128xi32, #tpu.memory_space<hbm>> -> memref<2x128xi32, #tpu.memory_space<hbm>>
      tpu.wait_dma2 semaphore(%arg15 : memref<!tpu.dma_semaphore, #tpu.memory_space<semaphore_mem>>) src(%dma_wait3A_733 : memref<2x128xi32, #tpu.memory_space<hbm>>) dst(%dma_wait3A_729 : memref<2x128xi32, #tpu.memory_space<vmem>>)
      %dma_wait3A_734 = arith.constant 0 : i32
      %dma_wait3A_735 = arith.constant 1 : i32
      %dma_wait3A_736 = arith.constant 0 : i32
      %dma_wait3A_737 = tpu.memref_slice %arg6[%dma_wait3A_734, %dma_wait3A_735, %dma_wait3A_736] : memref<6x2x128xi32, #tpu.memory_space<vmem>> -> memref<1x1x128xi32, #tpu.memory_space<vmem>>
      %dma_wait3A_738 = tpu.memref_squeeze %dma_wait3A_737 : memref<1x1x128xi32, #tpu.memory_space<vmem>> -> memref<128xi32, #tpu.memory_space<vmem>>
      %dma_wait3A_739 = arith.constant 0 : i32
      %dma_wait3A_740 = arith.constant 0 : i32
      %dma_wait3A_741 = tpu.memref_slice %arg10[%dma_wait3A_739, %dma_wait3A_740] : memref<10000x128xf32, #tpu.memory_space<vmem_shared>> -> memref<10000x128xf32, #tpu.memory_space<vmem_shared>>
      tpu.wait_indirect_dma semaphore(%arg21 : memref<!tpu.dma_semaphore, #tpu.memory_space<semaphore_mem>>) src(%arg8 : memref<128x128xf32, #tpu.memory_space<vmem>>) dst(%dma_wait3A_741 : memref<10000x128xf32, #tpu.memory_space<vmem_shared>>)
      %dma_start3A_742 = arith.constant 4 : i32
      %dma_start3A_743 = arith.constant 0 : i32
      %dma_start3A_744 = arith.constant 0 : i32
      %dma_start3A_745 = tpu.memref_slice %arg6[%dma_start3A_742, %dma_start3A_743, %dma_start3A_744] : memref<6x2x128xi32, #tpu.memory_space<vmem>> -> memref<1x1x128xi32, #tpu.memory_space<vmem>>
      %dma_start3A_746 = tpu.memref_squeeze %dma_start3A_745 : memref<1x1x128xi32, #tpu.memory_space<vmem>> -> memref<128xi32, #tpu.memory_space<vmem>>
      %dma_start3A_747 = arith.constant 0 : i32
      %dma_start3A_748 = arith.constant 0 : i32
      %dma_start3A_749 = tpu.memref_slice %arg2[%dma_start3A_747, %dma_start3A_748] : memref<10000x128xf32, #tpu.memory_space<hbm>> -> memref<10000x128xf32, #tpu.memory_space<hbm>>
      tpu.enqueue_indirect_dma source(%dma_start3A_749 : memref<10000x128xf32, #tpu.memory_space<hbm>>) target(%arg8 : memref<128x128xf32, #tpu.memory_space<vmem>>) offsets(%dma_start3A_746 : memref<128xi32, #tpu.memory_space<vmem>>) semaphore(%arg18 : memref<!tpu.dma_semaphore, #tpu.memory_space<semaphore_mem>>)
      %dma_wait3A_750 = arith.constant 0 : i32
      %dma_wait3A_751 = arith.constant 0 : i32
      %dma_wait3A_752 = arith.constant 0 : i32
      %dma_wait3A_753 = tpu.memref_slice %arg6[%dma_wait3A_750, %dma_wait3A_751, %dma_wait3A_752] : memref<6x2x128xi32, #tpu.memory_space<vmem>> -> memref<1x1x128xi32, #tpu.memory_space<vmem>>
      %dma_wait3A_754 = tpu.memref_squeeze %dma_wait3A_753 : memref<1x1x128xi32, #tpu.memory_space<vmem>> -> memref<128xi32, #tpu.memory_space<vmem>>
      %dma_wait3A_755 = arith.constant 0 : i32
      %dma_wait3A_756 = arith.constant 0 : i32
      %dma_wait3A_757 = tpu.memref_slice %arg2[%dma_wait3A_755, %dma_wait3A_756] : memref<10000x128xf32, #tpu.memory_space<hbm>> -> memref<10000x128xf32, #tpu.memory_space<hbm>>
      tpu.wait_indirect_dma semaphore(%arg17 : memref<!tpu.dma_semaphore, #tpu.memory_space<semaphore_mem>>) src(%dma_wait3A_757 : memref<10000x128xf32, #tpu.memory_space<hbm>>) dst(%arg7 : memref<128x128xf32, #tpu.memory_space<vmem>>)
      %dma_start3A_758 = arith.constant 3 : i32
      %dma_start3A_759 = arith.constant 1 : i32
      %dma_start3A_760 = arith.constant 0 : i32
      %dma_start3A_761 = tpu.memref_slice %arg6[%dma_start3A_758, %dma_start3A_759, %dma_start3A_760] : memref<6x2x128xi32, #tpu.memory_space<vmem>> -> memref<1x1x128xi32, #tpu.memory_space<vmem>>
      %dma_start3A_762 = tpu.memref_squeeze %dma_start3A_761 : memref<1x1x128xi32, #tpu.memory_space<vmem>> -> memref<128xi32, #tpu.memory_space<vmem>>
      %dma_start3A_763 = arith.constant 0 : i32
      %dma_start3A_764 = arith.constant 0 : i32
      %dma_start3A_765 = tpu.memref_slice %arg10[%dma_start3A_763, %dma_start3A_764] : memref<10000x128xf32, #tpu.memory_space<vmem_shared>> -> memref<10000x128xf32, #tpu.memory_space<vmem_shared>>
      tpu.enqueue_indirect_dma source(%arg7 : memref<128x128xf32, #tpu.memory_space<vmem>>) target(%dma_start3A_765 : memref<10000x128xf32, #tpu.memory_space<vmem_shared>>) offsets(%dma_start3A_762 : memref<128xi32, #tpu.memory_space<vmem>>) semaphore(%arg20 : memref<!tpu.dma_semaphore, #tpu.memory_space<semaphore_mem>>) {add = true}
      %mul3A_766 = arith.constant 6 : i32
      %mul3A_767 = arith.muli %mul3A_766, %scan3A_451 : i32
      %add3A_768 = arith.constant 4 : i32
      %add3A_769 = arith.addi %mul3A_767, %add3A_768 : i32
      %add3A_770 = arith.constant 2 : i32
      %add3A_771 = arith.addi %add3A_769, %add3A_770 : i32
      %mul3A_772 = arith.constant 6 : i32
      %mul3A_773 = arith.muli %mul3A_772, %scan3A_451 : i32
      %add3A_774 = arith.constant 4 : i32
      %add3A_775 = arith.addi %mul3A_773, %add3A_774 : i32
      %add3A_776 = arith.constant 1 : i32
      %add3A_777 = arith.addi %add3A_775, %add3A_776 : i32
      %add3A_778 = arith.addi %mul3A_6, %add3A_771 : i32
      %dma_start3A_779 = arith.constant 0 : i32
      %dma_start3A_780 = arith.constant 0 : i32
      %dma_start3A_781 = arith.constant 0 : i32
      %dma_start3A_782 = tpu.memref_slice %arg6[%dma_start3A_779, %dma_start3A_780, %dma_start3A_781] : memref<6x2x128xi32, #tpu.memory_space<vmem>> -> memref<1x2x128xi32, #tpu.memory_space<vmem>>
      %dma_start3A_783 = tpu.memref_squeeze %dma_start3A_782 : memref<1x2x128xi32, #tpu.memory_space<vmem>> -> memref<2x128xi32, #tpu.memory_space<vmem>>
      %dma_start3A_784 = arith.constant 0 : i32
      %dma_start3A_785 = arith.constant 0 : i32
      %dma_start3A_786 = tpu.memref_slice %arg3[%add3A_778, %dma_start3A_784, %dma_start3A_785] : memref<2500x2x128xi32, #tpu.memory_space<hbm>> -> memref<1x2x128xi32, #tpu.memory_space<hbm>>
      %dma_start3A_787 = tpu.memref_squeeze %dma_start3A_786 : memref<1x2x128xi32, #tpu.memory_space<hbm>> -> memref<2x128xi32, #tpu.memory_space<hbm>>
      %dma_start3A_788 = arith.constant 0 : i32
      %dma_start3A_789 = arith.constant 0 : i32
      %dma_start3A_790 = tpu.memref_slice %arg6[%dma_start3A_779, %dma_start3A_788, %dma_start3A_789] : memref<6x2x128xi32, #tpu.memory_space<vmem>> -> memref<1x2x128xi32, #tpu.memory_space<vmem>>
      %dma_start3A_791 = tpu.memref_squeeze %dma_start3A_790 : memref<1x2x128xi32, #tpu.memory_space<vmem>> -> memref<2x128xi32, #tpu.memory_space<vmem>>
      %dma_start3A_792 = arith.constant 0 : i32
      %dma_start3A_793 = arith.constant 0 : i32
      %dma_start3A_794 = tpu.memref_slice %arg3[%add3A_778, %dma_start3A_792, %dma_start3A_793] : memref<2500x2x128xi32, #tpu.memory_space<hbm>> -> memref<1x2x128xi32, #tpu.memory_space<hbm>>
      %dma_start3A_795 = tpu.memref_squeeze %dma_start3A_794 : memref<1x2x128xi32, #tpu.memory_space<hbm>> -> memref<2x128xi32, #tpu.memory_space<hbm>>
      tpu.enqueue_dma source(%dma_start3A_795 : memref<2x128xi32, #tpu.memory_space<hbm>>) target(%dma_start3A_791 : memref<2x128xi32, #tpu.memory_space<vmem>>) target_semaphore(%arg11 : memref<!tpu.dma_semaphore, #tpu.memory_space<semaphore_mem>>)
      %dma_wait3A_796 = arith.constant 0 : i32
      %dma_wait3A_797 = arith.constant 5 : i32
      %dma_wait3A_798 = arith.constant 0 : i32
      %dma_wait3A_799 = arith.constant 0 : i32
      %dma_wait3A_800 = tpu.memref_slice %arg6[%dma_wait3A_797, %dma_wait3A_798, %dma_wait3A_799] : memref<6x2x128xi32, #tpu.memory_space<vmem>> -> memref<1x2x128xi32, #tpu.memory_space<vmem>>
      %dma_wait3A_801 = tpu.memref_squeeze %dma_wait3A_800 : memref<1x2x128xi32, #tpu.memory_space<vmem>> -> memref<2x128xi32, #tpu.memory_space<vmem>>
      %dma_wait3A_802 = arith.constant 0 : i32
      %dma_wait3A_803 = arith.constant 0 : i32
      %dma_wait3A_804 = tpu.memref_slice %arg3[%dma_wait3A_796, %dma_wait3A_802, %dma_wait3A_803] : memref<2500x2x128xi32, #tpu.memory_space<hbm>> -> memref<1x2x128xi32, #tpu.memory_space<hbm>>
      %dma_wait3A_805 = tpu.memref_squeeze %dma_wait3A_804 : memref<1x2x128xi32, #tpu.memory_space<hbm>> -> memref<2x128xi32, #tpu.memory_space<hbm>>
      %dma_wait3A_806 = arith.constant 0 : i32
      %dma_wait3A_807 = arith.constant 0 : i32
      %dma_wait3A_808 = tpu.memref_slice %arg6[%dma_wait3A_797, %dma_wait3A_806, %dma_wait3A_807] : memref<6x2x128xi32, #tpu.memory_space<vmem>> -> memref<1x2x128xi32, #tpu.memory_space<vmem>>
      %dma_wait3A_809 = tpu.memref_squeeze %dma_wait3A_808 : memref<1x2x128xi32, #tpu.memory_space<vmem>> -> memref<2x128xi32, #tpu.memory_space<vmem>>
      %dma_wait3A_810 = arith.constant 0 : i32
      %dma_wait3A_811 = arith.constant 0 : i32
      %dma_wait3A_812 = tpu.memref_slice %arg3[%dma_wait3A_796, %dma_wait3A_810, %dma_wait3A_811] : memref<2500x2x128xi32, #tpu.memory_space<hbm>> -> memref<1x2x128xi32, #tpu.memory_space<hbm>>
      %dma_wait3A_813 = tpu.memref_squeeze %dma_wait3A_812 : memref<1x2x128xi32, #tpu.memory_space<hbm>> -> memref<2x128xi32, #tpu.memory_space<hbm>>
      tpu.wait_dma2 semaphore(%arg16 : memref<!tpu.dma_semaphore, #tpu.memory_space<semaphore_mem>>) src(%dma_wait3A_813 : memref<2x128xi32, #tpu.memory_space<hbm>>) dst(%dma_wait3A_809 : memref<2x128xi32, #tpu.memory_space<vmem>>)
      %dma_wait3A_814 = arith.constant 0 : i32
      %dma_wait3A_815 = arith.constant 1 : i32
      %dma_wait3A_816 = arith.constant 0 : i32
      %dma_wait3A_817 = tpu.memref_slice %arg6[%dma_wait3A_814, %dma_wait3A_815, %dma_wait3A_816] : memref<6x2x128xi32, #tpu.memory_space<vmem>> -> memref<1x1x128xi32, #tpu.memory_space<vmem>>
      %dma_wait3A_818 = tpu.memref_squeeze %dma_wait3A_817 : memref<1x1x128xi32, #tpu.memory_space<vmem>> -> memref<128xi32, #tpu.memory_space<vmem>>
      %dma_wait3A_819 = arith.constant 0 : i32
      %dma_wait3A_820 = arith.constant 0 : i32
      %dma_wait3A_821 = tpu.memref_slice %arg10[%dma_wait3A_819, %dma_wait3A_820] : memref<10000x128xf32, #tpu.memory_space<vmem_shared>> -> memref<10000x128xf32, #tpu.memory_space<vmem_shared>>
      tpu.wait_indirect_dma semaphore(%arg22 : memref<!tpu.dma_semaphore, #tpu.memory_space<semaphore_mem>>) src(%arg9 : memref<128x128xf32, #tpu.memory_space<vmem>>) dst(%dma_wait3A_821 : memref<10000x128xf32, #tpu.memory_space<vmem_shared>>)
      %dma_start3A_822 = arith.constant 5 : i32
      %dma_start3A_823 = arith.constant 0 : i32
      %dma_start3A_824 = arith.constant 0 : i32
      %dma_start3A_825 = tpu.memref_slice %arg6[%dma_start3A_822, %dma_start3A_823, %dma_start3A_824] : memref<6x2x128xi32, #tpu.memory_space<vmem>> -> memref<1x1x128xi32, #tpu.memory_space<vmem>>
      %dma_start3A_826 = tpu.memref_squeeze %dma_start3A_825 : memref<1x1x128xi32, #tpu.memory_space<vmem>> -> memref<128xi32, #tpu.memory_space<vmem>>
      %dma_start3A_827 = arith.constant 0 : i32
      %dma_start3A_828 = arith.constant 0 : i32
      %dma_start3A_829 = tpu.memref_slice %arg2[%dma_start3A_827, %dma_start3A_828] : memref<10000x128xf32, #tpu.memory_space<hbm>> -> memref<10000x128xf32, #tpu.memory_space<hbm>>
      tpu.enqueue_indirect_dma source(%dma_start3A_829 : memref<10000x128xf32, #tpu.memory_space<hbm>>) target(%arg9 : memref<128x128xf32, #tpu.memory_space<vmem>>) offsets(%dma_start3A_826 : memref<128xi32, #tpu.memory_space<vmem>>) semaphore(%arg19 : memref<!tpu.dma_semaphore, #tpu.memory_space<semaphore_mem>>)
      %dma_wait3A_830 = arith.constant 0 : i32
      %dma_wait3A_831 = arith.constant 0 : i32
      %dma_wait3A_832 = arith.constant 0 : i32
      %dma_wait3A_833 = tpu.memref_slice %arg6[%dma_wait3A_830, %dma_wait3A_831, %dma_wait3A_832] : memref<6x2x128xi32, #tpu.memory_space<vmem>> -> memref<1x1x128xi32, #tpu.memory_space<vmem>>
      %dma_wait3A_834 = tpu.memref_squeeze %dma_wait3A_833 : memref<1x1x128xi32, #tpu.memory_space<vmem>> -> memref<128xi32, #tpu.memory_space<vmem>>
      %dma_wait3A_835 = arith.constant 0 : i32
      %dma_wait3A_836 = arith.constant 0 : i32
      %dma_wait3A_837 = tpu.memref_slice %arg2[%dma_wait3A_835, %dma_wait3A_836] : memref<10000x128xf32, #tpu.memory_space<hbm>> -> memref<10000x128xf32, #tpu.memory_space<hbm>>
      tpu.wait_indirect_dma semaphore(%arg18 : memref<!tpu.dma_semaphore, #tpu.memory_space<semaphore_mem>>) src(%dma_wait3A_837 : memref<10000x128xf32, #tpu.memory_space<hbm>>) dst(%arg8 : memref<128x128xf32, #tpu.memory_space<vmem>>)
      %dma_start3A_838 = arith.constant 4 : i32
      %dma_start3A_839 = arith.constant 1 : i32
      %dma_start3A_840 = arith.constant 0 : i32
      %dma_start3A_841 = tpu.memref_slice %arg6[%dma_start3A_838, %dma_start3A_839, %dma_start3A_840] : memref<6x2x128xi32, #tpu.memory_space<vmem>> -> memref<1x1x128xi32, #tpu.memory_space<vmem>>
      %dma_start3A_842 = tpu.memref_squeeze %dma_start3A_841 : memref<1x1x128xi32, #tpu.memory_space<vmem>> -> memref<128xi32, #tpu.memory_space<vmem>>
      %dma_start3A_843 = arith.constant 0 : i32
      %dma_start3A_844 = arith.constant 0 : i32
      %dma_start3A_845 = tpu.memref_slice %arg10[%dma_start3A_843, %dma_start3A_844] : memref<10000x128xf32, #tpu.memory_space<vmem_shared>> -> memref<10000x128xf32, #tpu.memory_space<vmem_shared>>
      tpu.enqueue_indirect_dma source(%arg8 : memref<128x128xf32, #tpu.memory_space<vmem>>) target(%dma_start3A_845 : memref<10000x128xf32, #tpu.memory_space<vmem_shared>>) offsets(%dma_start3A_842 : memref<128xi32, #tpu.memory_space<vmem>>) semaphore(%arg21 : memref<!tpu.dma_semaphore, #tpu.memory_space<semaphore_mem>>) {add = true}
      %mul3A_846 = arith.constant 6 : i32
      %mul3A_847 = arith.muli %mul3A_846, %scan3A_451 : i32
      %add3A_848 = arith.constant 5 : i32
      %add3A_849 = arith.addi %mul3A_847, %add3A_848 : i32
      %add3A_850 = arith.constant 2 : i32
      %add3A_851 = arith.addi %add3A_849, %add3A_850 : i32
      %mul3A_852 = arith.constant 6 : i32
      %mul3A_853 = arith.muli %mul3A_852, %scan3A_451 : i32
      %add3A_854 = arith.constant 5 : i32
      %add3A_855 = arith.addi %mul3A_853, %add3A_854 : i32
      %add3A_856 = arith.constant 1 : i32
      %add3A_857 = arith.addi %add3A_855, %add3A_856 : i32
      %add3A_858 = arith.addi %mul3A_6, %add3A_851 : i32
      %dma_start3A_859 = arith.constant 1 : i32
      %dma_start3A_860 = arith.constant 0 : i32
      %dma_start3A_861 = arith.constant 0 : i32
      %dma_start3A_862 = tpu.memref_slice %arg6[%dma_start3A_859, %dma_start3A_860, %dma_start3A_861] : memref<6x2x128xi32, #tpu.memory_space<vmem>> -> memref<1x2x128xi32, #tpu.memory_space<vmem>>
      %dma_start3A_863 = tpu.memref_squeeze %dma_start3A_862 : memref<1x2x128xi32, #tpu.memory_space<vmem>> -> memref<2x128xi32, #tpu.memory_space<vmem>>
      %dma_start3A_864 = arith.constant 0 : i32
      %dma_start3A_865 = arith.constant 0 : i32
      %dma_start3A_866 = tpu.memref_slice %arg3[%add3A_858, %dma_start3A_864, %dma_start3A_865] : memref<2500x2x128xi32, #tpu.memory_space<hbm>> -> memref<1x2x128xi32, #tpu.memory_space<hbm>>
      %dma_start3A_867 = tpu.memref_squeeze %dma_start3A_866 : memref<1x2x128xi32, #tpu.memory_space<hbm>> -> memref<2x128xi32, #tpu.memory_space<hbm>>
      %dma_start3A_868 = arith.constant 0 : i32
      %dma_start3A_869 = arith.constant 0 : i32
      %dma_start3A_870 = tpu.memref_slice %arg6[%dma_start3A_859, %dma_start3A_868, %dma_start3A_869] : memref<6x2x128xi32, #tpu.memory_space<vmem>> -> memref<1x2x128xi32, #tpu.memory_space<vmem>>
      %dma_start3A_871 = tpu.memref_squeeze %dma_start3A_870 : memref<1x2x128xi32, #tpu.memory_space<vmem>> -> memref<2x128xi32, #tpu.memory_space<vmem>>
      %dma_start3A_872 = arith.constant 0 : i32
      %dma_start3A_873 = arith.constant 0 : i32
      %dma_start3A_874 = tpu.memref_slice %arg3[%add3A_858, %dma_start3A_872, %dma_start3A_873] : memref<2500x2x128xi32, #tpu.memory_space<hbm>> -> memref<1x2x128xi32, #tpu.memory_space<hbm>>
      %dma_start3A_875 = tpu.memref_squeeze %dma_start3A_874 : memref<1x2x128xi32, #tpu.memory_space<hbm>> -> memref<2x128xi32, #tpu.memory_space<hbm>>
      tpu.enqueue_dma source(%dma_start3A_875 : memref<2x128xi32, #tpu.memory_space<hbm>>) target(%dma_start3A_871 : memref<2x128xi32, #tpu.memory_space<vmem>>) target_semaphore(%arg12 : memref<!tpu.dma_semaphore, #tpu.memory_space<semaphore_mem>>)
      %dma_wait3A_876 = arith.constant 0 : i32
      %dma_wait3A_877 = arith.constant 0 : i32
      %dma_wait3A_878 = arith.constant 0 : i32
      %dma_wait3A_879 = arith.constant 0 : i32
      %dma_wait3A_880 = tpu.memref_slice %arg6[%dma_wait3A_877, %dma_wait3A_878, %dma_wait3A_879] : memref<6x2x128xi32, #tpu.memory_space<vmem>> -> memref<1x2x128xi32, #tpu.memory_space<vmem>>
      %dma_wait3A_881 = tpu.memref_squeeze %dma_wait3A_880 : memref<1x2x128xi32, #tpu.memory_space<vmem>> -> memref<2x128xi32, #tpu.memory_space<vmem>>
      %dma_wait3A_882 = arith.constant 0 : i32
      %dma_wait3A_883 = arith.constant 0 : i32
      %dma_wait3A_884 = tpu.memref_slice %arg3[%dma_wait3A_876, %dma_wait3A_882, %dma_wait3A_883] : memref<2500x2x128xi32, #tpu.memory_space<hbm>> -> memref<1x2x128xi32, #tpu.memory_space<hbm>>
      %dma_wait3A_885 = tpu.memref_squeeze %dma_wait3A_884 : memref<1x2x128xi32, #tpu.memory_space<hbm>> -> memref<2x128xi32, #tpu.memory_space<hbm>>
      %dma_wait3A_886 = arith.constant 0 : i32
      %dma_wait3A_887 = arith.constant 0 : i32
      %dma_wait3A_888 = tpu.memref_slice %arg6[%dma_wait3A_877, %dma_wait3A_886, %dma_wait3A_887] : memref<6x2x128xi32, #tpu.memory_space<vmem>> -> memref<1x2x128xi32, #tpu.memory_space<vmem>>
      %dma_wait3A_889 = tpu.memref_squeeze %dma_wait3A_888 : memref<1x2x128xi32, #tpu.memory_space<vmem>> -> memref<2x128xi32, #tpu.memory_space<vmem>>
      %dma_wait3A_890 = arith.constant 0 : i32
      %dma_wait3A_891 = arith.constant 0 : i32
      %dma_wait3A_892 = tpu.memref_slice %arg3[%dma_wait3A_876, %dma_wait3A_890, %dma_wait3A_891] : memref<2500x2x128xi32, #tpu.memory_space<hbm>> -> memref<1x2x128xi32, #tpu.memory_space<hbm>>
      %dma_wait3A_893 = tpu.memref_squeeze %dma_wait3A_892 : memref<1x2x128xi32, #tpu.memory_space<hbm>> -> memref<2x128xi32, #tpu.memory_space<hbm>>
      tpu.wait_dma2 semaphore(%arg11 : memref<!tpu.dma_semaphore, #tpu.memory_space<semaphore_mem>>) src(%dma_wait3A_893 : memref<2x128xi32, #tpu.memory_space<hbm>>) dst(%dma_wait3A_889 : memref<2x128xi32, #tpu.memory_space<vmem>>)
      %dma_wait3A_894 = arith.constant 0 : i32
      %dma_wait3A_895 = arith.constant 1 : i32
      %dma_wait3A_896 = arith.constant 0 : i32
      %dma_wait3A_897 = tpu.memref_slice %arg6[%dma_wait3A_894, %dma_wait3A_895, %dma_wait3A_896] : memref<6x2x128xi32, #tpu.memory_space<vmem>> -> memref<1x1x128xi32, #tpu.memory_space<vmem>>
      %dma_wait3A_898 = tpu.memref_squeeze %dma_wait3A_897 : memref<1x1x128xi32, #tpu.memory_space<vmem>> -> memref<128xi32, #tpu.memory_space<vmem>>
      %dma_wait3A_899 = arith.constant 0 : i32
      %dma_wait3A_900 = arith.constant 0 : i32
      %dma_wait3A_901 = tpu.memref_slice %arg10[%dma_wait3A_899, %dma_wait3A_900] : memref<10000x128xf32, #tpu.memory_space<vmem_shared>> -> memref<10000x128xf32, #tpu.memory_space<vmem_shared>>
      tpu.wait_indirect_dma semaphore(%arg20 : memref<!tpu.dma_semaphore, #tpu.memory_space<semaphore_mem>>) src(%arg7 : memref<128x128xf32, #tpu.memory_space<vmem>>) dst(%dma_wait3A_901 : memref<10000x128xf32, #tpu.memory_space<vmem_shared>>)
      %dma_start3A_902 = arith.constant 0 : i32
      %dma_start3A_903 = arith.constant 0 : i32
      %dma_start3A_904 = arith.constant 0 : i32
      %dma_start3A_905 = tpu.memref_slice %arg6[%dma_start3A_902, %dma_start3A_903, %dma_start3A_904] : memref<6x2x128xi32, #tpu.memory_space<vmem>> -> memref<1x1x128xi32, #tpu.memory_space<vmem>>
      %dma_start3A_906 = tpu.memref_squeeze %dma_start3A_905 : memref<1x1x128xi32, #tpu.memory_space<vmem>> -> memref<128xi32, #tpu.memory_space<vmem>>
      %dma_start3A_907 = arith.constant 0 : i32
      %dma_start3A_908 = arith.constant 0 : i32
      %dma_start3A_909 = tpu.memref_slice %arg2[%dma_start3A_907, %dma_start3A_908] : memref<10000x128xf32, #tpu.memory_space<hbm>> -> memref<10000x128xf32, #tpu.memory_space<hbm>>
      tpu.enqueue_indirect_dma source(%dma_start3A_909 : memref<10000x128xf32, #tpu.memory_space<hbm>>) target(%arg7 : memref<128x128xf32, #tpu.memory_space<vmem>>) offsets(%dma_start3A_906 : memref<128xi32, #tpu.memory_space<vmem>>) semaphore(%arg17 : memref<!tpu.dma_semaphore, #tpu.memory_space<semaphore_mem>>)
      %dma_wait3A_910 = arith.constant 0 : i32
      %dma_wait3A_911 = arith.constant 0 : i32
      %dma_wait3A_912 = arith.constant 0 : i32
      %dma_wait3A_913 = tpu.memref_slice %arg6[%dma_wait3A_910, %dma_wait3A_911, %dma_wait3A_912] : memref<6x2x128xi32, #tpu.memory_space<vmem>> -> memref<1x1x128xi32, #tpu.memory_space<vmem>>
      %dma_wait3A_914 = tpu.memref_squeeze %dma_wait3A_913 : memref<1x1x128xi32, #tpu.memory_space<vmem>> -> memref<128xi32, #tpu.memory_space<vmem>>
      %dma_wait3A_915 = arith.constant 0 : i32
      %dma_wait3A_916 = arith.constant 0 : i32
      %dma_wait3A_917 = tpu.memref_slice %arg2[%dma_wait3A_915, %dma_wait3A_916] : memref<10000x128xf32, #tpu.memory_space<hbm>> -> memref<10000x128xf32, #tpu.memory_space<hbm>>
      tpu.wait_indirect_dma semaphore(%arg19 : memref<!tpu.dma_semaphore, #tpu.memory_space<semaphore_mem>>) src(%dma_wait3A_917 : memref<10000x128xf32, #tpu.memory_space<hbm>>) dst(%arg9 : memref<128x128xf32, #tpu.memory_space<vmem>>)
      %dma_start3A_918 = arith.constant 5 : i32
      %dma_start3A_919 = arith.constant 1 : i32
      %dma_start3A_920 = arith.constant 0 : i32
      %dma_start3A_921 = tpu.memref_slice %arg6[%dma_start3A_918, %dma_start3A_919, %dma_start3A_920] : memref<6x2x128xi32, #tpu.memory_space<vmem>> -> memref<1x1x128xi32, #tpu.memory_space<vmem>>
      %dma_start3A_922 = tpu.memref_squeeze %dma_start3A_921 : memref<1x1x128xi32, #tpu.memory_space<vmem>> -> memref<128xi32, #tpu.memory_space<vmem>>
      %dma_start3A_923 = arith.constant 0 : i32
      %dma_start3A_924 = arith.constant 0 : i32
      %dma_start3A_925 = tpu.memref_slice %arg10[%dma_start3A_923, %dma_start3A_924] : memref<10000x128xf32, #tpu.memory_space<vmem_shared>> -> memref<10000x128xf32, #tpu.memory_space<vmem_shared>>
      tpu.enqueue_indirect_dma source(%arg9 : memref<128x128xf32, #tpu.memory_space<vmem>>) target(%dma_start3A_925 : memref<10000x128xf32, #tpu.memory_space<vmem_shared>>) offsets(%dma_start3A_922 : memref<128xi32, #tpu.memory_space<vmem>>) semaphore(%arg22 : memref<!tpu.dma_semaphore, #tpu.memory_space<semaphore_mem>>) {add = true}
      %scan3A_926 = arith.constant 0 : i32
      scf.yield %scan3A_926 : i32
    }
    %scan3A_74 = arith.constant 12 : i32
    %add3A_75 = arith.constant 74 : i32
    %add3A_76 = arith.addi %mul3A_6, %add3A_75 : i32
    %dma_start3A_77 = arith.constant 2 : i32
    %dma_start3A_78 = arith.constant 0 : i32
    %dma_start3A_79 = arith.constant 0 : i32
    %dma_start3A_80 = tpu.memref_slice %arg6[%dma_start3A_77, %dma_start3A_78, %dma_start3A_79] : memref<6x2x128xi32, #tpu.memory_space<vmem>> -> memref<1x2x128xi32, #tpu.memory_space<vmem>>
    %dma_start3A_81 = tpu.memref_squeeze %dma_start3A_80 : memref<1x2x128xi32, #tpu.memory_space<vmem>> -> memref<2x128xi32, #tpu.memory_space<vmem>>
    %dma_start3A_82 = arith.constant 0 : i32
    %dma_start3A_83 = arith.constant 0 : i32
    %dma_start3A_84 = tpu.memref_slice %arg3[%add3A_76, %dma_start3A_82, %dma_start3A_83] : memref<2500x2x128xi32, #tpu.memory_space<hbm>> -> memref<1x2x128xi32, #tpu.memory_space<hbm>>
    %dma_start3A_85 = tpu.memref_squeeze %dma_start3A_84 : memref<1x2x128xi32, #tpu.memory_space<hbm>> -> memref<2x128xi32, #tpu.memory_space<hbm>>
    %dma_start3A_86 = arith.constant 0 : i32
    %dma_start3A_87 = arith.constant 0 : i32
    %dma_start3A_88 = tpu.memref_slice %arg6[%dma_start3A_77, %dma_start3A_86, %dma_start3A_87] : memref<6x2x128xi32, #tpu.memory_space<vmem>> -> memref<1x2x128xi32, #tpu.memory_space<vmem>>
    %dma_start3A_89 = tpu.memref_squeeze %dma_start3A_88 : memref<1x2x128xi32, #tpu.memory_space<vmem>> -> memref<2x128xi32, #tpu.memory_space<vmem>>
    %dma_start3A_90 = arith.constant 0 : i32
    %dma_start3A_91 = arith.constant 0 : i32
    %dma_start3A_92 = tpu.memref_slice %arg3[%add3A_76, %dma_start3A_90, %dma_start3A_91] : memref<2500x2x128xi32, #tpu.memory_space<hbm>> -> memref<1x2x128xi32, #tpu.memory_space<hbm>>
    %dma_start3A_93 = tpu.memref_squeeze %dma_start3A_92 : memref<1x2x128xi32, #tpu.memory_space<hbm>> -> memref<2x128xi32, #tpu.memory_space<hbm>>
    tpu.enqueue_dma source(%dma_start3A_93 : memref<2x128xi32, #tpu.memory_space<hbm>>) target(%dma_start3A_89 : memref<2x128xi32, #tpu.memory_space<vmem>>) target_semaphore(%arg13 : memref<!tpu.dma_semaphore, #tpu.memory_space<semaphore_mem>>)
    %dma_wait3A_94 = arith.constant 0 : i32
    %dma_wait3A_95 = arith.constant 1 : i32
    %dma_wait3A_96 = arith.constant 0 : i32
    %dma_wait3A_97 = arith.constant 0 : i32
    %dma_wait3A_98 = tpu.memref_slice %arg6[%dma_wait3A_95, %dma_wait3A_96, %dma_wait3A_97] : memref<6x2x128xi32, #tpu.memory_space<vmem>> -> memref<1x2x128xi32, #tpu.memory_space<vmem>>
    %dma_wait3A_99 = tpu.memref_squeeze %dma_wait3A_98 : memref<1x2x128xi32, #tpu.memory_space<vmem>> -> memref<2x128xi32, #tpu.memory_space<vmem>>
    %dma_wait3A_100 = arith.constant 0 : i32
    %dma_wait3A_101 = arith.constant 0 : i32
    %dma_wait3A_102 = tpu.memref_slice %arg3[%dma_wait3A_94, %dma_wait3A_100, %dma_wait3A_101] : memref<2500x2x128xi32, #tpu.memory_space<hbm>> -> memref<1x2x128xi32, #tpu.memory_space<hbm>>
    %dma_wait3A_103 = tpu.memref_squeeze %dma_wait3A_102 : memref<1x2x128xi32, #tpu.memory_space<hbm>> -> memref<2x128xi32, #tpu.memory_space<hbm>>
    %dma_wait3A_104 = arith.constant 0 : i32
    %dma_wait3A_105 = arith.constant 0 : i32
    %dma_wait3A_106 = tpu.memref_slice %arg6[%dma_wait3A_95, %dma_wait3A_104, %dma_wait3A_105] : memref<6x2x128xi32, #tpu.memory_space<vmem>> -> memref<1x2x128xi32, #tpu.memory_space<vmem>>
    %dma_wait3A_107 = tpu.memref_squeeze %dma_wait3A_106 : memref<1x2x128xi32, #tpu.memory_space<vmem>> -> memref<2x128xi32, #tpu.memory_space<vmem>>
    %dma_wait3A_108 = arith.constant 0 : i32
    %dma_wait3A_109 = arith.constant 0 : i32
    %dma_wait3A_110 = tpu.memref_slice %arg3[%dma_wait3A_94, %dma_wait3A_108, %dma_wait3A_109] : memref<2500x2x128xi32, #tpu.memory_space<hbm>> -> memref<1x2x128xi32, #tpu.memory_space<hbm>>
    %dma_wait3A_111 = tpu.memref_squeeze %dma_wait3A_110 : memref<1x2x128xi32, #tpu.memory_space<hbm>> -> memref<2x128xi32, #tpu.memory_space<hbm>>
    tpu.wait_dma2 semaphore(%arg12 : memref<!tpu.dma_semaphore, #tpu.memory_space<semaphore_mem>>) src(%dma_wait3A_111 : memref<2x128xi32, #tpu.memory_space<hbm>>) dst(%dma_wait3A_107 : memref<2x128xi32, #tpu.memory_space<vmem>>)
    %dma_wait3A_112 = arith.constant 0 : i32
    %dma_wait3A_113 = arith.constant 1 : i32
    %dma_wait3A_114 = arith.constant 0 : i32
    %dma_wait3A_115 = tpu.memref_slice %arg6[%dma_wait3A_112, %dma_wait3A_113, %dma_wait3A_114] : memref<6x2x128xi32, #tpu.memory_space<vmem>> -> memref<1x1x128xi32, #tpu.memory_space<vmem>>
    %dma_wait3A_116 = tpu.memref_squeeze %dma_wait3A_115 : memref<1x1x128xi32, #tpu.memory_space<vmem>> -> memref<128xi32, #tpu.memory_space<vmem>>
    %dma_wait3A_117 = arith.constant 0 : i32
    %dma_wait3A_118 = arith.constant 0 : i32
    %dma_wait3A_119 = tpu.memref_slice %arg10[%dma_wait3A_117, %dma_wait3A_118] : memref<10000x128xf32, #tpu.memory_space<vmem_shared>> -> memref<10000x128xf32, #tpu.memory_space<vmem_shared>>
    tpu.wait_indirect_dma semaphore(%arg21 : memref<!tpu.dma_semaphore, #tpu.memory_space<semaphore_mem>>) src(%arg8 : memref<128x128xf32, #tpu.memory_space<vmem>>) dst(%dma_wait3A_119 : memref<10000x128xf32, #tpu.memory_space<vmem_shared>>)
    %dma_start3A_120 = arith.constant 1 : i32
    %dma_start3A_121 = arith.constant 0 : i32
    %dma_start3A_122 = arith.constant 0 : i32
    %dma_start3A_123 = tpu.memref_slice %arg6[%dma_start3A_120, %dma_start3A_121, %dma_start3A_122] : memref<6x2x128xi32, #tpu.memory_space<vmem>> -> memref<1x1x128xi32, #tpu.memory_space<vmem>>
    %dma_start3A_124 = tpu.memref_squeeze %dma_start3A_123 : memref<1x1x128xi32, #tpu.memory_space<vmem>> -> memref<128xi32, #tpu.memory_space<vmem>>
    %dma_start3A_125 = arith.constant 0 : i32
    %dma_start3A_126 = arith.constant 0 : i32
    %dma_start3A_127 = tpu.memref_slice %arg2[%dma_start3A_125, %dma_start3A_126] : memref<10000x128xf32, #tpu.memory_space<hbm>> -> memref<10000x128xf32, #tpu.memory_space<hbm>>
    tpu.enqueue_indirect_dma source(%dma_start3A_127 : memref<10000x128xf32, #tpu.memory_space<hbm>>) target(%arg8 : memref<128x128xf32, #tpu.memory_space<vmem>>) offsets(%dma_start3A_124 : memref<128xi32, #tpu.memory_space<vmem>>) semaphore(%arg18 : memref<!tpu.dma_semaphore, #tpu.memory_space<semaphore_mem>>)
    %dma_wait3A_128 = arith.constant 0 : i32
    %dma_wait3A_129 = arith.constant 0 : i32
    %dma_wait3A_130 = arith.constant 0 : i32
    %dma_wait3A_131 = tpu.memref_slice %arg6[%dma_wait3A_128, %dma_wait3A_129, %dma_wait3A_130] : memref<6x2x128xi32, #tpu.memory_space<vmem>> -> memref<1x1x128xi32, #tpu.memory_space<vmem>>
    %dma_wait3A_132 = tpu.memref_squeeze %dma_wait3A_131 : memref<1x1x128xi32, #tpu.memory_space<vmem>> -> memref<128xi32, #tpu.memory_space<vmem>>
    %dma_wait3A_133 = arith.constant 0 : i32
    %dma_wait3A_134 = arith.constant 0 : i32
    %dma_wait3A_135 = tpu.memref_slice %arg2[%dma_wait3A_133, %dma_wait3A_134] : memref<10000x128xf32, #tpu.memory_space<hbm>> -> memref<10000x128xf32, #tpu.memory_space<hbm>>
    tpu.wait_indirect_dma semaphore(%arg17 : memref<!tpu.dma_semaphore, #tpu.memory_space<semaphore_mem>>) src(%dma_wait3A_135 : memref<10000x128xf32, #tpu.memory_space<hbm>>) dst(%arg7 : memref<128x128xf32, #tpu.memory_space<vmem>>)
    %dma_start3A_136 = arith.constant 0 : i32
    %dma_start3A_137 = arith.constant 1 : i32
    %dma_start3A_138 = arith.constant 0 : i32
    %dma_start3A_139 = tpu.memref_slice %arg6[%dma_start3A_136, %dma_start3A_137, %dma_start3A_138] : memref<6x2x128xi32, #tpu.memory_space<vmem>> -> memref<1x1x128xi32, #tpu.memory_space<vmem>>
    %dma_start3A_140 = tpu.memref_squeeze %dma_start3A_139 : memref<1x1x128xi32, #tpu.memory_space<vmem>> -> memref<128xi32, #tpu.memory_space<vmem>>
    %dma_start3A_141 = arith.constant 0 : i32
    %dma_start3A_142 = arith.constant 0 : i32
    %dma_start3A_143 = tpu.memref_slice %arg10[%dma_start3A_141, %dma_start3A_142] : memref<10000x128xf32, #tpu.memory_space<vmem_shared>> -> memref<10000x128xf32, #tpu.memory_space<vmem_shared>>
    tpu.enqueue_indirect_dma source(%arg7 : memref<128x128xf32, #tpu.memory_space<vmem>>) target(%dma_start3A_143 : memref<10000x128xf32, #tpu.memory_space<vmem_shared>>) offsets(%dma_start3A_140 : memref<128xi32, #tpu.memory_space<vmem>>) semaphore(%arg20 : memref<!tpu.dma_semaphore, #tpu.memory_space<semaphore_mem>>) {add = true}
    %add3A_144 = arith.constant 75 : i32
    %add3A_145 = arith.addi %mul3A_6, %add3A_144 : i32
    %dma_start3A_146 = arith.constant 3 : i32
    %dma_start3A_147 = arith.constant 0 : i32
    %dma_start3A_148 = arith.constant 0 : i32
    %dma_start3A_149 = tpu.memref_slice %arg6[%dma_start3A_146, %dma_start3A_147, %dma_start3A_148] : memref<6x2x128xi32, #tpu.memory_space<vmem>> -> memref<1x2x128xi32, #tpu.memory_space<vmem>>
    %dma_start3A_150 = tpu.memref_squeeze %dma_start3A_149 : memref<1x2x128xi32, #tpu.memory_space<vmem>> -> memref<2x128xi32, #tpu.memory_space<vmem>>
    %dma_start3A_151 = arith.constant 0 : i32
    %dma_start3A_152 = arith.constant 0 : i32
    %dma_start3A_153 = tpu.memref_slice %arg3[%add3A_145, %dma_start3A_151, %dma_start3A_152] : memref<2500x2x128xi32, #tpu.memory_space<hbm>> -> memref<1x2x128xi32, #tpu.memory_space<hbm>>
    %dma_start3A_154 = tpu.memref_squeeze %dma_start3A_153 : memref<1x2x128xi32, #tpu.memory_space<hbm>> -> memref<2x128xi32, #tpu.memory_space<hbm>>
    %dma_start3A_155 = arith.constant 0 : i32
    %dma_start3A_156 = arith.constant 0 : i32
    %dma_start3A_157 = tpu.memref_slice %arg6[%dma_start3A_146, %dma_start3A_155, %dma_start3A_156] : memref<6x2x128xi32, #tpu.memory_space<vmem>> -> memref<1x2x128xi32, #tpu.memory_space<vmem>>
    %dma_start3A_158 = tpu.memref_squeeze %dma_start3A_157 : memref<1x2x128xi32, #tpu.memory_space<vmem>> -> memref<2x128xi32, #tpu.memory_space<vmem>>
    %dma_start3A_159 = arith.constant 0 : i32
    %dma_start3A_160 = arith.constant 0 : i32
    %dma_start3A_161 = tpu.memref_slice %arg3[%add3A_145, %dma_start3A_159, %dma_start3A_160] : memref<2500x2x128xi32, #tpu.memory_space<hbm>> -> memref<1x2x128xi32, #tpu.memory_space<hbm>>
    %dma_start3A_162 = tpu.memref_squeeze %dma_start3A_161 : memref<1x2x128xi32, #tpu.memory_space<hbm>> -> memref<2x128xi32, #tpu.memory_space<hbm>>
    tpu.enqueue_dma source(%dma_start3A_162 : memref<2x128xi32, #tpu.memory_space<hbm>>) target(%dma_start3A_158 : memref<2x128xi32, #tpu.memory_space<vmem>>) target_semaphore(%arg14 : memref<!tpu.dma_semaphore, #tpu.memory_space<semaphore_mem>>)
    %dma_wait3A_163 = arith.constant 0 : i32
    %dma_wait3A_164 = arith.constant 2 : i32
    %dma_wait3A_165 = arith.constant 0 : i32
    %dma_wait3A_166 = arith.constant 0 : i32
    %dma_wait3A_167 = tpu.memref_slice %arg6[%dma_wait3A_164, %dma_wait3A_165, %dma_wait3A_166] : memref<6x2x128xi32, #tpu.memory_space<vmem>> -> memref<1x2x128xi32, #tpu.memory_space<vmem>>
    %dma_wait3A_168 = tpu.memref_squeeze %dma_wait3A_167 : memref<1x2x128xi32, #tpu.memory_space<vmem>> -> memref<2x128xi32, #tpu.memory_space<vmem>>
    %dma_wait3A_169 = arith.constant 0 : i32
    %dma_wait3A_170 = arith.constant 0 : i32
    %dma_wait3A_171 = tpu.memref_slice %arg3[%dma_wait3A_163, %dma_wait3A_169, %dma_wait3A_170] : memref<2500x2x128xi32, #tpu.memory_space<hbm>> -> memref<1x2x128xi32, #tpu.memory_space<hbm>>
    %dma_wait3A_172 = tpu.memref_squeeze %dma_wait3A_171 : memref<1x2x128xi32, #tpu.memory_space<hbm>> -> memref<2x128xi32, #tpu.memory_space<hbm>>
    %dma_wait3A_173 = arith.constant 0 : i32
    %dma_wait3A_174 = arith.constant 0 : i32
    %dma_wait3A_175 = tpu.memref_slice %arg6[%dma_wait3A_164, %dma_wait3A_173, %dma_wait3A_174] : memref<6x2x128xi32, #tpu.memory_space<vmem>> -> memref<1x2x128xi32, #tpu.memory_space<vmem>>
    %dma_wait3A_176 = tpu.memref_squeeze %dma_wait3A_175 : memref<1x2x128xi32, #tpu.memory_space<vmem>> -> memref<2x128xi32, #tpu.memory_space<vmem>>
    %dma_wait3A_177 = arith.constant 0 : i32
    %dma_wait3A_178 = arith.constant 0 : i32
    %dma_wait3A_179 = tpu.memref_slice %arg3[%dma_wait3A_163, %dma_wait3A_177, %dma_wait3A_178] : memref<2500x2x128xi32, #tpu.memory_space<hbm>> -> memref<1x2x128xi32, #tpu.memory_space<hbm>>
    %dma_wait3A_180 = tpu.memref_squeeze %dma_wait3A_179 : memref<1x2x128xi32, #tpu.memory_space<hbm>> -> memref<2x128xi32, #tpu.memory_space<hbm>>
    tpu.wait_dma2 semaphore(%arg13 : memref<!tpu.dma_semaphore, #tpu.memory_space<semaphore_mem>>) src(%dma_wait3A_180 : memref<2x128xi32, #tpu.memory_space<hbm>>) dst(%dma_wait3A_176 : memref<2x128xi32, #tpu.memory_space<vmem>>)
    %dma_wait3A_181 = arith.constant 0 : i32
    %dma_wait3A_182 = arith.constant 1 : i32
    %dma_wait3A_183 = arith.constant 0 : i32
    %dma_wait3A_184 = tpu.memref_slice %arg6[%dma_wait3A_181, %dma_wait3A_182, %dma_wait3A_183] : memref<6x2x128xi32, #tpu.memory_space<vmem>> -> memref<1x1x128xi32, #tpu.memory_space<vmem>>
    %dma_wait3A_185 = tpu.memref_squeeze %dma_wait3A_184 : memref<1x1x128xi32, #tpu.memory_space<vmem>> -> memref<128xi32, #tpu.memory_space<vmem>>
    %dma_wait3A_186 = arith.constant 0 : i32
    %dma_wait3A_187 = arith.constant 0 : i32
    %dma_wait3A_188 = tpu.memref_slice %arg10[%dma_wait3A_186, %dma_wait3A_187] : memref<10000x128xf32, #tpu.memory_space<vmem_shared>> -> memref<10000x128xf32, #tpu.memory_space<vmem_shared>>
    tpu.wait_indirect_dma semaphore(%arg22 : memref<!tpu.dma_semaphore, #tpu.memory_space<semaphore_mem>>) src(%arg9 : memref<128x128xf32, #tpu.memory_space<vmem>>) dst(%dma_wait3A_188 : memref<10000x128xf32, #tpu.memory_space<vmem_shared>>)
    %dma_start3A_189 = arith.constant 2 : i32
    %dma_start3A_190 = arith.constant 0 : i32
    %dma_start3A_191 = arith.constant 0 : i32
    %dma_start3A_192 = tpu.memref_slice %arg6[%dma_start3A_189, %dma_start3A_190, %dma_start3A_191] : memref<6x2x128xi32, #tpu.memory_space<vmem>> -> memref<1x1x128xi32, #tpu.memory_space<vmem>>
    %dma_start3A_193 = tpu.memref_squeeze %dma_start3A_192 : memref<1x1x128xi32, #tpu.memory_space<vmem>> -> memref<128xi32, #tpu.memory_space<vmem>>
    %dma_start3A_194 = arith.constant 0 : i32
    %dma_start3A_195 = arith.constant 0 : i32
    %dma_start3A_196 = tpu.memref_slice %arg2[%dma_start3A_194, %dma_start3A_195] : memref<10000x128xf32, #tpu.memory_space<hbm>> -> memref<10000x128xf32, #tpu.memory_space<hbm>>
    tpu.enqueue_indirect_dma source(%dma_start3A_196 : memref<10000x128xf32, #tpu.memory_space<hbm>>) target(%arg9 : memref<128x128xf32, #tpu.memory_space<vmem>>) offsets(%dma_start3A_193 : memref<128xi32, #tpu.memory_space<vmem>>) semaphore(%arg19 : memref<!tpu.dma_semaphore, #tpu.memory_space<semaphore_mem>>)
    %dma_wait3A_197 = arith.constant 0 : i32
    %dma_wait3A_198 = arith.constant 0 : i32
    %dma_wait3A_199 = arith.constant 0 : i32
    %dma_wait3A_200 = tpu.memref_slice %arg6[%dma_wait3A_197, %dma_wait3A_198, %dma_wait3A_199] : memref<6x2x128xi32, #tpu.memory_space<vmem>> -> memref<1x1x128xi32, #tpu.memory_space<vmem>>
    %dma_wait3A_201 = tpu.memref_squeeze %dma_wait3A_200 : memref<1x1x128xi32, #tpu.memory_space<vmem>> -> memref<128xi32, #tpu.memory_space<vmem>>
    %dma_wait3A_202 = arith.constant 0 : i32
    %dma_wait3A_203 = arith.constant 0 : i32
    %dma_wait3A_204 = tpu.memref_slice %arg2[%dma_wait3A_202, %dma_wait3A_203] : memref<10000x128xf32, #tpu.memory_space<hbm>> -> memref<10000x128xf32, #tpu.memory_space<hbm>>
    tpu.wait_indirect_dma semaphore(%arg18 : memref<!tpu.dma_semaphore, #tpu.memory_space<semaphore_mem>>) src(%dma_wait3A_204 : memref<10000x128xf32, #tpu.memory_space<hbm>>) dst(%arg8 : memref<128x128xf32, #tpu.memory_space<vmem>>)
    %dma_start3A_205 = arith.constant 1 : i32
    %dma_start3A_206 = arith.constant 1 : i32
    %dma_start3A_207 = arith.constant 0 : i32
    %dma_start3A_208 = tpu.memref_slice %arg6[%dma_start3A_205, %dma_start3A_206, %dma_start3A_207] : memref<6x2x128xi32, #tpu.memory_space<vmem>> -> memref<1x1x128xi32, #tpu.memory_space<vmem>>
    %dma_start3A_209 = tpu.memref_squeeze %dma_start3A_208 : memref<1x1x128xi32, #tpu.memory_space<vmem>> -> memref<128xi32, #tpu.memory_space<vmem>>
    %dma_start3A_210 = arith.constant 0 : i32
    %dma_start3A_211 = arith.constant 0 : i32
    %dma_start3A_212 = tpu.memref_slice %arg10[%dma_start3A_210, %dma_start3A_211] : memref<10000x128xf32, #tpu.memory_space<vmem_shared>> -> memref<10000x128xf32, #tpu.memory_space<vmem_shared>>
    tpu.enqueue_indirect_dma source(%arg8 : memref<128x128xf32, #tpu.memory_space<vmem>>) target(%dma_start3A_212 : memref<10000x128xf32, #tpu.memory_space<vmem_shared>>) offsets(%dma_start3A_209 : memref<128xi32, #tpu.memory_space<vmem>>) semaphore(%arg21 : memref<!tpu.dma_semaphore, #tpu.memory_space<semaphore_mem>>) {add = true}
    %add3A_213 = arith.constant 76 : i32
    %add3A_214 = arith.addi %mul3A_6, %add3A_213 : i32
    %dma_start3A_215 = arith.constant 4 : i32
    %dma_start3A_216 = arith.constant 0 : i32
    %dma_start3A_217 = arith.constant 0 : i32
    %dma_start3A_218 = tpu.memref_slice %arg6[%dma_start3A_215, %dma_start3A_216, %dma_start3A_217] : memref<6x2x128xi32, #tpu.memory_space<vmem>> -> memref<1x2x128xi32, #tpu.memory_space<vmem>>
    %dma_start3A_219 = tpu.memref_squeeze %dma_start3A_218 : memref<1x2x128xi32, #tpu.memory_space<vmem>> -> memref<2x128xi32, #tpu.memory_space<vmem>>
    %dma_start3A_220 = arith.constant 0 : i32
    %dma_start3A_221 = arith.constant 0 : i32
    %dma_start3A_222 = tpu.memref_slice %arg3[%add3A_214, %dma_start3A_220, %dma_start3A_221] : memref<2500x2x128xi32, #tpu.memory_space<hbm>> -> memref<1x2x128xi32, #tpu.memory_space<hbm>>
    %dma_start3A_223 = tpu.memref_squeeze %dma_start3A_222 : memref<1x2x128xi32, #tpu.memory_space<hbm>> -> memref<2x128xi32, #tpu.memory_space<hbm>>
    %dma_start3A_224 = arith.constant 0 : i32
    %dma_start3A_225 = arith.constant 0 : i32
    %dma_start3A_226 = tpu.memref_slice %arg6[%dma_start3A_215, %dma_start3A_224, %dma_start3A_225] : memref<6x2x128xi32, #tpu.memory_space<vmem>> -> memref<1x2x128xi32, #tpu.memory_space<vmem>>
    %dma_start3A_227 = tpu.memref_squeeze %dma_start3A_226 : memref<1x2x128xi32, #tpu.memory_space<vmem>> -> memref<2x128xi32, #tpu.memory_space<vmem>>
    %dma_start3A_228 = arith.constant 0 : i32
    %dma_start3A_229 = arith.constant 0 : i32
    %dma_start3A_230 = tpu.memref_slice %arg3[%add3A_214, %dma_start3A_228, %dma_start3A_229] : memref<2500x2x128xi32, #tpu.memory_space<hbm>> -> memref<1x2x128xi32, #tpu.memory_space<hbm>>
    %dma_start3A_231 = tpu.memref_squeeze %dma_start3A_230 : memref<1x2x128xi32, #tpu.memory_space<hbm>> -> memref<2x128xi32, #tpu.memory_space<hbm>>
    tpu.enqueue_dma source(%dma_start3A_231 : memref<2x128xi32, #tpu.memory_space<hbm>>) target(%dma_start3A_227 : memref<2x128xi32, #tpu.memory_space<vmem>>) target_semaphore(%arg15 : memref<!tpu.dma_semaphore, #tpu.memory_space<semaphore_mem>>)
    %dma_wait3A_232 = arith.constant 0 : i32
    %dma_wait3A_233 = arith.constant 3 : i32
    %dma_wait3A_234 = arith.constant 0 : i32
    %dma_wait3A_235 = arith.constant 0 : i32
    %dma_wait3A_236 = tpu.memref_slice %arg6[%dma_wait3A_233, %dma_wait3A_234, %dma_wait3A_235] : memref<6x2x128xi32, #tpu.memory_space<vmem>> -> memref<1x2x128xi32, #tpu.memory_space<vmem>>
    %dma_wait3A_237 = tpu.memref_squeeze %dma_wait3A_236 : memref<1x2x128xi32, #tpu.memory_space<vmem>> -> memref<2x128xi32, #tpu.memory_space<vmem>>
    %dma_wait3A_238 = arith.constant 0 : i32
    %dma_wait3A_239 = arith.constant 0 : i32
    %dma_wait3A_240 = tpu.memref_slice %arg3[%dma_wait3A_232, %dma_wait3A_238, %dma_wait3A_239] : memref<2500x2x128xi32, #tpu.memory_space<hbm>> -> memref<1x2x128xi32, #tpu.memory_space<hbm>>
    %dma_wait3A_241 = tpu.memref_squeeze %dma_wait3A_240 : memref<1x2x128xi32, #tpu.memory_space<hbm>> -> memref<2x128xi32, #tpu.memory_space<hbm>>
    %dma_wait3A_242 = arith.constant 0 : i32
    %dma_wait3A_243 = arith.constant 0 : i32
    %dma_wait3A_244 = tpu.memref_slice %arg6[%dma_wait3A_233, %dma_wait3A_242, %dma_wait3A_243] : memref<6x2x128xi32, #tpu.memory_space<vmem>> -> memref<1x2x128xi32, #tpu.memory_space<vmem>>
    %dma_wait3A_245 = tpu.memref_squeeze %dma_wait3A_244 : memref<1x2x128xi32, #tpu.memory_space<vmem>> -> memref<2x128xi32, #tpu.memory_space<vmem>>
    %dma_wait3A_246 = arith.constant 0 : i32
    %dma_wait3A_247 = arith.constant 0 : i32
    %dma_wait3A_248 = tpu.memref_slice %arg3[%dma_wait3A_232, %dma_wait3A_246, %dma_wait3A_247] : memref<2500x2x128xi32, #tpu.memory_space<hbm>> -> memref<1x2x128xi32, #tpu.memory_space<hbm>>
    %dma_wait3A_249 = tpu.memref_squeeze %dma_wait3A_248 : memref<1x2x128xi32, #tpu.memory_space<hbm>> -> memref<2x128xi32, #tpu.memory_space<hbm>>
    tpu.wait_dma2 semaphore(%arg14 : memref<!tpu.dma_semaphore, #tpu.memory_space<semaphore_mem>>) src(%dma_wait3A_249 : memref<2x128xi32, #tpu.memory_space<hbm>>) dst(%dma_wait3A_245 : memref<2x128xi32, #tpu.memory_space<vmem>>)
    %dma_wait3A_250 = arith.constant 0 : i32
    %dma_wait3A_251 = arith.constant 1 : i32
    %dma_wait3A_252 = arith.constant 0 : i32
    %dma_wait3A_253 = tpu.memref_slice %arg6[%dma_wait3A_250, %dma_wait3A_251, %dma_wait3A_252] : memref<6x2x128xi32, #tpu.memory_space<vmem>> -> memref<1x1x128xi32, #tpu.memory_space<vmem>>
    %dma_wait3A_254 = tpu.memref_squeeze %dma_wait3A_253 : memref<1x1x128xi32, #tpu.memory_space<vmem>> -> memref<128xi32, #tpu.memory_space<vmem>>
    %dma_wait3A_255 = arith.constant 0 : i32
    %dma_wait3A_256 = arith.constant 0 : i32
    %dma_wait3A_257 = tpu.memref_slice %arg10[%dma_wait3A_255, %dma_wait3A_256] : memref<10000x128xf32, #tpu.memory_space<vmem_shared>> -> memref<10000x128xf32, #tpu.memory_space<vmem_shared>>
    tpu.wait_indirect_dma semaphore(%arg20 : memref<!tpu.dma_semaphore, #tpu.memory_space<semaphore_mem>>) src(%arg7 : memref<128x128xf32, #tpu.memory_space<vmem>>) dst(%dma_wait3A_257 : memref<10000x128xf32, #tpu.memory_space<vmem_shared>>)
    %dma_start3A_258 = arith.constant 3 : i32
    %dma_start3A_259 = arith.constant 0 : i32
    %dma_start3A_260 = arith.constant 0 : i32
    %dma_start3A_261 = tpu.memref_slice %arg6[%dma_start3A_258, %dma_start3A_259, %dma_start3A_260] : memref<6x2x128xi32, #tpu.memory_space<vmem>> -> memref<1x1x128xi32, #tpu.memory_space<vmem>>
    %dma_start3A_262 = tpu.memref_squeeze %dma_start3A_261 : memref<1x1x128xi32, #tpu.memory_space<vmem>> -> memref<128xi32, #tpu.memory_space<vmem>>
    %dma_start3A_263 = arith.constant 0 : i32
    %dma_start3A_264 = arith.constant 0 : i32
    %dma_start3A_265 = tpu.memref_slice %arg2[%dma_start3A_263, %dma_start3A_264] : memref<10000x128xf32, #tpu.memory_space<hbm>> -> memref<10000x128xf32, #tpu.memory_space<hbm>>
    tpu.enqueue_indirect_dma source(%dma_start3A_265 : memref<10000x128xf32, #tpu.memory_space<hbm>>) target(%arg7 : memref<128x128xf32, #tpu.memory_space<vmem>>) offsets(%dma_start3A_262 : memref<128xi32, #tpu.memory_space<vmem>>) semaphore(%arg17 : memref<!tpu.dma_semaphore, #tpu.memory_space<semaphore_mem>>)
    %dma_wait3A_266 = arith.constant 0 : i32
    %dma_wait3A_267 = arith.constant 0 : i32
    %dma_wait3A_268 = arith.constant 0 : i32
    %dma_wait3A_269 = tpu.memref_slice %arg6[%dma_wait3A_266, %dma_wait3A_267, %dma_wait3A_268] : memref<6x2x128xi32, #tpu.memory_space<vmem>> -> memref<1x1x128xi32, #tpu.memory_space<vmem>>
    %dma_wait3A_270 = tpu.memref_squeeze %dma_wait3A_269 : memref<1x1x128xi32, #tpu.memory_space<vmem>> -> memref<128xi32, #tpu.memory_space<vmem>>
    %dma_wait3A_271 = arith.constant 0 : i32
    %dma_wait3A_272 = arith.constant 0 : i32
    %dma_wait3A_273 = tpu.memref_slice %arg2[%dma_wait3A_271, %dma_wait3A_272] : memref<10000x128xf32, #tpu.memory_space<hbm>> -> memref<10000x128xf32, #tpu.memory_space<hbm>>
    tpu.wait_indirect_dma semaphore(%arg19 : memref<!tpu.dma_semaphore, #tpu.memory_space<semaphore_mem>>) src(%dma_wait3A_273 : memref<10000x128xf32, #tpu.memory_space<hbm>>) dst(%arg9 : memref<128x128xf32, #tpu.memory_space<vmem>>)
    %dma_start3A_274 = arith.constant 2 : i32
    %dma_start3A_275 = arith.constant 1 : i32
    %dma_start3A_276 = arith.constant 0 : i32
    %dma_start3A_277 = tpu.memref_slice %arg6[%dma_start3A_274, %dma_start3A_275, %dma_start3A_276] : memref<6x2x128xi32, #tpu.memory_space<vmem>> -> memref<1x1x128xi32, #tpu.memory_space<vmem>>
    %dma_start3A_278 = tpu.memref_squeeze %dma_start3A_277 : memref<1x1x128xi32, #tpu.memory_space<vmem>> -> memref<128xi32, #tpu.memory_space<vmem>>
    %dma_start3A_279 = arith.constant 0 : i32
    %dma_start3A_280 = arith.constant 0 : i32
    %dma_start3A_281 = tpu.memref_slice %arg10[%dma_start3A_279, %dma_start3A_280] : memref<10000x128xf32, #tpu.memory_space<vmem_shared>> -> memref<10000x128xf32, #tpu.memory_space<vmem_shared>>
    tpu.enqueue_indirect_dma source(%arg9 : memref<128x128xf32, #tpu.memory_space<vmem>>) target(%dma_start3A_281 : memref<10000x128xf32, #tpu.memory_space<vmem_shared>>) offsets(%dma_start3A_278 : memref<128xi32, #tpu.memory_space<vmem>>) semaphore(%arg22 : memref<!tpu.dma_semaphore, #tpu.memory_space<semaphore_mem>>) {add = true}
    %add3A_282 = arith.constant 77 : i32
    %add3A_283 = arith.addi %mul3A_6, %add3A_282 : i32
    %dma_start3A_284 = arith.constant 5 : i32
    %dma_start3A_285 = arith.constant 0 : i32
    %dma_start3A_286 = arith.constant 0 : i32
    %dma_start3A_287 = tpu.memref_slice %arg6[%dma_start3A_284, %dma_start3A_285, %dma_start3A_286] : memref<6x2x128xi32, #tpu.memory_space<vmem>> -> memref<1x2x128xi32, #tpu.memory_space<vmem>>
    %dma_start3A_288 = tpu.memref_squeeze %dma_start3A_287 : memref<1x2x128xi32, #tpu.memory_space<vmem>> -> memref<2x128xi32, #tpu.memory_space<vmem>>
    %dma_start3A_289 = arith.constant 0 : i32
    %dma_start3A_290 = arith.constant 0 : i32
    %dma_start3A_291 = tpu.memref_slice %arg3[%add3A_283, %dma_start3A_289, %dma_start3A_290] : memref<2500x2x128xi32, #tpu.memory_space<hbm>> -> memref<1x2x128xi32, #tpu.memory_space<hbm>>
    %dma_start3A_292 = tpu.memref_squeeze %dma_start3A_291 : memref<1x2x128xi32, #tpu.memory_space<hbm>> -> memref<2x128xi32, #tpu.memory_space<hbm>>
    %dma_start3A_293 = arith.constant 0 : i32
    %dma_start3A_294 = arith.constant 0 : i32
    %dma_start3A_295 = tpu.memref_slice %arg6[%dma_start3A_284, %dma_start3A_293, %dma_start3A_294] : memref<6x2x128xi32, #tpu.memory_space<vmem>> -> memref<1x2x128xi32, #tpu.memory_space<vmem>>
    %dma_start3A_296 = tpu.memref_squeeze %dma_start3A_295 : memref<1x2x128xi32, #tpu.memory_space<vmem>> -> memref<2x128xi32, #tpu.memory_space<vmem>>
    %dma_start3A_297 = arith.constant 0 : i32
    %dma_start3A_298 = arith.constant 0 : i32
    %dma_start3A_299 = tpu.memref_slice %arg3[%add3A_283, %dma_start3A_297, %dma_start3A_298] : memref<2500x2x128xi32, #tpu.memory_space<hbm>> -> memref<1x2x128xi32, #tpu.memory_space<hbm>>
    %dma_start3A_300 = tpu.memref_squeeze %dma_start3A_299 : memref<1x2x128xi32, #tpu.memory_space<hbm>> -> memref<2x128xi32, #tpu.memory_space<hbm>>
    tpu.enqueue_dma source(%dma_start3A_300 : memref<2x128xi32, #tpu.memory_space<hbm>>) target(%dma_start3A_296 : memref<2x128xi32, #tpu.memory_space<vmem>>) target_semaphore(%arg16 : memref<!tpu.dma_semaphore, #tpu.memory_space<semaphore_mem>>)
    %dma_wait3A_301 = arith.constant 0 : i32
    %dma_wait3A_302 = arith.constant 4 : i32
    %dma_wait3A_303 = arith.constant 0 : i32
    %dma_wait3A_304 = arith.constant 0 : i32
    %dma_wait3A_305 = tpu.memref_slice %arg6[%dma_wait3A_302, %dma_wait3A_303, %dma_wait3A_304] : memref<6x2x128xi32, #tpu.memory_space<vmem>> -> memref<1x2x128xi32, #tpu.memory_space<vmem>>
    %dma_wait3A_306 = tpu.memref_squeeze %dma_wait3A_305 : memref<1x2x128xi32, #tpu.memory_space<vmem>> -> memref<2x128xi32, #tpu.memory_space<vmem>>
    %dma_wait3A_307 = arith.constant 0 : i32
    %dma_wait3A_308 = arith.constant 0 : i32
    %dma_wait3A_309 = tpu.memref_slice %arg3[%dma_wait3A_301, %dma_wait3A_307, %dma_wait3A_308] : memref<2500x2x128xi32, #tpu.memory_space<hbm>> -> memref<1x2x128xi32, #tpu.memory_space<hbm>>
    %dma_wait3A_310 = tpu.memref_squeeze %dma_wait3A_309 : memref<1x2x128xi32, #tpu.memory_space<hbm>> -> memref<2x128xi32, #tpu.memory_space<hbm>>
    %dma_wait3A_311 = arith.constant 0 : i32
    %dma_wait3A_312 = arith.constant 0 : i32
    %dma_wait3A_313 = tpu.memref_slice %arg6[%dma_wait3A_302, %dma_wait3A_311, %dma_wait3A_312] : memref<6x2x128xi32, #tpu.memory_space<vmem>> -> memref<1x2x128xi32, #tpu.memory_space<vmem>>
    %dma_wait3A_314 = tpu.memref_squeeze %dma_wait3A_313 : memref<1x2x128xi32, #tpu.memory_space<vmem>> -> memref<2x128xi32, #tpu.memory_space<vmem>>
    %dma_wait3A_315 = arith.constant 0 : i32
    %dma_wait3A_316 = arith.constant 0 : i32
    %dma_wait3A_317 = tpu.memref_slice %arg3[%dma_wait3A_301, %dma_wait3A_315, %dma_wait3A_316] : memref<2500x2x128xi32, #tpu.memory_space<hbm>> -> memref<1x2x128xi32, #tpu.memory_space<hbm>>
    %dma_wait3A_318 = tpu.memref_squeeze %dma_wait3A_317 : memref<1x2x128xi32, #tpu.memory_space<hbm>> -> memref<2x128xi32, #tpu.memory_space<hbm>>
    tpu.wait_dma2 semaphore(%arg15 : memref<!tpu.dma_semaphore, #tpu.memory_space<semaphore_mem>>) src(%dma_wait3A_318 : memref<2x128xi32, #tpu.memory_space<hbm>>) dst(%dma_wait3A_314 : memref<2x128xi32, #tpu.memory_space<vmem>>)
    %dma_wait3A_319 = arith.constant 0 : i32
    %dma_wait3A_320 = arith.constant 1 : i32
    %dma_wait3A_321 = arith.constant 0 : i32
    %dma_wait3A_322 = tpu.memref_slice %arg6[%dma_wait3A_319, %dma_wait3A_320, %dma_wait3A_321] : memref<6x2x128xi32, #tpu.memory_space<vmem>> -> memref<1x1x128xi32, #tpu.memory_space<vmem>>
    %dma_wait3A_323 = tpu.memref_squeeze %dma_wait3A_322 : memref<1x1x128xi32, #tpu.memory_space<vmem>> -> memref<128xi32, #tpu.memory_space<vmem>>
    %dma_wait3A_324 = arith.constant 0 : i32
    %dma_wait3A_325 = arith.constant 0 : i32
    %dma_wait3A_326 = tpu.memref_slice %arg10[%dma_wait3A_324, %dma_wait3A_325] : memref<10000x128xf32, #tpu.memory_space<vmem_shared>> -> memref<10000x128xf32, #tpu.memory_space<vmem_shared>>
    tpu.wait_indirect_dma semaphore(%arg21 : memref<!tpu.dma_semaphore, #tpu.memory_space<semaphore_mem>>) src(%arg8 : memref<128x128xf32, #tpu.memory_space<vmem>>) dst(%dma_wait3A_326 : memref<10000x128xf32, #tpu.memory_space<vmem_shared>>)
    %dma_start3A_327 = arith.constant 4 : i32
    %dma_start3A_328 = arith.constant 0 : i32
    %dma_start3A_329 = arith.constant 0 : i32
    %dma_start3A_330 = tpu.memref_slice %arg6[%dma_start3A_327, %dma_start3A_328, %dma_start3A_329] : memref<6x2x128xi32, #tpu.memory_space<vmem>> -> memref<1x1x128xi32, #tpu.memory_space<vmem>>
    %dma_start3A_331 = tpu.memref_squeeze %dma_start3A_330 : memref<1x1x128xi32, #tpu.memory_space<vmem>> -> memref<128xi32, #tpu.memory_space<vmem>>
    %dma_start3A_332 = arith.constant 0 : i32
    %dma_start3A_333 = arith.constant 0 : i32
    %dma_start3A_334 = tpu.memref_slice %arg2[%dma_start3A_332, %dma_start3A_333] : memref<10000x128xf32, #tpu.memory_space<hbm>> -> memref<10000x128xf32, #tpu.memory_space<hbm>>
    tpu.enqueue_indirect_dma source(%dma_start3A_334 : memref<10000x128xf32, #tpu.memory_space<hbm>>) target(%arg8 : memref<128x128xf32, #tpu.memory_space<vmem>>) offsets(%dma_start3A_331 : memref<128xi32, #tpu.memory_space<vmem>>) semaphore(%arg18 : memref<!tpu.dma_semaphore, #tpu.memory_space<semaphore_mem>>)
    %dma_wait3A_335 = arith.constant 0 : i32
    %dma_wait3A_336 = arith.constant 0 : i32
    %dma_wait3A_337 = arith.constant 0 : i32
    %dma_wait3A_338 = tpu.memref_slice %arg6[%dma_wait3A_335, %dma_wait3A_336, %dma_wait3A_337] : memref<6x2x128xi32, #tpu.memory_space<vmem>> -> memref<1x1x128xi32, #tpu.memory_space<vmem>>
    %dma_wait3A_339 = tpu.memref_squeeze %dma_wait3A_338 : memref<1x1x128xi32, #tpu.memory_space<vmem>> -> memref<128xi32, #tpu.memory_space<vmem>>
    %dma_wait3A_340 = arith.constant 0 : i32
    %dma_wait3A_341 = arith.constant 0 : i32
    %dma_wait3A_342 = tpu.memref_slice %arg2[%dma_wait3A_340, %dma_wait3A_341] : memref<10000x128xf32, #tpu.memory_space<hbm>> -> memref<10000x128xf32, #tpu.memory_space<hbm>>
    tpu.wait_indirect_dma semaphore(%arg17 : memref<!tpu.dma_semaphore, #tpu.memory_space<semaphore_mem>>) src(%dma_wait3A_342 : memref<10000x128xf32, #tpu.memory_space<hbm>>) dst(%arg7 : memref<128x128xf32, #tpu.memory_space<vmem>>)
    %dma_start3A_343 = arith.constant 3 : i32
    %dma_start3A_344 = arith.constant 1 : i32
    %dma_start3A_345 = arith.constant 0 : i32
    %dma_start3A_346 = tpu.memref_slice %arg6[%dma_start3A_343, %dma_start3A_344, %dma_start3A_345] : memref<6x2x128xi32, #tpu.memory_space<vmem>> -> memref<1x1x128xi32, #tpu.memory_space<vmem>>
    %dma_start3A_347 = tpu.memref_squeeze %dma_start3A_346 : memref<1x1x128xi32, #tpu.memory_space<vmem>> -> memref<128xi32, #tpu.memory_space<vmem>>
    %dma_start3A_348 = arith.constant 0 : i32
    %dma_start3A_349 = arith.constant 0 : i32
    %dma_start3A_350 = tpu.memref_slice %arg10[%dma_start3A_348, %dma_start3A_349] : memref<10000x128xf32, #tpu.memory_space<vmem_shared>> -> memref<10000x128xf32, #tpu.memory_space<vmem_shared>>
    tpu.enqueue_indirect_dma source(%arg7 : memref<128x128xf32, #tpu.memory_space<vmem>>) target(%dma_start3A_350 : memref<10000x128xf32, #tpu.memory_space<vmem_shared>>) offsets(%dma_start3A_347 : memref<128xi32, #tpu.memory_space<vmem>>) semaphore(%arg20 : memref<!tpu.dma_semaphore, #tpu.memory_space<semaphore_mem>>) {add = true}
    %dma_wait3A_351 = arith.constant 0 : i32
    %dma_wait3A_352 = arith.constant 5 : i32
    %dma_wait3A_353 = arith.constant 0 : i32
    %dma_wait3A_354 = arith.constant 0 : i32
    %dma_wait3A_355 = tpu.memref_slice %arg6[%dma_wait3A_352, %dma_wait3A_353, %dma_wait3A_354] : memref<6x2x128xi32, #tpu.memory_space<vmem>> -> memref<1x2x128xi32, #tpu.memory_space<vmem>>
    %dma_wait3A_356 = tpu.memref_squeeze %dma_wait3A_355 : memref<1x2x128xi32, #tpu.memory_space<vmem>> -> memref<2x128xi32, #tpu.memory_space<vmem>>
    %dma_wait3A_357 = arith.constant 0 : i32
    %dma_wait3A_358 = arith.constant 0 : i32
    %dma_wait3A_359 = tpu.memref_slice %arg3[%dma_wait3A_351, %dma_wait3A_357, %dma_wait3A_358] : memref<2500x2x128xi32, #tpu.memory_space<hbm>> -> memref<1x2x128xi32, #tpu.memory_space<hbm>>
    %dma_wait3A_360 = tpu.memref_squeeze %dma_wait3A_359 : memref<1x2x128xi32, #tpu.memory_space<hbm>> -> memref<2x128xi32, #tpu.memory_space<hbm>>
    %dma_wait3A_361 = arith.constant 0 : i32
    %dma_wait3A_362 = arith.constant 0 : i32
    %dma_wait3A_363 = tpu.memref_slice %arg6[%dma_wait3A_352, %dma_wait3A_361, %dma_wait3A_362] : memref<6x2x128xi32, #tpu.memory_space<vmem>> -> memref<1x2x128xi32, #tpu.memory_space<vmem>>
    %dma_wait3A_364 = tpu.memref_squeeze %dma_wait3A_363 : memref<1x2x128xi32, #tpu.memory_space<vmem>> -> memref<2x128xi32, #tpu.memory_space<vmem>>
    %dma_wait3A_365 = arith.constant 0 : i32
    %dma_wait3A_366 = arith.constant 0 : i32
    %dma_wait3A_367 = tpu.memref_slice %arg3[%dma_wait3A_351, %dma_wait3A_365, %dma_wait3A_366] : memref<2500x2x128xi32, #tpu.memory_space<hbm>> -> memref<1x2x128xi32, #tpu.memory_space<hbm>>
    %dma_wait3A_368 = tpu.memref_squeeze %dma_wait3A_367 : memref<1x2x128xi32, #tpu.memory_space<hbm>> -> memref<2x128xi32, #tpu.memory_space<hbm>>
    tpu.wait_dma2 semaphore(%arg16 : memref<!tpu.dma_semaphore, #tpu.memory_space<semaphore_mem>>) src(%dma_wait3A_368 : memref<2x128xi32, #tpu.memory_space<hbm>>) dst(%dma_wait3A_364 : memref<2x128xi32, #tpu.memory_space<vmem>>)
    %dma_wait3A_369 = arith.constant 0 : i32
    %dma_wait3A_370 = arith.constant 1 : i32
    %dma_wait3A_371 = arith.constant 0 : i32
    %dma_wait3A_372 = tpu.memref_slice %arg6[%dma_wait3A_369, %dma_wait3A_370, %dma_wait3A_371] : memref<6x2x128xi32, #tpu.memory_space<vmem>> -> memref<1x1x128xi32, #tpu.memory_space<vmem>>
    %dma_wait3A_373 = tpu.memref_squeeze %dma_wait3A_372 : memref<1x1x128xi32, #tpu.memory_space<vmem>> -> memref<128xi32, #tpu.memory_space<vmem>>
    %dma_wait3A_374 = arith.constant 0 : i32
    %dma_wait3A_375 = arith.constant 0 : i32
    %dma_wait3A_376 = tpu.memref_slice %arg10[%dma_wait3A_374, %dma_wait3A_375] : memref<10000x128xf32, #tpu.memory_space<vmem_shared>> -> memref<10000x128xf32, #tpu.memory_space<vmem_shared>>
    tpu.wait_indirect_dma semaphore(%arg22 : memref<!tpu.dma_semaphore, #tpu.memory_space<semaphore_mem>>) src(%arg9 : memref<128x128xf32, #tpu.memory_space<vmem>>) dst(%dma_wait3A_376 : memref<10000x128xf32, #tpu.memory_space<vmem_shared>>)
    %dma_start3A_377 = arith.constant 5 : i32
    %dma_start3A_378 = arith.constant 0 : i32
    %dma_start3A_379 = arith.constant 0 : i32
    %dma_start3A_380 = tpu.memref_slice %arg6[%dma_start3A_377, %dma_start3A_378, %dma_start3A_379] : memref<6x2x128xi32, #tpu.memory_space<vmem>> -> memref<1x1x128xi32, #tpu.memory_space<vmem>>
    %dma_start3A_381 = tpu.memref_squeeze %dma_start3A_380 : memref<1x1x128xi32, #tpu.memory_space<vmem>> -> memref<128xi32, #tpu.memory_space<vmem>>
    %dma_start3A_382 = arith.constant 0 : i32
    %dma_start3A_383 = arith.constant 0 : i32
    %dma_start3A_384 = tpu.memref_slice %arg2[%dma_start3A_382, %dma_start3A_383] : memref<10000x128xf32, #tpu.memory_space<hbm>> -> memref<10000x128xf32, #tpu.memory_space<hbm>>
    tpu.enqueue_indirect_dma source(%dma_start3A_384 : memref<10000x128xf32, #tpu.memory_space<hbm>>) target(%arg9 : memref<128x128xf32, #tpu.memory_space<vmem>>) offsets(%dma_start3A_381 : memref<128xi32, #tpu.memory_space<vmem>>) semaphore(%arg19 : memref<!tpu.dma_semaphore, #tpu.memory_space<semaphore_mem>>)
    %dma_wait3A_385 = arith.constant 0 : i32
    %dma_wait3A_386 = arith.constant 0 : i32
    %dma_wait3A_387 = arith.constant 0 : i32
    %dma_wait3A_388 = tpu.memref_slice %arg6[%dma_wait3A_385, %dma_wait3A_386, %dma_wait3A_387] : memref<6x2x128xi32, #tpu.memory_space<vmem>> -> memref<1x1x128xi32, #tpu.memory_space<vmem>>
    %dma_wait3A_389 = tpu.memref_squeeze %dma_wait3A_388 : memref<1x1x128xi32, #tpu.memory_space<vmem>> -> memref<128xi32, #tpu.memory_space<vmem>>
    %dma_wait3A_390 = arith.constant 0 : i32
    %dma_wait3A_391 = arith.constant 0 : i32
    %dma_wait3A_392 = tpu.memref_slice %arg2[%dma_wait3A_390, %dma_wait3A_391] : memref<10000x128xf32, #tpu.memory_space<hbm>> -> memref<10000x128xf32, #tpu.memory_space<hbm>>
    tpu.wait_indirect_dma semaphore(%arg18 : memref<!tpu.dma_semaphore, #tpu.memory_space<semaphore_mem>>) src(%dma_wait3A_392 : memref<10000x128xf32, #tpu.memory_space<hbm>>) dst(%arg8 : memref<128x128xf32, #tpu.memory_space<vmem>>)
    %dma_start3A_393 = arith.constant 4 : i32
    %dma_start3A_394 = arith.constant 1 : i32
    %dma_start3A_395 = arith.constant 0 : i32
    %dma_start3A_396 = tpu.memref_slice %arg6[%dma_start3A_393, %dma_start3A_394, %dma_start3A_395] : memref<6x2x128xi32, #tpu.memory_space<vmem>> -> memref<1x1x128xi32, #tpu.memory_space<vmem>>
    %dma_start3A_397 = tpu.memref_squeeze %dma_start3A_396 : memref<1x1x128xi32, #tpu.memory_space<vmem>> -> memref<128xi32, #tpu.memory_space<vmem>>
    %dma_start3A_398 = arith.constant 0 : i32
    %dma_start3A_399 = arith.constant 0 : i32
    %dma_start3A_400 = tpu.memref_slice %arg10[%dma_start3A_398, %dma_start3A_399] : memref<10000x128xf32, #tpu.memory_space<vmem_shared>> -> memref<10000x128xf32, #tpu.memory_space<vmem_shared>>
    tpu.enqueue_indirect_dma source(%arg8 : memref<128x128xf32, #tpu.memory_space<vmem>>) target(%dma_start3A_400 : memref<10000x128xf32, #tpu.memory_space<vmem_shared>>) offsets(%dma_start3A_397 : memref<128xi32, #tpu.memory_space<vmem>>) semaphore(%arg21 : memref<!tpu.dma_semaphore, #tpu.memory_space<semaphore_mem>>) {add = true}
    %dma_wait3A_401 = arith.constant 0 : i32
    %dma_wait3A_402 = arith.constant 0 : i32
    %dma_wait3A_403 = arith.constant 0 : i32
    %dma_wait3A_404 = tpu.memref_slice %arg6[%dma_wait3A_401, %dma_wait3A_402, %dma_wait3A_403] : memref<6x2x128xi32, #tpu.memory_space<vmem>> -> memref<1x1x128xi32, #tpu.memory_space<vmem>>
    %dma_wait3A_405 = tpu.memref_squeeze %dma_wait3A_404 : memref<1x1x128xi32, #tpu.memory_space<vmem>> -> memref<128xi32, #tpu.memory_space<vmem>>
    %dma_wait3A_406 = arith.constant 0 : i32
    %dma_wait3A_407 = arith.constant 0 : i32
    %dma_wait3A_408 = tpu.memref_slice %arg2[%dma_wait3A_406, %dma_wait3A_407] : memref<10000x128xf32, #tpu.memory_space<hbm>> -> memref<10000x128xf32, #tpu.memory_space<hbm>>
    tpu.wait_indirect_dma semaphore(%arg19 : memref<!tpu.dma_semaphore, #tpu.memory_space<semaphore_mem>>) src(%dma_wait3A_408 : memref<10000x128xf32, #tpu.memory_space<hbm>>) dst(%arg9 : memref<128x128xf32, #tpu.memory_space<vmem>>)
    %dma_start3A_409 = arith.constant 5 : i32
    %dma_start3A_410 = arith.constant 1 : i32
    %dma_start3A_411 = arith.constant 0 : i32
    %dma_start3A_412 = tpu.memref_slice %arg6[%dma_start3A_409, %dma_start3A_410, %dma_start3A_411] : memref<6x2x128xi32, #tpu.memory_space<vmem>> -> memref<1x1x128xi32, #tpu.memory_space<vmem>>
    %dma_start3A_413 = tpu.memref_squeeze %dma_start3A_412 : memref<1x1x128xi32, #tpu.memory_space<vmem>> -> memref<128xi32, #tpu.memory_space<vmem>>
    %dma_start3A_414 = arith.constant 0 : i32
    %dma_start3A_415 = arith.constant 0 : i32
    %dma_start3A_416 = tpu.memref_slice %arg10[%dma_start3A_414, %dma_start3A_415] : memref<10000x128xf32, #tpu.memory_space<vmem_shared>> -> memref<10000x128xf32, #tpu.memory_space<vmem_shared>>
    tpu.enqueue_indirect_dma source(%arg9 : memref<128x128xf32, #tpu.memory_space<vmem>>) target(%dma_start3A_416 : memref<10000x128xf32, #tpu.memory_space<vmem_shared>>) offsets(%dma_start3A_413 : memref<128xi32, #tpu.memory_space<vmem>>) semaphore(%arg22 : memref<!tpu.dma_semaphore, #tpu.memory_space<semaphore_mem>>) {add = true}
    %dma_wait3A_417 = arith.constant 0 : i32
    %dma_wait3A_418 = arith.constant 1 : i32
    %dma_wait3A_419 = arith.constant 0 : i32
    %dma_wait3A_420 = tpu.memref_slice %arg6[%dma_wait3A_417, %dma_wait3A_418, %dma_wait3A_419] : memref<6x2x128xi32, #tpu.memory_space<vmem>> -> memref<1x1x128xi32, #tpu.memory_space<vmem>>
    %dma_wait3A_421 = tpu.memref_squeeze %dma_wait3A_420 : memref<1x1x128xi32, #tpu.memory_space<vmem>> -> memref<128xi32, #tpu.memory_space<vmem>>
    %dma_wait3A_422 = arith.constant 0 : i32
    %dma_wait3A_423 = arith.constant 0 : i32
    %dma_wait3A_424 = tpu.memref_slice %arg10[%dma_wait3A_422, %dma_wait3A_423] : memref<10000x128xf32, #tpu.memory_space<vmem_shared>> -> memref<10000x128xf32, #tpu.memory_space<vmem_shared>>
    tpu.wait_indirect_dma semaphore(%arg20 : memref<!tpu.dma_semaphore, #tpu.memory_space<semaphore_mem>>) src(%arg7 : memref<128x128xf32, #tpu.memory_space<vmem>>) dst(%dma_wait3A_424 : memref<10000x128xf32, #tpu.memory_space<vmem_shared>>)
    %dma_wait3A_425 = arith.constant 0 : i32
    %dma_wait3A_426 = arith.constant 1 : i32
    %dma_wait3A_427 = arith.constant 0 : i32
    %dma_wait3A_428 = tpu.memref_slice %arg6[%dma_wait3A_425, %dma_wait3A_426, %dma_wait3A_427] : memref<6x2x128xi32, #tpu.memory_space<vmem>> -> memref<1x1x128xi32, #tpu.memory_space<vmem>>
    %dma_wait3A_429 = tpu.memref_squeeze %dma_wait3A_428 : memref<1x1x128xi32, #tpu.memory_space<vmem>> -> memref<128xi32, #tpu.memory_space<vmem>>
    %dma_wait3A_430 = arith.constant 0 : i32
    %dma_wait3A_431 = arith.constant 0 : i32
    %dma_wait3A_432 = tpu.memref_slice %arg10[%dma_wait3A_430, %dma_wait3A_431] : memref<10000x128xf32, #tpu.memory_space<vmem_shared>> -> memref<10000x128xf32, #tpu.memory_space<vmem_shared>>
    tpu.wait_indirect_dma semaphore(%arg21 : memref<!tpu.dma_semaphore, #tpu.memory_space<semaphore_mem>>) src(%arg8 : memref<128x128xf32, #tpu.memory_space<vmem>>) dst(%dma_wait3A_432 : memref<10000x128xf32, #tpu.memory_space<vmem_shared>>)
    %dma_wait3A_433 = arith.constant 0 : i32
    %dma_wait3A_434 = arith.constant 1 : i32
    %dma_wait3A_435 = arith.constant 0 : i32
    %dma_wait3A_436 = tpu.memref_slice %arg6[%dma_wait3A_433, %dma_wait3A_434, %dma_wait3A_435] : memref<6x2x128xi32, #tpu.memory_space<vmem>> -> memref<1x1x128xi32, #tpu.memory_space<vmem>>
    %dma_wait3A_437 = tpu.memref_squeeze %dma_wait3A_436 : memref<1x1x128xi32, #tpu.memory_space<vmem>> -> memref<128xi32, #tpu.memory_space<vmem>>
    %dma_wait3A_438 = arith.constant 0 : i32
    %dma_wait3A_439 = arith.constant 0 : i32
    %dma_wait3A_440 = tpu.memref_slice %arg10[%dma_wait3A_438, %dma_wait3A_439] : memref<10000x128xf32, #tpu.memory_space<vmem_shared>> -> memref<10000x128xf32, #tpu.memory_space<vmem_shared>>
    tpu.wait_indirect_dma semaphore(%arg22 : memref<!tpu.dma_semaphore, #tpu.memory_space<semaphore_mem>>) src(%arg9 : memref<128x128xf32, #tpu.memory_space<vmem>>) dst(%dma_wait3A_440 : memref<10000x128xf32, #tpu.memory_space<vmem_shared>>)
    %lt3A = arith.constant 4 : i32
    %lt3A_441 = arith.cmpi slt, %add3A, %lt3A : i32
    %convert_element_type3A_442 = arith.extui %lt3A_441 : i1 to i32
    %cond3A_443 = arith.constant 0 : i32
    %cond3A_444 = arith.cmpi ne, %convert_element_type3A_442, %cond3A_443 : i32
    scf.if %cond3A_444 {
      %add3A_451 = arith.constant 2496 : i32
      %add3A_452 = arith.addi %add3A_451, %add3A : i32
      %run_scoped3A = arith.constant 0 : i32
      "tpu.region"() ({
        %run_scoped3A_471 = tpu.sem_alloc : memref<!tpu.dma_semaphore, #tpu.memory_space<semaphore_mem>>
        %dma_start3A_472 = arith.constant 0 : i32
        %dma_start3A_473 = arith.constant 0 : i32
        %dma_start3A_474 = tpu.memref_slice %arg6[%run_scoped3A, %dma_start3A_472, %dma_start3A_473] : memref<6x2x128xi32, #tpu.memory_space<vmem>> -> memref<1x2x128xi32, #tpu.memory_space<vmem>>
        %dma_start3A_475 = tpu.memref_squeeze %dma_start3A_474 : memref<1x2x128xi32, #tpu.memory_space<vmem>> -> memref<2x128xi32, #tpu.memory_space<vmem>>
        %dma_start3A_476 = arith.constant 0 : i32
        %dma_start3A_477 = arith.constant 0 : i32
        %dma_start3A_478 = tpu.memref_slice %arg3[%add3A_452, %dma_start3A_476, %dma_start3A_477] : memref<2500x2x128xi32, #tpu.memory_space<hbm>> -> memref<1x2x128xi32, #tpu.memory_space<hbm>>
        %dma_start3A_479 = tpu.memref_squeeze %dma_start3A_478 : memref<1x2x128xi32, #tpu.memory_space<hbm>> -> memref<2x128xi32, #tpu.memory_space<hbm>>
        %dma_start3A_480 = arith.constant 0 : i32
        %dma_start3A_481 = arith.constant 0 : i32
        %dma_start3A_482 = tpu.memref_slice %arg6[%run_scoped3A, %dma_start3A_480, %dma_start3A_481] : memref<6x2x128xi32, #tpu.memory_space<vmem>> -> memref<1x2x128xi32, #tpu.memory_space<vmem>>
        %dma_start3A_483 = tpu.memref_squeeze %dma_start3A_482 : memref<1x2x128xi32, #tpu.memory_space<vmem>> -> memref<2x128xi32, #tpu.memory_space<vmem>>
        %dma_start3A_484 = arith.constant 0 : i32
        %dma_start3A_485 = arith.constant 0 : i32
        %dma_start3A_486 = tpu.memref_slice %arg3[%add3A_452, %dma_start3A_484, %dma_start3A_485] : memref<2500x2x128xi32, #tpu.memory_space<hbm>> -> memref<1x2x128xi32, #tpu.memory_space<hbm>>
        %dma_start3A_487 = tpu.memref_squeeze %dma_start3A_486 : memref<1x2x128xi32, #tpu.memory_space<hbm>> -> memref<2x128xi32, #tpu.memory_space<hbm>>
        tpu.enqueue_dma source(%dma_start3A_487 : memref<2x128xi32, #tpu.memory_space<hbm>>) target(%dma_start3A_483 : memref<2x128xi32, #tpu.memory_space<vmem>>) target_semaphore(%run_scoped3A_471 : memref<!tpu.dma_semaphore, #tpu.memory_space<semaphore_mem>>)
        %dma_wait3A_488 = arith.constant 0 : i32
        %dma_wait3A_489 = arith.constant 0 : i32
        %dma_wait3A_490 = tpu.memref_slice %arg6[%run_scoped3A, %dma_wait3A_488, %dma_wait3A_489] : memref<6x2x128xi32, #tpu.memory_space<vmem>> -> memref<1x2x128xi32, #tpu.memory_space<vmem>>
        %dma_wait3A_491 = tpu.memref_squeeze %dma_wait3A_490 : memref<1x2x128xi32, #tpu.memory_space<vmem>> -> memref<2x128xi32, #tpu.memory_space<vmem>>
        %dma_wait3A_492 = arith.constant 0 : i32
        %dma_wait3A_493 = arith.constant 0 : i32
        %dma_wait3A_494 = tpu.memref_slice %arg3[%add3A_452, %dma_wait3A_492, %dma_wait3A_493] : memref<2500x2x128xi32, #tpu.memory_space<hbm>> -> memref<1x2x128xi32, #tpu.memory_space<hbm>>
        %dma_wait3A_495 = tpu.memref_squeeze %dma_wait3A_494 : memref<1x2x128xi32, #tpu.memory_space<hbm>> -> memref<2x128xi32, #tpu.memory_space<hbm>>
        %dma_wait3A_496 = arith.constant 0 : i32
        %dma_wait3A_497 = arith.constant 0 : i32
        %dma_wait3A_498 = tpu.memref_slice %arg6[%run_scoped3A, %dma_wait3A_496, %dma_wait3A_497] : memref<6x2x128xi32, #tpu.memory_space<vmem>> -> memref<1x2x128xi32, #tpu.memory_space<vmem>>
        %dma_wait3A_499 = tpu.memref_squeeze %dma_wait3A_498 : memref<1x2x128xi32, #tpu.memory_space<vmem>> -> memref<2x128xi32, #tpu.memory_space<vmem>>
        %dma_wait3A_500 = arith.constant 0 : i32
        %dma_wait3A_501 = arith.constant 0 : i32
        %dma_wait3A_502 = tpu.memref_slice %arg3[%add3A_452, %dma_wait3A_500, %dma_wait3A_501] : memref<2500x2x128xi32, #tpu.memory_space<hbm>> -> memref<1x2x128xi32, #tpu.memory_space<hbm>>
        %dma_wait3A_503 = tpu.memref_squeeze %dma_wait3A_502 : memref<1x2x128xi32, #tpu.memory_space<hbm>> -> memref<2x128xi32, #tpu.memory_space<hbm>>
        tpu.wait_dma2 semaphore(%run_scoped3A_471 : memref<!tpu.dma_semaphore, #tpu.memory_space<semaphore_mem>>) src(%dma_wait3A_503 : memref<2x128xi32, #tpu.memory_space<hbm>>) dst(%dma_wait3A_499 : memref<2x128xi32, #tpu.memory_space<vmem>>)
        tpu.yield
      }) : () -> ()
      %dma_start3A_453 = arith.constant 0 : i32
      %dma_start3A_454 = arith.constant 0 : i32
      %dma_start3A_455 = arith.constant 0 : i32
      %dma_start3A_456 = tpu.memref_slice %arg6[%dma_start3A_453, %dma_start3A_454, %dma_start3A_455] : memref<6x2x128xi32, #tpu.memory_space<vmem>> -> memref<1x1x128xi32, #tpu.memory_space<vmem>>
      %dma_start3A_457 = tpu.memref_squeeze %dma_start3A_456 : memref<1x1x128xi32, #tpu.memory_space<vmem>> -> memref<128xi32, #tpu.memory_space<vmem>>
      %dma_start3A_458 = arith.constant 0 : i32
      %dma_start3A_459 = arith.constant 0 : i32
      %dma_start3A_460 = tpu.memref_slice %arg2[%dma_start3A_458, %dma_start3A_459] : memref<10000x128xf32, #tpu.memory_space<hbm>> -> memref<10000x128xf32, #tpu.memory_space<hbm>>
      tpu.enqueue_indirect_dma source(%dma_start3A_460 : memref<10000x128xf32, #tpu.memory_space<hbm>>) target(%arg7 : memref<128x128xf32, #tpu.memory_space<vmem>>) offsets(%dma_start3A_457 : memref<128xi32, #tpu.memory_space<vmem>>) semaphore(%arg17 : memref<!tpu.dma_semaphore, #tpu.memory_space<semaphore_mem>>)
      %dma_wait3A_461 = arith.constant 0 : i32
      %dma_wait3A_462 = arith.constant 0 : i32
      %dma_wait3A_463 = arith.constant 0 : i32
      %dma_wait3A_464 = tpu.memref_slice %arg6[%dma_wait3A_461, %dma_wait3A_462, %dma_wait3A_463] : memref<6x2x128xi32, #tpu.memory_space<vmem>> -> memref<1x1x128xi32, #tpu.memory_space<vmem>>
      %dma_wait3A_465 = tpu.memref_squeeze %dma_wait3A_464 : memref<1x1x128xi32, #tpu.memory_space<vmem>> -> memref<128xi32, #tpu.memory_space<vmem>>
      %dma_wait3A_466 = arith.constant 0 : i32
      %dma_wait3A_467 = arith.constant 0 : i32
      %dma_wait3A_468 = tpu.memref_slice %arg2[%dma_wait3A_466, %dma_wait3A_467] : memref<10000x128xf32, #tpu.memory_space<hbm>> -> memref<10000x128xf32, #tpu.memory_space<hbm>>
      tpu.wait_indirect_dma semaphore(%arg17 : memref<!tpu.dma_semaphore, #tpu.memory_space<semaphore_mem>>) src(%dma_wait3A_468 : memref<10000x128xf32, #tpu.memory_space<hbm>>) dst(%arg7 : memref<128x128xf32, #tpu.memory_space<vmem>>)
      %run_scoped3A_469 = arith.constant 0 : i32
      %run_scoped3A_470 = arith.constant 1 : i32
      "tpu.region"() ({
        %run_scoped3A_471 = tpu.sem_alloc : memref<!tpu.dma_semaphore, #tpu.memory_space<semaphore_mem>>
        %dma_start3A_472 = arith.constant 0 : i32
        %dma_start3A_473 = tpu.memref_slice %arg6[%run_scoped3A_469, %run_scoped3A_470, %dma_start3A_472] : memref<6x2x128xi32, #tpu.memory_space<vmem>> -> memref<1x1x128xi32, #tpu.memory_space<vmem>>
        %dma_start3A_474 = tpu.memref_squeeze %dma_start3A_473 : memref<1x1x128xi32, #tpu.memory_space<vmem>> -> memref<128xi32, #tpu.memory_space<vmem>>
        %dma_start3A_475 = arith.constant 0 : i32
        %dma_start3A_476 = arith.constant 0 : i32
        %dma_start3A_477 = tpu.memref_slice %arg10[%dma_start3A_475, %dma_start3A_476] : memref<10000x128xf32, #tpu.memory_space<vmem_shared>> -> memref<10000x128xf32, #tpu.memory_space<vmem_shared>>
        tpu.enqueue_indirect_dma source(%arg7 : memref<128x128xf32, #tpu.memory_space<vmem>>) target(%dma_start3A_477 : memref<10000x128xf32, #tpu.memory_space<vmem_shared>>) offsets(%dma_start3A_474 : memref<128xi32, #tpu.memory_space<vmem>>) semaphore(%run_scoped3A_471 : memref<!tpu.dma_semaphore, #tpu.memory_space<semaphore_mem>>) {add = true}
        %dma_wait3A_478 = arith.constant 0 : i32
        %dma_wait3A_479 = tpu.memref_slice %arg6[%run_scoped3A_469, %run_scoped3A_470, %dma_wait3A_478] : memref<6x2x128xi32, #tpu.memory_space<vmem>> -> memref<1x1x128xi32, #tpu.memory_space<vmem>>
        %dma_wait3A_480 = tpu.memref_squeeze %dma_wait3A_479 : memref<1x1x128xi32, #tpu.memory_space<vmem>> -> memref<128xi32, #tpu.memory_space<vmem>>
        %dma_wait3A_481 = arith.constant 0 : i32
        %dma_wait3A_482 = arith.constant 0 : i32
        %dma_wait3A_483 = tpu.memref_slice %arg10[%dma_wait3A_481, %dma_wait3A_482] : memref<10000x128xf32, #tpu.memory_space<vmem_shared>> -> memref<10000x128xf32, #tpu.memory_space<vmem_shared>>
        tpu.wait_indirect_dma semaphore(%run_scoped3A_471 : memref<!tpu.dma_semaphore, #tpu.memory_space<semaphore_mem>>) src(%arg7 : memref<128x128xf32, #tpu.memory_space<vmem>>) dst(%dma_wait3A_483 : memref<10000x128xf32, #tpu.memory_space<vmem_shared>>)
        tpu.yield
      }) : () -> ()
    } else {
    }
    %barrier3A_445 = arith.constant 0 : index
    tpu.barrier barrier_id(%barrier3A_445)
    "tpu.region"() ({
      %run_scoped3A = tpu.sem_alloc : memref<!tpu.dma_semaphore, #tpu.memory_space<semaphore_mem>>
      %dma_start3A_451 = arith.constant 0 : i32
      %dma_start3A_452 = tpu.memref_slice %arg5[%arg0, %mul3A_2, %dma_start3A_451] : memref<2x10000x128xf32, #tpu.memory_space<hbm>> -> memref<1x624x128xf32, #tpu.memory_space<hbm>>
      %dma_start3A_453 = tpu.memref_squeeze %dma_start3A_452 : memref<1x624x128xf32, #tpu.memory_space<hbm>> -> memref<624x128xf32, #tpu.memory_space<hbm>>
      %dma_start3A_454 = arith.constant 0 : i32
      %dma_start3A_455 = tpu.memref_slice %arg10[%mul3A_2, %dma_start3A_454] : memref<10000x128xf32, #tpu.memory_space<vmem_shared>> -> memref<624x128xf32, #tpu.memory_space<vmem_shared>>
      tpu.enqueue_dma source(%dma_start3A_455 : memref<624x128xf32, #tpu.memory_space<vmem_shared>>) target(%dma_start3A_453 : memref<624x128xf32, #tpu.memory_space<hbm>>) target_semaphore(%run_scoped3A : memref<!tpu.dma_semaphore, #tpu.memory_space<semaphore_mem>>)
      %dma_wait3A_456 = arith.constant 0 : i32
      %dma_wait3A_457 = tpu.memref_slice %arg5[%arg0, %mul3A_2, %dma_wait3A_456] : memref<2x10000x128xf32, #tpu.memory_space<hbm>> -> memref<1x624x128xf32, #tpu.memory_space<hbm>>
      %dma_wait3A_458 = tpu.memref_squeeze %dma_wait3A_457 : memref<1x624x128xf32, #tpu.memory_space<hbm>> -> memref<624x128xf32, #tpu.memory_space<hbm>>
      %dma_wait3A_459 = arith.constant 0 : i32
      %dma_wait3A_460 = tpu.memref_slice %arg10[%mul3A_2, %dma_wait3A_459] : memref<10000x128xf32, #tpu.memory_space<vmem_shared>> -> memref<624x128xf32, #tpu.memory_space<vmem_shared>>
      tpu.wait_dma2 semaphore(%run_scoped3A : memref<!tpu.dma_semaphore, #tpu.memory_space<semaphore_mem>>) src(%dma_wait3A_460 : memref<624x128xf32, #tpu.memory_space<vmem_shared>>) dst(%dma_wait3A_458 : memref<624x128xf32, #tpu.memory_space<hbm>>)
      tpu.yield
    }) : () -> ()
    %eq3A_446 = arith.constant 15 : i32
    %eq3A_447 = arith.cmpi eq, %arg1, %eq3A_446 : i32
    %convert_element_type3A_448 = arith.extui %eq3A_447 : i1 to i32
    %cond3A_449 = arith.constant 0 : i32
    %cond3A_450 = arith.cmpi ne, %convert_element_type3A_448, %cond3A_449 : i32
    scf.if %cond3A_450 {
      "tpu.region"() ({
        %run_scoped3A = tpu.sem_alloc : memref<!tpu.dma_semaphore, #tpu.memory_space<semaphore_mem>>
        %dma_start3A_451 = arith.constant 9984 : i32
        %dma_start3A_452 = arith.constant 0 : i32
        %dma_start3A_453 = tpu.memref_slice %arg5[%arg0, %dma_start3A_451, %dma_start3A_452] : memref<2x10000x128xf32, #tpu.memory_space<hbm>> -> memref<1x16x128xf32, #tpu.memory_space<hbm>>
        %dma_start3A_454 = tpu.memref_squeeze %dma_start3A_453 : memref<1x16x128xf32, #tpu.memory_space<hbm>> -> memref<16x128xf32, #tpu.memory_space<hbm>>
        %dma_start3A_455 = arith.constant 9984 : i32
        %dma_start3A_456 = arith.constant 0 : i32
        %dma_start3A_457 = tpu.memref_slice %arg10[%dma_start3A_455, %dma_start3A_456] : memref<10000x128xf32, #tpu.memory_space<vmem_shared>> -> memref<16x128xf32, #tpu.memory_space<vmem_shared>>
        tpu.enqueue_dma source(%dma_start3A_457 : memref<16x128xf32, #tpu.memory_space<vmem_shared>>) target(%dma_start3A_454 : memref<16x128xf32, #tpu.memory_space<hbm>>) target_semaphore(%run_scoped3A : memref<!tpu.dma_semaphore, #tpu.memory_space<semaphore_mem>>)
        %dma_wait3A_458 = arith.constant 9984 : i32
        %dma_wait3A_459 = arith.constant 0 : i32
        %dma_wait3A_460 = tpu.memref_slice %arg5[%arg0, %dma_wait3A_458, %dma_wait3A_459] : memref<2x10000x128xf32, #tpu.memory_space<hbm>> -> memref<1x16x128xf32, #tpu.memory_space<hbm>>
        %dma_wait3A_461 = tpu.memref_squeeze %dma_wait3A_460 : memref<1x16x128xf32, #tpu.memory_space<hbm>> -> memref<16x128xf32, #tpu.memory_space<hbm>>
        %dma_wait3A_462 = arith.constant 9984 : i32
        %dma_wait3A_463 = arith.constant 0 : i32
        %dma_wait3A_464 = tpu.memref_slice %arg10[%dma_wait3A_462, %dma_wait3A_463] : memref<10000x128xf32, #tpu.memory_space<vmem_shared>> -> memref<16x128xf32, #tpu.memory_space<vmem_shared>>
        tpu.wait_dma2 semaphore(%run_scoped3A : memref<!tpu.dma_semaphore, #tpu.memory_space<semaphore_mem>>) src(%dma_wait3A_464 : memref<16x128xf32, #tpu.memory_space<vmem_shared>>) dst(%dma_wait3A_461 : memref<16x128xf32, #tpu.memory_space<hbm>>)
        tpu.yield
      }) : () -> ()
    } else {
    }
    return
  }
}

module attributes {stable_mosaic.version = 14 : i64} {
  func.func @_mm1_body(%arg0: i32, %arg1: memref<1000x128xf32, #tpu.memory_space<vmem>>, %arg2: memref<128x128xf32, #tpu.memory_space<vmem>>, %arg3: memref<1000x2xf32, #tpu.memory_space<vmem>>, %arg4: memref<1000x128xf32, #tpu.memory_space<vmem>>) attributes {dimension_semantics = [#tpu.dimension_semantics<arbitrary>], iteration_bounds = array<i64: 10>, scalar_prefetch = 0 : i64, scratch_operands = 0 : i64, tpu.core_type = #tpu.core_type<tc>, window_params = [{transform_indices = @transform_0, window_bounds = array<i64: 1000, 128>}, {pipeline_mode = #tpu.pipeline_mode<synchronous>, transform_indices = @transform_1, window_bounds = array<i64: 128, 128>}, {transform_indices = @transform_2, window_bounds = array<i64: 1000, 2>}, {transform_indices = @transform_3, window_bounds = array<i64: 1000, 128>}]} {
    %get3A = arith.constant 0 : index
    %get3A_0 = arith.constant 0 : index
    %get3A_1 = vector.load %arg1[%get3A, %get3A_0] : memref<1000x128xf32, #tpu.memory_space<vmem>>, vector<1000x128xf32>
    %get3A_2 = arith.constant 0 : index
    %get3A_3 = arith.constant 0 : index
    %get3A_4 = vector.load %arg3[%get3A_2, %get3A_3] : memref<1000x2xf32, #tpu.memory_space<vmem>>, vector<1000x1xf32>
    %get3A_5 = vector.shape_cast %get3A_4 : vector<1000x1xf32> to vector<1000xf32>
    %get3A_6 = arith.constant 0 : index
    %get3A_7 = arith.constant 1 : index
    %get3A_8 = vector.load %arg3[%get3A_6, %get3A_7] : memref<1000x2xf32, #tpu.memory_space<vmem>>, vector<1000x1xf32>
    %get3A_9 = vector.shape_cast %get3A_8 : vector<1000x1xf32> to vector<1000xf32>
    %add3A = arith.addf %get3A_5, %get3A_9 : vector<1000xf32>
    %add3A_10 = arith.constant 1.000000e+00 : f32
    %add3A_11 = vector.broadcast %add3A_10 : f32 to vector<1000xf32>
    %add3A_12 = arith.addf %add3A, %add3A_11 : vector<1000xf32>
    %rsqrt3A = math.rsqrt %add3A_12 : vector<1000xf32>
    %broadcast_in_dim3A = vector.shape_cast %rsqrt3A : vector<1000xf32> to vector<1000x1xf32>
    %mul3A = vector.broadcast %broadcast_in_dim3A : vector<1000x1xf32> to vector<1000x128xf32>
    %mul3A_13 = arith.mulf %get3A_1, %mul3A : vector<1000x128xf32>
    %get3A_14 = arith.constant 0 : index
    %get3A_15 = arith.constant 0 : index
    %get3A_16 = vector.load %arg2[%get3A_14, %get3A_15] : memref<128x128xf32, #tpu.memory_space<vmem>>, vector<128x128xf32>
    %dot_general3A = arith.constant dense<0.000000e+00> : vector<1000x128xf32>
    %dot_general3A_17 = tpu.matmul %mul3A_13, %get3A_16, %dot_general3A {dimension_numbers = #tpu.dot_dimension_numbers<[1], [0], [0], [1], [0, 0, 1, 1], [], []>, transpose_lhs_hint = false} : vector<1000x128xf32>, vector<128x128xf32>, vector<1000x128xf32> -> vector<1000x128xf32>
    %swap3A = arith.constant 0 : index
    %swap3A_18 = arith.constant 0 : index
    %swap3A_19 = vector.load %arg4[%swap3A, %swap3A_18] : memref<1000x128xf32, #tpu.memory_space<vmem>>, vector<1000x128xf32>
    tpu.vector_store %arg4[%swap3A, %swap3A_18], %dot_general3A_17 {strides = array<i32>} : memref<1000x128xf32, #tpu.memory_space<vmem>>, vector<1000x128xf32>,
    return
  }
  func.func @transform_0(%arg0: i32) -> (i32, i32) {
    %c0_i32 = arith.constant 0 : i32
    %c0_i32_0 = arith.constant 0 : i32
    return %arg0, %c0_i32 : i32, i32
  }
  func.func @transform_1(%arg0: i32) -> (i32, i32) {
    %c0_i32 = arith.constant 0 : i32
    %c0_i32_0 = arith.constant 0 : i32
    %c0_i32_1 = arith.constant 0 : i32
    return %c0_i32, %c0_i32_0 : i32, i32
  }
  func.func @transform_2(%arg0: i32) -> (i32, i32) {
    %c0_i32 = arith.constant 0 : i32
    %c0_i32_0 = arith.constant 0 : i32
    return %arg0, %c0_i32 : i32, i32
  }
  func.func @transform_3(%arg0: i32) -> (i32, i32) {
    %c0_i32 = arith.constant 0 : i32
    %c0_i32_0 = arith.constant 0 : i32
    return %arg0, %c0_i32 : i32, i32
  }
}

module attributes {stable_mosaic.version = 14 : i64} {
  func.func @_mm2_body(%arg0: i32, %arg1: memref<2x1000x128xf32, #tpu.memory_space<vmem>>, %arg2: memref<1000x128xf32, #tpu.memory_space<vmem>>, %arg3: memref<1000x2xf32, #tpu.memory_space<vmem>>, %arg4: memref<1x128xf32, #tpu.memory_space<vmem>>, %arg5: memref<128x128xf32, #tpu.memory_space<vmem>>, %arg6: memref<1000x128xf32, #tpu.memory_space<vmem>>) attributes {dimension_semantics = [#tpu.dimension_semantics<arbitrary>], iteration_bounds = array<i64: 10>, scalar_prefetch = 0 : i64, scratch_operands = 0 : i64, tpu.core_type = #tpu.core_type<tc>, window_params = [{transform_indices = @transform_0, window_bounds = array<i64: 2, 1000, 128>}, {transform_indices = @transform_1, window_bounds = array<i64: 1000, 128>}, {transform_indices = @transform_2, window_bounds = array<i64: 1000, 2>}, {pipeline_mode = #tpu.pipeline_mode<synchronous>, transform_indices = @transform_3, window_bounds = array<i64: 1, 128>}, {pipeline_mode = #tpu.pipeline_mode<synchronous>, transform_indices = @transform_4, window_bounds = array<i64: 128, 128>}, {transform_indices = @transform_5, window_bounds = array<i64: 1000, 128>}]} {
    %get3A = arith.constant 0 : index
    %get3A_0 = arith.constant 0 : index
    %get3A_1 = vector.load %arg3[%get3A, %get3A_0] : memref<1000x2xf32, #tpu.memory_space<vmem>>, vector<1000x1xf32>
    %get3A_2 = vector.shape_cast %get3A_1 : vector<1000x1xf32> to vector<1000xf32>
    %get3A_3 = arith.constant 0 : index
    %get3A_4 = arith.constant 1 : index
    %get3A_5 = vector.load %arg3[%get3A_3, %get3A_4] : memref<1000x2xf32, #tpu.memory_space<vmem>>, vector<1000x1xf32>
    %get3A_6 = vector.shape_cast %get3A_5 : vector<1000x1xf32> to vector<1000xf32>
    %add3A = arith.addf %get3A_2, %get3A_6 : vector<1000xf32>
    %add3A_7 = arith.constant 1.000000e+00 : f32
    %add3A_8 = vector.broadcast %add3A_7 : f32 to vector<1000xf32>
    %add3A_9 = arith.addf %add3A, %add3A_8 : vector<1000xf32>
    %rsqrt3A = math.rsqrt %add3A_9 : vector<1000xf32>
    %broadcast_in_dim3A = vector.shape_cast %rsqrt3A : vector<1000xf32> to vector<1000x1xf32>
    %get3A_10 = arith.constant 0 : index
    %get3A_11 = arith.constant 0 : index
    %get3A_12 = arith.constant 0 : index
    %get3A_13 = vector.load %arg1[%get3A_10, %get3A_11, %get3A_12] : memref<2x1000x128xf32, #tpu.memory_space<vmem>>, vector<1x1000x128xf32>
    %get3A_14 = vector.shape_cast %get3A_13 : vector<1x1000x128xf32> to vector<1000x128xf32>
    %get3A_15 = arith.constant 1 : index
    %get3A_16 = arith.constant 0 : index
    %get3A_17 = arith.constant 0 : index
    %get3A_18 = vector.load %arg1[%get3A_15, %get3A_16, %get3A_17] : memref<2x1000x128xf32, #tpu.memory_space<vmem>>, vector<1x1000x128xf32>
    %get3A_19 = vector.shape_cast %get3A_18 : vector<1x1000x128xf32> to vector<1000x128xf32>
    %add3A_20 = arith.addf %get3A_14, %get3A_19 : vector<1000x128xf32>
    %get3A_21 = arith.constant 0 : index
    %get3A_22 = arith.constant 0 : index
    %get3A_23 = vector.load %arg2[%get3A_21, %get3A_22] : memref<1000x128xf32, #tpu.memory_space<vmem>>, vector<1000x128xf32>
    %add3A_24 = arith.addf %add3A_20, %get3A_23 : vector<1000x128xf32>
    %mul3A = vector.broadcast %broadcast_in_dim3A : vector<1000x1xf32> to vector<1000x128xf32>
    %mul3A_25 = arith.mulf %mul3A, %add3A_24 : vector<1000x128xf32>
    %get3A_26 = arith.constant 0 : index
    %get3A_27 = arith.constant 0 : index
    %get3A_28 = vector.load %arg4[%get3A_26, %get3A_27] : memref<1x128xf32, #tpu.memory_space<vmem>>, vector<1x128xf32>
    %add3A_29 = vector.broadcast %get3A_28 : vector<1x128xf32> to vector<1000x128xf32>
    %add3A_30 = arith.addf %mul3A_25, %add3A_29 : vector<1000x128xf32>
    %max3A = arith.constant 0.000000e+00 : f32
    %max3A_31 = vector.broadcast %max3A : f32 to vector<1000x128xf32>
    %max3A_32 = arith.maximumf %add3A_30, %max3A_31 : vector<1000x128xf32>
    %mul3A_33 = vector.broadcast %broadcast_in_dim3A : vector<1000x1xf32> to vector<1000x128xf32>
    %mul3A_34 = arith.mulf %max3A_32, %mul3A_33 : vector<1000x128xf32>
    %get3A_35 = arith.constant 0 : index
    %get3A_36 = arith.constant 0 : index
    %get3A_37 = vector.load %arg5[%get3A_35, %get3A_36] : memref<128x128xf32, #tpu.memory_space<vmem>>, vector<128x128xf32>
    %dot_general3A = arith.constant dense<0.000000e+00> : vector<1000x128xf32>
    %dot_general3A_38 = tpu.matmul %mul3A_34, %get3A_37, %dot_general3A {dimension_numbers = #tpu.dot_dimension_numbers<[1], [0], [0], [1], [0, 0, 1, 1], [], []>, transpose_lhs_hint = false} : vector<1000x128xf32>, vector<128x128xf32>, vector<1000x128xf32> -> vector<1000x128xf32>
    %swap3A = arith.constant 0 : index
    %swap3A_39 = arith.constant 0 : index
    %swap3A_40 = vector.load %arg6[%swap3A, %swap3A_39] : memref<1000x128xf32, #tpu.memory_space<vmem>>, vector<1000x128xf32>
    tpu.vector_store %arg6[%swap3A, %swap3A_39], %dot_general3A_38 {strides = array<i32>} : memref<1000x128xf32, #tpu.memory_space<vmem>>, vector<1000x128xf32>,
    return
  }
  func.func @transform_0(%arg0: i32) -> (i32, i32, i32) {
    %c0_i32 = arith.constant 0 : i32
    %c0_i32_0 = arith.constant 0 : i32
    %c0_i32_1 = arith.constant 0 : i32
    return %c0_i32, %arg0, %c0_i32_0 : i32, i32, i32
  }
  func.func @transform_1(%arg0: i32) -> (i32, i32) {
    %c0_i32 = arith.constant 0 : i32
    %c0_i32_0 = arith.constant 0 : i32
    return %arg0, %c0_i32 : i32, i32
  }
  func.func @transform_2(%arg0: i32) -> (i32, i32) {
    %c0_i32 = arith.constant 0 : i32
    %c0_i32_0 = arith.constant 0 : i32
    return %arg0, %c0_i32 : i32, i32
  }
  func.func @transform_3(%arg0: i32) -> (i32, i32) {
    %c0_i32 = arith.constant 0 : i32
    %c0_i32_0 = arith.constant 0 : i32
    %c0_i32_1 = arith.constant 0 : i32
    return %c0_i32, %c0_i32_0 : i32, i32
  }
  func.func @transform_4(%arg0: i32) -> (i32, i32) {
    %c0_i32 = arith.constant 0 : i32
    %c0_i32_0 = arith.constant 0 : i32
    %c0_i32_1 = arith.constant 0 : i32
    return %c0_i32, %c0_i32_0 : i32, i32
  }
  func.func @transform_5(%arg0: i32) -> (i32, i32) {
    %c0_i32 = arith.constant 0 : i32
    %c0_i32_0 = arith.constant 0 : i32
    return %arg0, %c0_i32 : i32, i32
  }
}

module attributes {stable_mosaic.version = 14 : i64} {
  func.func @_fin_body(%arg0: i32, %arg1: memref<2x1000x128xf32, #tpu.memory_space<vmem>>, %arg2: memref<1000x128xf32, #tpu.memory_space<vmem>>, %arg3: memref<1000x2xf32, #tpu.memory_space<vmem>>, %arg4: memref<1x128xf32, #tpu.memory_space<vmem>>, %arg5: memref<1000x128xf32, #tpu.memory_space<vmem>>) attributes {dimension_semantics = [#tpu.dimension_semantics<arbitrary>], iteration_bounds = array<i64: 10>, scalar_prefetch = 0 : i64, scratch_operands = 0 : i64, tpu.core_type = #tpu.core_type<tc>, window_params = [{transform_indices = @transform_0, window_bounds = array<i64: 2, 1000, 128>}, {transform_indices = @transform_1, window_bounds = array<i64: 1000, 128>}, {transform_indices = @transform_2, window_bounds = array<i64: 1000, 2>}, {pipeline_mode = #tpu.pipeline_mode<synchronous>, transform_indices = @transform_3, window_bounds = array<i64: 1, 128>}, {transform_indices = @transform_4, window_bounds = array<i64: 1000, 128>}]} {
    %get3A = arith.constant 0 : index
    %get3A_0 = arith.constant 0 : index
    %get3A_1 = vector.load %arg3[%get3A, %get3A_0] : memref<1000x2xf32, #tpu.memory_space<vmem>>, vector<1000x1xf32>
    %get3A_2 = vector.shape_cast %get3A_1 : vector<1000x1xf32> to vector<1000xf32>
    %get3A_3 = arith.constant 0 : index
    %get3A_4 = arith.constant 1 : index
    %get3A_5 = vector.load %arg3[%get3A_3, %get3A_4] : memref<1000x2xf32, #tpu.memory_space<vmem>>, vector<1000x1xf32>
    %get3A_6 = vector.shape_cast %get3A_5 : vector<1000x1xf32> to vector<1000xf32>
    %add3A = arith.addf %get3A_2, %get3A_6 : vector<1000xf32>
    %add3A_7 = arith.constant 1.000000e+00 : f32
    %add3A_8 = vector.broadcast %add3A_7 : f32 to vector<1000xf32>
    %add3A_9 = arith.addf %add3A, %add3A_8 : vector<1000xf32>
    %rsqrt3A = math.rsqrt %add3A_9 : vector<1000xf32>
    %broadcast_in_dim3A = vector.shape_cast %rsqrt3A : vector<1000xf32> to vector<1000x1xf32>
    %get3A_10 = arith.constant 0 : index
    %get3A_11 = arith.constant 0 : index
    %get3A_12 = arith.constant 0 : index
    %get3A_13 = vector.load %arg1[%get3A_10, %get3A_11, %get3A_12] : memref<2x1000x128xf32, #tpu.memory_space<vmem>>, vector<1x1000x128xf32>
    %get3A_14 = vector.shape_cast %get3A_13 : vector<1x1000x128xf32> to vector<1000x128xf32>
    %get3A_15 = arith.constant 1 : index
    %get3A_16 = arith.constant 0 : index
    %get3A_17 = arith.constant 0 : index
    %get3A_18 = vector.load %arg1[%get3A_15, %get3A_16, %get3A_17] : memref<2x1000x128xf32, #tpu.memory_space<vmem>>, vector<1x1000x128xf32>
    %get3A_19 = vector.shape_cast %get3A_18 : vector<1x1000x128xf32> to vector<1000x128xf32>
    %add3A_20 = arith.addf %get3A_14, %get3A_19 : vector<1000x128xf32>
    %get3A_21 = arith.constant 0 : index
    %get3A_22 = arith.constant 0 : index
    %get3A_23 = vector.load %arg2[%get3A_21, %get3A_22] : memref<1000x128xf32, #tpu.memory_space<vmem>>, vector<1000x128xf32>
    %add3A_24 = arith.addf %add3A_20, %get3A_23 : vector<1000x128xf32>
    %mul3A = vector.broadcast %broadcast_in_dim3A : vector<1000x1xf32> to vector<1000x128xf32>
    %mul3A_25 = arith.mulf %mul3A, %add3A_24 : vector<1000x128xf32>
    %get3A_26 = arith.constant 0 : index
    %get3A_27 = arith.constant 0 : index
    %get3A_28 = vector.load %arg4[%get3A_26, %get3A_27] : memref<1x128xf32, #tpu.memory_space<vmem>>, vector<1x128xf32>
    %add3A_29 = vector.broadcast %get3A_28 : vector<1x128xf32> to vector<1000x128xf32>
    %add3A_30 = arith.addf %mul3A_25, %add3A_29 : vector<1000x128xf32>
    %swap3A = arith.constant 0 : index
    %swap3A_31 = arith.constant 0 : index
    %swap3A_32 = vector.load %arg5[%swap3A, %swap3A_31] : memref<1000x128xf32, #tpu.memory_space<vmem>>, vector<1000x128xf32>
    tpu.vector_store %arg5[%swap3A, %swap3A_31], %add3A_30 {strides = array<i32>} : memref<1000x128xf32, #tpu.memory_space<vmem>>, vector<1000x128xf32>,
    return
  }
  func.func @transform_0(%arg0: i32) -> (i32, i32, i32) {
    %c0_i32 = arith.constant 0 : i32
    %c0_i32_0 = arith.constant 0 : i32
    %c0_i32_1 = arith.constant 0 : i32
    return %c0_i32, %arg0, %c0_i32_0 : i32, i32, i32
  }
  func.func @transform_1(%arg0: i32) -> (i32, i32) {
    %c0_i32 = arith.constant 0 : i32
    %c0_i32_0 = arith.constant 0 : i32
    return %arg0, %c0_i32 : i32, i32
  }
  func.func @transform_2(%arg0: i32) -> (i32, i32) {
    %c0_i32 = arith.constant 0 : i32
    %c0_i32_0 = arith.constant 0 : i32
    return %arg0, %c0_i32 : i32, i32
  }
  func.func @transform_3(%arg0: i32) -> (i32, i32) {
    %c0_i32 = arith.constant 0 : i32
    %c0_i32_0 = arith.constant 0 : i32
    %c0_i32_1 = arith.constant 0 : i32
    return %c0_i32, %c0_i32_0 : i32, i32
  }
  func.func @transform_4(%arg0: i32) -> (i32, i32) {
    %c0_i32 = arith.constant 0 : i32
    %c0_i32_0 = arith.constant 0 : i32
    return %arg0, %c0_i32 : i32, i32
  }
}

</mosaic_0001>

<sc_bundles>
// kernel: kernel.11.cloned.1.call-start
scs
__scs_entry_jumppad:
0x0: {  	(pc) =	sbr.rel $0x88, $3  }
0x1: {  	(tag) =	ssettag $0x0;
	lr =	simm.s32 $0x1  }
0x2: {  	[smem:$0x3F9B] =	sst lr;
	_ =	strace $0xD0000000  }
0x3: {  	_ = 	snop  }
0x4: {  	_ = 	snop  }
0x5: {  	_ = 	snop  }
0x6: {  	_ = 	snop  }
0x7: {  	_ = 	snop  }
__scs_overlays_trampoline_lowered:
0x8: {  	[smem:$0x3FAA] =	sst s0  }
0x9: {  	[smem:$0x3FAB] =	sst s1  }
0xa: {  	[smem:$0x3FAC] =	sst s2  }
0xb: {  	[smem:$0x3FAD] =	sst s3  }
0xc: {  	[smem:$0x3FAE] =	sst s4  }
0xd: {  	[smem:$0x3FAF] =	sst s5  }
0xe: {  	[smem:$0x3FB0] =	sst s6  }
0xf: {  	[smem:$0x3FB1] =	sst s7  }
0x10: {  	[smem:$0x3FB2] =	sst s8  }
0x11: {  	[smem:$0x3FB3] =	sst s9;
	s0 =	simm.s32 @!p0 $0x0  }
0x12: {  	s1 =	sld [smem:$0x3F99];
	s0 =	simm.s32 @p0 $0x1  }
0x13: {  	[smem:$0x3FB4] =	sst s0;
	s0 =	simm.s32 @!p1 $0x0  }
0x14: {  	s2 =	sld [smem:$0x3F98];
	s0 =	simm.s32 @p1 $0x1  }
0x15: {  	[smem:$0x3FB5] =	sst s0;
	s0 =	simm.s32 @!p2 $0x0  }
0x16: {  	s3 =	sld [smem:$0x3FDB];
	s0 =	simm.s32 @p2 $0x1  }
0x17: {  	s4 =	simm.s32 $0x1BF5;
	[smem:$0x3FB7] =	sst s0  }
0x18: {  	s0 =	sld [smem:$0x3F9A];
	_ =	swait.ge [sflag:s4], $0x0  }
0x19: {  	s7 =	sld [smem:$0x3F9B]  }
0x1a: {  	s8 =	sadd.s32 $0xFFFFE003, lr  }
0x1b: {  	s9 =	sadd.s32 $0xFFFFFEF7, lr;
	s5 =	simm.s32 $0xFFFFFFFF;
	p2 =	slt.u32 s8, $0xFFFFF086  }
0x1c: {  	p1 =	slt.u32 s9, $0xF7A;
	s5 =	simm.s32 @!p2 $0x0  }
0x1d: {  	s5 =	simm.s32 @p1 $0x1;
	p0 =	seq.s32 s7, s2  }
0x1e: {  	s7 =	smul.u32 @!p0 $0xF7A, s2;
	p2 =	seq.s32 @!p0 s5, $0x0  }
0x1f: {  	s9 =	smul.u32 $0xF7A, s1;
	s8 =	simm.s32 @!p0 $0x1BF5;
	p2 =	por !p2, p0  }
0x20: {  	[sflag:s8] =	ssyncset.s32 @!p0 $0xFFFFF086;
	s6 =	sadd.s32 @!p0 s3, s7;
	s7 =	simm.s32 @!p0 $0x108  }
0x21: {  	s3 =	sadd.s32 s3, s9;
	s6 =	sadd.s32 @!p0 $0x88, s6;
	s7 =	simm.s32 @p2 $0x1082  }
0x22: {  	[simem:s7], [sflag:s8] =	dma.local @!p0 [hbm:s6], $0xF7A  }
0x23: {  	s9 =	sor.u32 $0xD0000000, s2;
	s6 =	simm.s32 $0x108;
	_ =	swait.ge @!p0 [sflag:s8], $0x0  }
0x24: {  	s3 =	sadd.s32 $0x88, s3;
	s6 =	simm.s32 @!p1 $0x1082;
	[sflag:s4] =	ssyncset.s32 $0xFFFFF086  }
0x25: {  	[simem:s6], [sflag:s4] =	dma.local [hbm:s3], $0xF7A  }
0x26: {  	[smem:$0x3F9B] =	sst s1;
	(tag) =	ssettag s2;
	_ =	strace s9  }
0x27: {  	s1 =	sld [smem:$0x3FAB]  }
0x28: {  	s2 =	sld [smem:$0x3FAC]  }
0x29: {  	s4 =	sld [smem:$0x3FAE]  }
0x2a: {  	p0 =	seq.s32 s5, $0x0;
	s5 =	sld [smem:$0x3FAF]  }
0x2b: {  	s6 =	sld [smem:$0x3FB0]  }
0x2c: {  	s7 =	sld [smem:$0x3FB1]  }
0x2d: {  	s3 =	simm.s32 $0x108;
	s8 =	sld [smem:$0x3FB2]  }
0x2e: {  	s3 =	simm.s32 @!p0 $0x1082;
	s9 =	sld [smem:$0x3FB3]  }
0x2f: {  	lr =	sadd.s32 s0, s3;
	s0 =	sld [smem:$0x3FAA]  }
0x30: {  	s3 =	sld [smem:$0x3FAD]  }
0x31: {  	[smem:$0x3FB6] =	sst s10  }
0x32: {  	s10 =	sld [smem:$0x3FB4];
	_ =	sdelay $0x3  }
0x33: {  	p0 =	seq.s32 s10, $0x1;
	s10 =	sld [smem:$0x3FB6];
	_ =	sdelay $0x3  }
0x34: {  	[smem:$0x3FB6] =	sst s10  }
0x35: {  	s10 =	sld [smem:$0x3FB5];
	_ =	sdelay $0x3  }
0x36: {  	p1 =	seq.s32 s10, $0x1;
	s10 =	sld [smem:$0x3FB6];
	_ =	sdelay $0x3  }
0x37: {  	[smem:$0x3FB6] =	sst s10  }
0x38: {  	s10 =	sld [smem:$0x3FB7]  }
0x39: {  	_ = 	snop;
	(pc) =	sbr.ind lr, $3  }
0x3a: {  	_ = 	snop  }
0x3b: {  	_ = 	snop  }
0x3c: {  	p2 =	seq.s32 s10, $0x1;
	s10 =	sld [smem:$0x3FB6]  }
0x3d: {  	_ =	shalt  }
0x3e: {  	_ =	shalt  }
0x3f: {  	_ =	shalt  }
0x40: {  	_ =	shalt  }
0x41: {  	_ =	shalt  }
0x42: {  	_ =	shalt  }
0x43: {  	_ =	shalt  }
0x44: {  	_ =	shalt  }
0x45: {  	_ =	shalt  }
0x46: {  	_ =	shalt  }
0x47: {  	_ =	shalt  }
0x48: {  	_ =	shalt  }
0x49: {  	_ =	shalt  }
0x4a: {  	_ =	shalt  }
0x4b: {  	_ =	shalt  }
0x4c: {  	_ =	shalt  }
0x4d: {  	_ =	shalt  }
0x4e: {  	_ =	shalt  }
0x4f: {  	_ =	shalt  }
0x50: {  	_ =	shalt  }
0x51: {  	_ =	shalt  }
0x52: {  	_ =	shalt  }
0x53: {  	_ =	shalt  }
0x54: {  	_ =	shalt  }
0x55: {  	_ =	shalt  }
0x56: {  	_ =	shalt  }
0x57: {  	_ =	shalt  }
0x58: {  	_ =	shalt  }
0x59: {  	_ =	shalt  }
0x5a: {  	_ =	shalt  }
0x5b: {  	_ =	shalt  }
0x5c: {  	_ =	shalt  }
0x5d: {  	_ =	shalt  }
0x5e: {  	_ =	shalt  }
0x5f: {  	_ =	shalt  }
0x60: {  	_ =	shalt  }
0x61: {  	_ =	shalt  }
0x62: {  	_ =	shalt  }
0x63: {  	_ =	shalt  }
0x64: {  	_ =	shalt  }
0x65: {  	_ =	shalt  }
0x66: {  	_ =	shalt  }
0x67: {  	_ =	shalt  }
0x68: {  	_ =	shalt  }
0x69: {  	_ =	shalt  }
0x6a: {  	_ =	shalt  }
0x6b: {  	_ =	shalt  }
0x6c: {  	_ =	shalt  }
0x6d: {  	_ =	shalt  }
0x6e: {  	_ =	shalt  }
0x6f: {  	_ =	shalt  }
0x70: {  	_ =	shalt  }
0x71: {  	_ =	shalt  }
0x72: {  	_ =	shalt  }
0x73: {  	_ =	shalt  }
0x74: {  	_ =	shalt  }
0x75: {  	_ =	shalt  }
0x76: {  	_ =	shalt  }
0x77: {  	_ =	shalt  }
0x78: {  	_ =	shalt  }
0x79: {  	_ =	shalt  }
0x7a: {  	_ =	shalt  }
0x7b: {  	_ =	shalt  }
0x7c: {  	_ =	shalt  }
0x7d: {  	_ =	shalt  }
0x7e: {  	_ =	shalt  }
0x7f: {  	_ =	shalt  }
0x80: {  	_ =	shalt  }
0x81: {  	_ =	shalt  }
0x82: {  	_ =	shalt  }
0x83: {  	_ =	shalt  }
0x84: {  	_ =	shalt  }
0x85: {  	_ =	shalt  }
0x86: {  	_ =	shalt  }
0x87: {  	_ =	shalt  }
.Lfunc_end0:
.L_simem_size_0:
called_computation.1_lowered:
.L_overlay_start_0:
0x88: {  	s2 =	sld [smem:$0x3FD9]  }
0x89: {  	s3 =	sld [smem:$0x3FFE];
	_ =	sdelay $0x1  }
0x8a: {  	s1 =	srdreg.scid  }
0x8b: {  	s0 =	sand.u32 $0x1, s1  }
0x8c: {  	s17 =	sshll.u32 s0, $0xA;
	s2 =	sadd.s32 s3, s2  }
0x8d: {  	s2 =	sadd.s32 s2, s17  }
0x8e: {  	[smem:$0x3FC2] =	sst s2  }
0x8f: {  	_ = 	snop  }
0x90: {  	s2 =	sld [smem:$0x3FC8]  }
0x91: {  	s18 =	sld [smem:$0x3FD0];
	(tm) =	ssettm $0x1  }
0x92: {  	s4 =	sld [smem:$0x3FFB];
	_ =	sdelay $0x3  }
0x93: {  	_ =	strace s4  }
0x94: {  	s4 =	sld [smem:$0x3FFC];
	_ =	sdelay $0x3  }
0x95: {  	_ =	strace s4  }
0x96: {  	s4 =	sld [smem:$0x3FFD];
	_ =	sdelay $0x3  }
0x97: {  	_ =	strace s4  }
0x98: {  	_ =	strace $0x8FFFFFFF  }
0x99: {  	s19 =	sld [smem:$0x3FDB];
	_ =	sdelay $0x1  }
0x9a: {  	s5 =	simm.s32 $_scs_section_size  }
0x9b: {  	s6 =	simm.s32 $_size__tile_overlayer_lowered;
	s7 =	simm.s32 $_tile_overlayer_lowered  }
0x9c: {  	s22 =	simm.s32 $0x1BFF;
	s21 =	sshll.u32 s7, $0x1;
	s4 =	sadd.s32 s5, s19  }
0x9d: {  	s8 =	simm.s32 $0x0;
	s20 =	sshll.u32 s6, $0x1;
	s6 =	sadd.s32 s21, s4  }
0x9e: {  	[timem:s8], [sflag:s22] =	dma.local [hbm:s6], s20  }
0x9f: {  	_ =	swait.ge [sflag:s22], s20  }
0xa0: {  	s5 =	ssub.s32 $0x0, s20;
	[sflag:s22] =	ssyncset.done $0x0  }
0xa1: {  	[sflag:s22] =	ssyncadd.s32 s5;
	_ =	sdelay $0x1  }
0xa2: {  	s23 =	simm.s32 $0x1B8B  }
0xa3: {  	_ =	swait.ge [sflag:s23], $0x1  }
0xa4: {  	[sflag:s23] =	ssyncset.done $0x0  }
0xa5: {  	s25 =	simm.s32 $0x1B8E;
	s24 =	sld [smem:$0x3FFE];
	[sflag:s23] =	ssyncadd.s32 $0xFFFFFFFF  }
0xa6: {  	s26 =	simm.s32 $execute0_lowered;
	[smem:$0x3FD2] =	sst s25  }
0xa7: {  	s6 =	sshll.u32 s26, $0x1;
	_ =	strace $0x80000049;
	[dreg:$0x1] =	wrdreg $0xFFFFFFFF  }
0xa8: {  	s28 =	simm.s32 $_size_execute0_lowered;
	s4 =	sadd.s32 s4, s6;
	[dreg:$0x0] =	wrdreg $0x0  }
0xa9: {  	s6 =	sshll.u32 s28, $0x1;
	[dreg:$0x2] =	wrdreg s4  }
0xaa: {  	[dreg:$0x3] =	wrdreg s6  }
0xab: {  	[dreg:$0x4] =	wrdreg $0xC0  }
0xac: {  	_ =	task [dreg:s8], $0x5FFFF  }
0xad: {  	[dreg:$0x1] =	wrdreg $0xFFFFFFFF  }
0xae: {  	[dreg:$0x0] =	wrdreg $0x60  }
0xaf: {  	[dreg:$0x2] =	wrdreg s18  }
0xb0: {  	[dreg:$0x3] =	wrdreg s2  }
0xb1: {  	[dreg:$0x4] =	wrdreg s24  }
0xb2: {  	[dreg:$0x5] =	wrdreg $0xC6000  }
0xb3: {  	[dreg:$0x6] =	wrdreg $0x9  }
0xb4: {  	_ =	task.clear_ibuf [dreg:s8], $0x7FFFF;
	_ =	strace $0x90000049  }
0xb5: {  	s29 =	simm.s32 $0x9;
	_ =	strace $0x8000004B  }
0xb6: {  	_ =	swait.ge [sflag:s29], $0x1  }
0xb7: {  	[sflag:s29] =	ssyncadd.s32 $0xFFFFFFFF  }
0xb8: {  	_ =	strace $0x9000004B  }
0xb9: {  	_ =	sfence  }
0xba: {  	s30 =	sld [smem:$0x0];
	_ =	sdelay $0x2  }
0xbb: {  	s31 =	sshll.u32 s1, $0xD;
	s1 =	sshrl.u32 s1, $0x2  }
0xbc: {  	s3 =	sand.u32 $0x4000, s31;
	s1 =	sadd.s32 s1, s30  }
0xbd: {  	s0 =	sor.u32 s3, s0;
	s1 =	sshll.u32 s1, $0x11  }
0xbe: {  	s0 =	sor.u32 s1, s0  }
0xbf: {  	s0 =	sadd.s32 $0x8F2B, s0  }
0xc0: {  	[sflag:s0] =	ssyncadd.remote.s32 $0x1  }
0xc1: {  	_ =	sfence.sel $0xFFFF  }
0xc2: {  	[dreg:$0x0] =	wrdreg $0xFFFFFFFF;
	(pc) =	sbr.abs _section_cstart, $3  }
0xc3: {  	[dreg:$0x1] =	wrdreg $0xFFFFFFFF  }
0xc4: {  	_ =	task.clear_ibuf [dreg:s8], $0x2FFFF;
	_ =	strace $0x9FFFFFFF  }
0xc5: {  	(tm) =	ssettm $0x7FFFFFFF  }
tec
execute0_lowered:
.L_overlay_start_1:
0x0: {  	(tag) =	ssettag $0x1  }
0x1: {  	s1 =	rddreg [dreg:$0x0]  }
0x2: {  	s0 =	rddreg [dreg:$0x1]  }
0x3: {  	s3 =	rddreg [dreg:$0x2]  }
0x4: {  	s2 =	rddreg [dreg:$0x3]  }
0x5: {  	s4 =	simm.s32 $0x0;
	s5 =	srdreg.scid;
	s13 =	stileid.u32  }
0x6: {  	s28 =	simm.s32 $0x7;
	s29 =	simm.s32 $0x300;
	s30 =	simm.s32 $0x3  }
0x7: {  	s31 =	simm.s32 $0x8600;
	[smem:$0x7FF] =	sst s4;
	s5 =	sand.u32 $0x1, s5  }
0x8: {  	s6 =	sadd.s32 $0x2A00, s3;
	s7 =	sshll.u32 s13, $0x1;
	s9 =	smul.u32 $0x4E000, s13  }
0x9: {  	s3 =	sadd.s32 $0x5200, s3;
	s10 =	sshll.u32 s13, $0x6;
	s20 =	sadd.s32 $0x138000, s2  }
0xa: {  	s23 =	smul.u32 $0x9C, s13;
	s24 =	sadd.s32 $0x20, s0;
	p0 =	sne.s32 s13, $0xF  }
0xb: {  	p1 =	sgt.u32 s13, $0x1;
	_ =	strace $0x8000004A;
	[dreg:$0xb] =	wrdreg s6  }
0xc: {  	s17 =	ssub.s32 $0x2, s5;
	s7 =	sor.u32 s5, s7;
	s12 =	smul.u32 $0x4E, s5  }
0xd: {  	s19 =	sor.u32 $0x1C0D, s10;
	[dreg:$0xe] =	wrdreg s20;
	s5 =	smul.u32 $0x138800, s5  }
0xe: {  	s10 =	simm.s32 $0x9;
	s8 =	sshrl.u32 s17, $0x1;
	s18 =	smul.u32 $0x9C0, s7  }
0xf: {  	s9 =	sshrl.u32 s9, $0x2;
	s11 =	smul.u32 $0x4E00, s7;
	s7 =	sshll.u32 s7, $0x5  }
0x10: {  	[dreg:$0xd] =	wrdreg s19;
	s6 =	ssub.s32 s17, s8;
	s9 =	sadd.s32 s9, s2  }
0x11: {  	s16 =	sadd.s32 s12, s23;
	s7 =	sadd.s32 s7, s0;
	s17 =	smul.u32 $0x13800, s13  }
0x12: {  	s12 =	simm.s32 $0x500;
	s13 =	simm.s32 $0x5;
	[dreg:$0xc] =	wrdreg s9  }
0x13: {  	s21 =	sadd.s32 s0, s18;
	s22 =	sshrl.u32 s11, $0x3;
	s8 =	sadd.s32 s18, s24  }
0x14: {  	s7 =	sadd.s32 $0x13800, s7;
	s11 =	simm.s32 $0x0;
	[dreg:$0xf] =	wrdreg s21  }
0x15: {  	s9 =	sadd.s32 s0, s22;
	[dreg:$0x10] =	wrdreg s8;
	s8 =	sshll.u32 s16, $0x5  }
0x16: {  	[dreg:$0x15] =	wrdreg s7;
	s21 =	sadd.s32 s17, s5;
	s5 =	sshrl.u32 s5, $0x3  }
0x17: {  	s7 =	simm.s32 $0xD;
	s16 =	simm.s32 $0x6;
	s25 =	sadd.s32 $0x940, s9  }
0x18: {  	s17 =	simm.s32 $0xC;
	s26 =	sadd.s32 $0x960, s9;
	[dreg:$0x11] =	wrdreg s25  }
0x19: {  	s14 =	sadd.s32 $0x980, s9;
	s15 =	sadd.s32 $0x9A0, s9;
	[dreg:$0x12] =	wrdreg s26  }
0x1a: {  	s18 =	sadd.s32 s24, s8;
	s0 =	sadd.s32 s0, s8;
	[dreg:$0x13] =	wrdreg s14  }
0x1b: {  	s8 =	sshrl.u32 s21, $0x3;
	[dreg:$0x14] =	wrdreg s15;
	s20 =	sadd.s32 $0xC0, s18  }
0x1c: {  	s21 =	simm.s32 $0x1;
	s22 =	sadd.s32 $0xC0, s0;
	[dreg:$0x5] =	wrdreg s20  }
0x1d: {  	s9 =	simm.s32 $0xA;
	s8 =	sadd.s32 s3, s8;
	[dreg:$0x6] =	wrdreg s22  }
0x1e: {  	s23 =	sadd.s32 $0x80, s18;
	s24 =	sadd.s32 $0x80, s0;
	[dreg:$0x16] =	wrdreg s8  }
0x1f: {  	s25 =	sadd.s32 $0x40, s18;
	s3 =	sadd.s32 s3, s5;
	[dreg:$0x7] =	wrdreg s23  }
0x20: {  	s0 =	sadd.s32 $0x40, s0;
	s26 =	smax.u32 s6, $0x1;
	[dreg:$0x8] =	wrdreg s24  }
0x21: {  	s6 =	simm.s32 $0x400;
	s14 =	simm.s32 $0xB;
	[dreg:$0x9] =	wrdreg s25  }
0x22: {  	s15 =	simm.s32 $0x380;
	s18 =	simm.s32 $0x480;
	[dreg:$0x18] =	wrdreg s26  }
0x23: {  	s5 =	simm.s32 $0x580;
	s3 =	sadd.s32 $0x27000, s3;
	[dreg:$0xa] =	wrdreg s0  }
0x24: {  	s20 =	simm.s32 $0x100;
	s22 =	simm.s32 $0x80;
	s23 =	simm.s32 $0x600  }
0x25: {  	s24 =	simm.s32 $0x200;
	s25 =	simm.s32 $0x2;
	s26 =	simm.s32 $0x4600  }
0x26: {  	s0 =	simm.s32 $0x8;
	s8 =	simm.s32 $0x4;
	[dreg:$0x17] =	wrdreg s3  }
.LBB2_1:
0x27: {  	[dreg:$0x19] =	wrdreg s11  }
0x28: {  	s3 =	rddreg [dreg:$0xc]  }
0x29: {  	s11 =	sshrl.u32 s3, $0x3;
	s3 =	rddreg [dreg:$0xb]  }
0x2a: {  	[dreg:$0x1a] =	wrdreg s11  }
0x2b: {  	[spmem:s11], [sflag:s19] =	dma.local [hbm:s3], $0x2700  }
0x2c: {  	_ =	swait.ge [sflag:s7], $0x2700  }
0x2d: {  	[sflag:s7] =	ssyncset.done $0x0  }
0x2e: {  	[sflag:s7] =	ssyncadd.s32 $0xFFFFD900;
	s7 =	rddreg [dreg:$0xe]  }
0x2f: {  	s7 =	sshrl.u32 @!p0 s7, $0x3  }
0x30: {  	[dreg:$0x1b] =	wrdreg s7  }
0x31: {  	[spmem:s7], [sflag:s19] =	dma.local @!p0 [hbm:s3], $0x100  }
0x32: {  	s7 =	simm.s32 @!p0 $0xD  }
0x33: {  	_ =	swait.ge @!p0 [sflag:s7], $0x100  }
0x34: {  	[sflag:s7] =	ssyncset.done @!p0 $0x0  }
0x35: {  	[sflag:s7] =	ssyncadd.s32 @!p0 $0xFFFFFF00  }
0x36: {  	[bflag:$0x0] =	sbarrier.arrive $0xFFFF  }
0x37: {  	s7 =	rddreg [dreg:$0xf]  }
0x38: {  	[tilespmem:s4], [sflag:$0x1] =	stream.linear.gather [hbm4b:s7+s4], $0x100, $0x38;
	[tilespmem:$0x1FE80] =	vst v63  }
0x39: {  	s11 =	rddreg [dreg:$0x10]  }
0x3a: {  	[tilespmem:s20], [sflag:$0x2] =	stream.linear.gather [hbm4b:s11+s4], $0x100, $0x38;
	[tilespmem:$0x1FE80] =	vst v63  }
0x3b: {  	_ =	swait.ge [sflag:s21], $0x100  }
0x3c: {  	[sflag:s21] =	ssyncset.done $0x0  }
0x3d: {  	s19 =	rddreg [dreg:$0xa];
	[sflag:s21] =	ssyncadd.s32 $0xFFFFFF00  }
0x3e: {  	[tilespmem:s23], [sflag:$0x7] =	stream.indirect.gather [hbm4b:s1+s22], $0x80, s4, s22, $0xb8;
	[tilespmem:$0x1FE80] =	vst v63  }
0x3f: {  	s7 =	sadd.s32 $0x0, s19  }
0x40: {  	[tilespmem:s24], [sflag:$0x3] =	stream.linear.gather [hbm4b:s7+s4], $0x100, $0x38;
	[tilespmem:$0x1FE80] =	vst v63  }
0x41: {  	_ =	swait.ge [sflag:s25], $0x100  }
0x42: {  	p2 =	por $0x1, $0x1;
	[sflag:s25] =	ssyncset.done $0x0  }
0x43: {  	s7 =	simm.s32 @!p2 $0xB;
	[sflag:s25] =	ssyncadd.s32 $0xFFFFFF00  }
0x44: {  	_ =	swait.ge @!p2 [sflag:s7], $0x4000  }
0x45: {  	[sflag:s7] =	ssyncset.done @!p2 $0x0  }
0x46: {  	[sflag:s7] =	ssyncadd.s32 @!p2 $0xFFFFC000  }
0x47: {  	[tilespmem:s26], [sflag:$0x8] =	stream.indirect.gather [hbm4b:s1+s22], $0x80, s20, s22, $0xb8;
	[tilespmem:$0x1FE80] =	vst v63  }
0x48: {  	_ =	swait.ge [sflag:s28], $0x4000  }
0x49: {  	[sflag:s28] =	ssyncset.done $0x0  }
0x4a: {  	s3 =	rddreg [dreg:$0x9];
	[sflag:s28] =	ssyncadd.s32 $0xFFFFC000  }
0x4b: {  	[spmem:s2] =	stream.indirect.scatter.add.f32 [tilespmem:s23], [sflag:$0xA], $0x80, s22, s22, $0xb8;
	[tilespmem:$0x1FE80] =	vst v63  }
0x4c: {  	s7 =	sadd.s32 $0x0, s3  }
0x4d: {  	[tilespmem:s29], [sflag:$0x4] =	stream.linear.gather [hbm4b:s7+s4], $0x100, $0x38;
	[tilespmem:$0x1FE80] =	vst v63  }
0x4e: {  	_ =	swait.ge [sflag:s30], $0x100  }
0x4f: {  	[sflag:s30] =	ssyncset.done $0x0  }
0x50: {  	s7 =	simm.s32 @!p2 $0xC;
	[sflag:s30] =	ssyncadd.s32 $0xFFFFFF00  }
0x51: {  	_ =	swait.ge @!p2 [sflag:s7], $0x4000  }
0x52: {  	[sflag:s7] =	ssyncset.done @!p2 $0x0  }
0x53: {  	[sflag:s7] =	ssyncadd.s32 @!p2 $0xFFFFC000  }
0x54: {  	[tilespmem:s31], [sflag:$0x9] =	stream.indirect.gather [hbm4b:s1+s22], $0x80, s24, s22, $0xb8;
	[tilespmem:$0x1FE80] =	vst v63  }
0x55: {  	_ =	swait.ge [sflag:s0], $0x4000  }
0x56: {  	[sflag:s0] =	ssyncset.done $0x0  }
0x57: {  	s19 =	simm.s32 $0x180;
	s11 =	rddreg [dreg:$0x8];
	[sflag:s0] =	ssyncadd.s32 $0xFFFFC000  }
0x58: {  	[spmem:s2] =	stream.indirect.scatter.add.f32 [tilespmem:s26], [sflag:$0xB], $0x80, s19, s22, $0xb8;
	[tilespmem:$0x1FE80] =	vst v63  }
0x59: {  	s7 =	sadd.s32 $0x0, s11  }
0x5a: {  	[tilespmem:s6], [sflag:$0x5] =	stream.linear.gather [hbm4b:s7+s4], $0x100, $0x38;
	[tilespmem:$0x1FE80] =	vst v63  }
0x5b: {  	_ =	swait.ge [sflag:s8], $0x100  }
0x5c: {  	[sflag:s8] =	ssyncset.done $0x0  }
0x5d: {  	[sflag:s8] =	ssyncadd.s32 $0xFFFFFF00  }
0x5e: {  	_ =	swait.ge [sflag:s9], $0x4000  }
0x5f: {  	[sflag:s9] =	ssyncset.done $0x0  }
0x60: {  	[sflag:s9] =	ssyncadd.s32 $0xFFFFC000  }
0x61: {  	[tilespmem:s23], [sflag:$0x7] =	stream.indirect.gather [hbm4b:s1+s22], $0x80, s29, s22, $0xb8;
	[tilespmem:$0x1FE80] =	vst v63  }
0x62: {  	_ =	swait.ge [sflag:s10], $0x4000  }
0x63: {  	[sflag:s10] =	ssyncset.done $0x0  }
0x64: {  	s19 =	simm.s32 $0x280;
	s11 =	rddreg [dreg:$0x7];
	[sflag:s10] =	ssyncadd.s32 $0xFFFFC000  }
0x65: {  	[spmem:s2] =	stream.indirect.scatter.add.f32 [tilespmem:s31], [sflag:$0xC], $0x80, s19, s22, $0xb8;
	[tilespmem:$0x1FE80] =	vst v63  }
0x66: {  	s7 =	sadd.s32 $0x0, s11  }
0x67: {  	[tilespmem:s12], [sflag:$0x6] =	stream.linear.gather [hbm4b:s7+s4], $0x100, $0x38;
	[tilespmem:$0x1FE80] =	vst v63  }
0x68: {  	_ =	swait.ge [sflag:s13], $0x100  }
0x69: {  	[sflag:s13] =	ssyncset.done $0x0  }
0x6a: {  	[sflag:s13] =	ssyncadd.s32 $0xFFFFFF00  }
0x6b: {  	_ =	swait.ge [sflag:s14], $0x4000  }
0x6c: {  	[sflag:s14] =	ssyncset.done $0x0  }
0x6d: {  	[sflag:s14] =	ssyncadd.s32 $0xFFFFC000  }
0x6e: {  	[tilespmem:s26], [sflag:$0x8] =	stream.indirect.gather [hbm4b:s1+s22], $0x80, s6, s22, $0xb8;
	[tilespmem:$0x1FE80] =	vst v63  }
0x6f: {  	_ =	swait.ge [sflag:s28], $0x4000  }
0x70: {  	[sflag:s28] =	ssyncset.done $0x0  }
0x71: {  	s11 =	rddreg [dreg:$0x6];
	[sflag:s28] =	ssyncadd.s32 $0xFFFFC000  }
0x72: {  	[spmem:s2] =	stream.indirect.scatter.add.f32 [tilespmem:s23], [sflag:$0xA], $0x80, s15, s22, $0xb8;
	[tilespmem:$0x1FE80] =	vst v63  }
0x73: {  	s7 =	sadd.s32 $0x0, s11  }
0x74: {  	[tilespmem:s4], [sflag:$0x1] =	stream.linear.gather [hbm4b:s7+s4], $0x100, $0x38;
	[tilespmem:$0x1FE80] =	vst v63  }
0x75: {  	_ =	swait.ge [sflag:s16], $0x100  }
0x76: {  	[sflag:s16] =	ssyncset.done $0x0  }
0x77: {  	[sflag:s16] =	ssyncadd.s32 $0xFFFFFF00  }
0x78: {  	_ =	swait.ge [sflag:s17], $0x4000  }
0x79: {  	[sflag:s17] =	ssyncset.done $0x0  }
0x7a: {  	[sflag:s17] =	ssyncadd.s32 $0xFFFFC000  }
0x7b: {  	[tilespmem:s31], [sflag:$0x9] =	stream.indirect.gather [hbm4b:s1+s22], $0x80, s12, s22, $0xb8;
	[tilespmem:$0x1FE80] =	vst v63  }
0x7c: {  	_ =	swait.ge [sflag:s0], $0x4000  }
0x7d: {  	[sflag:s0] =	ssyncset.done $0x0  }
0x7e: {  	s19 =	rddreg [dreg:$0x5];
	[sflag:s0] =	ssyncadd.s32 $0xFFFFC000  }
0x7f: {  	[spmem:s2] =	stream.indirect.scatter.add.f32 [tilespmem:s26], [sflag:$0xB], $0x80, s18, s22, $0xb8;
	[tilespmem:$0x1FE80] =	vst v63  }
0x80: {  	s7 =	sadd.s32 $0x0, s19  }
0x81: {  	[tilespmem:s20], [sflag:$0x2] =	stream.linear.gather [hbm4b:s7+s4], $0x100, $0x38;
	[tilespmem:$0x1FE80] =	vst v63  }
0x82: {  	_ =	swait.ge [sflag:s21], $0x100  }
0x83: {  	[sflag:s21] =	ssyncset.done $0x0  }
0x84: {  	[sflag:s21] =	ssyncadd.s32 $0xFFFFFF00  }
0x85: {  	_ =	swait.ge [sflag:s9], $0x4000  }
0x86: {  	[sflag:s9] =	ssyncset.done $0x0  }
0x87: {  	[sflag:s9] =	ssyncadd.s32 $0xFFFFC000  }
0x88: {  	[tilespmem:s23], [sflag:$0x7] =	stream.indirect.gather [hbm4b:s1+s22], $0x80, s4, s22, $0xb8;
	[tilespmem:$0x1FE80] =	vst v63  }
0x89: {  	s7 =	simm.s32 $0xC0;
	_ =	swait.ge [sflag:s10], $0x4000  }
.LBB2_2:
0x8a: {  	[sflag:s10] =	ssyncset.done $0x0  }
0x8b: {  	s3 =	rddreg [dreg:$0xa];
	s19 =	smov.u32 s7;
	[sflag:s10] =	ssyncadd.s32 $0xFFFFC000  }
0x8c: {  	[spmem:s2] =	stream.indirect.scatter.add.f32 [tilespmem:s31], [sflag:$0xC], $0x80, s5, s22, $0xb8;
	[tilespmem:$0x1FE80] =	vst v63  }
0x8d: {  	s3 =	sadd.s32 s19, s3  }
0x8e: {  	[tilespmem:s24], [sflag:$0x3] =	stream.linear.gather [hbm4b:s3+s4], $0x100, $0x38;
	[tilespmem:$0x1FE80] =	vst v63  }
0x8f: {  	_ =	swait.ge [sflag:s25], $0x100  }
0x90: {  	p3 =	seq.s32 s19, $0x0;
	[sflag:s25] =	ssyncset.done $0x0  }
0x91: {  	s3 =	simm.s32 @!p3 $0xB;
	[sflag:s25] =	ssyncadd.s32 $0xFFFFFF00  }
0x92: {  	_ =	swait.ge @!p3 [sflag:s3], $0x4000  }
0x93: {  	[sflag:s3] =	ssyncset.done @!p3 $0x0  }
0x94: {  	[sflag:s3] =	ssyncadd.s32 @!p3 $0xFFFFC000  }
0x95: {  	[tilespmem:s26], [sflag:$0x8] =	stream.indirect.gather [hbm4b:s1+s22], $0x80, s20, s22, $0xb8;
	[tilespmem:$0x1FE80] =	vst v63  }
0x96: {  	_ =	swait.ge [sflag:s28], $0x4000  }
0x97: {  	[sflag:s28] =	ssyncset.done $0x0  }
0x98: {  	s11 =	rddreg [dreg:$0x9];
	[sflag:s28] =	ssyncadd.s32 $0xFFFFC000  }
0x99: {  	[spmem:s2] =	stream.indirect.scatter.add.f32 [tilespmem:s23], [sflag:$0xA], $0x80, s22, s22, $0xb8;
	[tilespmem:$0x1FE80] =	vst v63  }
0x9a: {  	s3 =	sadd.s32 s19, s11  }
0x9b: {  	[tilespmem:s29], [sflag:$0x4] =	stream.linear.gather [hbm4b:s3+s4], $0x100, $0x38;
	[tilespmem:$0x1FE80] =	vst v63  }
0x9c: {  	_ =	swait.ge [sflag:s30], $0x100  }
0x9d: {  	[sflag:s30] =	ssyncset.done $0x0  }
0x9e: {  	s3 =	simm.s32 @!p3 $0xC;
	[sflag:s30] =	ssyncadd.s32 $0xFFFFFF00  }
0x9f: {  	_ =	swait.ge @!p3 [sflag:s3], $0x4000  }
0xa0: {  	[sflag:s3] =	ssyncset.done @!p3 $0x0  }
0xa1: {  	[sflag:s3] =	ssyncadd.s32 @!p3 $0xFFFFC000  }
0xa2: {  	[tilespmem:s31], [sflag:$0x9] =	stream.indirect.gather [hbm4b:s1+s22], $0x80, s24, s22, $0xb8;
	[tilespmem:$0x1FE80] =	vst v63  }
0xa3: {  	_ =	swait.ge [sflag:s0], $0x4000  }
0xa4: {  	[sflag:s0] =	ssyncset.done $0x0  }
0xa5: {  	s11 =	simm.s32 $0x180;
	s3 =	rddreg [dreg:$0x8];
	[sflag:s0] =	ssyncadd.s32 $0xFFFFC000  }
0xa6: {  	[spmem:s2] =	stream.indirect.scatter.add.f32 [tilespmem:s26], [sflag:$0xB], $0x80, s11, s22, $0xb8;
	[tilespmem:$0x1FE80] =	vst v63  }
0xa7: {  	s3 =	sadd.s32 s19, s3  }
0xa8: {  	[tilespmem:s6], [sflag:$0x5] =	stream.linear.gather [hbm4b:s3+s4], $0x100, $0x38;
	[tilespmem:$0x1FE80] =	vst v63  }
0xa9: {  	_ =	swait.ge [sflag:s8], $0x100  }
0xaa: {  	[sflag:s8] =	ssyncset.done $0x0  }
0xab: {  	[sflag:s8] =	ssyncadd.s32 $0xFFFFFF00  }
0xac: {  	_ =	swait.ge [sflag:s9], $0x4000  }
0xad: {  	[sflag:s9] =	ssyncset.done $0x0  }
0xae: {  	[sflag:s9] =	ssyncadd.s32 $0xFFFFC000  }
0xaf: {  	[tilespmem:s23], [sflag:$0x7] =	stream.indirect.gather [hbm4b:s1+s22], $0x80, s29, s22, $0xb8;
	[tilespmem:$0x1FE80] =	vst v63  }
0xb0: {  	_ =	swait.ge [sflag:s10], $0x4000  }
0xb1: {  	[sflag:s10] =	ssyncset.done $0x0  }
0xb2: {  	s11 =	simm.s32 $0x280;
	s3 =	rddreg [dreg:$0x7];
	[sflag:s10] =	ssyncadd.s32 $0xFFFFC000  }
0xb3: {  	[spmem:s2] =	stream.indirect.scatter.add.f32 [tilespmem:s31], [sflag:$0xC], $0x80, s11, s22, $0xb8;
	[tilespmem:$0x1FE80] =	vst v63  }
0xb4: {  	s3 =	sadd.s32 s19, s3  }
0xb5: {  	[tilespmem:s12], [sflag:$0x6] =	stream.linear.gather [hbm4b:s3+s4], $0x100, $0x38;
	[tilespmem:$0x1FE80] =	vst v63  }
0xb6: {  	_ =	swait.ge [sflag:s13], $0x100  }
0xb7: {  	[sflag:s13] =	ssyncset.done $0x0  }
0xb8: {  	[sflag:s13] =	ssyncadd.s32 $0xFFFFFF00  }
0xb9: {  	_ =	swait.ge [sflag:s14], $0x4000  }
0xba: {  	[sflag:s14] =	ssyncset.done $0x0  }
0xbb: {  	[sflag:s14] =	ssyncadd.s32 $0xFFFFC000  }
0xbc: {  	[tilespmem:s26], [sflag:$0x8] =	stream.indirect.gather [hbm4b:s1+s22], $0x80, s6, s22, $0xb8;
	[tilespmem:$0x1FE80] =	vst v63  }
0xbd: {  	_ =	swait.ge [sflag:s28], $0x4000  }
0xbe: {  	[sflag:s28] =	ssyncset.done $0x0  }
0xbf: {  	s11 =	rddreg [dreg:$0x6];
	[sflag:s28] =	ssyncadd.s32 $0xFFFFC000  }
0xc0: {  	[spmem:s2] =	stream.indirect.scatter.add.f32 [tilespmem:s23], [sflag:$0xA], $0x80, s15, s22, $0xb8;
	[tilespmem:$0x1FE80] =	vst v63  }
0xc1: {  	s3 =	sadd.s32 s19, s11  }
0xc2: {  	[tilespmem:s4], [sflag:$0x1] =	stream.linear.gather [hbm4b:s3+s4], $0x100, $0x38;
	[tilespmem:$0x1FE80] =	vst v63  }
0xc3: {  	_ =	swait.ge [sflag:s16], $0x100  }
0xc4: {  	[sflag:s16] =	ssyncset.done $0x0  }
0xc5: {  	[sflag:s16] =	ssyncadd.s32 $0xFFFFFF00  }
0xc6: {  	_ =	swait.ge [sflag:s17], $0x4000  }
0xc7: {  	[sflag:s17] =	ssyncset.done $0x0  }
0xc8: {  	[sflag:s17] =	ssyncadd.s32 $0xFFFFC000  }
0xc9: {  	[tilespmem:s31], [sflag:$0x9] =	stream.indirect.gather [hbm4b:s1+s22], $0x80, s12, s22, $0xb8;
	[tilespmem:$0x1FE80] =	vst v63  }
0xca: {  	_ =	swait.ge [sflag:s0], $0x4000  }
0xcb: {  	[sflag:s0] =	ssyncset.done $0x0  }
0xcc: {  	s11 =	rddreg [dreg:$0x5];
	[sflag:s0] =	ssyncadd.s32 $0xFFFFC000  }
0xcd: {  	[spmem:s2] =	stream.indirect.scatter.add.f32 [tilespmem:s26], [sflag:$0xB], $0x80, s18, s22, $0xb8;
	[tilespmem:$0x1FE80] =	vst v63  }
0xce: {  	s3 =	sadd.s32 s19, s11  }
0xcf: {  	[tilespmem:s20], [sflag:$0x2] =	stream.linear.gather [hbm4b:s3+s4], $0x100, $0x38;
	[tilespmem:$0x1FE80] =	vst v63  }
0xd0: {  	_ =	swait.ge [sflag:s21], $0x100  }
0xd1: {  	s7 =	sadd.s32 $0xC0, s7;
	[sflag:s21] =	ssyncset.done $0x0  }
0xd2: {  	p2 =	sne.s32 s7, $0x900;
	[sflag:s21] =	ssyncadd.s32 $0xFFFFFF00  }
.Ltmp0:
0xd3: {  	_ =	swait.ge [sflag:s9], $0x4000;
	(pc) =	sbr.rel @p2 .LBB2_2-.Ltmp0, $4  }
0xd4: {  	[sflag:s9] =	ssyncset.done $0x0  }
0xd5: {  	[sflag:s9] =	ssyncadd.s32 $0xFFFFC000  }
0xd6: {  	[tilespmem:s23], [sflag:$0x7] =	stream.indirect.gather [hbm4b:s1+s22], $0x80, s4, s22, $0xb8;
	[tilespmem:$0x1FE80] =	vst v63  }
0xd7: {  	_ =	swait.ge [sflag:s10], $0x4000  }
0xd8: {  	[sflag:s10] =	ssyncset.done $0x0  }
0xd9: {  	[sflag:s10] =	ssyncadd.s32 $0xFFFFC000  }
0xda: {  	[spmem:s2] =	stream.indirect.scatter.add.f32 [tilespmem:s31], [sflag:$0xC], $0x80, s5, s22, $0xb8;
	[tilespmem:$0x1FE80] =	vst v63  }
0xdb: {  	s3 =	rddreg [dreg:$0x11]  }
0xdc: {  	[tilespmem:s24], [sflag:$0x3] =	stream.linear.gather [hbm4b:s3+s4], $0x100, $0x38;
	[tilespmem:$0x1FE80] =	vst v63  }
0xdd: {  	_ =	swait.ge [sflag:s25], $0x100  }
0xde: {  	[sflag:s25] =	ssyncset.done $0x0  }
0xdf: {  	[sflag:s25] =	ssyncadd.s32 $0xFFFFFF00  }
0xe0: {  	_ =	swait.ge [sflag:s14], $0x4000  }
0xe1: {  	[sflag:s14] =	ssyncset.done $0x0  }
0xe2: {  	[sflag:s14] =	ssyncadd.s32 $0xFFFFC000  }
0xe3: {  	[tilespmem:s26], [sflag:$0x8] =	stream.indirect.gather [hbm4b:s1+s22], $0x80, s20, s22, $0xb8;
	[tilespmem:$0x1FE80] =	vst v63  }
0xe4: {  	_ =	swait.ge [sflag:s28], $0x4000  }
0xe5: {  	[sflag:s28] =	ssyncset.done $0x0  }
0xe6: {  	[sflag:s28] =	ssyncadd.s32 $0xFFFFC000  }
0xe7: {  	[spmem:s2] =	stream.indirect.scatter.add.f32 [tilespmem:s23], [sflag:$0xA], $0x80, s22, s22, $0xb8;
	[tilespmem:$0x1FE80] =	vst v63  }
0xe8: {  	s11 =	rddreg [dreg:$0x12]  }
0xe9: {  	[tilespmem:s29], [sflag:$0x4] =	stream.linear.gather [hbm4b:s11+s4], $0x100, $0x38;
	[tilespmem:$0x1FE80] =	vst v63  }
0xea: {  	_ =	swait.ge [sflag:s30], $0x100  }
0xeb: {  	[sflag:s30] =	ssyncset.done $0x0  }
0xec: {  	[sflag:s30] =	ssyncadd.s32 $0xFFFFFF00  }
0xed: {  	_ =	swait.ge [sflag:s17], $0x4000  }
0xee: {  	[sflag:s17] =	ssyncset.done $0x0  }
0xef: {  	[sflag:s17] =	ssyncadd.s32 $0xFFFFC000  }
0xf0: {  	[tilespmem:s31], [sflag:$0x9] =	stream.indirect.gather [hbm4b:s1+s22], $0x80, s24, s22, $0xb8;
	[tilespmem:$0x1FE80] =	vst v63  }
0xf1: {  	_ =	swait.ge [sflag:s0], $0x4000  }
0xf2: {  	[sflag:s0] =	ssyncset.done $0x0  }
0xf3: {  	s19 =	simm.s32 $0x180;
	[sflag:s0] =	ssyncadd.s32 $0xFFFFC000  }
0xf4: {  	[spmem:s2] =	stream.indirect.scatter.add.f32 [tilespmem:s26], [sflag:$0xB], $0x80, s19, s22, $0xb8;
	[tilespmem:$0x1FE80] =	vst v63  }
0xf5: {  	s7 =	rddreg [dreg:$0x13]  }
0xf6: {  	[tilespmem:s6], [sflag:$0x5] =	stream.linear.gather [hbm4b:s7+s4], $0x100, $0x38;
	[tilespmem:$0x1FE80] =	vst v63  }
0xf7: {  	_ =	swait.ge [sflag:s8], $0x100  }
0xf8: {  	[sflag:s8] =	ssyncset.done $0x0  }
0xf9: {  	[sflag:s8] =	ssyncadd.s32 $0xFFFFFF00  }
0xfa: {  	_ =	swait.ge [sflag:s9], $0x4000  }
0xfb: {  	[sflag:s9] =	ssyncset.done $0x0  }
0xfc: {  	[sflag:s9] =	ssyncadd.s32 $0xFFFFC000  }
0xfd: {  	[tilespmem:s23], [sflag:$0x7] =	stream.indirect.gather [hbm4b:s1+s22], $0x80, s29, s22, $0xb8;
	[tilespmem:$0x1FE80] =	vst v63  }
0xfe: {  	_ =	swait.ge [sflag:s10], $0x4000  }
0xff: {  	[sflag:s10] =	ssyncset.done $0x0  }
0x100: {  	s11 =	simm.s32 $0x280;
	[sflag:s10] =	ssyncadd.s32 $0xFFFFC000  }
0x101: {  	[spmem:s2] =	stream.indirect.scatter.add.f32 [tilespmem:s31], [sflag:$0xC], $0x80, s11, s22, $0xb8;
	[tilespmem:$0x1FE80] =	vst v63  }
0x102: {  	s19 =	rddreg [dreg:$0x14]  }
0x103: {  	[tilespmem:s12], [sflag:$0x6] =	stream.linear.gather [hbm4b:s19+s4], $0x100, $0x38;
	[tilespmem:$0x1FE80] =	vst v63  }
0x104: {  	_ =	swait.ge [sflag:s13], $0x100  }
0x105: {  	[sflag:s13] =	ssyncset.done $0x0  }
0x106: {  	[sflag:s13] =	ssyncadd.s32 $0xFFFFFF00  }
0x107: {  	_ =	swait.ge [sflag:s14], $0x4000  }
0x108: {  	[sflag:s14] =	ssyncset.done $0x0  }
0x109: {  	[sflag:s14] =	ssyncadd.s32 $0xFFFFC000  }
0x10a: {  	[tilespmem:s26], [sflag:$0x8] =	stream.indirect.gather [hbm4b:s1+s22], $0x80, s6, s22, $0xb8;
	[tilespmem:$0x1FE80] =	vst v63  }
0x10b: {  	_ =	swait.ge [sflag:s28], $0x4000  }
0x10c: {  	[sflag:s28] =	ssyncset.done $0x0  }
0x10d: {  	[sflag:s28] =	ssyncadd.s32 $0xFFFFC000  }
0x10e: {  	[spmem:s2] =	stream.indirect.scatter.add.f32 [tilespmem:s23], [sflag:$0xA], $0x80, s15, s22, $0xb8;
	[tilespmem:$0x1FE80] =	vst v63  }
0x10f: {  	_ =	swait.ge [sflag:s16], $0x100  }
0x110: {  	[sflag:s16] =	ssyncset.done $0x0  }
0x111: {  	[sflag:s16] =	ssyncadd.s32 $0xFFFFFF00  }
0x112: {  	_ =	swait.ge [sflag:s17], $0x4000  }
0x113: {  	[sflag:s17] =	ssyncset.done $0x0  }
0x114: {  	[sflag:s17] =	ssyncadd.s32 $0xFFFFC000  }
0x115: {  	[tilespmem:s31], [sflag:$0x9] =	stream.indirect.gather [hbm4b:s1+s22], $0x80, s12, s22, $0xb8;
	[tilespmem:$0x1FE80] =	vst v63  }
0x116: {  	_ =	swait.ge [sflag:s0], $0x4000  }
0x117: {  	[sflag:s0] =	ssyncset.done $0x0  }
0x118: {  	[sflag:s0] =	ssyncadd.s32 $0xFFFFC000  }
0x119: {  	[spmem:s2] =	stream.indirect.scatter.add.f32 [tilespmem:s26], [sflag:$0xB], $0x80, s18, s22, $0xb8;
	[tilespmem:$0x1FE80] =	vst v63  }
0x11a: {  	_ =	swait.ge [sflag:s10], $0x4000  }
0x11b: {  	[sflag:s10] =	ssyncset.done $0x0  }
0x11c: {  	[sflag:s10] =	ssyncadd.s32 $0xFFFFC000  }
0x11d: {  	[spmem:s2] =	stream.indirect.scatter.add.f32 [tilespmem:s31], [sflag:$0xC], $0x80, s5, s22, $0xb8;
	[tilespmem:$0x1FE80] =	vst v63  }
0x11e: {  	_ =	swait.ge [sflag:s9], $0x4000  }
0x11f: {  	[sflag:s9] =	ssyncset.done $0x0  }
0x120: {  	[sflag:s9] =	ssyncadd.s32 $0xFFFFC000  }
0x121: {  	_ =	swait.ge [sflag:s14], $0x4000  }
0x122: {  	[sflag:s14] =	ssyncset.done $0x0  }
0x123: {  	[sflag:s14] =	ssyncadd.s32 $0xFFFFC000  }
0x124: {  	_ =	swait.ge [sflag:s17], $0x4000  }
0x125: {  	s7 =	simm.s32 @!p1 $0xD;
	[sflag:s17] =	ssyncset.done $0x0  }
0x126: {  	s11 =	simm.s32 @!p1 $0x0;
	s3 =	rddreg [dreg:$0x15];
	[sflag:s17] =	ssyncadd.s32 $0xFFFFC000  }
0x127: {  	[tilespmem:s11], [sflag:$0xD] =	stream.linear.gather @!p1 [hbm4b:s3+s11], $0x100, $0x38;
	[tilespmem:$0x1FE80] =	vst v63  }
0x128: {  	_ =	swait.ge @!p1 [sflag:s7], $0x100  }
0x129: {  	[sflag:s7] =	ssyncset.done @!p1 $0x0  }
0x12a: {  	s19 =	simm.s32 @!p1 $0x600;
	s3 =	simm.s32 @!p1 $0x80;
	[sflag:s7] =	ssyncadd.s32 @!p1 $0xFFFFFF00  }
0x12b: {  	[tilespmem:s19], [sflag:$0x7] =	stream.indirect.gather @!p1 [hbm4b:s1+s3], $0x80, s11, s3, $0xb8;
	[tilespmem:$0x1FE80] =	vst v63  }
0x12c: {  	s3 =	simm.s32 @!p1 $0x7  }
0x12d: {  	_ =	swait.ge @!p1 [sflag:s3], $0x4000  }
0x12e: {  	[sflag:s3] =	ssyncset.done @!p1 $0x0  }
0x12f: {  	s11 =	simm.s32 @!p1 $0x80;
	[sflag:s3] =	ssyncadd.s32 @!p1 $0xFFFFC000  }
0x130: {  	[spmem:s2] =	stream.indirect.scatter.add.f32 @!p1 [tilespmem:s19], [sflag:$0xD], $0x80, s11, s11, $0xb8;
	[tilespmem:$0x1FE80] =	vst v63  }
0x131: {  	_ =	swait.ge @!p1 [sflag:s7], $0x4000  }
0x132: {  	[sflag:s7] =	ssyncset.done @!p1 $0x0  }
0x133: {  	[sflag:s7] =	ssyncadd.s32 @!p1 $0xFFFFC000  }
0x134: {  	[bflag:$0x0] =	sbarrier.arrive $0xFFFF  }
0x135: {  	s19 =	rddreg [dreg:$0xd]  }
0x136: {  	s7 =	rddreg [dreg:$0x16]  }
0x137: {  	s11 =	rddreg [dreg:$0x1a]  }
0x138: {  	[hbm:s7], [sflag:s19] =	dma.local [spmem:s11], $0x2700  }
0x139: {  	s11 =	simm.s32 $0xD  }
0x13a: {  	_ =	swait.ge [sflag:s11], $0x2700  }
0x13b: {  	[sflag:s11] =	ssyncset.done $0x0;
	s3 =	rddreg [dreg:$0x17]  }
0x13c: {  	s7 =	rddreg [dreg:$0x1b];
	[sflag:s11] =	ssyncadd.s32 $0xFFFFD900  }
0x13d: {  	[hbm:s3], [sflag:s19] =	dma.local @!p0 [spmem:s7], $0x100  }
0x13e: {  	s3 =	simm.s32 @!p0 $0xD  }
0x13f: {  	_ =	swait.ge @!p0 [sflag:s3], $0x100  }
0x140: {  	s7 =	rddreg [dreg:$0x19]  }
0x141: {  	s11 =	sadd.s32 $0x1, s7;
	s7 =	rddreg [dreg:$0x18]  }
0x142: {  	p2 =	sne.s32 s11, s7  }
.Ltmp1:
0x143: {  	_ = 	snop;
	(pc) =	sbr.rel @p2 .LBB2_1-.Ltmp1, $3  }
0x144: {  	_ =	sdelay $0x1  }
0x145: {  	[sflag:s3] =	ssyncset.done @!p0 $0x0  }
0x146: {  	[sflag:s3] =	ssyncadd.s32 @!p0 $0xFFFFFF00;
	s7 =	simm.s32 $0xD  }
0x147: {  	_ =	sfence.sel $0x180000  }
0x148: {  	[bflag:$0x0] =	sbarrier.arrive $0xFFFF  }
0x149: {  	_ =	strace $0x9000004A  }
0x14a: {  	s0 =	stileid.u32;
	[bflag:$0x2] =	sbarrier.arrive $0xFFFF  }
0x14b: {  	p0 =	sne.s32 s0, $0x0;
	s0 =	rddreg [dreg:$0x4]  }
0x14c: {  	s0 =	sadd.s32 @!p0 $0x100000, s0  }
0x14d: {  	[sflag:s0] =	ssyncadd.tile.s32 @!p0 $0x1;
	_ =	shalt  }
.Lfunc_end2:
_tile_overlayer_lowered:
.L_overlay_start_2:
0x14e: {  	(tag) =	ssettag $0x2  }
0x14f: {  	s0 =	rddreg [dreg:$0x0];
	s2 =	stileid.u32  }
0x150: {  	s1 =	rddreg [dreg:$0x1];
	p0 =	sne.s32 s2, $0x0  }
0x151: {  	s3 =	rddreg [dreg:$0x2];
	[bflag:$0x3] =	sbarrier.arrive $0xFFFF;
	s2 =	simm.s32 @!p0 $0x1C0D  }
0x152: {  	[timem:s3], [sflag:s2] =	dma.local @!p0 [hbm:s0], s1  }
0x153: {  	s0 =	simm.s32 @!p0 $0xD  }
0x154: {  	_ =	swait.ge @!p0 [sflag:s0], s1  }
0x155: {  	s1 =	ssub.s32 @!p0 $0x0, s1;
	[sflag:s0] =	ssyncset.done @!p0 $0x0  }
0x156: {  	[sflag:s0] =	ssyncadd.s32 @!p0 s1  }
0x157: {  	[bflag:$0x3] =	sbarrier.arrive $0xFFFF  }
0x158: {  	_ =	shalt  }

// kernel: kernel.14.cloned.1.call-start
scs
__scs_entry_jumppad:
0x0: {  	(pc) =	sbr.rel $0x88, $3  }
0x1: {  	(tag) =	ssettag $0x0;
	lr =	simm.s32 $0x1  }
0x2: {  	[smem:$0x3F9B] =	sst lr;
	_ =	strace $0xD0000000  }
0x3: {  	_ = 	snop  }
0x4: {  	_ = 	snop  }
0x5: {  	_ = 	snop  }
0x6: {  	_ = 	snop  }
0x7: {  	_ = 	snop  }
__scs_overlays_trampoline_lowered:
0x8: {  	[smem:$0x3FAA] =	sst s0  }
0x9: {  	[smem:$0x3FAB] =	sst s1  }
0xa: {  	[smem:$0x3FAC] =	sst s2  }
0xb: {  	[smem:$0x3FAD] =	sst s3  }
0xc: {  	[smem:$0x3FAE] =	sst s4  }
0xd: {  	[smem:$0x3FAF] =	sst s5  }
0xe: {  	[smem:$0x3FB0] =	sst s6  }
0xf: {  	[smem:$0x3FB1] =	sst s7  }
0x10: {  	[smem:$0x3FB2] =	sst s8  }
0x11: {  	[smem:$0x3FB3] =	sst s9;
	s0 =	simm.s32 @!p0 $0x0  }
0x12: {  	s1 =	sld [smem:$0x3F99];
	s0 =	simm.s32 @p0 $0x1  }
0x13: {  	[smem:$0x3FB4] =	sst s0;
	s0 =	simm.s32 @!p1 $0x0  }
0x14: {  	s2 =	sld [smem:$0x3F98];
	s0 =	simm.s32 @p1 $0x1  }
0x15: {  	[smem:$0x3FB5] =	sst s0;
	s0 =	simm.s32 @!p2 $0x0  }
0x16: {  	s3 =	sld [smem:$0x3FDB];
	s0 =	simm.s32 @p2 $0x1  }
0x17: {  	s4 =	simm.s32 $0x1BF5;
	[smem:$0x3FB7] =	sst s0  }
0x18: {  	s0 =	sld [smem:$0x3F9A];
	_ =	swait.ge [sflag:s4], $0x0  }
0x19: {  	s7 =	sld [smem:$0x3F9B]  }
0x1a: {  	s8 =	sadd.s32 $0xFFFFE003, lr  }
0x1b: {  	s9 =	sadd.s32 $0xFFFFFEF7, lr;
	s5 =	simm.s32 $0xFFFFFFFF;
	p2 =	slt.u32 s8, $0xFFFFF086  }
0x1c: {  	p1 =	slt.u32 s9, $0xF7A;
	s5 =	simm.s32 @!p2 $0x0  }
0x1d: {  	s5 =	simm.s32 @p1 $0x1;
	p0 =	seq.s32 s7, s2  }
0x1e: {  	s7 =	smul.u32 @!p0 $0xF7A, s2;
	p2 =	seq.s32 @!p0 s5, $0x0  }
0x1f: {  	s9 =	smul.u32 $0xF7A, s1;
	s8 =	simm.s32 @!p0 $0x1BF5;
	p2 =	por !p2, p0  }
0x20: {  	[sflag:s8] =	ssyncset.s32 @!p0 $0xFFFFF086;
	s6 =	sadd.s32 @!p0 s3, s7;
	s7 =	simm.s32 @!p0 $0x108  }
0x21: {  	s3 =	sadd.s32 s3, s9;
	s6 =	sadd.s32 @!p0 $0x88, s6;
	s7 =	simm.s32 @p2 $0x1082  }
0x22: {  	[simem:s7], [sflag:s8] =	dma.local @!p0 [hbm:s6], $0xF7A  }
0x23: {  	s9 =	sor.u32 $0xD0000000, s2;
	s6 =	simm.s32 $0x108;
	_ =	swait.ge @!p0 [sflag:s8], $0x0  }
0x24: {  	s3 =	sadd.s32 $0x88, s3;
	s6 =	simm.s32 @!p1 $0x1082;
	[sflag:s4] =	ssyncset.s32 $0xFFFFF086  }
0x25: {  	[simem:s6], [sflag:s4] =	dma.local [hbm:s3], $0xF7A  }
0x26: {  	[smem:$0x3F9B] =	sst s1;
	(tag) =	ssettag s2;
	_ =	strace s9  }
0x27: {  	s1 =	sld [smem:$0x3FAB]  }
0x28: {  	s2 =	sld [smem:$0x3FAC]  }
0x29: {  	s4 =	sld [smem:$0x3FAE]  }
0x2a: {  	p0 =	seq.s32 s5, $0x0;
	s5 =	sld [smem:$0x3FAF]  }
0x2b: {  	s6 =	sld [smem:$0x3FB0]  }
0x2c: {  	s7 =	sld [smem:$0x3FB1]  }
0x2d: {  	s3 =	simm.s32 $0x108;
	s8 =	sld [smem:$0x3FB2]  }
0x2e: {  	s3 =	simm.s32 @!p0 $0x1082;
	s9 =	sld [smem:$0x3FB3]  }
0x2f: {  	lr =	sadd.s32 s0, s3;
	s0 =	sld [smem:$0x3FAA]  }
0x30: {  	s3 =	sld [smem:$0x3FAD]  }
0x31: {  	[smem:$0x3FB6] =	sst s10  }
0x32: {  	s10 =	sld [smem:$0x3FB4];
	_ =	sdelay $0x3  }
0x33: {  	p0 =	seq.s32 s10, $0x1;
	s10 =	sld [smem:$0x3FB6];
	_ =	sdelay $0x3  }
0x34: {  	[smem:$0x3FB6] =	sst s10  }
0x35: {  	s10 =	sld [smem:$0x3FB5];
	_ =	sdelay $0x3  }
0x36: {  	p1 =	seq.s32 s10, $0x1;
	s10 =	sld [smem:$0x3FB6];
	_ =	sdelay $0x3  }
0x37: {  	[smem:$0x3FB6] =	sst s10  }
0x38: {  	s10 =	sld [smem:$0x3FB7]  }
0x39: {  	_ = 	snop;
	(pc) =	sbr.ind lr, $3  }
0x3a: {  	_ = 	snop  }
0x3b: {  	_ = 	snop  }
0x3c: {  	p2 =	seq.s32 s10, $0x1;
	s10 =	sld [smem:$0x3FB6]  }
0x3d: {  	_ =	shalt  }
0x3e: {  	_ =	shalt  }
0x3f: {  	_ =	shalt  }
0x40: {  	_ =	shalt  }
0x41: {  	_ =	shalt  }
0x42: {  	_ =	shalt  }
0x43: {  	_ =	shalt  }
0x44: {  	_ =	shalt  }
0x45: {  	_ =	shalt  }
0x46: {  	_ =	shalt  }
0x47: {  	_ =	shalt  }
0x48: {  	_ =	shalt  }
0x49: {  	_ =	shalt  }
0x4a: {  	_ =	shalt  }
0x4b: {  	_ =	shalt  }
0x4c: {  	_ =	shalt  }
0x4d: {  	_ =	shalt  }
0x4e: {  	_ =	shalt  }
0x4f: {  	_ =	shalt  }
0x50: {  	_ =	shalt  }
0x51: {  	_ =	shalt  }
0x52: {  	_ =	shalt  }
0x53: {  	_ =	shalt  }
0x54: {  	_ =	shalt  }
0x55: {  	_ =	shalt  }
0x56: {  	_ =	shalt  }
0x57: {  	_ =	shalt  }
0x58: {  	_ =	shalt  }
0x59: {  	_ =	shalt  }
0x5a: {  	_ =	shalt  }
0x5b: {  	_ =	shalt  }
0x5c: {  	_ =	shalt  }
0x5d: {  	_ =	shalt  }
0x5e: {  	_ =	shalt  }
0x5f: {  	_ =	shalt  }
0x60: {  	_ =	shalt  }
0x61: {  	_ =	shalt  }
0x62: {  	_ =	shalt  }
0x63: {  	_ =	shalt  }
0x64: {  	_ =	shalt  }
0x65: {  	_ =	shalt  }
0x66: {  	_ =	shalt  }
0x67: {  	_ =	shalt  }
0x68: {  	_ =	shalt  }
0x69: {  	_ =	shalt  }
0x6a: {  	_ =	shalt  }
0x6b: {  	_ =	shalt  }
0x6c: {  	_ =	shalt  }
0x6d: {  	_ =	shalt  }
0x6e: {  	_ =	shalt  }
0x6f: {  	_ =	shalt  }
0x70: {  	_ =	shalt  }
0x71: {  	_ =	shalt  }
0x72: {  	_ =	shalt  }
0x73: {  	_ =	shalt  }
0x74: {  	_ =	shalt  }
0x75: {  	_ =	shalt  }
0x76: {  	_ =	shalt  }
0x77: {  	_ =	shalt  }
0x78: {  	_ =	shalt  }
0x79: {  	_ =	shalt  }
0x7a: {  	_ =	shalt  }
0x7b: {  	_ =	shalt  }
0x7c: {  	_ =	shalt  }
0x7d: {  	_ =	shalt  }
0x7e: {  	_ =	shalt  }
0x7f: {  	_ =	shalt  }
0x80: {  	_ =	shalt  }
0x81: {  	_ =	shalt  }
0x82: {  	_ =	shalt  }
0x83: {  	_ =	shalt  }
0x84: {  	_ =	shalt  }
0x85: {  	_ =	shalt  }
0x86: {  	_ =	shalt  }
0x87: {  	_ =	shalt  }
.Lfunc_end0:
.L_simem_size_0:
called_computation.2_lowered:
.L_overlay_start_0:
0x88: {  	s2 =	sld [smem:$0x3FD9]  }
0x89: {  	s3 =	sld [smem:$0x3FFE];
	_ =	sdelay $0x1  }
0x8a: {  	s1 =	srdreg.scid  }
0x8b: {  	s0 =	sand.u32 $0x1, s1  }
0x8c: {  	s17 =	sshll.u32 s0, $0xA;
	s2 =	sadd.s32 s3, s2  }
0x8d: {  	s2 =	sadd.s32 s2, s17  }
0x8e: {  	[smem:$0x3FC2] =	sst s2  }
0x8f: {  	_ = 	snop  }
0x90: {  	s2 =	sld [smem:$0x3FC8]  }
0x91: {  	s18 =	sld [smem:$0x3FD0];
	(tm) =	ssettm $0x1  }
0x92: {  	s4 =	sld [smem:$0x3FFB];
	_ =	sdelay $0x3  }
0x93: {  	_ =	strace s4  }
0x94: {  	s4 =	sld [smem:$0x3FFC];
	_ =	sdelay $0x3  }
0x95: {  	_ =	strace s4  }
0x96: {  	s4 =	sld [smem:$0x3FFD];
	_ =	sdelay $0x3  }
0x97: {  	_ =	strace s4  }
0x98: {  	_ =	strace $0x8FFFFFFF  }
0x99: {  	s19 =	sld [smem:$0x3FDB];
	_ =	sdelay $0x1  }
0x9a: {  	s5 =	simm.s32 $_scs_section_size  }
0x9b: {  	s6 =	simm.s32 $_size__tile_overlayer_lowered;
	s7 =	simm.s32 $_tile_overlayer_lowered  }
0x9c: {  	s22 =	simm.s32 $0x1BFF;
	s21 =	sshll.u32 s7, $0x1;
	s4 =	sadd.s32 s5, s19  }
0x9d: {  	s8 =	simm.s32 $0x0;
	s20 =	sshll.u32 s6, $0x1;
	s6 =	sadd.s32 s21, s4  }
0x9e: {  	[timem:s8], [sflag:s22] =	dma.local [hbm:s6], s20  }
0x9f: {  	_ =	swait.ge [sflag:s22], s20  }
0xa0: {  	s5 =	ssub.s32 $0x0, s20;
	[sflag:s22] =	ssyncset.done $0x0  }
0xa1: {  	[sflag:s22] =	ssyncadd.s32 s5;
	_ =	sdelay $0x1  }
0xa2: {  	s23 =	simm.s32 $0x1B8B  }
0xa3: {  	_ =	swait.ge [sflag:s23], $0x1  }
0xa4: {  	[sflag:s23] =	ssyncset.done $0x0  }
0xa5: {  	s25 =	simm.s32 $0x1B8E;
	s24 =	sld [smem:$0x3FFE];
	[sflag:s23] =	ssyncadd.s32 $0xFFFFFFFF  }
0xa6: {  	s26 =	simm.s32 $execute0_lowered;
	[smem:$0x3FD2] =	sst s25  }
0xa7: {  	s6 =	sshll.u32 s26, $0x1;
	_ =	strace $0x8000004C;
	[dreg:$0x1] =	wrdreg $0xFFFFFFFF  }
0xa8: {  	s28 =	simm.s32 $_size_execute0_lowered;
	s4 =	sadd.s32 s4, s6;
	[dreg:$0x0] =	wrdreg $0x0  }
0xa9: {  	s6 =	sshll.u32 s28, $0x1;
	[dreg:$0x2] =	wrdreg s4  }
0xaa: {  	[dreg:$0x3] =	wrdreg s6  }
0xab: {  	[dreg:$0x4] =	wrdreg $0xC0  }
0xac: {  	_ =	task [dreg:s8], $0x5FFFF  }
0xad: {  	[dreg:$0x1] =	wrdreg $0xFFFFFFFF  }
0xae: {  	[dreg:$0x0] =	wrdreg $0x60  }
0xaf: {  	[dreg:$0x2] =	wrdreg s18  }
0xb0: {  	[dreg:$0x3] =	wrdreg s2  }
0xb1: {  	[dreg:$0x4] =	wrdreg s24  }
0xb2: {  	[dreg:$0x5] =	wrdreg $0xC6000  }
0xb3: {  	[dreg:$0x6] =	wrdreg $0x9  }
0xb4: {  	_ =	task.clear_ibuf [dreg:s8], $0x7FFFF;
	_ =	strace $0x9000004C  }
0xb5: {  	s29 =	simm.s32 $0x9;
	_ =	strace $0x8000004E  }
0xb6: {  	_ =	swait.ge [sflag:s29], $0x1  }
0xb7: {  	[sflag:s29] =	ssyncadd.s32 $0xFFFFFFFF  }
0xb8: {  	_ =	strace $0x9000004E  }
0xb9: {  	_ =	sfence  }
0xba: {  	s30 =	sld [smem:$0x0];
	_ =	sdelay $0x2  }
0xbb: {  	s31 =	sshll.u32 s1, $0xD;
	s1 =	sshrl.u32 s1, $0x2  }
0xbc: {  	s3 =	sand.u32 $0x4000, s31;
	s1 =	sadd.s32 s1, s30  }
0xbd: {  	s0 =	sor.u32 s3, s0;
	s1 =	sshll.u32 s1, $0x11  }
0xbe: {  	s0 =	sor.u32 s1, s0  }
0xbf: {  	s0 =	sadd.s32 $0x8F2B, s0  }
0xc0: {  	[sflag:s0] =	ssyncadd.remote.s32 $0x1  }
0xc1: {  	_ =	sfence.sel $0xFFFF  }
0xc2: {  	[dreg:$0x0] =	wrdreg $0xFFFFFFFF;
	(pc) =	sbr.abs _section_cstart, $3  }
0xc3: {  	[dreg:$0x1] =	wrdreg $0xFFFFFFFF  }
0xc4: {  	_ =	task.clear_ibuf [dreg:s8], $0x2FFFF;
	_ =	strace $0x9FFFFFFF  }
0xc5: {  	(tm) =	ssettm $0x7FFFFFFF  }
tec
execute0_lowered:
.L_overlay_start_1:
0x0: {  	(tag) =	ssettag $0x1  }
0x1: {  	s1 =	rddreg [dreg:$0x0]  }
0x2: {  	s0 =	rddreg [dreg:$0x1]  }
0x3: {  	s3 =	rddreg [dreg:$0x2]  }
0x4: {  	s2 =	rddreg [dreg:$0x3]  }
0x5: {  	s4 =	simm.s32 $0x0;
	s5 =	srdreg.scid;
	s13 =	stileid.u32  }
0x6: {  	s28 =	simm.s32 $0x7;
	s29 =	simm.s32 $0x300;
	s30 =	simm.s32 $0x3  }
0x7: {  	s31 =	simm.s32 $0x8600;
	[smem:$0x7FF] =	sst s4;
	s5 =	sand.u32 $0x1, s5  }
0x8: {  	s6 =	sadd.s32 $0x2A00, s3;
	s7 =	sshll.u32 s13, $0x1;
	s9 =	smul.u32 $0x4E000, s13  }
0x9: {  	s3 =	sadd.s32 $0x5200, s3;
	s10 =	sshll.u32 s13, $0x6;
	s20 =	sadd.s32 $0x138000, s2  }
0xa: {  	s23 =	smul.u32 $0x9C, s13;
	s24 =	sadd.s32 $0x20, s0;
	p0 =	sne.s32 s13, $0xF  }
0xb: {  	p1 =	sgt.u32 s13, $0x1;
	_ =	strace $0x8000004D;
	[dreg:$0xb] =	wrdreg s6  }
0xc: {  	s17 =	ssub.s32 $0x2, s5;
	s7 =	sor.u32 s5, s7;
	s12 =	smul.u32 $0x4E, s5  }
0xd: {  	s19 =	sor.u32 $0x1C0D, s10;
	[dreg:$0xe] =	wrdreg s20;
	s5 =	smul.u32 $0x138800, s5  }
0xe: {  	s10 =	simm.s32 $0x9;
	s8 =	sshrl.u32 s17, $0x1;
	s18 =	smul.u32 $0x9C0, s7  }
0xf: {  	s9 =	sshrl.u32 s9, $0x2;
	s11 =	smul.u32 $0x4E00, s7;
	s7 =	sshll.u32 s7, $0x5  }
0x10: {  	[dreg:$0xd] =	wrdreg s19;
	s6 =	ssub.s32 s17, s8;
	s9 =	sadd.s32 s9, s2  }
0x11: {  	s16 =	sadd.s32 s12, s23;
	s7 =	sadd.s32 s7, s0;
	s17 =	smul.u32 $0x13800, s13  }
0x12: {  	s12 =	simm.s32 $0x500;
	s13 =	simm.s32 $0x5;
	[dreg:$0xc] =	wrdreg s9  }
0x13: {  	s21 =	sadd.s32 s0, s18;
	s22 =	sshrl.u32 s11, $0x3;
	s8 =	sadd.s32 s18, s24  }
0x14: {  	s7 =	sadd.s32 $0x13800, s7;
	s11 =	simm.s32 $0x0;
	[dreg:$0xf] =	wrdreg s21  }
0x15: {  	s9 =	sadd.s32 s0, s22;
	[dreg:$0x10] =	wrdreg s8;
	s8 =	sshll.u32 s16, $0x5  }
0x16: {  	[dreg:$0x15] =	wrdreg s7;
	s21 =	sadd.s32 s17, s5;
	s5 =	sshrl.u32 s5, $0x3  }
0x17: {  	s7 =	simm.s32 $0xD;
	s16 =	simm.s32 $0x6;
	s25 =	sadd.s32 $0x940, s9  }
0x18: {  	s17 =	simm.s32 $0xC;
	s26 =	sadd.s32 $0x960, s9;
	[dreg:$0x11] =	wrdreg s25  }
0x19: {  	s14 =	sadd.s32 $0x980, s9;
	s15 =	sadd.s32 $0x9A0, s9;
	[dreg:$0x12] =	wrdreg s26  }
0x1a: {  	s18 =	sadd.s32 s24, s8;
	s0 =	sadd.s32 s0, s8;
	[dreg:$0x13] =	wrdreg s14  }
0x1b: {  	s8 =	sshrl.u32 s21, $0x3;
	[dreg:$0x14] =	wrdreg s15;
	s20 =	sadd.s32 $0xC0, s18  }
0x1c: {  	s21 =	simm.s32 $0x1;
	s22 =	sadd.s32 $0xC0, s0;
	[dreg:$0x5] =	wrdreg s20  }
0x1d: {  	s9 =	simm.s32 $0xA;
	s8 =	sadd.s32 s3, s8;
	[dreg:$0x6] =	wrdreg s22  }
0x1e: {  	s23 =	sadd.s32 $0x80, s18;
	s24 =	sadd.s32 $0x80, s0;
	[dreg:$0x16] =	wrdreg s8  }
0x1f: {  	s25 =	sadd.s32 $0x40, s18;
	s3 =	sadd.s32 s3, s5;
	[dreg:$0x7] =	wrdreg s23  }
0x20: {  	s0 =	sadd.s32 $0x40, s0;
	s26 =	smax.u32 s6, $0x1;
	[dreg:$0x8] =	wrdreg s24  }
0x21: {  	s6 =	simm.s32 $0x400;
	s14 =	simm.s32 $0xB;
	[dreg:$0x9] =	wrdreg s25  }
0x22: {  	s15 =	simm.s32 $0x380;
	s18 =	simm.s32 $0x480;
	[dreg:$0x18] =	wrdreg s26  }
0x23: {  	s5 =	simm.s32 $0x580;
	s3 =	sadd.s32 $0x27000, s3;
	[dreg:$0xa] =	wrdreg s0  }
0x24: {  	s20 =	simm.s32 $0x100;
	s22 =	simm.s32 $0x80;
	s23 =	simm.s32 $0x600  }
0x25: {  	s24 =	simm.s32 $0x200;
	s25 =	simm.s32 $0x2;
	s26 =	simm.s32 $0x4600  }
0x26: {  	s0 =	simm.s32 $0x8;
	s8 =	simm.s32 $0x4;
	[dreg:$0x17] =	wrdreg s3  }
.LBB2_1:
0x27: {  	[dreg:$0x19] =	wrdreg s11  }
0x28: {  	s3 =	rddreg [dreg:$0xc]  }
0x29: {  	s11 =	sshrl.u32 s3, $0x3;
	s3 =	rddreg [dreg:$0xb]  }
0x2a: {  	[dreg:$0x1a] =	wrdreg s11  }
0x2b: {  	[spmem:s11], [sflag:s19] =	dma.local [hbm:s3], $0x2700  }
0x2c: {  	_ =	swait.ge [sflag:s7], $0x2700  }
0x2d: {  	[sflag:s7] =	ssyncset.done $0x0  }
0x2e: {  	[sflag:s7] =	ssyncadd.s32 $0xFFFFD900;
	s7 =	rddreg [dreg:$0xe]  }
0x2f: {  	s7 =	sshrl.u32 @!p0 s7, $0x3  }
0x30: {  	[dreg:$0x1b] =	wrdreg s7  }
0x31: {  	[spmem:s7], [sflag:s19] =	dma.local @!p0 [hbm:s3], $0x100  }
0x32: {  	s7 =	simm.s32 @!p0 $0xD  }
0x33: {  	_ =	swait.ge @!p0 [sflag:s7], $0x100  }
0x34: {  	[sflag:s7] =	ssyncset.done @!p0 $0x0  }
0x35: {  	[sflag:s7] =	ssyncadd.s32 @!p0 $0xFFFFFF00  }
0x36: {  	[bflag:$0x0] =	sbarrier.arrive $0xFFFF  }
0x37: {  	s7 =	rddreg [dreg:$0xf]  }
0x38: {  	[tilespmem:s4], [sflag:$0x1] =	stream.linear.gather [hbm4b:s7+s4], $0x100, $0x38;
	[tilespmem:$0x1FE80] =	vst v63  }
0x39: {  	s11 =	rddreg [dreg:$0x10]  }
0x3a: {  	[tilespmem:s20], [sflag:$0x2] =	stream.linear.gather [hbm4b:s11+s4], $0x100, $0x38;
	[tilespmem:$0x1FE80] =	vst v63  }
0x3b: {  	_ =	swait.ge [sflag:s21], $0x100  }
0x3c: {  	[sflag:s21] =	ssyncset.done $0x0  }
0x3d: {  	s19 =	rddreg [dreg:$0xa];
	[sflag:s21] =	ssyncadd.s32 $0xFFFFFF00  }
0x3e: {  	[tilespmem:s23], [sflag:$0x7] =	stream.indirect.gather [hbm4b:s1+s22], $0x80, s4, s22, $0xb8;
	[tilespmem:$0x1FE80] =	vst v63  }
0x3f: {  	s7 =	sadd.s32 $0x0, s19  }
0x40: {  	[tilespmem:s24], [sflag:$0x3] =	stream.linear.gather [hbm4b:s7+s4], $0x100, $0x38;
	[tilespmem:$0x1FE80] =	vst v63  }
0x41: {  	_ =	swait.ge [sflag:s25], $0x100  }
0x42: {  	p2 =	por $0x1, $0x1;
	[sflag:s25] =	ssyncset.done $0x0  }
0x43: {  	s7 =	simm.s32 @!p2 $0xB;
	[sflag:s25] =	ssyncadd.s32 $0xFFFFFF00  }
0x44: {  	_ =	swait.ge @!p2 [sflag:s7], $0x4000  }
0x45: {  	[sflag:s7] =	ssyncset.done @!p2 $0x0  }
0x46: {  	[sflag:s7] =	ssyncadd.s32 @!p2 $0xFFFFC000  }
0x47: {  	[tilespmem:s26], [sflag:$0x8] =	stream.indirect.gather [hbm4b:s1+s22], $0x80, s20, s22, $0xb8;
	[tilespmem:$0x1FE80] =	vst v63  }
0x48: {  	_ =	swait.ge [sflag:s28], $0x4000  }
0x49: {  	[sflag:s28] =	ssyncset.done $0x0  }
0x4a: {  	s3 =	rddreg [dreg:$0x9];
	[sflag:s28] =	ssyncadd.s32 $0xFFFFC000  }
0x4b: {  	[spmem:s2] =	stream.indirect.scatter.add.f32 [tilespmem:s23], [sflag:$0xA], $0x80, s22, s22, $0xb8;
	[tilespmem:$0x1FE80] =	vst v63  }
0x4c: {  	s7 =	sadd.s32 $0x0, s3  }
0x4d: {  	[tilespmem:s29], [sflag:$0x4] =	stream.linear.gather [hbm4b:s7+s4], $0x100, $0x38;
	[tilespmem:$0x1FE80] =	vst v63  }
0x4e: {  	_ =	swait.ge [sflag:s30], $0x100  }
0x4f: {  	[sflag:s30] =	ssyncset.done $0x0  }
0x50: {  	s7 =	simm.s32 @!p2 $0xC;
	[sflag:s30] =	ssyncadd.s32 $0xFFFFFF00  }
0x51: {  	_ =	swait.ge @!p2 [sflag:s7], $0x4000  }
0x52: {  	[sflag:s7] =	ssyncset.done @!p2 $0x0  }
0x53: {  	[sflag:s7] =	ssyncadd.s32 @!p2 $0xFFFFC000  }
0x54: {  	[tilespmem:s31], [sflag:$0x9] =	stream.indirect.gather [hbm4b:s1+s22], $0x80, s24, s22, $0xb8;
	[tilespmem:$0x1FE80] =	vst v63  }
0x55: {  	_ =	swait.ge [sflag:s0], $0x4000  }
0x56: {  	[sflag:s0] =	ssyncset.done $0x0  }
0x57: {  	s19 =	simm.s32 $0x180;
	s11 =	rddreg [dreg:$0x8];
	[sflag:s0] =	ssyncadd.s32 $0xFFFFC000  }
0x58: {  	[spmem:s2] =	stream.indirect.scatter.add.f32 [tilespmem:s26], [sflag:$0xB], $0x80, s19, s22, $0xb8;
	[tilespmem:$0x1FE80] =	vst v63  }
0x59: {  	s7 =	sadd.s32 $0x0, s11  }
0x5a: {  	[tilespmem:s6], [sflag:$0x5] =	stream.linear.gather [hbm4b:s7+s4], $0x100, $0x38;
	[tilespmem:$0x1FE80] =	vst v63  }
0x5b: {  	_ =	swait.ge [sflag:s8], $0x100  }
0x5c: {  	[sflag:s8] =	ssyncset.done $0x0  }
0x5d: {  	[sflag:s8] =	ssyncadd.s32 $0xFFFFFF00  }
0x5e: {  	_ =	swait.ge [sflag:s9], $0x4000  }
0x5f: {  	[sflag:s9] =	ssyncset.done $0x0  }
0x60: {  	[sflag:s9] =	ssyncadd.s32 $0xFFFFC000  }
0x61: {  	[tilespmem:s23], [sflag:$0x7] =	stream.indirect.gather [hbm4b:s1+s22], $0x80, s29, s22, $0xb8;
	[tilespmem:$0x1FE80] =	vst v63  }
0x62: {  	_ =	swait.ge [sflag:s10], $0x4000  }
0x63: {  	[sflag:s10] =	ssyncset.done $0x0  }
0x64: {  	s19 =	simm.s32 $0x280;
	s11 =	rddreg [dreg:$0x7];
	[sflag:s10] =	ssyncadd.s32 $0xFFFFC000  }
0x65: {  	[spmem:s2] =	stream.indirect.scatter.add.f32 [tilespmem:s31], [sflag:$0xC], $0x80, s19, s22, $0xb8;
	[tilespmem:$0x1FE80] =	vst v63  }
0x66: {  	s7 =	sadd.s32 $0x0, s11  }
0x67: {  	[tilespmem:s12], [sflag:$0x6] =	stream.linear.gather [hbm4b:s7+s4], $0x100, $0x38;
	[tilespmem:$0x1FE80] =	vst v63  }
0x68: {  	_ =	swait.ge [sflag:s13], $0x100  }
0x69: {  	[sflag:s13] =	ssyncset.done $0x0  }
0x6a: {  	[sflag:s13] =	ssyncadd.s32 $0xFFFFFF00  }
0x6b: {  	_ =	swait.ge [sflag:s14], $0x4000  }
0x6c: {  	[sflag:s14] =	ssyncset.done $0x0  }
0x6d: {  	[sflag:s14] =	ssyncadd.s32 $0xFFFFC000  }
0x6e: {  	[tilespmem:s26], [sflag:$0x8] =	stream.indirect.gather [hbm4b:s1+s22], $0x80, s6, s22, $0xb8;
	[tilespmem:$0x1FE80] =	vst v63  }
0x6f: {  	_ =	swait.ge [sflag:s28], $0x4000  }
0x70: {  	[sflag:s28] =	ssyncset.done $0x0  }
0x71: {  	s11 =	rddreg [dreg:$0x6];
	[sflag:s28] =	ssyncadd.s32 $0xFFFFC000  }
0x72: {  	[spmem:s2] =	stream.indirect.scatter.add.f32 [tilespmem:s23], [sflag:$0xA], $0x80, s15, s22, $0xb8;
	[tilespmem:$0x1FE80] =	vst v63  }
0x73: {  	s7 =	sadd.s32 $0x0, s11  }
0x74: {  	[tilespmem:s4], [sflag:$0x1] =	stream.linear.gather [hbm4b:s7+s4], $0x100, $0x38;
	[tilespmem:$0x1FE80] =	vst v63  }
0x75: {  	_ =	swait.ge [sflag:s16], $0x100  }
0x76: {  	[sflag:s16] =	ssyncset.done $0x0  }
0x77: {  	[sflag:s16] =	ssyncadd.s32 $0xFFFFFF00  }
0x78: {  	_ =	swait.ge [sflag:s17], $0x4000  }
0x79: {  	[sflag:s17] =	ssyncset.done $0x0  }
0x7a: {  	[sflag:s17] =	ssyncadd.s32 $0xFFFFC000  }
0x7b: {  	[tilespmem:s31], [sflag:$0x9] =	stream.indirect.gather [hbm4b:s1+s22], $0x80, s12, s22, $0xb8;
	[tilespmem:$0x1FE80] =	vst v63  }
0x7c: {  	_ =	swait.ge [sflag:s0], $0x4000  }
0x7d: {  	[sflag:s0] =	ssyncset.done $0x0  }
0x7e: {  	s19 =	rddreg [dreg:$0x5];
	[sflag:s0] =	ssyncadd.s32 $0xFFFFC000  }
0x7f: {  	[spmem:s2] =	stream.indirect.scatter.add.f32 [tilespmem:s26], [sflag:$0xB], $0x80, s18, s22, $0xb8;
	[tilespmem:$0x1FE80] =	vst v63  }
0x80: {  	s7 =	sadd.s32 $0x0, s19  }
0x81: {  	[tilespmem:s20], [sflag:$0x2] =	stream.linear.gather [hbm4b:s7+s4], $0x100, $0x38;
	[tilespmem:$0x1FE80] =	vst v63  }
0x82: {  	_ =	swait.ge [sflag:s21], $0x100  }
0x83: {  	[sflag:s21] =	ssyncset.done $0x0  }
0x84: {  	[sflag:s21] =	ssyncadd.s32 $0xFFFFFF00  }
0x85: {  	_ =	swait.ge [sflag:s9], $0x4000  }
0x86: {  	[sflag:s9] =	ssyncset.done $0x0  }
0x87: {  	[sflag:s9] =	ssyncadd.s32 $0xFFFFC000  }
0x88: {  	[tilespmem:s23], [sflag:$0x7] =	stream.indirect.gather [hbm4b:s1+s22], $0x80, s4, s22, $0xb8;
	[tilespmem:$0x1FE80] =	vst v63  }
0x89: {  	s7 =	simm.s32 $0xC0;
	_ =	swait.ge [sflag:s10], $0x4000  }
.LBB2_2:
0x8a: {  	[sflag:s10] =	ssyncset.done $0x0  }
0x8b: {  	s3 =	rddreg [dreg:$0xa];
	s19 =	smov.u32 s7;
	[sflag:s10] =	ssyncadd.s32 $0xFFFFC000  }
0x8c: {  	[spmem:s2] =	stream.indirect.scatter.add.f32 [tilespmem:s31], [sflag:$0xC], $0x80, s5, s22, $0xb8;
	[tilespmem:$0x1FE80] =	vst v63  }
0x8d: {  	s3 =	sadd.s32 s19, s3  }
0x8e: {  	[tilespmem:s24], [sflag:$0x3] =	stream.linear.gather [hbm4b:s3+s4], $0x100, $0x38;
	[tilespmem:$0x1FE80] =	vst v63  }
0x8f: {  	_ =	swait.ge [sflag:s25], $0x100  }
0x90: {  	p3 =	seq.s32 s19, $0x0;
	[sflag:s25] =	ssyncset.done $0x0  }
0x91: {  	s3 =	simm.s32 @!p3 $0xB;
	[sflag:s25] =	ssyncadd.s32 $0xFFFFFF00  }
0x92: {  	_ =	swait.ge @!p3 [sflag:s3], $0x4000  }
0x93: {  	[sflag:s3] =	ssyncset.done @!p3 $0x0  }
0x94: {  	[sflag:s3] =	ssyncadd.s32 @!p3 $0xFFFFC000  }
0x95: {  	[tilespmem:s26], [sflag:$0x8] =	stream.indirect.gather [hbm4b:s1+s22], $0x80, s20, s22, $0xb8;
	[tilespmem:$0x1FE80] =	vst v63  }
0x96: {  	_ =	swait.ge [sflag:s28], $0x4000  }
0x97: {  	[sflag:s28] =	ssyncset.done $0x0  }
0x98: {  	s11 =	rddreg [dreg:$0x9];
	[sflag:s28] =	ssyncadd.s32 $0xFFFFC000  }
0x99: {  	[spmem:s2] =	stream.indirect.scatter.add.f32 [tilespmem:s23], [sflag:$0xA], $0x80, s22, s22, $0xb8;
	[tilespmem:$0x1FE80] =	vst v63  }
0x9a: {  	s3 =	sadd.s32 s19, s11  }
0x9b: {  	[tilespmem:s29], [sflag:$0x4] =	stream.linear.gather [hbm4b:s3+s4], $0x100, $0x38;
	[tilespmem:$0x1FE80] =	vst v63  }
0x9c: {  	_ =	swait.ge [sflag:s30], $0x100  }
0x9d: {  	[sflag:s30] =	ssyncset.done $0x0  }
0x9e: {  	s3 =	simm.s32 @!p3 $0xC;
	[sflag:s30] =	ssyncadd.s32 $0xFFFFFF00  }
0x9f: {  	_ =	swait.ge @!p3 [sflag:s3], $0x4000  }
0xa0: {  	[sflag:s3] =	ssyncset.done @!p3 $0x0  }
0xa1: {  	[sflag:s3] =	ssyncadd.s32 @!p3 $0xFFFFC000  }
0xa2: {  	[tilespmem:s31], [sflag:$0x9] =	stream.indirect.gather [hbm4b:s1+s22], $0x80, s24, s22, $0xb8;
	[tilespmem:$0x1FE80] =	vst v63  }
0xa3: {  	_ =	swait.ge [sflag:s0], $0x4000  }
0xa4: {  	[sflag:s0] =	ssyncset.done $0x0  }
0xa5: {  	s11 =	simm.s32 $0x180;
	s3 =	rddreg [dreg:$0x8];
	[sflag:s0] =	ssyncadd.s32 $0xFFFFC000  }
0xa6: {  	[spmem:s2] =	stream.indirect.scatter.add.f32 [tilespmem:s26], [sflag:$0xB], $0x80, s11, s22, $0xb8;
	[tilespmem:$0x1FE80] =	vst v63  }
0xa7: {  	s3 =	sadd.s32 s19, s3  }
0xa8: {  	[tilespmem:s6], [sflag:$0x5] =	stream.linear.gather [hbm4b:s3+s4], $0x100, $0x38;
	[tilespmem:$0x1FE80] =	vst v63  }
0xa9: {  	_ =	swait.ge [sflag:s8], $0x100  }
0xaa: {  	[sflag:s8] =	ssyncset.done $0x0  }
0xab: {  	[sflag:s8] =	ssyncadd.s32 $0xFFFFFF00  }
0xac: {  	_ =	swait.ge [sflag:s9], $0x4000  }
0xad: {  	[sflag:s9] =	ssyncset.done $0x0  }
0xae: {  	[sflag:s9] =	ssyncadd.s32 $0xFFFFC000  }
0xaf: {  	[tilespmem:s23], [sflag:$0x7] =	stream.indirect.gather [hbm4b:s1+s22], $0x80, s29, s22, $0xb8;
	[tilespmem:$0x1FE80] =	vst v63  }
0xb0: {  	_ =	swait.ge [sflag:s10], $0x4000  }
0xb1: {  	[sflag:s10] =	ssyncset.done $0x0  }
0xb2: {  	s11 =	simm.s32 $0x280;
	s3 =	rddreg [dreg:$0x7];
	[sflag:s10] =	ssyncadd.s32 $0xFFFFC000  }
0xb3: {  	[spmem:s2] =	stream.indirect.scatter.add.f32 [tilespmem:s31], [sflag:$0xC], $0x80, s11, s22, $0xb8;
	[tilespmem:$0x1FE80] =	vst v63  }
0xb4: {  	s3 =	sadd.s32 s19, s3  }
0xb5: {  	[tilespmem:s12], [sflag:$0x6] =	stream.linear.gather [hbm4b:s3+s4], $0x100, $0x38;
	[tilespmem:$0x1FE80] =	vst v63  }
0xb6: {  	_ =	swait.ge [sflag:s13], $0x100  }
0xb7: {  	[sflag:s13] =	ssyncset.done $0x0  }
0xb8: {  	[sflag:s13] =	ssyncadd.s32 $0xFFFFFF00  }
0xb9: {  	_ =	swait.ge [sflag:s14], $0x4000  }
0xba: {  	[sflag:s14] =	ssyncset.done $0x0  }
0xbb: {  	[sflag:s14] =	ssyncadd.s32 $0xFFFFC000  }
0xbc: {  	[tilespmem:s26], [sflag:$0x8] =	stream.indirect.gather [hbm4b:s1+s22], $0x80, s6, s22, $0xb8;
	[tilespmem:$0x1FE80] =	vst v63  }
0xbd: {  	_ =	swait.ge [sflag:s28], $0x4000  }
0xbe: {  	[sflag:s28] =	ssyncset.done $0x0  }
0xbf: {  	s11 =	rddreg [dreg:$0x6];
	[sflag:s28] =	ssyncadd.s32 $0xFFFFC000  }
0xc0: {  	[spmem:s2] =	stream.indirect.scatter.add.f32 [tilespmem:s23], [sflag:$0xA], $0x80, s15, s22, $0xb8;
	[tilespmem:$0x1FE80] =	vst v63  }
0xc1: {  	s3 =	sadd.s32 s19, s11  }
0xc2: {  	[tilespmem:s4], [sflag:$0x1] =	stream.linear.gather [hbm4b:s3+s4], $0x100, $0x38;
	[tilespmem:$0x1FE80] =	vst v63  }
0xc3: {  	_ =	swait.ge [sflag:s16], $0x100  }
0xc4: {  	[sflag:s16] =	ssyncset.done $0x0  }
0xc5: {  	[sflag:s16] =	ssyncadd.s32 $0xFFFFFF00  }
0xc6: {  	_ =	swait.ge [sflag:s17], $0x4000  }
0xc7: {  	[sflag:s17] =	ssyncset.done $0x0  }
0xc8: {  	[sflag:s17] =	ssyncadd.s32 $0xFFFFC000  }
0xc9: {  	[tilespmem:s31], [sflag:$0x9] =	stream.indirect.gather [hbm4b:s1+s22], $0x80, s12, s22, $0xb8;
	[tilespmem:$0x1FE80] =	vst v63  }
0xca: {  	_ =	swait.ge [sflag:s0], $0x4000  }
0xcb: {  	[sflag:s0] =	ssyncset.done $0x0  }
0xcc: {  	s11 =	rddreg [dreg:$0x5];
	[sflag:s0] =	ssyncadd.s32 $0xFFFFC000  }
0xcd: {  	[spmem:s2] =	stream.indirect.scatter.add.f32 [tilespmem:s26], [sflag:$0xB], $0x80, s18, s22, $0xb8;
	[tilespmem:$0x1FE80] =	vst v63  }
0xce: {  	s3 =	sadd.s32 s19, s11  }
0xcf: {  	[tilespmem:s20], [sflag:$0x2] =	stream.linear.gather [hbm4b:s3+s4], $0x100, $0x38;
	[tilespmem:$0x1FE80] =	vst v63  }
0xd0: {  	_ =	swait.ge [sflag:s21], $0x100  }
0xd1: {  	s7 =	sadd.s32 $0xC0, s7;
	[sflag:s21] =	ssyncset.done $0x0  }
0xd2: {  	p2 =	sne.s32 s7, $0x900;
	[sflag:s21] =	ssyncadd.s32 $0xFFFFFF00  }
.Ltmp0:
0xd3: {  	_ =	swait.ge [sflag:s9], $0x4000;
	(pc) =	sbr.rel @p2 .LBB2_2-.Ltmp0, $4  }
0xd4: {  	[sflag:s9] =	ssyncset.done $0x0  }
0xd5: {  	[sflag:s9] =	ssyncadd.s32 $0xFFFFC000  }
0xd6: {  	[tilespmem:s23], [sflag:$0x7] =	stream.indirect.gather [hbm4b:s1+s22], $0x80, s4, s22, $0xb8;
	[tilespmem:$0x1FE80] =	vst v63  }
0xd7: {  	_ =	swait.ge [sflag:s10], $0x4000  }
0xd8: {  	[sflag:s10] =	ssyncset.done $0x0  }
0xd9: {  	[sflag:s10] =	ssyncadd.s32 $0xFFFFC000  }
0xda: {  	[spmem:s2] =	stream.indirect.scatter.add.f32 [tilespmem:s31], [sflag:$0xC], $0x80, s5, s22, $0xb8;
	[tilespmem:$0x1FE80] =	vst v63  }
0xdb: {  	s3 =	rddreg [dreg:$0x11]  }
0xdc: {  	[tilespmem:s24], [sflag:$0x3] =	stream.linear.gather [hbm4b:s3+s4], $0x100, $0x38;
	[tilespmem:$0x1FE80] =	vst v63  }
0xdd: {  	_ =	swait.ge [sflag:s25], $0x100  }
0xde: {  	[sflag:s25] =	ssyncset.done $0x0  }
0xdf: {  	[sflag:s25] =	ssyncadd.s32 $0xFFFFFF00  }
0xe0: {  	_ =	swait.ge [sflag:s14], $0x4000  }
0xe1: {  	[sflag:s14] =	ssyncset.done $0x0  }
0xe2: {  	[sflag:s14] =	ssyncadd.s32 $0xFFFFC000  }
0xe3: {  	[tilespmem:s26], [sflag:$0x8] =	stream.indirect.gather [hbm4b:s1+s22], $0x80, s20, s22, $0xb8;
	[tilespmem:$0x1FE80] =	vst v63  }
0xe4: {  	_ =	swait.ge [sflag:s28], $0x4000  }
0xe5: {  	[sflag:s28] =	ssyncset.done $0x0  }
0xe6: {  	[sflag:s28] =	ssyncadd.s32 $0xFFFFC000  }
0xe7: {  	[spmem:s2] =	stream.indirect.scatter.add.f32 [tilespmem:s23], [sflag:$0xA], $0x80, s22, s22, $0xb8;
	[tilespmem:$0x1FE80] =	vst v63  }
0xe8: {  	s11 =	rddreg [dreg:$0x12]  }
0xe9: {  	[tilespmem:s29], [sflag:$0x4] =	stream.linear.gather [hbm4b:s11+s4], $0x100, $0x38;
	[tilespmem:$0x1FE80] =	vst v63  }
0xea: {  	_ =	swait.ge [sflag:s30], $0x100  }
0xeb: {  	[sflag:s30] =	ssyncset.done $0x0  }
0xec: {  	[sflag:s30] =	ssyncadd.s32 $0xFFFFFF00  }
0xed: {  	_ =	swait.ge [sflag:s17], $0x4000  }
0xee: {  	[sflag:s17] =	ssyncset.done $0x0  }
0xef: {  	[sflag:s17] =	ssyncadd.s32 $0xFFFFC000  }
0xf0: {  	[tilespmem:s31], [sflag:$0x9] =	stream.indirect.gather [hbm4b:s1+s22], $0x80, s24, s22, $0xb8;
	[tilespmem:$0x1FE80] =	vst v63  }
0xf1: {  	_ =	swait.ge [sflag:s0], $0x4000  }
0xf2: {  	[sflag:s0] =	ssyncset.done $0x0  }
0xf3: {  	s19 =	simm.s32 $0x180;
	[sflag:s0] =	ssyncadd.s32 $0xFFFFC000  }
0xf4: {  	[spmem:s2] =	stream.indirect.scatter.add.f32 [tilespmem:s26], [sflag:$0xB], $0x80, s19, s22, $0xb8;
	[tilespmem:$0x1FE80] =	vst v63  }
0xf5: {  	s7 =	rddreg [dreg:$0x13]  }
0xf6: {  	[tilespmem:s6], [sflag:$0x5] =	stream.linear.gather [hbm4b:s7+s4], $0x100, $0x38;
	[tilespmem:$0x1FE80] =	vst v63  }
0xf7: {  	_ =	swait.ge [sflag:s8], $0x100  }
0xf8: {  	[sflag:s8] =	ssyncset.done $0x0  }
0xf9: {  	[sflag:s8] =	ssyncadd.s32 $0xFFFFFF00  }
0xfa: {  	_ =	swait.ge [sflag:s9], $0x4000  }
0xfb: {  	[sflag:s9] =	ssyncset.done $0x0  }
0xfc: {  	[sflag:s9] =	ssyncadd.s32 $0xFFFFC000  }
0xfd: {  	[tilespmem:s23], [sflag:$0x7] =	stream.indirect.gather [hbm4b:s1+s22], $0x80, s29, s22, $0xb8;
	[tilespmem:$0x1FE80] =	vst v63  }
0xfe: {  	_ =	swait.ge [sflag:s10], $0x4000  }
0xff: {  	[sflag:s10] =	ssyncset.done $0x0  }
0x100: {  	s11 =	simm.s32 $0x280;
	[sflag:s10] =	ssyncadd.s32 $0xFFFFC000  }
0x101: {  	[spmem:s2] =	stream.indirect.scatter.add.f32 [tilespmem:s31], [sflag:$0xC], $0x80, s11, s22, $0xb8;
	[tilespmem:$0x1FE80] =	vst v63  }
0x102: {  	s19 =	rddreg [dreg:$0x14]  }
0x103: {  	[tilespmem:s12], [sflag:$0x6] =	stream.linear.gather [hbm4b:s19+s4], $0x100, $0x38;
	[tilespmem:$0x1FE80] =	vst v63  }
0x104: {  	_ =	swait.ge [sflag:s13], $0x100  }
0x105: {  	[sflag:s13] =	ssyncset.done $0x0  }
0x106: {  	[sflag:s13] =	ssyncadd.s32 $0xFFFFFF00  }
0x107: {  	_ =	swait.ge [sflag:s14], $0x4000  }
0x108: {  	[sflag:s14] =	ssyncset.done $0x0  }
0x109: {  	[sflag:s14] =	ssyncadd.s32 $0xFFFFC000  }
0x10a: {  	[tilespmem:s26], [sflag:$0x8] =	stream.indirect.gather [hbm4b:s1+s22], $0x80, s6, s22, $0xb8;
	[tilespmem:$0x1FE80] =	vst v63  }
0x10b: {  	_ =	swait.ge [sflag:s28], $0x4000  }
0x10c: {  	[sflag:s28] =	ssyncset.done $0x0  }
0x10d: {  	[sflag:s28] =	ssyncadd.s32 $0xFFFFC000  }
0x10e: {  	[spmem:s2] =	stream.indirect.scatter.add.f32 [tilespmem:s23], [sflag:$0xA], $0x80, s15, s22, $0xb8;
	[tilespmem:$0x1FE80] =	vst v63  }
0x10f: {  	_ =	swait.ge [sflag:s16], $0x100  }
0x110: {  	[sflag:s16] =	ssyncset.done $0x0  }
0x111: {  	[sflag:s16] =	ssyncadd.s32 $0xFFFFFF00  }
0x112: {  	_ =	swait.ge [sflag:s17], $0x4000  }
0x113: {  	[sflag:s17] =	ssyncset.done $0x0  }
0x114: {  	[sflag:s17] =	ssyncadd.s32 $0xFFFFC000  }
0x115: {  	[tilespmem:s31], [sflag:$0x9] =	stream.indirect.gather [hbm4b:s1+s22], $0x80, s12, s22, $0xb8;
	[tilespmem:$0x1FE80] =	vst v63  }
0x116: {  	_ =	swait.ge [sflag:s0], $0x4000  }
0x117: {  	[sflag:s0] =	ssyncset.done $0x0  }
0x118: {  	[sflag:s0] =	ssyncadd.s32 $0xFFFFC000  }
0x119: {  	[spmem:s2] =	stream.indirect.scatter.add.f32 [tilespmem:s26], [sflag:$0xB], $0x80, s18, s22, $0xb8;
	[tilespmem:$0x1FE80] =	vst v63  }
0x11a: {  	_ =	swait.ge [sflag:s10], $0x4000  }
0x11b: {  	[sflag:s10] =	ssyncset.done $0x0  }
0x11c: {  	[sflag:s10] =	ssyncadd.s32 $0xFFFFC000  }
0x11d: {  	[spmem:s2] =	stream.indirect.scatter.add.f32 [tilespmem:s31], [sflag:$0xC], $0x80, s5, s22, $0xb8;
	[tilespmem:$0x1FE80] =	vst v63  }
0x11e: {  	_ =	swait.ge [sflag:s9], $0x4000  }
0x11f: {  	[sflag:s9] =	ssyncset.done $0x0  }
0x120: {  	[sflag:s9] =	ssyncadd.s32 $0xFFFFC000  }
0x121: {  	_ =	swait.ge [sflag:s14], $0x4000  }
0x122: {  	[sflag:s14] =	ssyncset.done $0x0  }
0x123: {  	[sflag:s14] =	ssyncadd.s32 $0xFFFFC000  }
0x124: {  	_ =	swait.ge [sflag:s17], $0x4000  }
0x125: {  	s7 =	simm.s32 @!p1 $0xD;
	[sflag:s17] =	ssyncset.done $0x0  }
0x126: {  	s11 =	simm.s32 @!p1 $0x0;
	s3 =	rddreg [dreg:$0x15];
	[sflag:s17] =	ssyncadd.s32 $0xFFFFC000  }
0x127: {  	[tilespmem:s11], [sflag:$0xD] =	stream.linear.gather @!p1 [hbm4b:s3+s11], $0x100, $0x38;
	[tilespmem:$0x1FE80] =	vst v63  }
0x128: {  	_ =	swait.ge @!p1 [sflag:s7], $0x100  }
0x129: {  	[sflag:s7] =	ssyncset.done @!p1 $0x0  }
0x12a: {  	s19 =	simm.s32 @!p1 $0x600;
	s3 =	simm.s32 @!p1 $0x80;
	[sflag:s7] =	ssyncadd.s32 @!p1 $0xFFFFFF00  }
0x12b: {  	[tilespmem:s19], [sflag:$0x7] =	stream.indirect.gather @!p1 [hbm4b:s1+s3], $0x80, s11, s3, $0xb8;
	[tilespmem:$0x1FE80] =	vst v63  }
0x12c: {  	s3 =	simm.s32 @!p1 $0x7  }
0x12d: {  	_ =	swait.ge @!p1 [sflag:s3], $0x4000  }
0x12e: {  	[sflag:s3] =	ssyncset.done @!p1 $0x0  }
0x12f: {  	s11 =	simm.s32 @!p1 $0x80;
	[sflag:s3] =	ssyncadd.s32 @!p1 $0xFFFFC000  }
0x130: {  	[spmem:s2] =	stream.indirect.scatter.add.f32 @!p1 [tilespmem:s19], [sflag:$0xD], $0x80, s11, s11, $0xb8;
	[tilespmem:$0x1FE80] =	vst v63  }
0x131: {  	_ =	swait.ge @!p1 [sflag:s7], $0x4000  }
0x132: {  	[sflag:s7] =	ssyncset.done @!p1 $0x0  }
0x133: {  	[sflag:s7] =	ssyncadd.s32 @!p1 $0xFFFFC000  }
0x134: {  	[bflag:$0x0] =	sbarrier.arrive $0xFFFF  }
0x135: {  	s19 =	rddreg [dreg:$0xd]  }
0x136: {  	s7 =	rddreg [dreg:$0x16]  }
0x137: {  	s11 =	rddreg [dreg:$0x1a]  }
0x138: {  	[hbm:s7], [sflag:s19] =	dma.local [spmem:s11], $0x2700  }
0x139: {  	s11 =	simm.s32 $0xD  }
0x13a: {  	_ =	swait.ge [sflag:s11], $0x2700  }
0x13b: {  	[sflag:s11] =	ssyncset.done $0x0;
	s3 =	rddreg [dreg:$0x17]  }
0x13c: {  	s7 =	rddreg [dreg:$0x1b];
	[sflag:s11] =	ssyncadd.s32 $0xFFFFD900  }
0x13d: {  	[hbm:s3], [sflag:s19] =	dma.local @!p0 [spmem:s7], $0x100  }
0x13e: {  	s3 =	simm.s32 @!p0 $0xD  }
0x13f: {  	_ =	swait.ge @!p0 [sflag:s3], $0x100  }
0x140: {  	s7 =	rddreg [dreg:$0x19]  }
0x141: {  	s11 =	sadd.s32 $0x1, s7;
	s7 =	rddreg [dreg:$0x18]  }
0x142: {  	p2 =	sne.s32 s11, s7  }
.Ltmp1:
0x143: {  	_ = 	snop;
	(pc) =	sbr.rel @p2 .LBB2_1-.Ltmp1, $3  }
0x144: {  	_ =	sdelay $0x1  }
0x145: {  	[sflag:s3] =	ssyncset.done @!p0 $0x0  }
0x146: {  	[sflag:s3] =	ssyncadd.s32 @!p0 $0xFFFFFF00;
	s7 =	simm.s32 $0xD  }
0x147: {  	_ =	sfence.sel $0x180000  }
0x148: {  	[bflag:$0x0] =	sbarrier.arrive $0xFFFF  }
0x149: {  	_ =	strace $0x9000004D  }
0x14a: {  	s0 =	stileid.u32;
	[bflag:$0x2] =	sbarrier.arrive $0xFFFF  }
0x14b: {  	p0 =	sne.s32 s0, $0x0;
	s0 =	rddreg [dreg:$0x4]  }
0x14c: {  	s0 =	sadd.s32 @!p0 $0x100000, s0  }
0x14d: {  	[sflag:s0] =	ssyncadd.tile.s32 @!p0 $0x1;
	_ =	shalt  }
.Lfunc_end2:
_tile_overlayer_lowered:
.L_overlay_start_2:
0x14e: {  	(tag) =	ssettag $0x2  }
0x14f: {  	s0 =	rddreg [dreg:$0x0];
	s2 =	stileid.u32  }
0x150: {  	s1 =	rddreg [dreg:$0x1];
	p0 =	sne.s32 s2, $0x0  }
0x151: {  	s3 =	rddreg [dreg:$0x2];
	[bflag:$0x3] =	sbarrier.arrive $0xFFFF;
	s2 =	simm.s32 @!p0 $0x1C0D  }
0x152: {  	[timem:s3], [sflag:s2] =	dma.local @!p0 [hbm:s0], s1  }
0x153: {  	s0 =	simm.s32 @!p0 $0xD  }
0x154: {  	_ =	swait.ge @!p0 [sflag:s0], s1  }
0x155: {  	s1 =	ssub.s32 @!p0 $0x0, s1;
	[sflag:s0] =	ssyncset.done @!p0 $0x0  }
0x156: {  	[sflag:s0] =	ssyncadd.s32 @!p0 s1  }
0x157: {  	[bflag:$0x3] =	sbarrier.arrive $0xFFFF  }
0x158: {  	_ =	shalt  }

// kernel: kernel.8.cloned.1.call-start
scs
__scs_entry_jumppad:
0x0: {  	(pc) =	sbr.rel $0x88, $3  }
0x1: {  	(tag) =	ssettag $0x0;
	lr =	simm.s32 $0x1  }
0x2: {  	[smem:$0x3F9B] =	sst lr;
	_ =	strace $0xD0000000  }
0x3: {  	_ = 	snop  }
0x4: {  	_ = 	snop  }
0x5: {  	_ = 	snop  }
0x6: {  	_ = 	snop  }
0x7: {  	_ = 	snop  }
__scs_overlays_trampoline_lowered:
0x8: {  	[smem:$0x3FAA] =	sst s0  }
0x9: {  	[smem:$0x3FAB] =	sst s1  }
0xa: {  	[smem:$0x3FAC] =	sst s2  }
0xb: {  	[smem:$0x3FAD] =	sst s3  }
0xc: {  	[smem:$0x3FAE] =	sst s4  }
0xd: {  	[smem:$0x3FAF] =	sst s5  }
0xe: {  	[smem:$0x3FB0] =	sst s6  }
0xf: {  	[smem:$0x3FB1] =	sst s7  }
0x10: {  	[smem:$0x3FB2] =	sst s8  }
0x11: {  	[smem:$0x3FB3] =	sst s9;
	s0 =	simm.s32 @!p0 $0x0  }
0x12: {  	s1 =	sld [smem:$0x3F99];
	s0 =	simm.s32 @p0 $0x1  }
0x13: {  	[smem:$0x3FB4] =	sst s0;
	s0 =	simm.s32 @!p1 $0x0  }
0x14: {  	s2 =	sld [smem:$0x3F98];
	s0 =	simm.s32 @p1 $0x1  }
0x15: {  	[smem:$0x3FB5] =	sst s0;
	s0 =	simm.s32 @!p2 $0x0  }
0x16: {  	s3 =	sld [smem:$0x3FDB];
	s0 =	simm.s32 @p2 $0x1  }
0x17: {  	s4 =	simm.s32 $0x1BF5;
	[smem:$0x3FB7] =	sst s0  }
0x18: {  	s0 =	sld [smem:$0x3F9A];
	_ =	swait.ge [sflag:s4], $0x0  }
0x19: {  	s7 =	sld [smem:$0x3F9B]  }
0x1a: {  	s8 =	sadd.s32 $0xFFFFE003, lr  }
0x1b: {  	s9 =	sadd.s32 $0xFFFFFEF7, lr;
	s5 =	simm.s32 $0xFFFFFFFF;
	p2 =	slt.u32 s8, $0xFFFFF086  }
0x1c: {  	p1 =	slt.u32 s9, $0xF7A;
	s5 =	simm.s32 @!p2 $0x0  }
0x1d: {  	s5 =	simm.s32 @p1 $0x1;
	p0 =	seq.s32 s7, s2  }
0x1e: {  	s7 =	smul.u32 @!p0 $0xF7A, s2;
	p2 =	seq.s32 @!p0 s5, $0x0  }
0x1f: {  	s9 =	smul.u32 $0xF7A, s1;
	s8 =	simm.s32 @!p0 $0x1BF5;
	p2 =	por !p2, p0  }
0x20: {  	[sflag:s8] =	ssyncset.s32 @!p0 $0xFFFFF086;
	s6 =	sadd.s32 @!p0 s3, s7;
	s7 =	simm.s32 @!p0 $0x108  }
0x21: {  	s3 =	sadd.s32 s3, s9;
	s6 =	sadd.s32 @!p0 $0x88, s6;
	s7 =	simm.s32 @p2 $0x1082  }
0x22: {  	[simem:s7], [sflag:s8] =	dma.local @!p0 [hbm:s6], $0xF7A  }
0x23: {  	s9 =	sor.u32 $0xD0000000, s2;
	s6 =	simm.s32 $0x108;
	_ =	swait.ge @!p0 [sflag:s8], $0x0  }
0x24: {  	s3 =	sadd.s32 $0x88, s3;
	s6 =	simm.s32 @!p1 $0x1082;
	[sflag:s4] =	ssyncset.s32 $0xFFFFF086  }
0x25: {  	[simem:s6], [sflag:s4] =	dma.local [hbm:s3], $0xF7A  }
0x26: {  	[smem:$0x3F9B] =	sst s1;
	(tag) =	ssettag s2;
	_ =	strace s9  }
0x27: {  	s1 =	sld [smem:$0x3FAB]  }
0x28: {  	s2 =	sld [smem:$0x3FAC]  }
0x29: {  	s4 =	sld [smem:$0x3FAE]  }
0x2a: {  	p0 =	seq.s32 s5, $0x0;
	s5 =	sld [smem:$0x3FAF]  }
0x2b: {  	s6 =	sld [smem:$0x3FB0]  }
0x2c: {  	s7 =	sld [smem:$0x3FB1]  }
0x2d: {  	s3 =	simm.s32 $0x108;
	s8 =	sld [smem:$0x3FB2]  }
0x2e: {  	s3 =	simm.s32 @!p0 $0x1082;
	s9 =	sld [smem:$0x3FB3]  }
0x2f: {  	lr =	sadd.s32 s0, s3;
	s0 =	sld [smem:$0x3FAA]  }
0x30: {  	s3 =	sld [smem:$0x3FAD]  }
0x31: {  	[smem:$0x3FB6] =	sst s10  }
0x32: {  	s10 =	sld [smem:$0x3FB4];
	_ =	sdelay $0x3  }
0x33: {  	p0 =	seq.s32 s10, $0x1;
	s10 =	sld [smem:$0x3FB6];
	_ =	sdelay $0x3  }
0x34: {  	[smem:$0x3FB6] =	sst s10  }
0x35: {  	s10 =	sld [smem:$0x3FB5];
	_ =	sdelay $0x3  }
0x36: {  	p1 =	seq.s32 s10, $0x1;
	s10 =	sld [smem:$0x3FB6];
	_ =	sdelay $0x3  }
0x37: {  	[smem:$0x3FB6] =	sst s10  }
0x38: {  	s10 =	sld [smem:$0x3FB7]  }
0x39: {  	_ = 	snop;
	(pc) =	sbr.ind lr, $3  }
0x3a: {  	_ = 	snop  }
0x3b: {  	_ = 	snop  }
0x3c: {  	p2 =	seq.s32 s10, $0x1;
	s10 =	sld [smem:$0x3FB6]  }
0x3d: {  	_ =	shalt  }
0x3e: {  	_ =	shalt  }
0x3f: {  	_ =	shalt  }
0x40: {  	_ =	shalt  }
0x41: {  	_ =	shalt  }
0x42: {  	_ =	shalt  }
0x43: {  	_ =	shalt  }
0x44: {  	_ =	shalt  }
0x45: {  	_ =	shalt  }
0x46: {  	_ =	shalt  }
0x47: {  	_ =	shalt  }
0x48: {  	_ =	shalt  }
0x49: {  	_ =	shalt  }
0x4a: {  	_ =	shalt  }
0x4b: {  	_ =	shalt  }
0x4c: {  	_ =	shalt  }
0x4d: {  	_ =	shalt  }
0x4e: {  	_ =	shalt  }
0x4f: {  	_ =	shalt  }
0x50: {  	_ =	shalt  }
0x51: {  	_ =	shalt  }
0x52: {  	_ =	shalt  }
0x53: {  	_ =	shalt  }
0x54: {  	_ =	shalt  }
0x55: {  	_ =	shalt  }
0x56: {  	_ =	shalt  }
0x57: {  	_ =	shalt  }
0x58: {  	_ =	shalt  }
0x59: {  	_ =	shalt  }
0x5a: {  	_ =	shalt  }
0x5b: {  	_ =	shalt  }
0x5c: {  	_ =	shalt  }
0x5d: {  	_ =	shalt  }
0x5e: {  	_ =	shalt  }
0x5f: {  	_ =	shalt  }
0x60: {  	_ =	shalt  }
0x61: {  	_ =	shalt  }
0x62: {  	_ =	shalt  }
0x63: {  	_ =	shalt  }
0x64: {  	_ =	shalt  }
0x65: {  	_ =	shalt  }
0x66: {  	_ =	shalt  }
0x67: {  	_ =	shalt  }
0x68: {  	_ =	shalt  }
0x69: {  	_ =	shalt  }
0x6a: {  	_ =	shalt  }
0x6b: {  	_ =	shalt  }
0x6c: {  	_ =	shalt  }
0x6d: {  	_ =	shalt  }
0x6e: {  	_ =	shalt  }
0x6f: {  	_ =	shalt  }
0x70: {  	_ =	shalt  }
0x71: {  	_ =	shalt  }
0x72: {  	_ =	shalt  }
0x73: {  	_ =	shalt  }
0x74: {  	_ =	shalt  }
0x75: {  	_ =	shalt  }
0x76: {  	_ =	shalt  }
0x77: {  	_ =	shalt  }
0x78: {  	_ =	shalt  }
0x79: {  	_ =	shalt  }
0x7a: {  	_ =	shalt  }
0x7b: {  	_ =	shalt  }
0x7c: {  	_ =	shalt  }
0x7d: {  	_ =	shalt  }
0x7e: {  	_ =	shalt  }
0x7f: {  	_ =	shalt  }
0x80: {  	_ =	shalt  }
0x81: {  	_ =	shalt  }
0x82: {  	_ =	shalt  }
0x83: {  	_ =	shalt  }
0x84: {  	_ =	shalt  }
0x85: {  	_ =	shalt  }
0x86: {  	_ =	shalt  }
0x87: {  	_ =	shalt  }
.Lfunc_end0:
.L_simem_size_0:
called_computation_lowered:
.L_overlay_start_0:
0x88: {  	s2 =	sld [smem:$0x3FD9]  }
0x89: {  	s3 =	sld [smem:$0x3FFE];
	_ =	sdelay $0x1  }
0x8a: {  	s1 =	srdreg.scid  }
0x8b: {  	s0 =	sand.u32 $0x1, s1  }
0x8c: {  	s17 =	sshll.u32 s0, $0xA;
	s2 =	sadd.s32 s3, s2  }
0x8d: {  	s2 =	sadd.s32 s2, s17  }
0x8e: {  	[smem:$0x3FC2] =	sst s2  }
0x8f: {  	_ = 	snop  }
0x90: {  	s2 =	sld [smem:$0x3FD0];
	(tm) =	ssettm $0x1  }
0x91: {  	s18 =	sld [smem:$0x3FFB];
	_ =	sdelay $0x3  }
0x92: {  	_ =	strace s18  }
0x93: {  	s3 =	sld [smem:$0x3FFC];
	_ =	sdelay $0x3  }
0x94: {  	_ =	strace s3  }
0x95: {  	s3 =	sld [smem:$0x3FFD];
	_ =	sdelay $0x3  }
0x96: {  	_ =	strace s3  }
0x97: {  	_ =	strace $0x8FFFFFFF  }
0x98: {  	s19 =	sld [smem:$0x3FDB];
	_ =	sdelay $0x1  }
0x99: {  	s4 =	simm.s32 $_scs_section_size  }
0x9a: {  	s5 =	simm.s32 $_size__tile_overlayer_lowered;
	s6 =	simm.s32 $_tile_overlayer_lowered  }
0x9b: {  	s22 =	simm.s32 $0x1BFF;
	s21 =	sshll.u32 s6, $0x1;
	s3 =	sadd.s32 s4, s19  }
0x9c: {  	s7 =	simm.s32 $0x0;
	s20 =	sshll.u32 s5, $0x1;
	s5 =	sadd.s32 s21, s3  }
0x9d: {  	[timem:s7], [sflag:s22] =	dma.local [hbm:s5], s20  }
0x9e: {  	_ =	swait.ge [sflag:s22], s20  }
0x9f: {  	s4 =	ssub.s32 $0x0, s20;
	[sflag:s22] =	ssyncset.done $0x0  }
0xa0: {  	[sflag:s22] =	ssyncadd.s32 s4;
	_ =	sdelay $0x1  }
0xa1: {  	s23 =	simm.s32 $0x1B8B  }
0xa2: {  	_ =	swait.ge [sflag:s23], $0x1  }
0xa3: {  	[sflag:s23] =	ssyncset.done $0x0  }
0xa4: {  	s25 =	simm.s32 $0x1B8E;
	s24 =	sld [smem:$0x3FFE];
	[sflag:s23] =	ssyncadd.s32 $0xFFFFFFFF  }
0xa5: {  	s26 =	simm.s32 $execute0_lowered;
	[smem:$0x3FD2] =	sst s25  }
0xa6: {  	s5 =	sshll.u32 s26, $0x1;
	_ =	strace $0x80000046;
	[dreg:$0x1] =	wrdreg $0xFFFFFFFF  }
0xa7: {  	s28 =	simm.s32 $_size_execute0_lowered;
	s3 =	sadd.s32 s3, s5;
	[dreg:$0x0] =	wrdreg $0x0  }
0xa8: {  	s5 =	sshll.u32 s28, $0x1;
	[dreg:$0x2] =	wrdreg s3  }
0xa9: {  	[dreg:$0x3] =	wrdreg s5  }
0xaa: {  	[dreg:$0x4] =	wrdreg $0xC0  }
0xab: {  	_ =	task [dreg:s7], $0x5FFFF  }
0xac: {  	[dreg:$0x1] =	wrdreg $0xFFFFFFFF  }
0xad: {  	[dreg:$0x0] =	wrdreg $0x60  }
0xae: {  	[dreg:$0x2] =	wrdreg s2  }
0xaf: {  	[dreg:$0x3] =	wrdreg s24  }
0xb0: {  	[dreg:$0x4] =	wrdreg $0x27800  }
0xb1: {  	[dreg:$0x5] =	wrdreg $0x9  }
0xb2: {  	_ =	task.clear_ibuf [dreg:s7], $0x6FFFF;
	_ =	strace $0x90000046  }
0xb3: {  	s29 =	simm.s32 $0x9;
	_ =	strace $0x80000048  }
0xb4: {  	_ =	swait.ge [sflag:s29], $0x1  }
0xb5: {  	[sflag:s29] =	ssyncadd.s32 $0xFFFFFFFF  }
0xb6: {  	_ =	strace $0x90000048  }
0xb7: {  	_ =	sfence  }
0xb8: {  	s30 =	sld [smem:$0x0];
	_ =	sdelay $0x2  }
0xb9: {  	s31 =	sshll.u32 s1, $0xD;
	s1 =	sshrl.u32 s1, $0x2  }
0xba: {  	s3 =	sand.u32 $0x4000, s31;
	s1 =	sadd.s32 s1, s30  }
0xbb: {  	s0 =	sor.u32 s3, s0;
	s1 =	sshll.u32 s1, $0x11  }
0xbc: {  	s0 =	sor.u32 s1, s0  }
0xbd: {  	s0 =	sadd.s32 $0x8F2B, s0  }
0xbe: {  	[sflag:s0] =	ssyncadd.remote.s32 $0x1  }
0xbf: {  	_ =	sfence.sel $0xFFFF  }
0xc0: {  	[dreg:$0x0] =	wrdreg $0xFFFFFFFF;
	(pc) =	sbr.abs _section_cstart, $3  }
0xc1: {  	[dreg:$0x1] =	wrdreg $0xFFFFFFFF  }
0xc2: {  	_ =	task.clear_ibuf [dreg:s7], $0x2FFFF;
	_ =	strace $0x9FFFFFFF  }
0xc3: {  	(tm) =	ssettm $0x7FFFFFFF  }
tec
execute0_lowered:
.L_overlay_start_1:
0x0: {  	(tag) =	ssettag $0x1  }
0x1: {  	s8 =	rddreg [dreg:$0x0]  }
0x2: {  	s9 =	rddreg [dreg:$0x1]  }
0x3: {  	s1 =	rddreg [dreg:$0x2]  }
0x4: {  	s0 =	rddreg [dreg:$0x3]  }
0x5: {  	s2 =	simm.s32 $0x0;
	s3 =	srdreg.scid;
	s14 =	simm.s32 $0x3600  }
0x6: {  	s15 =	simm.s32 $0x1;
	s16 =	simm.s32 $0x0;
	[smem:$0x7FF] =	sst s2  }
0x7: {  	s7 =	sand.u32 $0x1, s3;
	s4 =	sadd.s32 $0x2A00, s9;
	s3 =	stileid.u32  }
0x8: {  	s5 =	sadd.s32 $0x2C00, s9;
	_ =	strace $0x80000047;
	s6 =	ssub.s32 $0x2, s7  }
0x9: {  	s26 =	sshll.u32 s3, $0x1;
	s28 =	sshll.u32 s3, $0xA;
	s12 =	sshll.u32 s3, $0x6  }
0xa: {  	p0 =	seq.s32 s7, $0x1;
	s30 =	sshll.u32 s3, $0x7;
	s10 =	sshrl.u32 s6, $0x1  }
0xb: {  	s11 =	sor.u32 s7, s26;
	s13 =	sadd.s32 s28, s1;
	s14 =	simm.s32 @!p0 $0x2E00  }
0xc: {  	p0 =	sgt.u32 s3, $0x1;
	s10 =	ssub.s32 s6, s10;
	s6 =	sor.u32 $0x1C02, s12  }
0xd: {  	s29 =	smul.u32 $0x4E0, s11;
	s11 =	sshll.u32 s11, $0x4;
	s31 =	sadd.s32 s14, s9  }
0xe: {  	s12 =	simm.s32 $0x2;
	s14 =	simm.s32 $0x80;
	s9 =	smax.u32 s10, $0x1  }
0xf: {  	s10 =	sadd.s32 s31, s30;
	s7 =	sadd.s32 s8, s29;
	s8 =	sadd.s32 s11, s8  }
0x10: {  	s11 =	sshrl.u32 s13, $0x3;
	s13 =	simm.s32 $0x2700;
	s8 =	sadd.s32 $0x9C00, s8  }
.LBB2_1:
0x11: {  	[spmem:s11], [sflag:s6] =	dma.local [hbm:s5], $0x80  }
0x12: {  	_ =	swait.ge [sflag:s12], $0x80  }
0x13: {  	[sflag:s12] =	ssyncset.done $0x0  }
0x14: {  	[sflag:s12] =	ssyncadd.s32 $0xFFFFFF80  }
0x15: {  	[tilespmem:s13], [sflag:$0x2] =	stream.linear.gather [hbm4b:s4+s2], $0x80, $0x38;
	[tilespmem:$0x2B80] =	vst v63  }
0x16: {  	_ =	swait.ge [sflag:s12], $0x80  }
0x17: {  	[sflag:s12] =	ssyncset.done $0x0  }
0x18: {  	[sflag:s12] =	ssyncadd.s32 $0xFFFFFF80  }
0x19: {  	[tilespmem:s2], [sflag:$0x2] =	stream.linear.gather [hbm4b:s7+s2], $0x2700, $0x38;
	[tilespmem:$0x2B80] =	vst v63  }
0x1a: {  	_ =	swait.ge [sflag:s12], $0x2700  }
0x1b: {  	[sflag:s12] =	ssyncset.done $0x0  }
0x1c: {  	p1 =	por $0x1, $0x1;
	[sflag:s12] =	ssyncadd.s32 $0xFFFFD900  }
0x1d: {  	s19 =	simm.s32 @!p1 $0x1;
	[bflag:$0x0] =	sbarrier.arrive $0xFFFF  }
0x1e: {  	[spmem:s1] =	stream.indirect.scatter.add.f32 [tilespmem:s13], [sflag:$0x1], $0x1, s2, s14, $0xb8;
	[tilespmem:$0x2B80] =	vst v63  }
0x1f: {  	_ =	swait.ge @!p1 [sflag:s19], $0x80  }
0x20: {  	s17 =	simm.s32 $0x1;
	s18 =	simm.s32 $0x0;
	[sflag:s19] =	ssyncset.done @!p1 $0x0  }
.LBB2_2:
0x21: {  	[sflag:s19] =	ssyncadd.s32 @!p1 $0xFFFFFF80  }
0x22: {  	s18 =	sadd.s32 $0x80, s18;
	s19 =	smov.u32 s17;
	s17 =	sadd.s32 $0x1, s17  }
0x23: {  	p2 =	sne.s32 s17, $0x4E  }
0x24: {  	[spmem:s1] =	stream.indirect.scatter.add.f32 [tilespmem:s13], [sflag:$0x1], $0x1, s18, s14, $0xb8;
	[tilespmem:$0x2B80] =	vst v63  }
.Ltmp0:
0x25: {  	_ = 	snop;
	(pc) =	sbr.rel @p2 .LBB2_2-.Ltmp0, $4  }
0x26: {  	p1 =	slt.u32 s19, $0x8  }
0x27: {  	s19 =	simm.s32 @!p1 $0x1  }
0x28: {  	_ =	swait.ge @!p1 [sflag:s19], $0x80  }
0x29: {  	[sflag:s19] =	ssyncset.done @!p1 $0x0  }
0x2a: {  	[sflag:s19] =	ssyncadd.s32 @!p1 $0xFFFFFF80;
	s17 =	simm.s32 @!p0 $0x0;
	s18 =	simm.s32 @!p0 $0x2  }
0x2b: {  	[tilespmem:s17], [sflag:$0x2] =	stream.linear.gather @!p0 [hbm4b:s8+s17], $0x80, $0x38;
	[tilespmem:$0x2B80] =	vst v63  }
0x2c: {  	_ =	swait.ge @!p0 [sflag:s18], $0x80  }
0x2d: {  	[sflag:s18] =	ssyncset.done @!p0 $0x0  }
0x2e: {  	s19 =	simm.s32 @!p0 $0x2700;
	[sflag:s18] =	ssyncadd.s32 @!p0 $0xFFFFFF80;
	s18 =	simm.s32 @!p0 $0x80  }
0x2f: {  	[spmem:s1] =	stream.indirect.scatter.add.f32 @!p0 [tilespmem:s19], [sflag:$0x1], $0x1, s17, s18, $0xb8;
	[tilespmem:$0x2B80] =	vst v63  }
0x30: {  	s17 =	simm.s32 @!p0 $0x1  }
0x31: {  	_ =	swait.ge @!p0 [sflag:s17], $0x80  }
0x32: {  	[sflag:s17] =	ssyncset.done @!p0 $0x0  }
0x33: {  	[sflag:s17] =	ssyncadd.s32 @!p0 $0xFFFFFF80  }
0x34: {  	_ =	swait.ge [sflag:s15], $0x80  }
0x35: {  	[sflag:s15] =	ssyncset.done $0x0  }
0x36: {  	[sflag:s15] =	ssyncadd.s32 $0xFFFFFF80  }
0x37: {  	_ =	swait.ge [sflag:s15], $0x80  }
0x38: {  	[sflag:s15] =	ssyncset.done $0x0  }
0x39: {  	[sflag:s15] =	ssyncadd.s32 $0xFFFFFF80  }
0x3a: {  	_ =	swait.ge [sflag:s15], $0x80  }
0x3b: {  	[sflag:s15] =	ssyncset.done $0x0  }
0x3c: {  	[sflag:s15] =	ssyncadd.s32 $0xFFFFFF80  }
0x3d: {  	_ =	swait.ge [sflag:s15], $0x80  }
0x3e: {  	[sflag:s15] =	ssyncset.done $0x0  }
0x3f: {  	[sflag:s15] =	ssyncadd.s32 $0xFFFFFF80  }
0x40: {  	_ =	swait.ge [sflag:s15], $0x80  }
0x41: {  	[sflag:s15] =	ssyncset.done $0x0  }
0x42: {  	[sflag:s15] =	ssyncadd.s32 $0xFFFFFF80  }
0x43: {  	_ =	swait.ge [sflag:s15], $0x80  }
0x44: {  	[sflag:s15] =	ssyncset.done $0x0  }
0x45: {  	[sflag:s15] =	ssyncadd.s32 $0xFFFFFF80  }
0x46: {  	_ =	swait.ge [sflag:s15], $0x80  }
0x47: {  	[sflag:s15] =	ssyncset.done $0x0  }
0x48: {  	[sflag:s15] =	ssyncadd.s32 $0xFFFFFF80  }
0x49: {  	_ =	swait.ge [sflag:s15], $0x80  }
0x4a: {  	s16 =	sadd.s32 $0x1, s16;
	[sflag:s15] =	ssyncset.done $0x0  }
0x4b: {  	p1 =	sne.s32 s16, s9;
	[sflag:s15] =	ssyncadd.s32 $0xFFFFFF80  }
.Ltmp1:
0x4c: {  	[bflag:$0x0] =	sbarrier.arrive $0xFFFF;
	(pc) =	sbr.rel @p1 .LBB2_1-.Ltmp1, $4  }
0x4d: {  	[hbm:s10], [sflag:s6] =	dma.local [spmem:s11], $0x80  }
0x4e: {  	_ =	swait.ge [sflag:s12], $0x80  }
0x4f: {  	[sflag:s12] =	ssyncset.done $0x0  }
0x50: {  	[sflag:s12] =	ssyncadd.s32 $0xFFFFFF80  }
0x51: {  	_ =	sfence.sel $0x180000  }
0x52: {  	[bflag:$0x0] =	sbarrier.arrive $0xFFFF  }
0x53: {  	p0 =	sne.s32 s3, $0x0;
	_ =	strace $0x90000047  }
0x54: {  	s0 =	sadd.s32 @!p0 $0x100000, s0;
	[bflag:$0x2] =	sbarrier.arrive $0xFFFF  }
0x55: {  	[sflag:s0] =	ssyncadd.tile.s32 @!p0 $0x1;
	_ =	shalt  }
.Lfunc_end2:
_tile_overlayer_lowered:
.L_overlay_start_2:
0x56: {  	(tag) =	ssettag $0x2  }
0x57: {  	s0 =	rddreg [dreg:$0x0];
	s2 =	stileid.u32  }
0x58: {  	s1 =	rddreg [dreg:$0x1];
	p0 =	sne.s32 s2, $0x0  }
0x59: {  	s3 =	rddreg [dreg:$0x2];
	[bflag:$0x3] =	sbarrier.arrive $0xFFFF;
	s2 =	simm.s32 @!p0 $0x1C02  }
0x5a: {  	[timem:s3], [sflag:s2] =	dma.local @!p0 [hbm:s0], s1  }
0x5b: {  	s0 =	simm.s32 @!p0 $0x2  }
0x5c: {  	_ =	swait.ge @!p0 [sflag:s0], s1  }
0x5d: {  	s1 =	ssub.s32 @!p0 $0x0, s1;
	[sflag:s0] =	ssyncset.done @!p0 $0x0  }
0x5e: {  	[sflag:s0] =	ssyncadd.s32 @!p0 s1  }
0x5f: {  	[bflag:$0x3] =	sbarrier.arrive $0xFFFF  }
0x60: {  	_ =	shalt  }

</sc_bundles>
